<compile_context>
chip_gen: v7x
topology: tpu7x:2x2x1
jax: 0.10.2.dev20260603
libtpu: 0.0.44.dev20260713+nightly
codegen_flags: <defaults>
</compile_context>

<pallas_src>
import functools

import jax
import jax.numpy as jnp
from jax import lax
from jax.experimental import pallas as pl
from jax.experimental.pallas import tpu as pltpu
from jax.experimental.pallas import tpu_sc as plsc

_B = 1048576
_D = 16
_K = 64
_BB = 65536

_NW = 32
_BPW = _B // _NW
_CH = 2048


def _vq_block(at_ref, ct_ref, c2_ref, g_ref, idx_ref, msum_ref):
    at = at_ref[...]
    e = jax.lax.dot_general(ct_ref[...], at, (((1,), (0,)), ((), ())),
                            preferred_element_type=jnp.float32)
    e = e + c2_ref[...]
    m = jnp.min(e, axis=0, keepdims=True)
    onehot = (e == m).astype(jnp.float32)
    out2 = jax.lax.dot_general(g_ref[...], onehot, (((1,), (0,)), ((), ())),
                               preferred_element_type=jnp.float32)
    idx_ref[...] = out2.astype(jnp.int32)
    s_val = jnp.sum(at * at) + jnp.sum(m)

    @pl.when(pl.program_id(0) == 0)
    def _init():
        msum_ref[0, 0] = 0.0

    msum_ref[0, 0] += s_val


def _tc_stage(at, ct, c2, g):
    n_blocks = _B // _BB
    return pl.pallas_call(
        _vq_block,
        grid=(n_blocks,),
        in_specs=[
            pl.BlockSpec((_D, _BB), lambda i: (0, i)),
            pl.BlockSpec((_K, _D), lambda i: (0, 0)),
            pl.BlockSpec((_K, 1), lambda i: (0, 0)),
            pl.BlockSpec((1, _K), lambda i: (0, 0)),
        ],
        out_specs=[
            pl.BlockSpec((1, _BB), lambda i: (0, i)),
            pl.BlockSpec((1, 1), lambda i: (0, 0), memory_space=pltpu.SMEM),
        ],
        out_shape=[
            jax.ShapeDtypeStruct((1, _B), jnp.int32),
            jax.ShapeDtypeStruct((1, 1), jnp.float32),
        ],
    )(at, ct, c2, g)


def _sc_gather(ctt_flat, idx):
    mesh = plsc.VectorSubcoreMesh(core_axis_name="c", subcore_axis_name="s")
    info = plsc.get_sparse_core_info()
    nc = info.num_cores

    @functools.partial(
        pl.kernel, mesh=mesh,
        out_type=jax.ShapeDtypeStruct((_D, _B), jnp.float32),
        compiler_params=pltpu.CompilerParams(needs_layout_passes=False),
        scratch_types=[
            pltpu.VMEM((_D * _K,), jnp.float32),
            pltpu.VMEM((2, _CH), jnp.int32),
            pltpu.VMEM((2, _D * _CH), jnp.float32),
            pltpu.SemaphoreType.DMA,
        ],
    )
    def k(ct_hbm, idx_hbm, out_hbm, ct_v, idx_v, buf_v, sem_o):
        wid = lax.axis_index("s") * nc + lax.axis_index("c")
        pltpu.sync_copy(ct_hbm, ct_v)
        base = wid * _BPW
        nch = _BPW // _CH

        def pair(j, carry):
            for b in (0, 1):
                cb = base + (2 * j + b) * _CH
                pltpu.sync_copy(idx_hbm.at[0, pl.ds(cb, _CH)], idx_v.at[b])

                @pl.when(j > 0)
                def _drain(b=b, cb=cb):
                    for d in range(_D):
                        pltpu.make_async_copy(
                            buf_v.at[b, pl.ds(d * _CH, _CH)],
                            out_hbm.at[d, pl.ds(cb, _CH)], sem_o).wait()

                def body(i, c, b=b):
                    idxv = idx_v[b, pl.ds(i * 16, 16)]
                    for d in range(_D):
                        buf_v[b, pl.ds(d * _CH + i * 16, 16)] = (
                            plsc.load_gather(ct_v, [idxv + _K * d]))
                    return c

                lax.fori_loop(0, _CH // 16, body, 0, unroll=4)
                for d in range(_D):
                    pltpu.async_copy(buf_v.at[b, pl.ds(d * _CH, _CH)],
                                     out_hbm.at[d, pl.ds(cb, _CH)], sem_o)
            return carry

        lax.fori_loop(0, nch // 2, pair, 0)
        for b in (0, 1):
            for d in range(_D):
                pltpu.make_async_copy(
                    buf_v.at[b, pl.ds(d * _CH, _CH)],
                    out_hbm.at[d, pl.ds(base, _CH)], sem_o).wait()

    return k(ctt_flat, idx)


def kernel(action, codebook):
    at = action.T
    ct = -2.0 * codebook
    c2 = jnp.sum(codebook * codebook, axis=1)[:, None]
    g = jnp.arange(_K, dtype=jnp.float32)[None, :]
    idx, msum = _tc_stage(at, ct, c2, g)
    ctt_flat = codebook.T.reshape(_D * _K)
    zqt = _sc_gather(ctt_flat, idx)
    mean_dist = msum[0, 0] / _B
    return (zqt.T, idx.reshape(_B), mean_dist)

# --- scband reference (transcript-rebuilt; emitter-appended) ---
"""Pipeline reference for scband-action-primitives-19774029430955 (READ-ONLY COPY).

The authoritative reference and input builder live on the scoring server;
editing this copy changes nothing except your own understanding.
"""

import jax, jax.numpy as jnp
import numpy as np

B = 1048576
D = 16
K = 64

def setup_inputs(seed: int = 0) -> dict:
    key = jax.random.key(seed)
    k1, k2 = jax.random.split(key)
    action = jax.random.normal(k1, (B, D), dtype=jnp.float32)
    # learned codebook parameter of the DiVeQ module: [n_primitives, d_action]
    codebook = jax.random.normal(k2, (K, D), dtype=jnp.float32) * 0.1
    return {"action": action, "codebook": codebook}

def reference(action, codebook):
    # DiVeQ-style vector quantization of continuous actions to nearest primitive.
    # Squared L2 distances via expansion (avoids materializing B*K*D tensor):
    x2 = jnp.sum(action * action, axis=1, keepdims=True)          # [B, 1]
    c2 = jnp.sum(codebook * codebook, axis=1)[None, :]             # [1, K]
    d2 = x2 - 2.0 * (action @ codebook.T) + c2                     # [B, K]
    indices = jnp.argmin(d2, axis=1)                               # [B]
    hard = jnp.take(codebook, indices, axis=0)                     # gather [B, D]
    # straight-through estimator: forward = codebook entry, grad flows to action
    z_q = action + jax.lax.stop_gradient(hard - action)
    mean_dist = jnp.mean(jnp.min(d2, axis=1))
    return (z_q, indices, mean_dist)

if __name__ == "__main__":
    import jax
    _d = setup_inputs()
    print(jax.jit(kernel)(*tuple(_d.values())))

</pallas_src>

<mosaic_0001>
#map = affine_map<(d0, d1) -> (0)>
#map1 = affine_map<(d0, d1) -> (0, 0)>
module attributes {stable_mosaic.version = 14 : i64} {
  func.func @k(%arg0: i32, %arg1: i32, %arg2: memref<1024xf32, #tpu.memory_space<hbm>>, %arg3: memref<1x1048576xi32, #tpu.memory_space<hbm>>, %arg4: memref<16x1048576xf32, #tpu.memory_space<hbm>>, %arg5: memref<1024xf32, #tpu.memory_space<vmem>>, %arg6: memref<2x2048xi32, #tpu.memory_space<vmem>>, %arg7: memref<2x32768xf32, #tpu.memory_space<vmem>>, %arg8: memref<!tpu.dma_semaphore, #tpu.memory_space<semaphore_mem>>) attributes {dimension_semantics = [#tpu.dimension_semantics<core_parallel>, #tpu.dimension_semantics<subcore_parallel>], iteration_bounds = array<i64: 2, 16>, scalar_prefetch = 0 : i64, scratch_operands = 4 : i64, tpu.core_type = #tpu.core_type<sc_vector_subcore>, window_params = [{transform_indices = #map}, {transform_indices = #map1}, {transform_indices = #map1}]} {
    %mul3A = arith.constant 2 : i32
    %mul3A_0 = arith.muli %arg1, %mul3A : i32
    %add3A = arith.addi %mul3A_0, %arg0 : i32
    "tpu.region"() ({
      %run_scoped3A = tpu.sem_alloc : memref<!tpu.dma_semaphore, #tpu.memory_space<semaphore_mem>>
      tpu.enqueue_dma source(%arg2 : memref<1024xf32, #tpu.memory_space<hbm>>) target(%arg5 : memref<1024xf32, #tpu.memory_space<vmem>>) target_semaphore(%run_scoped3A : memref<!tpu.dma_semaphore, #tpu.memory_space<semaphore_mem>>)
      tpu.wait_dma2 semaphore(%run_scoped3A : memref<!tpu.dma_semaphore, #tpu.memory_space<semaphore_mem>>) src(%arg2 : memref<1024xf32, #tpu.memory_space<hbm>>) dst(%arg5 : memref<1024xf32, #tpu.memory_space<vmem>>)
      tpu.yield
    }) : () -> ()
    %mul3A_1 = arith.constant 32768 : i32
    %mul3A_2 = arith.muli %add3A, %mul3A_1 : i32
    %scan3A = arith.constant 0 : i32
    %scan3A_3 = arith.constant 0 : i32
    %scan3A_4 = arith.constant 8 : i32
    %scan3A_5 = arith.addi %scan3A_3, %scan3A_4 : i32
    %scan3A_6 = arith.constant 1 : i32
    scf.for %scan3A_391 = %scan3A_3 to %scan3A_5 step %scan3A_6  : i32 {
      %mul3A_392 = arith.constant 2 : i32
      %mul3A_393 = arith.muli %mul3A_392, %scan3A_391 : i32
      %add3A_394 = arith.constant 0 : i32
      %add3A_395 = arith.addi %mul3A_393, %add3A_394 : i32
      %mul3A_396 = arith.constant 2048 : i32
      %mul3A_397 = arith.muli %add3A_395, %mul3A_396 : i32
      %add3A_398 = arith.addi %mul3A_2, %mul3A_397 : i32
      %run_scoped3A = arith.constant 0 : i32
      %run_scoped3A_399 = arith.constant 0 : i32
      "tpu.region"() ({
        %run_scoped3A_811 = tpu.sem_alloc : memref<!tpu.dma_semaphore, #tpu.memory_space<semaphore_mem>>
        %dma_start3A_812 = arith.constant 0 : i32
        %dma_start3A_813 = tpu.memref_slice %arg6[%run_scoped3A_399, %dma_start3A_812] : memref<2x2048xi32, #tpu.memory_space<vmem>> -> memref<1x2048xi32, #tpu.memory_space<vmem>>
        %dma_start3A_814 = tpu.memref_squeeze %dma_start3A_813 : memref<1x2048xi32, #tpu.memory_space<vmem>> -> memref<2048xi32, #tpu.memory_space<vmem>>
        %dma_start3A_815 = tpu.memref_slice %arg3[%run_scoped3A, %add3A_398] : memref<1x1048576xi32, #tpu.memory_space<hbm>> -> memref<1x2048xi32, #tpu.memory_space<hbm>>
        %dma_start3A_816 = tpu.memref_squeeze %dma_start3A_815 : memref<1x2048xi32, #tpu.memory_space<hbm>> -> memref<2048xi32, #tpu.memory_space<hbm>>
        %dma_start3A_817 = arith.constant 0 : i32
        %dma_start3A_818 = tpu.memref_slice %arg6[%run_scoped3A_399, %dma_start3A_817] : memref<2x2048xi32, #tpu.memory_space<vmem>> -> memref<1x2048xi32, #tpu.memory_space<vmem>>
        %dma_start3A_819 = tpu.memref_squeeze %dma_start3A_818 : memref<1x2048xi32, #tpu.memory_space<vmem>> -> memref<2048xi32, #tpu.memory_space<vmem>>
        %dma_start3A_820 = tpu.memref_slice %arg3[%run_scoped3A, %add3A_398] : memref<1x1048576xi32, #tpu.memory_space<hbm>> -> memref<1x2048xi32, #tpu.memory_space<hbm>>
        %dma_start3A_821 = tpu.memref_squeeze %dma_start3A_820 : memref<1x2048xi32, #tpu.memory_space<hbm>> -> memref<2048xi32, #tpu.memory_space<hbm>>
        tpu.enqueue_dma source(%dma_start3A_821 : memref<2048xi32, #tpu.memory_space<hbm>>) target(%dma_start3A_819 : memref<2048xi32, #tpu.memory_space<vmem>>) target_semaphore(%run_scoped3A_811 : memref<!tpu.dma_semaphore, #tpu.memory_space<semaphore_mem>>)
        %dma_wait3A_822 = arith.constant 0 : i32
        %dma_wait3A_823 = tpu.memref_slice %arg6[%run_scoped3A_399, %dma_wait3A_822] : memref<2x2048xi32, #tpu.memory_space<vmem>> -> memref<1x2048xi32, #tpu.memory_space<vmem>>
        %dma_wait3A_824 = tpu.memref_squeeze %dma_wait3A_823 : memref<1x2048xi32, #tpu.memory_space<vmem>> -> memref<2048xi32, #tpu.memory_space<vmem>>
        %dma_wait3A_825 = tpu.memref_slice %arg3[%run_scoped3A, %add3A_398] : memref<1x1048576xi32, #tpu.memory_space<hbm>> -> memref<1x2048xi32, #tpu.memory_space<hbm>>
        %dma_wait3A_826 = tpu.memref_squeeze %dma_wait3A_825 : memref<1x2048xi32, #tpu.memory_space<hbm>> -> memref<2048xi32, #tpu.memory_space<hbm>>
        %dma_wait3A_827 = arith.constant 0 : i32
        %dma_wait3A_828 = tpu.memref_slice %arg6[%run_scoped3A_399, %dma_wait3A_827] : memref<2x2048xi32, #tpu.memory_space<vmem>> -> memref<1x2048xi32, #tpu.memory_space<vmem>>
        %dma_wait3A_829 = tpu.memref_squeeze %dma_wait3A_828 : memref<1x2048xi32, #tpu.memory_space<vmem>> -> memref<2048xi32, #tpu.memory_space<vmem>>
        %dma_wait3A_830 = tpu.memref_slice %arg3[%run_scoped3A, %add3A_398] : memref<1x1048576xi32, #tpu.memory_space<hbm>> -> memref<1x2048xi32, #tpu.memory_space<hbm>>
        %dma_wait3A_831 = tpu.memref_squeeze %dma_wait3A_830 : memref<1x2048xi32, #tpu.memory_space<hbm>> -> memref<2048xi32, #tpu.memory_space<hbm>>
        tpu.wait_dma2 semaphore(%run_scoped3A_811 : memref<!tpu.dma_semaphore, #tpu.memory_space<semaphore_mem>>) src(%dma_wait3A_831 : memref<2048xi32, #tpu.memory_space<hbm>>) dst(%dma_wait3A_829 : memref<2048xi32, #tpu.memory_space<vmem>>)
        tpu.yield
      }) : () -> ()
      %gt3A = arith.constant 0 : i32
      %gt3A_400 = arith.cmpi sgt, %scan3A_391, %gt3A : i32
      %convert_element_type3A = arith.extui %gt3A_400 : i1 to i32
      %cond3A = arith.constant 0 : i32
      %cond3A_401 = arith.cmpi ne, %convert_element_type3A, %cond3A : i32
      scf.if %cond3A_401 {
        %dma_wait3A_811 = arith.constant 0 : i32
        %dma_wait3A_812 = arith.constant 0 : i32
        %dma_wait3A_813 = arith.constant 0 : i32
        %dma_wait3A_814 = tpu.memref_slice %arg7[%dma_wait3A_811, %dma_wait3A_813] : memref<2x32768xf32, #tpu.memory_space<vmem>> -> memref<1x2048xf32, #tpu.memory_space<vmem>>
        %dma_wait3A_815 = tpu.memref_squeeze %dma_wait3A_814 : memref<1x2048xf32, #tpu.memory_space<vmem>> -> memref<2048xf32, #tpu.memory_space<vmem>>
        %dma_wait3A_816 = tpu.memref_slice %arg4[%dma_wait3A_812, %add3A_398] : memref<16x1048576xf32, #tpu.memory_space<hbm>> -> memref<1x2048xf32, #tpu.memory_space<hbm>>
        %dma_wait3A_817 = tpu.memref_squeeze %dma_wait3A_816 : memref<1x2048xf32, #tpu.memory_space<hbm>> -> memref<2048xf32, #tpu.memory_space<hbm>>
        %dma_wait3A_818 = tpu.memref_slice %arg4[%dma_wait3A_812, %add3A_398] : memref<16x1048576xf32, #tpu.memory_space<hbm>> -> memref<1x2048xf32, #tpu.memory_space<hbm>>
        %dma_wait3A_819 = tpu.memref_squeeze %dma_wait3A_818 : memref<1x2048xf32, #tpu.memory_space<hbm>> -> memref<2048xf32, #tpu.memory_space<hbm>>
        %dma_wait3A_820 = arith.constant 0 : i32
        %dma_wait3A_821 = tpu.memref_slice %arg7[%dma_wait3A_811, %dma_wait3A_820] : memref<2x32768xf32, #tpu.memory_space<vmem>> -> memref<1x2048xf32, #tpu.memory_space<vmem>>
        %dma_wait3A_822 = tpu.memref_squeeze %dma_wait3A_821 : memref<1x2048xf32, #tpu.memory_space<vmem>> -> memref<2048xf32, #tpu.memory_space<vmem>>
        tpu.wait_dma2 semaphore(%arg8 : memref<!tpu.dma_semaphore, #tpu.memory_space<semaphore_mem>>) src(%dma_wait3A_822 : memref<2048xf32, #tpu.memory_space<vmem>>) dst(%dma_wait3A_819 : memref<2048xf32, #tpu.memory_space<hbm>>)
        %dma_wait3A_823 = arith.constant 0 : i32
        %dma_wait3A_824 = arith.constant 1 : i32
        %dma_wait3A_825 = arith.constant 2048 : i32
        %dma_wait3A_826 = tpu.memref_slice %arg7[%dma_wait3A_823, %dma_wait3A_825] : memref<2x32768xf32, #tpu.memory_space<vmem>> -> memref<1x2048xf32, #tpu.memory_space<vmem>>
        %dma_wait3A_827 = tpu.memref_squeeze %dma_wait3A_826 : memref<1x2048xf32, #tpu.memory_space<vmem>> -> memref<2048xf32, #tpu.memory_space<vmem>>
        %dma_wait3A_828 = tpu.memref_slice %arg4[%dma_wait3A_824, %add3A_398] : memref<16x1048576xf32, #tpu.memory_space<hbm>> -> memref<1x2048xf32, #tpu.memory_space<hbm>>
        %dma_wait3A_829 = tpu.memref_squeeze %dma_wait3A_828 : memref<1x2048xf32, #tpu.memory_space<hbm>> -> memref<2048xf32, #tpu.memory_space<hbm>>
        %dma_wait3A_830 = tpu.memref_slice %arg4[%dma_wait3A_824, %add3A_398] : memref<16x1048576xf32, #tpu.memory_space<hbm>> -> memref<1x2048xf32, #tpu.memory_space<hbm>>
        %dma_wait3A_831 = tpu.memref_squeeze %dma_wait3A_830 : memref<1x2048xf32, #tpu.memory_space<hbm>> -> memref<2048xf32, #tpu.memory_space<hbm>>
        %dma_wait3A_832 = arith.constant 2048 : i32
        %dma_wait3A_833 = tpu.memref_slice %arg7[%dma_wait3A_823, %dma_wait3A_832] : memref<2x32768xf32, #tpu.memory_space<vmem>> -> memref<1x2048xf32, #tpu.memory_space<vmem>>
        %dma_wait3A_834 = tpu.memref_squeeze %dma_wait3A_833 : memref<1x2048xf32, #tpu.memory_space<vmem>> -> memref<2048xf32, #tpu.memory_space<vmem>>
        tpu.wait_dma2 semaphore(%arg8 : memref<!tpu.dma_semaphore, #tpu.memory_space<semaphore_mem>>) src(%dma_wait3A_834 : memref<2048xf32, #tpu.memory_space<vmem>>) dst(%dma_wait3A_831 : memref<2048xf32, #tpu.memory_space<hbm>>)
        %dma_wait3A_835 = arith.constant 0 : i32
        %dma_wait3A_836 = arith.constant 2 : i32
        %dma_wait3A_837 = arith.constant 4096 : i32
        %dma_wait3A_838 = tpu.memref_slice %arg7[%dma_wait3A_835, %dma_wait3A_837] : memref<2x32768xf32, #tpu.memory_space<vmem>> -> memref<1x2048xf32, #tpu.memory_space<vmem>>
        %dma_wait3A_839 = tpu.memref_squeeze %dma_wait3A_838 : memref<1x2048xf32, #tpu.memory_space<vmem>> -> memref<2048xf32, #tpu.memory_space<vmem>>
        %dma_wait3A_840 = tpu.memref_slice %arg4[%dma_wait3A_836, %add3A_398] : memref<16x1048576xf32, #tpu.memory_space<hbm>> -> memref<1x2048xf32, #tpu.memory_space<hbm>>
        %dma_wait3A_841 = tpu.memref_squeeze %dma_wait3A_840 : memref<1x2048xf32, #tpu.memory_space<hbm>> -> memref<2048xf32, #tpu.memory_space<hbm>>
        %dma_wait3A_842 = tpu.memref_slice %arg4[%dma_wait3A_836, %add3A_398] : memref<16x1048576xf32, #tpu.memory_space<hbm>> -> memref<1x2048xf32, #tpu.memory_space<hbm>>
        %dma_wait3A_843 = tpu.memref_squeeze %dma_wait3A_842 : memref<1x2048xf32, #tpu.memory_space<hbm>> -> memref<2048xf32, #tpu.memory_space<hbm>>
        %dma_wait3A_844 = arith.constant 4096 : i32
        %dma_wait3A_845 = tpu.memref_slice %arg7[%dma_wait3A_835, %dma_wait3A_844] : memref<2x32768xf32, #tpu.memory_space<vmem>> -> memref<1x2048xf32, #tpu.memory_space<vmem>>
        %dma_wait3A_846 = tpu.memref_squeeze %dma_wait3A_845 : memref<1x2048xf32, #tpu.memory_space<vmem>> -> memref<2048xf32, #tpu.memory_space<vmem>>
        tpu.wait_dma2 semaphore(%arg8 : memref<!tpu.dma_semaphore, #tpu.memory_space<semaphore_mem>>) src(%dma_wait3A_846 : memref<2048xf32, #tpu.memory_space<vmem>>) dst(%dma_wait3A_843 : memref<2048xf32, #tpu.memory_space<hbm>>)
        %dma_wait3A_847 = arith.constant 0 : i32
        %dma_wait3A_848 = arith.constant 3 : i32
        %dma_wait3A_849 = arith.constant 6144 : i32
        %dma_wait3A_850 = tpu.memref_slice %arg7[%dma_wait3A_847, %dma_wait3A_849] : memref<2x32768xf32, #tpu.memory_space<vmem>> -> memref<1x2048xf32, #tpu.memory_space<vmem>>
        %dma_wait3A_851 = tpu.memref_squeeze %dma_wait3A_850 : memref<1x2048xf32, #tpu.memory_space<vmem>> -> memref<2048xf32, #tpu.memory_space<vmem>>
        %dma_wait3A_852 = tpu.memref_slice %arg4[%dma_wait3A_848, %add3A_398] : memref<16x1048576xf32, #tpu.memory_space<hbm>> -> memref<1x2048xf32, #tpu.memory_space<hbm>>
        %dma_wait3A_853 = tpu.memref_squeeze %dma_wait3A_852 : memref<1x2048xf32, #tpu.memory_space<hbm>> -> memref<2048xf32, #tpu.memory_space<hbm>>
        %dma_wait3A_854 = tpu.memref_slice %arg4[%dma_wait3A_848, %add3A_398] : memref<16x1048576xf32, #tpu.memory_space<hbm>> -> memref<1x2048xf32, #tpu.memory_space<hbm>>
        %dma_wait3A_855 = tpu.memref_squeeze %dma_wait3A_854 : memref<1x2048xf32, #tpu.memory_space<hbm>> -> memref<2048xf32, #tpu.memory_space<hbm>>
        %dma_wait3A_856 = arith.constant 6144 : i32
        %dma_wait3A_857 = tpu.memref_slice %arg7[%dma_wait3A_847, %dma_wait3A_856] : memref<2x32768xf32, #tpu.memory_space<vmem>> -> memref<1x2048xf32, #tpu.memory_space<vmem>>
        %dma_wait3A_858 = tpu.memref_squeeze %dma_wait3A_857 : memref<1x2048xf32, #tpu.memory_space<vmem>> -> memref<2048xf32, #tpu.memory_space<vmem>>
        tpu.wait_dma2 semaphore(%arg8 : memref<!tpu.dma_semaphore, #tpu.memory_space<semaphore_mem>>) src(%dma_wait3A_858 : memref<2048xf32, #tpu.memory_space<vmem>>) dst(%dma_wait3A_855 : memref<2048xf32, #tpu.memory_space<hbm>>)
        %dma_wait3A_859 = arith.constant 0 : i32
        %dma_wait3A_860 = arith.constant 4 : i32
        %dma_wait3A_861 = arith.constant 8192 : i32
        %dma_wait3A_862 = tpu.memref_slice %arg7[%dma_wait3A_859, %dma_wait3A_861] : memref<2x32768xf32, #tpu.memory_space<vmem>> -> memref<1x2048xf32, #tpu.memory_space<vmem>>
        %dma_wait3A_863 = tpu.memref_squeeze %dma_wait3A_862 : memref<1x2048xf32, #tpu.memory_space<vmem>> -> memref<2048xf32, #tpu.memory_space<vmem>>
        %dma_wait3A_864 = tpu.memref_slice %arg4[%dma_wait3A_860, %add3A_398] : memref<16x1048576xf32, #tpu.memory_space<hbm>> -> memref<1x2048xf32, #tpu.memory_space<hbm>>
        %dma_wait3A_865 = tpu.memref_squeeze %dma_wait3A_864 : memref<1x2048xf32, #tpu.memory_space<hbm>> -> memref<2048xf32, #tpu.memory_space<hbm>>
        %dma_wait3A_866 = tpu.memref_slice %arg4[%dma_wait3A_860, %add3A_398] : memref<16x1048576xf32, #tpu.memory_space<hbm>> -> memref<1x2048xf32, #tpu.memory_space<hbm>>
        %dma_wait3A_867 = tpu.memref_squeeze %dma_wait3A_866 : memref<1x2048xf32, #tpu.memory_space<hbm>> -> memref<2048xf32, #tpu.memory_space<hbm>>
        %dma_wait3A_868 = arith.constant 8192 : i32
        %dma_wait3A_869 = tpu.memref_slice %arg7[%dma_wait3A_859, %dma_wait3A_868] : memref<2x32768xf32, #tpu.memory_space<vmem>> -> memref<1x2048xf32, #tpu.memory_space<vmem>>
        %dma_wait3A_870 = tpu.memref_squeeze %dma_wait3A_869 : memref<1x2048xf32, #tpu.memory_space<vmem>> -> memref<2048xf32, #tpu.memory_space<vmem>>
        tpu.wait_dma2 semaphore(%arg8 : memref<!tpu.dma_semaphore, #tpu.memory_space<semaphore_mem>>) src(%dma_wait3A_870 : memref<2048xf32, #tpu.memory_space<vmem>>) dst(%dma_wait3A_867 : memref<2048xf32, #tpu.memory_space<hbm>>)
        %dma_wait3A_871 = arith.constant 0 : i32
        %dma_wait3A_872 = arith.constant 5 : i32
        %dma_wait3A_873 = arith.constant 10240 : i32
        %dma_wait3A_874 = tpu.memref_slice %arg7[%dma_wait3A_871, %dma_wait3A_873] : memref<2x32768xf32, #tpu.memory_space<vmem>> -> memref<1x2048xf32, #tpu.memory_space<vmem>>
        %dma_wait3A_875 = tpu.memref_squeeze %dma_wait3A_874 : memref<1x2048xf32, #tpu.memory_space<vmem>> -> memref<2048xf32, #tpu.memory_space<vmem>>
        %dma_wait3A_876 = tpu.memref_slice %arg4[%dma_wait3A_872, %add3A_398] : memref<16x1048576xf32, #tpu.memory_space<hbm>> -> memref<1x2048xf32, #tpu.memory_space<hbm>>
        %dma_wait3A_877 = tpu.memref_squeeze %dma_wait3A_876 : memref<1x2048xf32, #tpu.memory_space<hbm>> -> memref<2048xf32, #tpu.memory_space<hbm>>
        %dma_wait3A_878 = tpu.memref_slice %arg4[%dma_wait3A_872, %add3A_398] : memref<16x1048576xf32, #tpu.memory_space<hbm>> -> memref<1x2048xf32, #tpu.memory_space<hbm>>
        %dma_wait3A_879 = tpu.memref_squeeze %dma_wait3A_878 : memref<1x2048xf32, #tpu.memory_space<hbm>> -> memref<2048xf32, #tpu.memory_space<hbm>>
        %dma_wait3A_880 = arith.constant 10240 : i32
        %dma_wait3A_881 = tpu.memref_slice %arg7[%dma_wait3A_871, %dma_wait3A_880] : memref<2x32768xf32, #tpu.memory_space<vmem>> -> memref<1x2048xf32, #tpu.memory_space<vmem>>
        %dma_wait3A_882 = tpu.memref_squeeze %dma_wait3A_881 : memref<1x2048xf32, #tpu.memory_space<vmem>> -> memref<2048xf32, #tpu.memory_space<vmem>>
        tpu.wait_dma2 semaphore(%arg8 : memref<!tpu.dma_semaphore, #tpu.memory_space<semaphore_mem>>) src(%dma_wait3A_882 : memref<2048xf32, #tpu.memory_space<vmem>>) dst(%dma_wait3A_879 : memref<2048xf32, #tpu.memory_space<hbm>>)
        %dma_wait3A_883 = arith.constant 0 : i32
        %dma_wait3A_884 = arith.constant 6 : i32
        %dma_wait3A_885 = arith.constant 12288 : i32
        %dma_wait3A_886 = tpu.memref_slice %arg7[%dma_wait3A_883, %dma_wait3A_885] : memref<2x32768xf32, #tpu.memory_space<vmem>> -> memref<1x2048xf32, #tpu.memory_space<vmem>>
        %dma_wait3A_887 = tpu.memref_squeeze %dma_wait3A_886 : memref<1x2048xf32, #tpu.memory_space<vmem>> -> memref<2048xf32, #tpu.memory_space<vmem>>
        %dma_wait3A_888 = tpu.memref_slice %arg4[%dma_wait3A_884, %add3A_398] : memref<16x1048576xf32, #tpu.memory_space<hbm>> -> memref<1x2048xf32, #tpu.memory_space<hbm>>
        %dma_wait3A_889 = tpu.memref_squeeze %dma_wait3A_888 : memref<1x2048xf32, #tpu.memory_space<hbm>> -> memref<2048xf32, #tpu.memory_space<hbm>>
        %dma_wait3A_890 = tpu.memref_slice %arg4[%dma_wait3A_884, %add3A_398] : memref<16x1048576xf32, #tpu.memory_space<hbm>> -> memref<1x2048xf32, #tpu.memory_space<hbm>>
        %dma_wait3A_891 = tpu.memref_squeeze %dma_wait3A_890 : memref<1x2048xf32, #tpu.memory_space<hbm>> -> memref<2048xf32, #tpu.memory_space<hbm>>
        %dma_wait3A_892 = arith.constant 12288 : i32
        %dma_wait3A_893 = tpu.memref_slice %arg7[%dma_wait3A_883, %dma_wait3A_892] : memref<2x32768xf32, #tpu.memory_space<vmem>> -> memref<1x2048xf32, #tpu.memory_space<vmem>>
        %dma_wait3A_894 = tpu.memref_squeeze %dma_wait3A_893 : memref<1x2048xf32, #tpu.memory_space<vmem>> -> memref<2048xf32, #tpu.memory_space<vmem>>
        tpu.wait_dma2 semaphore(%arg8 : memref<!tpu.dma_semaphore, #tpu.memory_space<semaphore_mem>>) src(%dma_wait3A_894 : memref<2048xf32, #tpu.memory_space<vmem>>) dst(%dma_wait3A_891 : memref<2048xf32, #tpu.memory_space<hbm>>)
        %dma_wait3A_895 = arith.constant 0 : i32
        %dma_wait3A_896 = arith.constant 7 : i32
        %dma_wait3A_897 = arith.constant 14336 : i32
        %dma_wait3A_898 = tpu.memref_slice %arg7[%dma_wait3A_895, %dma_wait3A_897] : memref<2x32768xf32, #tpu.memory_space<vmem>> -> memref<1x2048xf32, #tpu.memory_space<vmem>>
        %dma_wait3A_899 = tpu.memref_squeeze %dma_wait3A_898 : memref<1x2048xf32, #tpu.memory_space<vmem>> -> memref<2048xf32, #tpu.memory_space<vmem>>
        %dma_wait3A_900 = tpu.memref_slice %arg4[%dma_wait3A_896, %add3A_398] : memref<16x1048576xf32, #tpu.memory_space<hbm>> -> memref<1x2048xf32, #tpu.memory_space<hbm>>
        %dma_wait3A_901 = tpu.memref_squeeze %dma_wait3A_900 : memref<1x2048xf32, #tpu.memory_space<hbm>> -> memref<2048xf32, #tpu.memory_space<hbm>>
        %dma_wait3A_902 = tpu.memref_slice %arg4[%dma_wait3A_896, %add3A_398] : memref<16x1048576xf32, #tpu.memory_space<hbm>> -> memref<1x2048xf32, #tpu.memory_space<hbm>>
        %dma_wait3A_903 = tpu.memref_squeeze %dma_wait3A_902 : memref<1x2048xf32, #tpu.memory_space<hbm>> -> memref<2048xf32, #tpu.memory_space<hbm>>
        %dma_wait3A_904 = arith.constant 14336 : i32
        %dma_wait3A_905 = tpu.memref_slice %arg7[%dma_wait3A_895, %dma_wait3A_904] : memref<2x32768xf32, #tpu.memory_space<vmem>> -> memref<1x2048xf32, #tpu.memory_space<vmem>>
        %dma_wait3A_906 = tpu.memref_squeeze %dma_wait3A_905 : memref<1x2048xf32, #tpu.memory_space<vmem>> -> memref<2048xf32, #tpu.memory_space<vmem>>
        tpu.wait_dma2 semaphore(%arg8 : memref<!tpu.dma_semaphore, #tpu.memory_space<semaphore_mem>>) src(%dma_wait3A_906 : memref<2048xf32, #tpu.memory_space<vmem>>) dst(%dma_wait3A_903 : memref<2048xf32, #tpu.memory_space<hbm>>)
        %dma_wait3A_907 = arith.constant 0 : i32
        %dma_wait3A_908 = arith.constant 8 : i32
        %dma_wait3A_909 = arith.constant 16384 : i32
        %dma_wait3A_910 = tpu.memref_slice %arg7[%dma_wait3A_907, %dma_wait3A_909] : memref<2x32768xf32, #tpu.memory_space<vmem>> -> memref<1x2048xf32, #tpu.memory_space<vmem>>
        %dma_wait3A_911 = tpu.memref_squeeze %dma_wait3A_910 : memref<1x2048xf32, #tpu.memory_space<vmem>> -> memref<2048xf32, #tpu.memory_space<vmem>>
        %dma_wait3A_912 = tpu.memref_slice %arg4[%dma_wait3A_908, %add3A_398] : memref<16x1048576xf32, #tpu.memory_space<hbm>> -> memref<1x2048xf32, #tpu.memory_space<hbm>>
        %dma_wait3A_913 = tpu.memref_squeeze %dma_wait3A_912 : memref<1x2048xf32, #tpu.memory_space<hbm>> -> memref<2048xf32, #tpu.memory_space<hbm>>
        %dma_wait3A_914 = tpu.memref_slice %arg4[%dma_wait3A_908, %add3A_398] : memref<16x1048576xf32, #tpu.memory_space<hbm>> -> memref<1x2048xf32, #tpu.memory_space<hbm>>
        %dma_wait3A_915 = tpu.memref_squeeze %dma_wait3A_914 : memref<1x2048xf32, #tpu.memory_space<hbm>> -> memref<2048xf32, #tpu.memory_space<hbm>>
        %dma_wait3A_916 = arith.constant 16384 : i32
        %dma_wait3A_917 = tpu.memref_slice %arg7[%dma_wait3A_907, %dma_wait3A_916] : memref<2x32768xf32, #tpu.memory_space<vmem>> -> memref<1x2048xf32, #tpu.memory_space<vmem>>
        %dma_wait3A_918 = tpu.memref_squeeze %dma_wait3A_917 : memref<1x2048xf32, #tpu.memory_space<vmem>> -> memref<2048xf32, #tpu.memory_space<vmem>>
        tpu.wait_dma2 semaphore(%arg8 : memref<!tpu.dma_semaphore, #tpu.memory_space<semaphore_mem>>) src(%dma_wait3A_918 : memref<2048xf32, #tpu.memory_space<vmem>>) dst(%dma_wait3A_915 : memref<2048xf32, #tpu.memory_space<hbm>>)
        %dma_wait3A_919 = arith.constant 0 : i32
        %dma_wait3A_920 = arith.constant 9 : i32
        %dma_wait3A_921 = arith.constant 18432 : i32
        %dma_wait3A_922 = tpu.memref_slice %arg7[%dma_wait3A_919, %dma_wait3A_921] : memref<2x32768xf32, #tpu.memory_space<vmem>> -> memref<1x2048xf32, #tpu.memory_space<vmem>>
        %dma_wait3A_923 = tpu.memref_squeeze %dma_wait3A_922 : memref<1x2048xf32, #tpu.memory_space<vmem>> -> memref<2048xf32, #tpu.memory_space<vmem>>
        %dma_wait3A_924 = tpu.memref_slice %arg4[%dma_wait3A_920, %add3A_398] : memref<16x1048576xf32, #tpu.memory_space<hbm>> -> memref<1x2048xf32, #tpu.memory_space<hbm>>
        %dma_wait3A_925 = tpu.memref_squeeze %dma_wait3A_924 : memref<1x2048xf32, #tpu.memory_space<hbm>> -> memref<2048xf32, #tpu.memory_space<hbm>>
        %dma_wait3A_926 = tpu.memref_slice %arg4[%dma_wait3A_920, %add3A_398] : memref<16x1048576xf32, #tpu.memory_space<hbm>> -> memref<1x2048xf32, #tpu.memory_space<hbm>>
        %dma_wait3A_927 = tpu.memref_squeeze %dma_wait3A_926 : memref<1x2048xf32, #tpu.memory_space<hbm>> -> memref<2048xf32, #tpu.memory_space<hbm>>
        %dma_wait3A_928 = arith.constant 18432 : i32
        %dma_wait3A_929 = tpu.memref_slice %arg7[%dma_wait3A_919, %dma_wait3A_928] : memref<2x32768xf32, #tpu.memory_space<vmem>> -> memref<1x2048xf32, #tpu.memory_space<vmem>>
        %dma_wait3A_930 = tpu.memref_squeeze %dma_wait3A_929 : memref<1x2048xf32, #tpu.memory_space<vmem>> -> memref<2048xf32, #tpu.memory_space<vmem>>
        tpu.wait_dma2 semaphore(%arg8 : memref<!tpu.dma_semaphore, #tpu.memory_space<semaphore_mem>>) src(%dma_wait3A_930 : memref<2048xf32, #tpu.memory_space<vmem>>) dst(%dma_wait3A_927 : memref<2048xf32, #tpu.memory_space<hbm>>)
        %dma_wait3A_931 = arith.constant 0 : i32
        %dma_wait3A_932 = arith.constant 10 : i32
        %dma_wait3A_933 = arith.constant 20480 : i32
        %dma_wait3A_934 = tpu.memref_slice %arg7[%dma_wait3A_931, %dma_wait3A_933] : memref<2x32768xf32, #tpu.memory_space<vmem>> -> memref<1x2048xf32, #tpu.memory_space<vmem>>
        %dma_wait3A_935 = tpu.memref_squeeze %dma_wait3A_934 : memref<1x2048xf32, #tpu.memory_space<vmem>> -> memref<2048xf32, #tpu.memory_space<vmem>>
        %dma_wait3A_936 = tpu.memref_slice %arg4[%dma_wait3A_932, %add3A_398] : memref<16x1048576xf32, #tpu.memory_space<hbm>> -> memref<1x2048xf32, #tpu.memory_space<hbm>>
        %dma_wait3A_937 = tpu.memref_squeeze %dma_wait3A_936 : memref<1x2048xf32, #tpu.memory_space<hbm>> -> memref<2048xf32, #tpu.memory_space<hbm>>
        %dma_wait3A_938 = tpu.memref_slice %arg4[%dma_wait3A_932, %add3A_398] : memref<16x1048576xf32, #tpu.memory_space<hbm>> -> memref<1x2048xf32, #tpu.memory_space<hbm>>
        %dma_wait3A_939 = tpu.memref_squeeze %dma_wait3A_938 : memref<1x2048xf32, #tpu.memory_space<hbm>> -> memref<2048xf32, #tpu.memory_space<hbm>>
        %dma_wait3A_940 = arith.constant 20480 : i32
        %dma_wait3A_941 = tpu.memref_slice %arg7[%dma_wait3A_931, %dma_wait3A_940] : memref<2x32768xf32, #tpu.memory_space<vmem>> -> memref<1x2048xf32, #tpu.memory_space<vmem>>
        %dma_wait3A_942 = tpu.memref_squeeze %dma_wait3A_941 : memref<1x2048xf32, #tpu.memory_space<vmem>> -> memref<2048xf32, #tpu.memory_space<vmem>>
        tpu.wait_dma2 semaphore(%arg8 : memref<!tpu.dma_semaphore, #tpu.memory_space<semaphore_mem>>) src(%dma_wait3A_942 : memref<2048xf32, #tpu.memory_space<vmem>>) dst(%dma_wait3A_939 : memref<2048xf32, #tpu.memory_space<hbm>>)
        %dma_wait3A_943 = arith.constant 0 : i32
        %dma_wait3A_944 = arith.constant 11 : i32
        %dma_wait3A_945 = arith.constant 22528 : i32
        %dma_wait3A_946 = tpu.memref_slice %arg7[%dma_wait3A_943, %dma_wait3A_945] : memref<2x32768xf32, #tpu.memory_space<vmem>> -> memref<1x2048xf32, #tpu.memory_space<vmem>>
        %dma_wait3A_947 = tpu.memref_squeeze %dma_wait3A_946 : memref<1x2048xf32, #tpu.memory_space<vmem>> -> memref<2048xf32, #tpu.memory_space<vmem>>
        %dma_wait3A_948 = tpu.memref_slice %arg4[%dma_wait3A_944, %add3A_398] : memref<16x1048576xf32, #tpu.memory_space<hbm>> -> memref<1x2048xf32, #tpu.memory_space<hbm>>
        %dma_wait3A_949 = tpu.memref_squeeze %dma_wait3A_948 : memref<1x2048xf32, #tpu.memory_space<hbm>> -> memref<2048xf32, #tpu.memory_space<hbm>>
        %dma_wait3A_950 = tpu.memref_slice %arg4[%dma_wait3A_944, %add3A_398] : memref<16x1048576xf32, #tpu.memory_space<hbm>> -> memref<1x2048xf32, #tpu.memory_space<hbm>>
        %dma_wait3A_951 = tpu.memref_squeeze %dma_wait3A_950 : memref<1x2048xf32, #tpu.memory_space<hbm>> -> memref<2048xf32, #tpu.memory_space<hbm>>
        %dma_wait3A_952 = arith.constant 22528 : i32
        %dma_wait3A_953 = tpu.memref_slice %arg7[%dma_wait3A_943, %dma_wait3A_952] : memref<2x32768xf32, #tpu.memory_space<vmem>> -> memref<1x2048xf32, #tpu.memory_space<vmem>>
        %dma_wait3A_954 = tpu.memref_squeeze %dma_wait3A_953 : memref<1x2048xf32, #tpu.memory_space<vmem>> -> memref<2048xf32, #tpu.memory_space<vmem>>
        tpu.wait_dma2 semaphore(%arg8 : memref<!tpu.dma_semaphore, #tpu.memory_space<semaphore_mem>>) src(%dma_wait3A_954 : memref<2048xf32, #tpu.memory_space<vmem>>) dst(%dma_wait3A_951 : memref<2048xf32, #tpu.memory_space<hbm>>)
        %dma_wait3A_955 = arith.constant 0 : i32
        %dma_wait3A_956 = arith.constant 12 : i32
        %dma_wait3A_957 = arith.constant 24576 : i32
        %dma_wait3A_958 = tpu.memref_slice %arg7[%dma_wait3A_955, %dma_wait3A_957] : memref<2x32768xf32, #tpu.memory_space<vmem>> -> memref<1x2048xf32, #tpu.memory_space<vmem>>
        %dma_wait3A_959 = tpu.memref_squeeze %dma_wait3A_958 : memref<1x2048xf32, #tpu.memory_space<vmem>> -> memref<2048xf32, #tpu.memory_space<vmem>>
        %dma_wait3A_960 = tpu.memref_slice %arg4[%dma_wait3A_956, %add3A_398] : memref<16x1048576xf32, #tpu.memory_space<hbm>> -> memref<1x2048xf32, #tpu.memory_space<hbm>>
        %dma_wait3A_961 = tpu.memref_squeeze %dma_wait3A_960 : memref<1x2048xf32, #tpu.memory_space<hbm>> -> memref<2048xf32, #tpu.memory_space<hbm>>
        %dma_wait3A_962 = tpu.memref_slice %arg4[%dma_wait3A_956, %add3A_398] : memref<16x1048576xf32, #tpu.memory_space<hbm>> -> memref<1x2048xf32, #tpu.memory_space<hbm>>
        %dma_wait3A_963 = tpu.memref_squeeze %dma_wait3A_962 : memref<1x2048xf32, #tpu.memory_space<hbm>> -> memref<2048xf32, #tpu.memory_space<hbm>>
        %dma_wait3A_964 = arith.constant 24576 : i32
        %dma_wait3A_965 = tpu.memref_slice %arg7[%dma_wait3A_955, %dma_wait3A_964] : memref<2x32768xf32, #tpu.memory_space<vmem>> -> memref<1x2048xf32, #tpu.memory_space<vmem>>
        %dma_wait3A_966 = tpu.memref_squeeze %dma_wait3A_965 : memref<1x2048xf32, #tpu.memory_space<vmem>> -> memref<2048xf32, #tpu.memory_space<vmem>>
        tpu.wait_dma2 semaphore(%arg8 : memref<!tpu.dma_semaphore, #tpu.memory_space<semaphore_mem>>) src(%dma_wait3A_966 : memref<2048xf32, #tpu.memory_space<vmem>>) dst(%dma_wait3A_963 : memref<2048xf32, #tpu.memory_space<hbm>>)
        %dma_wait3A_967 = arith.constant 0 : i32
        %dma_wait3A_968 = arith.constant 13 : i32
        %dma_wait3A_969 = arith.constant 26624 : i32
        %dma_wait3A_970 = tpu.memref_slice %arg7[%dma_wait3A_967, %dma_wait3A_969] : memref<2x32768xf32, #tpu.memory_space<vmem>> -> memref<1x2048xf32, #tpu.memory_space<vmem>>
        %dma_wait3A_971 = tpu.memref_squeeze %dma_wait3A_970 : memref<1x2048xf32, #tpu.memory_space<vmem>> -> memref<2048xf32, #tpu.memory_space<vmem>>
        %dma_wait3A_972 = tpu.memref_slice %arg4[%dma_wait3A_968, %add3A_398] : memref<16x1048576xf32, #tpu.memory_space<hbm>> -> memref<1x2048xf32, #tpu.memory_space<hbm>>
        %dma_wait3A_973 = tpu.memref_squeeze %dma_wait3A_972 : memref<1x2048xf32, #tpu.memory_space<hbm>> -> memref<2048xf32, #tpu.memory_space<hbm>>
        %dma_wait3A_974 = tpu.memref_slice %arg4[%dma_wait3A_968, %add3A_398] : memref<16x1048576xf32, #tpu.memory_space<hbm>> -> memref<1x2048xf32, #tpu.memory_space<hbm>>
        %dma_wait3A_975 = tpu.memref_squeeze %dma_wait3A_974 : memref<1x2048xf32, #tpu.memory_space<hbm>> -> memref<2048xf32, #tpu.memory_space<hbm>>
        %dma_wait3A_976 = arith.constant 26624 : i32
        %dma_wait3A_977 = tpu.memref_slice %arg7[%dma_wait3A_967, %dma_wait3A_976] : memref<2x32768xf32, #tpu.memory_space<vmem>> -> memref<1x2048xf32, #tpu.memory_space<vmem>>
        %dma_wait3A_978 = tpu.memref_squeeze %dma_wait3A_977 : memref<1x2048xf32, #tpu.memory_space<vmem>> -> memref<2048xf32, #tpu.memory_space<vmem>>
        tpu.wait_dma2 semaphore(%arg8 : memref<!tpu.dma_semaphore, #tpu.memory_space<semaphore_mem>>) src(%dma_wait3A_978 : memref<2048xf32, #tpu.memory_space<vmem>>) dst(%dma_wait3A_975 : memref<2048xf32, #tpu.memory_space<hbm>>)
        %dma_wait3A_979 = arith.constant 0 : i32
        %dma_wait3A_980 = arith.constant 14 : i32
        %dma_wait3A_981 = arith.constant 28672 : i32
        %dma_wait3A_982 = tpu.memref_slice %arg7[%dma_wait3A_979, %dma_wait3A_981] : memref<2x32768xf32, #tpu.memory_space<vmem>> -> memref<1x2048xf32, #tpu.memory_space<vmem>>
        %dma_wait3A_983 = tpu.memref_squeeze %dma_wait3A_982 : memref<1x2048xf32, #tpu.memory_space<vmem>> -> memref<2048xf32, #tpu.memory_space<vmem>>
        %dma_wait3A_984 = tpu.memref_slice %arg4[%dma_wait3A_980, %add3A_398] : memref<16x1048576xf32, #tpu.memory_space<hbm>> -> memref<1x2048xf32, #tpu.memory_space<hbm>>
        %dma_wait3A_985 = tpu.memref_squeeze %dma_wait3A_984 : memref<1x2048xf32, #tpu.memory_space<hbm>> -> memref<2048xf32, #tpu.memory_space<hbm>>
        %dma_wait3A_986 = tpu.memref_slice %arg4[%dma_wait3A_980, %add3A_398] : memref<16x1048576xf32, #tpu.memory_space<hbm>> -> memref<1x2048xf32, #tpu.memory_space<hbm>>
        %dma_wait3A_987 = tpu.memref_squeeze %dma_wait3A_986 : memref<1x2048xf32, #tpu.memory_space<hbm>> -> memref<2048xf32, #tpu.memory_space<hbm>>
        %dma_wait3A_988 = arith.constant 28672 : i32
        %dma_wait3A_989 = tpu.memref_slice %arg7[%dma_wait3A_979, %dma_wait3A_988] : memref<2x32768xf32, #tpu.memory_space<vmem>> -> memref<1x2048xf32, #tpu.memory_space<vmem>>
        %dma_wait3A_990 = tpu.memref_squeeze %dma_wait3A_989 : memref<1x2048xf32, #tpu.memory_space<vmem>> -> memref<2048xf32, #tpu.memory_space<vmem>>
        tpu.wait_dma2 semaphore(%arg8 : memref<!tpu.dma_semaphore, #tpu.memory_space<semaphore_mem>>) src(%dma_wait3A_990 : memref<2048xf32, #tpu.memory_space<vmem>>) dst(%dma_wait3A_987 : memref<2048xf32, #tpu.memory_space<hbm>>)
        %dma_wait3A_991 = arith.constant 0 : i32
        %dma_wait3A_992 = arith.constant 15 : i32
        %dma_wait3A_993 = arith.constant 30720 : i32
        %dma_wait3A_994 = tpu.memref_slice %arg7[%dma_wait3A_991, %dma_wait3A_993] : memref<2x32768xf32, #tpu.memory_space<vmem>> -> memref<1x2048xf32, #tpu.memory_space<vmem>>
        %dma_wait3A_995 = tpu.memref_squeeze %dma_wait3A_994 : memref<1x2048xf32, #tpu.memory_space<vmem>> -> memref<2048xf32, #tpu.memory_space<vmem>>
        %dma_wait3A_996 = tpu.memref_slice %arg4[%dma_wait3A_992, %add3A_398] : memref<16x1048576xf32, #tpu.memory_space<hbm>> -> memref<1x2048xf32, #tpu.memory_space<hbm>>
        %dma_wait3A_997 = tpu.memref_squeeze %dma_wait3A_996 : memref<1x2048xf32, #tpu.memory_space<hbm>> -> memref<2048xf32, #tpu.memory_space<hbm>>
        %dma_wait3A_998 = tpu.memref_slice %arg4[%dma_wait3A_992, %add3A_398] : memref<16x1048576xf32, #tpu.memory_space<hbm>> -> memref<1x2048xf32, #tpu.memory_space<hbm>>
        %dma_wait3A_999 = tpu.memref_squeeze %dma_wait3A_998 : memref<1x2048xf32, #tpu.memory_space<hbm>> -> memref<2048xf32, #tpu.memory_space<hbm>>
        %dma_wait3A_1000 = arith.constant 30720 : i32
        %dma_wait3A_1001 = tpu.memref_slice %arg7[%dma_wait3A_991, %dma_wait3A_1000] : memref<2x32768xf32, #tpu.memory_space<vmem>> -> memref<1x2048xf32, #tpu.memory_space<vmem>>
        %dma_wait3A_1002 = tpu.memref_squeeze %dma_wait3A_1001 : memref<1x2048xf32, #tpu.memory_space<vmem>> -> memref<2048xf32, #tpu.memory_space<vmem>>
        tpu.wait_dma2 semaphore(%arg8 : memref<!tpu.dma_semaphore, #tpu.memory_space<semaphore_mem>>) src(%dma_wait3A_1002 : memref<2048xf32, #tpu.memory_space<vmem>>) dst(%dma_wait3A_999 : memref<2048xf32, #tpu.memory_space<hbm>>)
      } else {
      }
      %scan3A_402 = arith.constant 0 : i32
      %scan3A_403 = arith.constant 0 : i32
      %scan3A_404 = arith.constant 128 : i32
      %scan3A_405 = arith.addi %scan3A_403, %scan3A_404 : i32
      %scan3A_406 = arith.constant 4 : i32
      scf.for %scan3A_811 = %scan3A_403 to %scan3A_405 step %scan3A_406  : i32 {
        %mul3A_812 = arith.constant 16 : i32
        %mul3A_813 = arith.muli %scan3A_811, %mul3A_812 : i32
        %get3A = arith.constant 0 : i32
        %get3A_814 = arith.index_cast %get3A : i32 to index
        %get3A_815 = arith.index_cast %mul3A_813 : i32 to index
        %get3A_816 = tpu.vector_load %arg6[%get3A_814, %get3A_815] {strides = array<i32>} : memref<2x2048xi32, #tpu.memory_space<vmem>>, vector<16xi32>,
        %add3A_817 = arith.constant 0 : i32
        %add3A_818 = vector.broadcast %add3A_817 : i32 to vector<16xi32>
        %add3A_819 = arith.addi %get3A_816, %add3A_818 : vector<16xi32>
        %gather3A = tpu.vector_load_idx %arg5[%add3A_819] : memref<1024xf32, #tpu.memory_space<vmem>>[vector<16xi32>], vector<16xf32>,
        %mul3A_820 = arith.constant 16 : i32
        %mul3A_821 = arith.muli %scan3A_811, %mul3A_820 : i32
        %add3A_822 = arith.constant 0 : i32
        %add3A_823 = arith.addi %add3A_822, %mul3A_821 : i32
        %swap3A = arith.constant 0 : i32
        %swap3A_824 = arith.index_cast %swap3A : i32 to index
        %swap3A_825 = arith.index_cast %add3A_823 : i32 to index
        %swap3A_826 = tpu.vector_load %arg7[%swap3A_824, %swap3A_825] {strides = array<i32>} : memref<2x32768xf32, #tpu.memory_space<vmem>>, vector<16xf32>,
        tpu.vector_store %arg7[%swap3A_824, %swap3A_825], %gather3A {strides = array<i32>} : memref<2x32768xf32, #tpu.memory_space<vmem>>, vector<16xf32>,
        %add3A_827 = arith.constant 64 : i32
        %add3A_828 = vector.broadcast %add3A_827 : i32 to vector<16xi32>
        %add3A_829 = arith.addi %get3A_816, %add3A_828 : vector<16xi32>
        %gather3A_830 = tpu.vector_load_idx %arg5[%add3A_829] : memref<1024xf32, #tpu.memory_space<vmem>>[vector<16xi32>], vector<16xf32>,
        %mul3A_831 = arith.constant 16 : i32
        %mul3A_832 = arith.muli %scan3A_811, %mul3A_831 : i32
        %add3A_833 = arith.constant 2048 : i32
        %add3A_834 = arith.addi %add3A_833, %mul3A_832 : i32
        %swap3A_835 = arith.constant 0 : i32
        %swap3A_836 = arith.index_cast %swap3A_835 : i32 to index
        %swap3A_837 = arith.index_cast %add3A_834 : i32 to index
        %swap3A_838 = tpu.vector_load %arg7[%swap3A_836, %swap3A_837] {strides = array<i32>} : memref<2x32768xf32, #tpu.memory_space<vmem>>, vector<16xf32>,
        tpu.vector_store %arg7[%swap3A_836, %swap3A_837], %gather3A_830 {strides = array<i32>} : memref<2x32768xf32, #tpu.memory_space<vmem>>, vector<16xf32>,
        %add3A_839 = arith.constant 128 : i32
        %add3A_840 = vector.broadcast %add3A_839 : i32 to vector<16xi32>
        %add3A_841 = arith.addi %get3A_816, %add3A_840 : vector<16xi32>
        %gather3A_842 = tpu.vector_load_idx %arg5[%add3A_841] : memref<1024xf32, #tpu.memory_space<vmem>>[vector<16xi32>], vector<16xf32>,
        %mul3A_843 = arith.constant 16 : i32
        %mul3A_844 = arith.muli %scan3A_811, %mul3A_843 : i32
        %add3A_845 = arith.constant 4096 : i32
        %add3A_846 = arith.addi %add3A_845, %mul3A_844 : i32
        %swap3A_847 = arith.constant 0 : i32
        %swap3A_848 = arith.index_cast %swap3A_847 : i32 to index
        %swap3A_849 = arith.index_cast %add3A_846 : i32 to index
        %swap3A_850 = tpu.vector_load %arg7[%swap3A_848, %swap3A_849] {strides = array<i32>} : memref<2x32768xf32, #tpu.memory_space<vmem>>, vector<16xf32>,
        tpu.vector_store %arg7[%swap3A_848, %swap3A_849], %gather3A_842 {strides = array<i32>} : memref<2x32768xf32, #tpu.memory_space<vmem>>, vector<16xf32>,
        %add3A_851 = arith.constant 192 : i32
        %add3A_852 = vector.broadcast %add3A_851 : i32 to vector<16xi32>
        %add3A_853 = arith.addi %get3A_816, %add3A_852 : vector<16xi32>
        %gather3A_854 = tpu.vector_load_idx %arg5[%add3A_853] : memref<1024xf32, #tpu.memory_space<vmem>>[vector<16xi32>], vector<16xf32>,
        %mul3A_855 = arith.constant 16 : i32
        %mul3A_856 = arith.muli %scan3A_811, %mul3A_855 : i32
        %add3A_857 = arith.constant 6144 : i32
        %add3A_858 = arith.addi %add3A_857, %mul3A_856 : i32
        %swap3A_859 = arith.constant 0 : i32
        %swap3A_860 = arith.index_cast %swap3A_859 : i32 to index
        %swap3A_861 = arith.index_cast %add3A_858 : i32 to index
        %swap3A_862 = tpu.vector_load %arg7[%swap3A_860, %swap3A_861] {strides = array<i32>} : memref<2x32768xf32, #tpu.memory_space<vmem>>, vector<16xf32>,
        tpu.vector_store %arg7[%swap3A_860, %swap3A_861], %gather3A_854 {strides = array<i32>} : memref<2x32768xf32, #tpu.memory_space<vmem>>, vector<16xf32>,
        %add3A_863 = arith.constant 256 : i32
        %add3A_864 = vector.broadcast %add3A_863 : i32 to vector<16xi32>
        %add3A_865 = arith.addi %get3A_816, %add3A_864 : vector<16xi32>
        %gather3A_866 = tpu.vector_load_idx %arg5[%add3A_865] : memref<1024xf32, #tpu.memory_space<vmem>>[vector<16xi32>], vector<16xf32>,
        %mul3A_867 = arith.constant 16 : i32
        %mul3A_868 = arith.muli %scan3A_811, %mul3A_867 : i32
        %add3A_869 = arith.constant 8192 : i32
        %add3A_870 = arith.addi %add3A_869, %mul3A_868 : i32
        %swap3A_871 = arith.constant 0 : i32
        %swap3A_872 = arith.index_cast %swap3A_871 : i32 to index
        %swap3A_873 = arith.index_cast %add3A_870 : i32 to index
        %swap3A_874 = tpu.vector_load %arg7[%swap3A_872, %swap3A_873] {strides = array<i32>} : memref<2x32768xf32, #tpu.memory_space<vmem>>, vector<16xf32>,
        tpu.vector_store %arg7[%swap3A_872, %swap3A_873], %gather3A_866 {strides = array<i32>} : memref<2x32768xf32, #tpu.memory_space<vmem>>, vector<16xf32>,
        %add3A_875 = arith.constant 320 : i32
        %add3A_876 = vector.broadcast %add3A_875 : i32 to vector<16xi32>
        %add3A_877 = arith.addi %get3A_816, %add3A_876 : vector<16xi32>
        %gather3A_878 = tpu.vector_load_idx %arg5[%add3A_877] : memref<1024xf32, #tpu.memory_space<vmem>>[vector<16xi32>], vector<16xf32>,
        %mul3A_879 = arith.constant 16 : i32
        %mul3A_880 = arith.muli %scan3A_811, %mul3A_879 : i32
        %add3A_881 = arith.constant 10240 : i32
        %add3A_882 = arith.addi %add3A_881, %mul3A_880 : i32
        %swap3A_883 = arith.constant 0 : i32
        %swap3A_884 = arith.index_cast %swap3A_883 : i32 to index
        %swap3A_885 = arith.index_cast %add3A_882 : i32 to index
        %swap3A_886 = tpu.vector_load %arg7[%swap3A_884, %swap3A_885] {strides = array<i32>} : memref<2x32768xf32, #tpu.memory_space<vmem>>, vector<16xf32>,
        tpu.vector_store %arg7[%swap3A_884, %swap3A_885], %gather3A_878 {strides = array<i32>} : memref<2x32768xf32, #tpu.memory_space<vmem>>, vector<16xf32>,
        %add3A_887 = arith.constant 384 : i32
        %add3A_888 = vector.broadcast %add3A_887 : i32 to vector<16xi32>
        %add3A_889 = arith.addi %get3A_816, %add3A_888 : vector<16xi32>
        %gather3A_890 = tpu.vector_load_idx %arg5[%add3A_889] : memref<1024xf32, #tpu.memory_space<vmem>>[vector<16xi32>], vector<16xf32>,
        %mul3A_891 = arith.constant 16 : i32
        %mul3A_892 = arith.muli %scan3A_811, %mul3A_891 : i32
        %add3A_893 = arith.constant 12288 : i32
        %add3A_894 = arith.addi %add3A_893, %mul3A_892 : i32
        %swap3A_895 = arith.constant 0 : i32
        %swap3A_896 = arith.index_cast %swap3A_895 : i32 to index
        %swap3A_897 = arith.index_cast %add3A_894 : i32 to index
        %swap3A_898 = tpu.vector_load %arg7[%swap3A_896, %swap3A_897] {strides = array<i32>} : memref<2x32768xf32, #tpu.memory_space<vmem>>, vector<16xf32>,
        tpu.vector_store %arg7[%swap3A_896, %swap3A_897], %gather3A_890 {strides = array<i32>} : memref<2x32768xf32, #tpu.memory_space<vmem>>, vector<16xf32>,
        %add3A_899 = arith.constant 448 : i32
        %add3A_900 = vector.broadcast %add3A_899 : i32 to vector<16xi32>
        %add3A_901 = arith.addi %get3A_816, %add3A_900 : vector<16xi32>
        %gather3A_902 = tpu.vector_load_idx %arg5[%add3A_901] : memref<1024xf32, #tpu.memory_space<vmem>>[vector<16xi32>], vector<16xf32>,
        %mul3A_903 = arith.constant 16 : i32
        %mul3A_904 = arith.muli %scan3A_811, %mul3A_903 : i32
        %add3A_905 = arith.constant 14336 : i32
        %add3A_906 = arith.addi %add3A_905, %mul3A_904 : i32
        %swap3A_907 = arith.constant 0 : i32
        %swap3A_908 = arith.index_cast %swap3A_907 : i32 to index
        %swap3A_909 = arith.index_cast %add3A_906 : i32 to index
        %swap3A_910 = tpu.vector_load %arg7[%swap3A_908, %swap3A_909] {strides = array<i32>} : memref<2x32768xf32, #tpu.memory_space<vmem>>, vector<16xf32>,
        tpu.vector_store %arg7[%swap3A_908, %swap3A_909], %gather3A_902 {strides = array<i32>} : memref<2x32768xf32, #tpu.memory_space<vmem>>, vector<16xf32>,
        %add3A_911 = arith.constant 512 : i32
        %add3A_912 = vector.broadcast %add3A_911 : i32 to vector<16xi32>
        %add3A_913 = arith.addi %get3A_816, %add3A_912 : vector<16xi32>
        %gather3A_914 = tpu.vector_load_idx %arg5[%add3A_913] : memref<1024xf32, #tpu.memory_space<vmem>>[vector<16xi32>], vector<16xf32>,
        %mul3A_915 = arith.constant 16 : i32
        %mul3A_916 = arith.muli %scan3A_811, %mul3A_915 : i32
        %add3A_917 = arith.constant 16384 : i32
        %add3A_918 = arith.addi %add3A_917, %mul3A_916 : i32
        %swap3A_919 = arith.constant 0 : i32
        %swap3A_920 = arith.index_cast %swap3A_919 : i32 to index
        %swap3A_921 = arith.index_cast %add3A_918 : i32 to index
        %swap3A_922 = tpu.vector_load %arg7[%swap3A_920, %swap3A_921] {strides = array<i32>} : memref<2x32768xf32, #tpu.memory_space<vmem>>, vector<16xf32>,
        tpu.vector_store %arg7[%swap3A_920, %swap3A_921], %gather3A_914 {strides = array<i32>} : memref<2x32768xf32, #tpu.memory_space<vmem>>, vector<16xf32>,
        %add3A_923 = arith.constant 576 : i32
        %add3A_924 = vector.broadcast %add3A_923 : i32 to vector<16xi32>
        %add3A_925 = arith.addi %get3A_816, %add3A_924 : vector<16xi32>
        %gather3A_926 = tpu.vector_load_idx %arg5[%add3A_925] : memref<1024xf32, #tpu.memory_space<vmem>>[vector<16xi32>], vector<16xf32>,
        %mul3A_927 = arith.constant 16 : i32
        %mul3A_928 = arith.muli %scan3A_811, %mul3A_927 : i32
        %add3A_929 = arith.constant 18432 : i32
        %add3A_930 = arith.addi %add3A_929, %mul3A_928 : i32
        %swap3A_931 = arith.constant 0 : i32
        %swap3A_932 = arith.index_cast %swap3A_931 : i32 to index
        %swap3A_933 = arith.index_cast %add3A_930 : i32 to index
        %swap3A_934 = tpu.vector_load %arg7[%swap3A_932, %swap3A_933] {strides = array<i32>} : memref<2x32768xf32, #tpu.memory_space<vmem>>, vector<16xf32>,
        tpu.vector_store %arg7[%swap3A_932, %swap3A_933], %gather3A_926 {strides = array<i32>} : memref<2x32768xf32, #tpu.memory_space<vmem>>, vector<16xf32>,
        %add3A_935 = arith.constant 640 : i32
        %add3A_936 = vector.broadcast %add3A_935 : i32 to vector<16xi32>
        %add3A_937 = arith.addi %get3A_816, %add3A_936 : vector<16xi32>
        %gather3A_938 = tpu.vector_load_idx %arg5[%add3A_937] : memref<1024xf32, #tpu.memory_space<vmem>>[vector<16xi32>], vector<16xf32>,
        %mul3A_939 = arith.constant 16 : i32
        %mul3A_940 = arith.muli %scan3A_811, %mul3A_939 : i32
        %add3A_941 = arith.constant 20480 : i32
        %add3A_942 = arith.addi %add3A_941, %mul3A_940 : i32
        %swap3A_943 = arith.constant 0 : i32
        %swap3A_944 = arith.index_cast %swap3A_943 : i32 to index
        %swap3A_945 = arith.index_cast %add3A_942 : i32 to index
        %swap3A_946 = tpu.vector_load %arg7[%swap3A_944, %swap3A_945] {strides = array<i32>} : memref<2x32768xf32, #tpu.memory_space<vmem>>, vector<16xf32>,
        tpu.vector_store %arg7[%swap3A_944, %swap3A_945], %gather3A_938 {strides = array<i32>} : memref<2x32768xf32, #tpu.memory_space<vmem>>, vector<16xf32>,
        %add3A_947 = arith.constant 704 : i32
        %add3A_948 = vector.broadcast %add3A_947 : i32 to vector<16xi32>
        %add3A_949 = arith.addi %get3A_816, %add3A_948 : vector<16xi32>
        %gather3A_950 = tpu.vector_load_idx %arg5[%add3A_949] : memref<1024xf32, #tpu.memory_space<vmem>>[vector<16xi32>], vector<16xf32>,
        %mul3A_951 = arith.constant 16 : i32
        %mul3A_952 = arith.muli %scan3A_811, %mul3A_951 : i32
        %add3A_953 = arith.constant 22528 : i32
        %add3A_954 = arith.addi %add3A_953, %mul3A_952 : i32
        %swap3A_955 = arith.constant 0 : i32
        %swap3A_956 = arith.index_cast %swap3A_955 : i32 to index
        %swap3A_957 = arith.index_cast %add3A_954 : i32 to index
        %swap3A_958 = tpu.vector_load %arg7[%swap3A_956, %swap3A_957] {strides = array<i32>} : memref<2x32768xf32, #tpu.memory_space<vmem>>, vector<16xf32>,
        tpu.vector_store %arg7[%swap3A_956, %swap3A_957], %gather3A_950 {strides = array<i32>} : memref<2x32768xf32, #tpu.memory_space<vmem>>, vector<16xf32>,
        %add3A_959 = arith.constant 768 : i32
        %add3A_960 = vector.broadcast %add3A_959 : i32 to vector<16xi32>
        %add3A_961 = arith.addi %get3A_816, %add3A_960 : vector<16xi32>
        %gather3A_962 = tpu.vector_load_idx %arg5[%add3A_961] : memref<1024xf32, #tpu.memory_space<vmem>>[vector<16xi32>], vector<16xf32>,
        %mul3A_963 = arith.constant 16 : i32
        %mul3A_964 = arith.muli %scan3A_811, %mul3A_963 : i32
        %add3A_965 = arith.constant 24576 : i32
        %add3A_966 = arith.addi %add3A_965, %mul3A_964 : i32
        %swap3A_967 = arith.constant 0 : i32
        %swap3A_968 = arith.index_cast %swap3A_967 : i32 to index
        %swap3A_969 = arith.index_cast %add3A_966 : i32 to index
        %swap3A_970 = tpu.vector_load %arg7[%swap3A_968, %swap3A_969] {strides = array<i32>} : memref<2x32768xf32, #tpu.memory_space<vmem>>, vector<16xf32>,
        tpu.vector_store %arg7[%swap3A_968, %swap3A_969], %gather3A_962 {strides = array<i32>} : memref<2x32768xf32, #tpu.memory_space<vmem>>, vector<16xf32>,
        %add3A_971 = arith.constant 832 : i32
        %add3A_972 = vector.broadcast %add3A_971 : i32 to vector<16xi32>
        %add3A_973 = arith.addi %get3A_816, %add3A_972 : vector<16xi32>
        %gather3A_974 = tpu.vector_load_idx %arg5[%add3A_973] : memref<1024xf32, #tpu.memory_space<vmem>>[vector<16xi32>], vector<16xf32>,
        %mul3A_975 = arith.constant 16 : i32
        %mul3A_976 = arith.muli %scan3A_811, %mul3A_975 : i32
        %add3A_977 = arith.constant 26624 : i32
        %add3A_978 = arith.addi %add3A_977, %mul3A_976 : i32
        %swap3A_979 = arith.constant 0 : i32
        %swap3A_980 = arith.index_cast %swap3A_979 : i32 to index
        %swap3A_981 = arith.index_cast %add3A_978 : i32 to index
        %swap3A_982 = tpu.vector_load %arg7[%swap3A_980, %swap3A_981] {strides = array<i32>} : memref<2x32768xf32, #tpu.memory_space<vmem>>, vector<16xf32>,
        tpu.vector_store %arg7[%swap3A_980, %swap3A_981], %gather3A_974 {strides = array<i32>} : memref<2x32768xf32, #tpu.memory_space<vmem>>, vector<16xf32>,
        %add3A_983 = arith.constant 896 : i32
        %add3A_984 = vector.broadcast %add3A_983 : i32 to vector<16xi32>
        %add3A_985 = arith.addi %get3A_816, %add3A_984 : vector<16xi32>
        %gather3A_986 = tpu.vector_load_idx %arg5[%add3A_985] : memref<1024xf32, #tpu.memory_space<vmem>>[vector<16xi32>], vector<16xf32>,
        %mul3A_987 = arith.constant 16 : i32
        %mul3A_988 = arith.muli %scan3A_811, %mul3A_987 : i32
        %add3A_989 = arith.constant 28672 : i32
        %add3A_990 = arith.addi %add3A_989, %mul3A_988 : i32
        %swap3A_991 = arith.constant 0 : i32
        %swap3A_992 = arith.index_cast %swap3A_991 : i32 to index
        %swap3A_993 = arith.index_cast %add3A_990 : i32 to index
        %swap3A_994 = tpu.vector_load %arg7[%swap3A_992, %swap3A_993] {strides = array<i32>} : memref<2x32768xf32, #tpu.memory_space<vmem>>, vector<16xf32>,
        tpu.vector_store %arg7[%swap3A_992, %swap3A_993], %gather3A_986 {strides = array<i32>} : memref<2x32768xf32, #tpu.memory_space<vmem>>, vector<16xf32>,
        %add3A_995 = arith.constant 960 : i32
        %add3A_996 = vector.broadcast %add3A_995 : i32 to vector<16xi32>
        %add3A_997 = arith.addi %get3A_816, %add3A_996 : vector<16xi32>
        %gather3A_998 = tpu.vector_load_idx %arg5[%add3A_997] : memref<1024xf32, #tpu.memory_space<vmem>>[vector<16xi32>], vector<16xf32>,
        %mul3A_999 = arith.constant 16 : i32
        %mul3A_1000 = arith.muli %scan3A_811, %mul3A_999 : i32
        %add3A_1001 = arith.constant 30720 : i32
        %add3A_1002 = arith.addi %add3A_1001, %mul3A_1000 : i32
        %swap3A_1003 = arith.constant 0 : i32
        %swap3A_1004 = arith.index_cast %swap3A_1003 : i32 to index
        %swap3A_1005 = arith.index_cast %add3A_1002 : i32 to index
        %swap3A_1006 = tpu.vector_load %arg7[%swap3A_1004, %swap3A_1005] {strides = array<i32>} : memref<2x32768xf32, #tpu.memory_space<vmem>>, vector<16xf32>,
        tpu.vector_store %arg7[%swap3A_1004, %swap3A_1005], %gather3A_998 {strides = array<i32>} : memref<2x32768xf32, #tpu.memory_space<vmem>>, vector<16xf32>,
        %scan3A_1007 = arith.constant 1 : i32
        %scan3A_1008 = arith.addi %scan3A_811, %scan3A_1007 : i32
        %mul3A_1009 = arith.constant 16 : i32
        %mul3A_1010 = arith.muli %scan3A_1008, %mul3A_1009 : i32
        %get3A_1011 = arith.constant 0 : i32
        %get3A_1012 = arith.index_cast %get3A_1011 : i32 to index
        %get3A_1013 = arith.index_cast %mul3A_1010 : i32 to index
        %get3A_1014 = tpu.vector_load %arg6[%get3A_1012, %get3A_1013] {strides = array<i32>} : memref<2x2048xi32, #tpu.memory_space<vmem>>, vector<16xi32>,
        %add3A_1015 = arith.constant 0 : i32
        %add3A_1016 = vector.broadcast %add3A_1015 : i32 to vector<16xi32>
        %add3A_1017 = arith.addi %get3A_1014, %add3A_1016 : vector<16xi32>
        %gather3A_1018 = tpu.vector_load_idx %arg5[%add3A_1017] : memref<1024xf32, #tpu.memory_space<vmem>>[vector<16xi32>], vector<16xf32>,
        %mul3A_1019 = arith.constant 16 : i32
        %mul3A_1020 = arith.muli %scan3A_1008, %mul3A_1019 : i32
        %add3A_1021 = arith.constant 0 : i32
        %add3A_1022 = arith.addi %add3A_1021, %mul3A_1020 : i32
        %swap3A_1023 = arith.constant 0 : i32
        %swap3A_1024 = arith.index_cast %swap3A_1023 : i32 to index
        %swap3A_1025 = arith.index_cast %add3A_1022 : i32 to index
        %swap3A_1026 = tpu.vector_load %arg7[%swap3A_1024, %swap3A_1025] {strides = array<i32>} : memref<2x32768xf32, #tpu.memory_space<vmem>>, vector<16xf32>,
        tpu.vector_store %arg7[%swap3A_1024, %swap3A_1025], %gather3A_1018 {strides = array<i32>} : memref<2x32768xf32, #tpu.memory_space<vmem>>, vector<16xf32>,
        %add3A_1027 = arith.constant 64 : i32
        %add3A_1028 = vector.broadcast %add3A_1027 : i32 to vector<16xi32>
        %add3A_1029 = arith.addi %get3A_1014, %add3A_1028 : vector<16xi32>
        %gather3A_1030 = tpu.vector_load_idx %arg5[%add3A_1029] : memref<1024xf32, #tpu.memory_space<vmem>>[vector<16xi32>], vector<16xf32>,
        %mul3A_1031 = arith.constant 16 : i32
        %mul3A_1032 = arith.muli %scan3A_1008, %mul3A_1031 : i32
        %add3A_1033 = arith.constant 2048 : i32
        %add3A_1034 = arith.addi %add3A_1033, %mul3A_1032 : i32
        %swap3A_1035 = arith.constant 0 : i32
        %swap3A_1036 = arith.index_cast %swap3A_1035 : i32 to index
        %swap3A_1037 = arith.index_cast %add3A_1034 : i32 to index
        %swap3A_1038 = tpu.vector_load %arg7[%swap3A_1036, %swap3A_1037] {strides = array<i32>} : memref<2x32768xf32, #tpu.memory_space<vmem>>, vector<16xf32>,
        tpu.vector_store %arg7[%swap3A_1036, %swap3A_1037], %gather3A_1030 {strides = array<i32>} : memref<2x32768xf32, #tpu.memory_space<vmem>>, vector<16xf32>,
        %add3A_1039 = arith.constant 128 : i32
        %add3A_1040 = vector.broadcast %add3A_1039 : i32 to vector<16xi32>
        %add3A_1041 = arith.addi %get3A_1014, %add3A_1040 : vector<16xi32>
        %gather3A_1042 = tpu.vector_load_idx %arg5[%add3A_1041] : memref<1024xf32, #tpu.memory_space<vmem>>[vector<16xi32>], vector<16xf32>,
        %mul3A_1043 = arith.constant 16 : i32
        %mul3A_1044 = arith.muli %scan3A_1008, %mul3A_1043 : i32
        %add3A_1045 = arith.constant 4096 : i32
        %add3A_1046 = arith.addi %add3A_1045, %mul3A_1044 : i32
        %swap3A_1047 = arith.constant 0 : i32
        %swap3A_1048 = arith.index_cast %swap3A_1047 : i32 to index
        %swap3A_1049 = arith.index_cast %add3A_1046 : i32 to index
        %swap3A_1050 = tpu.vector_load %arg7[%swap3A_1048, %swap3A_1049] {strides = array<i32>} : memref<2x32768xf32, #tpu.memory_space<vmem>>, vector<16xf32>,
        tpu.vector_store %arg7[%swap3A_1048, %swap3A_1049], %gather3A_1042 {strides = array<i32>} : memref<2x32768xf32, #tpu.memory_space<vmem>>, vector<16xf32>,
        %add3A_1051 = arith.constant 192 : i32
        %add3A_1052 = vector.broadcast %add3A_1051 : i32 to vector<16xi32>
        %add3A_1053 = arith.addi %get3A_1014, %add3A_1052 : vector<16xi32>
        %gather3A_1054 = tpu.vector_load_idx %arg5[%add3A_1053] : memref<1024xf32, #tpu.memory_space<vmem>>[vector<16xi32>], vector<16xf32>,
        %mul3A_1055 = arith.constant 16 : i32
        %mul3A_1056 = arith.muli %scan3A_1008, %mul3A_1055 : i32
        %add3A_1057 = arith.constant 6144 : i32
        %add3A_1058 = arith.addi %add3A_1057, %mul3A_1056 : i32
        %swap3A_1059 = arith.constant 0 : i32
        %swap3A_1060 = arith.index_cast %swap3A_1059 : i32 to index
        %swap3A_1061 = arith.index_cast %add3A_1058 : i32 to index
        %swap3A_1062 = tpu.vector_load %arg7[%swap3A_1060, %swap3A_1061] {strides = array<i32>} : memref<2x32768xf32, #tpu.memory_space<vmem>>, vector<16xf32>,
        tpu.vector_store %arg7[%swap3A_1060, %swap3A_1061], %gather3A_1054 {strides = array<i32>} : memref<2x32768xf32, #tpu.memory_space<vmem>>, vector<16xf32>,
        %add3A_1063 = arith.constant 256 : i32
        %add3A_1064 = vector.broadcast %add3A_1063 : i32 to vector<16xi32>
        %add3A_1065 = arith.addi %get3A_1014, %add3A_1064 : vector<16xi32>
        %gather3A_1066 = tpu.vector_load_idx %arg5[%add3A_1065] : memref<1024xf32, #tpu.memory_space<vmem>>[vector<16xi32>], vector<16xf32>,
        %mul3A_1067 = arith.constant 16 : i32
        %mul3A_1068 = arith.muli %scan3A_1008, %mul3A_1067 : i32
        %add3A_1069 = arith.constant 8192 : i32
        %add3A_1070 = arith.addi %add3A_1069, %mul3A_1068 : i32
        %swap3A_1071 = arith.constant 0 : i32
        %swap3A_1072 = arith.index_cast %swap3A_1071 : i32 to index
        %swap3A_1073 = arith.index_cast %add3A_1070 : i32 to index
        %swap3A_1074 = tpu.vector_load %arg7[%swap3A_1072, %swap3A_1073] {strides = array<i32>} : memref<2x32768xf32, #tpu.memory_space<vmem>>, vector<16xf32>,
        tpu.vector_store %arg7[%swap3A_1072, %swap3A_1073], %gather3A_1066 {strides = array<i32>} : memref<2x32768xf32, #tpu.memory_space<vmem>>, vector<16xf32>,
        %add3A_1075 = arith.constant 320 : i32
        %add3A_1076 = vector.broadcast %add3A_1075 : i32 to vector<16xi32>
        %add3A_1077 = arith.addi %get3A_1014, %add3A_1076 : vector<16xi32>
        %gather3A_1078 = tpu.vector_load_idx %arg5[%add3A_1077] : memref<1024xf32, #tpu.memory_space<vmem>>[vector<16xi32>], vector<16xf32>,
        %mul3A_1079 = arith.constant 16 : i32
        %mul3A_1080 = arith.muli %scan3A_1008, %mul3A_1079 : i32
        %add3A_1081 = arith.constant 10240 : i32
        %add3A_1082 = arith.addi %add3A_1081, %mul3A_1080 : i32
        %swap3A_1083 = arith.constant 0 : i32
        %swap3A_1084 = arith.index_cast %swap3A_1083 : i32 to index
        %swap3A_1085 = arith.index_cast %add3A_1082 : i32 to index
        %swap3A_1086 = tpu.vector_load %arg7[%swap3A_1084, %swap3A_1085] {strides = array<i32>} : memref<2x32768xf32, #tpu.memory_space<vmem>>, vector<16xf32>,
        tpu.vector_store %arg7[%swap3A_1084, %swap3A_1085], %gather3A_1078 {strides = array<i32>} : memref<2x32768xf32, #tpu.memory_space<vmem>>, vector<16xf32>,
        %add3A_1087 = arith.constant 384 : i32
        %add3A_1088 = vector.broadcast %add3A_1087 : i32 to vector<16xi32>
        %add3A_1089 = arith.addi %get3A_1014, %add3A_1088 : vector<16xi32>
        %gather3A_1090 = tpu.vector_load_idx %arg5[%add3A_1089] : memref<1024xf32, #tpu.memory_space<vmem>>[vector<16xi32>], vector<16xf32>,
        %mul3A_1091 = arith.constant 16 : i32
        %mul3A_1092 = arith.muli %scan3A_1008, %mul3A_1091 : i32
        %add3A_1093 = arith.constant 12288 : i32
        %add3A_1094 = arith.addi %add3A_1093, %mul3A_1092 : i32
        %swap3A_1095 = arith.constant 0 : i32
        %swap3A_1096 = arith.index_cast %swap3A_1095 : i32 to index
        %swap3A_1097 = arith.index_cast %add3A_1094 : i32 to index
        %swap3A_1098 = tpu.vector_load %arg7[%swap3A_1096, %swap3A_1097] {strides = array<i32>} : memref<2x32768xf32, #tpu.memory_space<vmem>>, vector<16xf32>,
        tpu.vector_store %arg7[%swap3A_1096, %swap3A_1097], %gather3A_1090 {strides = array<i32>} : memref<2x32768xf32, #tpu.memory_space<vmem>>, vector<16xf32>,
        %add3A_1099 = arith.constant 448 : i32
        %add3A_1100 = vector.broadcast %add3A_1099 : i32 to vector<16xi32>
        %add3A_1101 = arith.addi %get3A_1014, %add3A_1100 : vector<16xi32>
        %gather3A_1102 = tpu.vector_load_idx %arg5[%add3A_1101] : memref<1024xf32, #tpu.memory_space<vmem>>[vector<16xi32>], vector<16xf32>,
        %mul3A_1103 = arith.constant 16 : i32
        %mul3A_1104 = arith.muli %scan3A_1008, %mul3A_1103 : i32
        %add3A_1105 = arith.constant 14336 : i32
        %add3A_1106 = arith.addi %add3A_1105, %mul3A_1104 : i32
        %swap3A_1107 = arith.constant 0 : i32
        %swap3A_1108 = arith.index_cast %swap3A_1107 : i32 to index
        %swap3A_1109 = arith.index_cast %add3A_1106 : i32 to index
        %swap3A_1110 = tpu.vector_load %arg7[%swap3A_1108, %swap3A_1109] {strides = array<i32>} : memref<2x32768xf32, #tpu.memory_space<vmem>>, vector<16xf32>,
        tpu.vector_store %arg7[%swap3A_1108, %swap3A_1109], %gather3A_1102 {strides = array<i32>} : memref<2x32768xf32, #tpu.memory_space<vmem>>, vector<16xf32>,
        %add3A_1111 = arith.constant 512 : i32
        %add3A_1112 = vector.broadcast %add3A_1111 : i32 to vector<16xi32>
        %add3A_1113 = arith.addi %get3A_1014, %add3A_1112 : vector<16xi32>
        %gather3A_1114 = tpu.vector_load_idx %arg5[%add3A_1113] : memref<1024xf32, #tpu.memory_space<vmem>>[vector<16xi32>], vector<16xf32>,
        %mul3A_1115 = arith.constant 16 : i32
        %mul3A_1116 = arith.muli %scan3A_1008, %mul3A_1115 : i32
        %add3A_1117 = arith.constant 16384 : i32
        %add3A_1118 = arith.addi %add3A_1117, %mul3A_1116 : i32
        %swap3A_1119 = arith.constant 0 : i32
        %swap3A_1120 = arith.index_cast %swap3A_1119 : i32 to index
        %swap3A_1121 = arith.index_cast %add3A_1118 : i32 to index
        %swap3A_1122 = tpu.vector_load %arg7[%swap3A_1120, %swap3A_1121] {strides = array<i32>} : memref<2x32768xf32, #tpu.memory_space<vmem>>, vector<16xf32>,
        tpu.vector_store %arg7[%swap3A_1120, %swap3A_1121], %gather3A_1114 {strides = array<i32>} : memref<2x32768xf32, #tpu.memory_space<vmem>>, vector<16xf32>,
        %add3A_1123 = arith.constant 576 : i32
        %add3A_1124 = vector.broadcast %add3A_1123 : i32 to vector<16xi32>
        %add3A_1125 = arith.addi %get3A_1014, %add3A_1124 : vector<16xi32>
        %gather3A_1126 = tpu.vector_load_idx %arg5[%add3A_1125] : memref<1024xf32, #tpu.memory_space<vmem>>[vector<16xi32>], vector<16xf32>,
        %mul3A_1127 = arith.constant 16 : i32
        %mul3A_1128 = arith.muli %scan3A_1008, %mul3A_1127 : i32
        %add3A_1129 = arith.constant 18432 : i32
        %add3A_1130 = arith.addi %add3A_1129, %mul3A_1128 : i32
        %swap3A_1131 = arith.constant 0 : i32
        %swap3A_1132 = arith.index_cast %swap3A_1131 : i32 to index
        %swap3A_1133 = arith.index_cast %add3A_1130 : i32 to index
        %swap3A_1134 = tpu.vector_load %arg7[%swap3A_1132, %swap3A_1133] {strides = array<i32>} : memref<2x32768xf32, #tpu.memory_space<vmem>>, vector<16xf32>,
        tpu.vector_store %arg7[%swap3A_1132, %swap3A_1133], %gather3A_1126 {strides = array<i32>} : memref<2x32768xf32, #tpu.memory_space<vmem>>, vector<16xf32>,
        %add3A_1135 = arith.constant 640 : i32
        %add3A_1136 = vector.broadcast %add3A_1135 : i32 to vector<16xi32>
        %add3A_1137 = arith.addi %get3A_1014, %add3A_1136 : vector<16xi32>
        %gather3A_1138 = tpu.vector_load_idx %arg5[%add3A_1137] : memref<1024xf32, #tpu.memory_space<vmem>>[vector<16xi32>], vector<16xf32>,
        %mul3A_1139 = arith.constant 16 : i32
        %mul3A_1140 = arith.muli %scan3A_1008, %mul3A_1139 : i32
        %add3A_1141 = arith.constant 20480 : i32
        %add3A_1142 = arith.addi %add3A_1141, %mul3A_1140 : i32
        %swap3A_1143 = arith.constant 0 : i32
        %swap3A_1144 = arith.index_cast %swap3A_1143 : i32 to index
        %swap3A_1145 = arith.index_cast %add3A_1142 : i32 to index
        %swap3A_1146 = tpu.vector_load %arg7[%swap3A_1144, %swap3A_1145] {strides = array<i32>} : memref<2x32768xf32, #tpu.memory_space<vmem>>, vector<16xf32>,
        tpu.vector_store %arg7[%swap3A_1144, %swap3A_1145], %gather3A_1138 {strides = array<i32>} : memref<2x32768xf32, #tpu.memory_space<vmem>>, vector<16xf32>,
        %add3A_1147 = arith.constant 704 : i32
        %add3A_1148 = vector.broadcast %add3A_1147 : i32 to vector<16xi32>
        %add3A_1149 = arith.addi %get3A_1014, %add3A_1148 : vector<16xi32>
        %gather3A_1150 = tpu.vector_load_idx %arg5[%add3A_1149] : memref<1024xf32, #tpu.memory_space<vmem>>[vector<16xi32>], vector<16xf32>,
        %mul3A_1151 = arith.constant 16 : i32
        %mul3A_1152 = arith.muli %scan3A_1008, %mul3A_1151 : i32
        %add3A_1153 = arith.constant 22528 : i32
        %add3A_1154 = arith.addi %add3A_1153, %mul3A_1152 : i32
        %swap3A_1155 = arith.constant 0 : i32
        %swap3A_1156 = arith.index_cast %swap3A_1155 : i32 to index
        %swap3A_1157 = arith.index_cast %add3A_1154 : i32 to index
        %swap3A_1158 = tpu.vector_load %arg7[%swap3A_1156, %swap3A_1157] {strides = array<i32>} : memref<2x32768xf32, #tpu.memory_space<vmem>>, vector<16xf32>,
        tpu.vector_store %arg7[%swap3A_1156, %swap3A_1157], %gather3A_1150 {strides = array<i32>} : memref<2x32768xf32, #tpu.memory_space<vmem>>, vector<16xf32>,
        %add3A_1159 = arith.constant 768 : i32
        %add3A_1160 = vector.broadcast %add3A_1159 : i32 to vector<16xi32>
        %add3A_1161 = arith.addi %get3A_1014, %add3A_1160 : vector<16xi32>
        %gather3A_1162 = tpu.vector_load_idx %arg5[%add3A_1161] : memref<1024xf32, #tpu.memory_space<vmem>>[vector<16xi32>], vector<16xf32>,
        %mul3A_1163 = arith.constant 16 : i32
        %mul3A_1164 = arith.muli %scan3A_1008, %mul3A_1163 : i32
        %add3A_1165 = arith.constant 24576 : i32
        %add3A_1166 = arith.addi %add3A_1165, %mul3A_1164 : i32
        %swap3A_1167 = arith.constant 0 : i32
        %swap3A_1168 = arith.index_cast %swap3A_1167 : i32 to index
        %swap3A_1169 = arith.index_cast %add3A_1166 : i32 to index
        %swap3A_1170 = tpu.vector_load %arg7[%swap3A_1168, %swap3A_1169] {strides = array<i32>} : memref<2x32768xf32, #tpu.memory_space<vmem>>, vector<16xf32>,
        tpu.vector_store %arg7[%swap3A_1168, %swap3A_1169], %gather3A_1162 {strides = array<i32>} : memref<2x32768xf32, #tpu.memory_space<vmem>>, vector<16xf32>,
        %add3A_1171 = arith.constant 832 : i32
        %add3A_1172 = vector.broadcast %add3A_1171 : i32 to vector<16xi32>
        %add3A_1173 = arith.addi %get3A_1014, %add3A_1172 : vector<16xi32>
        %gather3A_1174 = tpu.vector_load_idx %arg5[%add3A_1173] : memref<1024xf32, #tpu.memory_space<vmem>>[vector<16xi32>], vector<16xf32>,
        %mul3A_1175 = arith.constant 16 : i32
        %mul3A_1176 = arith.muli %scan3A_1008, %mul3A_1175 : i32
        %add3A_1177 = arith.constant 26624 : i32
        %add3A_1178 = arith.addi %add3A_1177, %mul3A_1176 : i32
        %swap3A_1179 = arith.constant 0 : i32
        %swap3A_1180 = arith.index_cast %swap3A_1179 : i32 to index
        %swap3A_1181 = arith.index_cast %add3A_1178 : i32 to index
        %swap3A_1182 = tpu.vector_load %arg7[%swap3A_1180, %swap3A_1181] {strides = array<i32>} : memref<2x32768xf32, #tpu.memory_space<vmem>>, vector<16xf32>,
        tpu.vector_store %arg7[%swap3A_1180, %swap3A_1181], %gather3A_1174 {strides = array<i32>} : memref<2x32768xf32, #tpu.memory_space<vmem>>, vector<16xf32>,
        %add3A_1183 = arith.constant 896 : i32
        %add3A_1184 = vector.broadcast %add3A_1183 : i32 to vector<16xi32>
        %add3A_1185 = arith.addi %get3A_1014, %add3A_1184 : vector<16xi32>
        %gather3A_1186 = tpu.vector_load_idx %arg5[%add3A_1185] : memref<1024xf32, #tpu.memory_space<vmem>>[vector<16xi32>], vector<16xf32>,
        %mul3A_1187 = arith.constant 16 : i32
        %mul3A_1188 = arith.muli %scan3A_1008, %mul3A_1187 : i32
        %add3A_1189 = arith.constant 28672 : i32
        %add3A_1190 = arith.addi %add3A_1189, %mul3A_1188 : i32
        %swap3A_1191 = arith.constant 0 : i32
        %swap3A_1192 = arith.index_cast %swap3A_1191 : i32 to index
        %swap3A_1193 = arith.index_cast %add3A_1190 : i32 to index
        %swap3A_1194 = tpu.vector_load %arg7[%swap3A_1192, %swap3A_1193] {strides = array<i32>} : memref<2x32768xf32, #tpu.memory_space<vmem>>, vector<16xf32>,
        tpu.vector_store %arg7[%swap3A_1192, %swap3A_1193], %gather3A_1186 {strides = array<i32>} : memref<2x32768xf32, #tpu.memory_space<vmem>>, vector<16xf32>,
        %add3A_1195 = arith.constant 960 : i32
        %add3A_1196 = vector.broadcast %add3A_1195 : i32 to vector<16xi32>
        %add3A_1197 = arith.addi %get3A_1014, %add3A_1196 : vector<16xi32>
        %gather3A_1198 = tpu.vector_load_idx %arg5[%add3A_1197] : memref<1024xf32, #tpu.memory_space<vmem>>[vector<16xi32>], vector<16xf32>,
        %mul3A_1199 = arith.constant 16 : i32
        %mul3A_1200 = arith.muli %scan3A_1008, %mul3A_1199 : i32
        %add3A_1201 = arith.constant 30720 : i32
        %add3A_1202 = arith.addi %add3A_1201, %mul3A_1200 : i32
        %swap3A_1203 = arith.constant 0 : i32
        %swap3A_1204 = arith.index_cast %swap3A_1203 : i32 to index
        %swap3A_1205 = arith.index_cast %add3A_1202 : i32 to index
        %swap3A_1206 = tpu.vector_load %arg7[%swap3A_1204, %swap3A_1205] {strides = array<i32>} : memref<2x32768xf32, #tpu.memory_space<vmem>>, vector<16xf32>,
        tpu.vector_store %arg7[%swap3A_1204, %swap3A_1205], %gather3A_1198 {strides = array<i32>} : memref<2x32768xf32, #tpu.memory_space<vmem>>, vector<16xf32>,
        %scan3A_1207 = arith.constant 2 : i32
        %scan3A_1208 = arith.addi %scan3A_811, %scan3A_1207 : i32
        %mul3A_1209 = arith.constant 16 : i32
        %mul3A_1210 = arith.muli %scan3A_1208, %mul3A_1209 : i32
        %get3A_1211 = arith.constant 0 : i32
        %get3A_1212 = arith.index_cast %get3A_1211 : i32 to index
        %get3A_1213 = arith.index_cast %mul3A_1210 : i32 to index
        %get3A_1214 = tpu.vector_load %arg6[%get3A_1212, %get3A_1213] {strides = array<i32>} : memref<2x2048xi32, #tpu.memory_space<vmem>>, vector<16xi32>,
        %add3A_1215 = arith.constant 0 : i32
        %add3A_1216 = vector.broadcast %add3A_1215 : i32 to vector<16xi32>
        %add3A_1217 = arith.addi %get3A_1214, %add3A_1216 : vector<16xi32>
        %gather3A_1218 = tpu.vector_load_idx %arg5[%add3A_1217] : memref<1024xf32, #tpu.memory_space<vmem>>[vector<16xi32>], vector<16xf32>,
        %mul3A_1219 = arith.constant 16 : i32
        %mul3A_1220 = arith.muli %scan3A_1208, %mul3A_1219 : i32
        %add3A_1221 = arith.constant 0 : i32
        %add3A_1222 = arith.addi %add3A_1221, %mul3A_1220 : i32
        %swap3A_1223 = arith.constant 0 : i32
        %swap3A_1224 = arith.index_cast %swap3A_1223 : i32 to index
        %swap3A_1225 = arith.index_cast %add3A_1222 : i32 to index
        %swap3A_1226 = tpu.vector_load %arg7[%swap3A_1224, %swap3A_1225] {strides = array<i32>} : memref<2x32768xf32, #tpu.memory_space<vmem>>, vector<16xf32>,
        tpu.vector_store %arg7[%swap3A_1224, %swap3A_1225], %gather3A_1218 {strides = array<i32>} : memref<2x32768xf32, #tpu.memory_space<vmem>>, vector<16xf32>,
        %add3A_1227 = arith.constant 64 : i32
        %add3A_1228 = vector.broadcast %add3A_1227 : i32 to vector<16xi32>
        %add3A_1229 = arith.addi %get3A_1214, %add3A_1228 : vector<16xi32>
        %gather3A_1230 = tpu.vector_load_idx %arg5[%add3A_1229] : memref<1024xf32, #tpu.memory_space<vmem>>[vector<16xi32>], vector<16xf32>,
        %mul3A_1231 = arith.constant 16 : i32
        %mul3A_1232 = arith.muli %scan3A_1208, %mul3A_1231 : i32
        %add3A_1233 = arith.constant 2048 : i32
        %add3A_1234 = arith.addi %add3A_1233, %mul3A_1232 : i32
        %swap3A_1235 = arith.constant 0 : i32
        %swap3A_1236 = arith.index_cast %swap3A_1235 : i32 to index
        %swap3A_1237 = arith.index_cast %add3A_1234 : i32 to index
        %swap3A_1238 = tpu.vector_load %arg7[%swap3A_1236, %swap3A_1237] {strides = array<i32>} : memref<2x32768xf32, #tpu.memory_space<vmem>>, vector<16xf32>,
        tpu.vector_store %arg7[%swap3A_1236, %swap3A_1237], %gather3A_1230 {strides = array<i32>} : memref<2x32768xf32, #tpu.memory_space<vmem>>, vector<16xf32>,
        %add3A_1239 = arith.constant 128 : i32
        %add3A_1240 = vector.broadcast %add3A_1239 : i32 to vector<16xi32>
        %add3A_1241 = arith.addi %get3A_1214, %add3A_1240 : vector<16xi32>
        %gather3A_1242 = tpu.vector_load_idx %arg5[%add3A_1241] : memref<1024xf32, #tpu.memory_space<vmem>>[vector<16xi32>], vector<16xf32>,
        %mul3A_1243 = arith.constant 16 : i32
        %mul3A_1244 = arith.muli %scan3A_1208, %mul3A_1243 : i32
        %add3A_1245 = arith.constant 4096 : i32
        %add3A_1246 = arith.addi %add3A_1245, %mul3A_1244 : i32
        %swap3A_1247 = arith.constant 0 : i32
        %swap3A_1248 = arith.index_cast %swap3A_1247 : i32 to index
        %swap3A_1249 = arith.index_cast %add3A_1246 : i32 to index
        %swap3A_1250 = tpu.vector_load %arg7[%swap3A_1248, %swap3A_1249] {strides = array<i32>} : memref<2x32768xf32, #tpu.memory_space<vmem>>, vector<16xf32>,
        tpu.vector_store %arg7[%swap3A_1248, %swap3A_1249], %gather3A_1242 {strides = array<i32>} : memref<2x32768xf32, #tpu.memory_space<vmem>>, vector<16xf32>,
        %add3A_1251 = arith.constant 192 : i32
        %add3A_1252 = vector.broadcast %add3A_1251 : i32 to vector<16xi32>
        %add3A_1253 = arith.addi %get3A_1214, %add3A_1252 : vector<16xi32>
        %gather3A_1254 = tpu.vector_load_idx %arg5[%add3A_1253] : memref<1024xf32, #tpu.memory_space<vmem>>[vector<16xi32>], vector<16xf32>,
        %mul3A_1255 = arith.constant 16 : i32
        %mul3A_1256 = arith.muli %scan3A_1208, %mul3A_1255 : i32
        %add3A_1257 = arith.constant 6144 : i32
        %add3A_1258 = arith.addi %add3A_1257, %mul3A_1256 : i32
        %swap3A_1259 = arith.constant 0 : i32
        %swap3A_1260 = arith.index_cast %swap3A_1259 : i32 to index
        %swap3A_1261 = arith.index_cast %add3A_1258 : i32 to index
        %swap3A_1262 = tpu.vector_load %arg7[%swap3A_1260, %swap3A_1261] {strides = array<i32>} : memref<2x32768xf32, #tpu.memory_space<vmem>>, vector<16xf32>,
        tpu.vector_store %arg7[%swap3A_1260, %swap3A_1261], %gather3A_1254 {strides = array<i32>} : memref<2x32768xf32, #tpu.memory_space<vmem>>, vector<16xf32>,
        %add3A_1263 = arith.constant 256 : i32
        %add3A_1264 = vector.broadcast %add3A_1263 : i32 to vector<16xi32>
        %add3A_1265 = arith.addi %get3A_1214, %add3A_1264 : vector<16xi32>
        %gather3A_1266 = tpu.vector_load_idx %arg5[%add3A_1265] : memref<1024xf32, #tpu.memory_space<vmem>>[vector<16xi32>], vector<16xf32>,
        %mul3A_1267 = arith.constant 16 : i32
        %mul3A_1268 = arith.muli %scan3A_1208, %mul3A_1267 : i32
        %add3A_1269 = arith.constant 8192 : i32
        %add3A_1270 = arith.addi %add3A_1269, %mul3A_1268 : i32
        %swap3A_1271 = arith.constant 0 : i32
        %swap3A_1272 = arith.index_cast %swap3A_1271 : i32 to index
        %swap3A_1273 = arith.index_cast %add3A_1270 : i32 to index
        %swap3A_1274 = tpu.vector_load %arg7[%swap3A_1272, %swap3A_1273] {strides = array<i32>} : memref<2x32768xf32, #tpu.memory_space<vmem>>, vector<16xf32>,
        tpu.vector_store %arg7[%swap3A_1272, %swap3A_1273], %gather3A_1266 {strides = array<i32>} : memref<2x32768xf32, #tpu.memory_space<vmem>>, vector<16xf32>,
        %add3A_1275 = arith.constant 320 : i32
        %add3A_1276 = vector.broadcast %add3A_1275 : i32 to vector<16xi32>
        %add3A_1277 = arith.addi %get3A_1214, %add3A_1276 : vector<16xi32>
        %gather3A_1278 = tpu.vector_load_idx %arg5[%add3A_1277] : memref<1024xf32, #tpu.memory_space<vmem>>[vector<16xi32>], vector<16xf32>,
        %mul3A_1279 = arith.constant 16 : i32
        %mul3A_1280 = arith.muli %scan3A_1208, %mul3A_1279 : i32
        %add3A_1281 = arith.constant 10240 : i32
        %add3A_1282 = arith.addi %add3A_1281, %mul3A_1280 : i32
        %swap3A_1283 = arith.constant 0 : i32
        %swap3A_1284 = arith.index_cast %swap3A_1283 : i32 to index
        %swap3A_1285 = arith.index_cast %add3A_1282 : i32 to index
        %swap3A_1286 = tpu.vector_load %arg7[%swap3A_1284, %swap3A_1285] {strides = array<i32>} : memref<2x32768xf32, #tpu.memory_space<vmem>>, vector<16xf32>,
        tpu.vector_store %arg7[%swap3A_1284, %swap3A_1285], %gather3A_1278 {strides = array<i32>} : memref<2x32768xf32, #tpu.memory_space<vmem>>, vector<16xf32>,
        %add3A_1287 = arith.constant 384 : i32
        %add3A_1288 = vector.broadcast %add3A_1287 : i32 to vector<16xi32>
        %add3A_1289 = arith.addi %get3A_1214, %add3A_1288 : vector<16xi32>
        %gather3A_1290 = tpu.vector_load_idx %arg5[%add3A_1289] : memref<1024xf32, #tpu.memory_space<vmem>>[vector<16xi32>], vector<16xf32>,
        %mul3A_1291 = arith.constant 16 : i32
        %mul3A_1292 = arith.muli %scan3A_1208, %mul3A_1291 : i32
        %add3A_1293 = arith.constant 12288 : i32
        %add3A_1294 = arith.addi %add3A_1293, %mul3A_1292 : i32
        %swap3A_1295 = arith.constant 0 : i32
        %swap3A_1296 = arith.index_cast %swap3A_1295 : i32 to index
        %swap3A_1297 = arith.index_cast %add3A_1294 : i32 to index
        %swap3A_1298 = tpu.vector_load %arg7[%swap3A_1296, %swap3A_1297] {strides = array<i32>} : memref<2x32768xf32, #tpu.memory_space<vmem>>, vector<16xf32>,
        tpu.vector_store %arg7[%swap3A_1296, %swap3A_1297], %gather3A_1290 {strides = array<i32>} : memref<2x32768xf32, #tpu.memory_space<vmem>>, vector<16xf32>,
        %add3A_1299 = arith.constant 448 : i32
        %add3A_1300 = vector.broadcast %add3A_1299 : i32 to vector<16xi32>
        %add3A_1301 = arith.addi %get3A_1214, %add3A_1300 : vector<16xi32>
        %gather3A_1302 = tpu.vector_load_idx %arg5[%add3A_1301] : memref<1024xf32, #tpu.memory_space<vmem>>[vector<16xi32>], vector<16xf32>,
        %mul3A_1303 = arith.constant 16 : i32
        %mul3A_1304 = arith.muli %scan3A_1208, %mul3A_1303 : i32
        %add3A_1305 = arith.constant 14336 : i32
        %add3A_1306 = arith.addi %add3A_1305, %mul3A_1304 : i32
        %swap3A_1307 = arith.constant 0 : i32
        %swap3A_1308 = arith.index_cast %swap3A_1307 : i32 to index
        %swap3A_1309 = arith.index_cast %add3A_1306 : i32 to index
        %swap3A_1310 = tpu.vector_load %arg7[%swap3A_1308, %swap3A_1309] {strides = array<i32>} : memref<2x32768xf32, #tpu.memory_space<vmem>>, vector<16xf32>,
        tpu.vector_store %arg7[%swap3A_1308, %swap3A_1309], %gather3A_1302 {strides = array<i32>} : memref<2x32768xf32, #tpu.memory_space<vmem>>, vector<16xf32>,
        %add3A_1311 = arith.constant 512 : i32
        %add3A_1312 = vector.broadcast %add3A_1311 : i32 to vector<16xi32>
        %add3A_1313 = arith.addi %get3A_1214, %add3A_1312 : vector<16xi32>
        %gather3A_1314 = tpu.vector_load_idx %arg5[%add3A_1313] : memref<1024xf32, #tpu.memory_space<vmem>>[vector<16xi32>], vector<16xf32>,
        %mul3A_1315 = arith.constant 16 : i32
        %mul3A_1316 = arith.muli %scan3A_1208, %mul3A_1315 : i32
        %add3A_1317 = arith.constant 16384 : i32
        %add3A_1318 = arith.addi %add3A_1317, %mul3A_1316 : i32
        %swap3A_1319 = arith.constant 0 : i32
        %swap3A_1320 = arith.index_cast %swap3A_1319 : i32 to index
        %swap3A_1321 = arith.index_cast %add3A_1318 : i32 to index
        %swap3A_1322 = tpu.vector_load %arg7[%swap3A_1320, %swap3A_1321] {strides = array<i32>} : memref<2x32768xf32, #tpu.memory_space<vmem>>, vector<16xf32>,
        tpu.vector_store %arg7[%swap3A_1320, %swap3A_1321], %gather3A_1314 {strides = array<i32>} : memref<2x32768xf32, #tpu.memory_space<vmem>>, vector<16xf32>,
        %add3A_1323 = arith.constant 576 : i32
        %add3A_1324 = vector.broadcast %add3A_1323 : i32 to vector<16xi32>
        %add3A_1325 = arith.addi %get3A_1214, %add3A_1324 : vector<16xi32>
        %gather3A_1326 = tpu.vector_load_idx %arg5[%add3A_1325] : memref<1024xf32, #tpu.memory_space<vmem>>[vector<16xi32>], vector<16xf32>,
        %mul3A_1327 = arith.constant 16 : i32
        %mul3A_1328 = arith.muli %scan3A_1208, %mul3A_1327 : i32
        %add3A_1329 = arith.constant 18432 : i32
        %add3A_1330 = arith.addi %add3A_1329, %mul3A_1328 : i32
        %swap3A_1331 = arith.constant 0 : i32
        %swap3A_1332 = arith.index_cast %swap3A_1331 : i32 to index
        %swap3A_1333 = arith.index_cast %add3A_1330 : i32 to index
        %swap3A_1334 = tpu.vector_load %arg7[%swap3A_1332, %swap3A_1333] {strides = array<i32>} : memref<2x32768xf32, #tpu.memory_space<vmem>>, vector<16xf32>,
        tpu.vector_store %arg7[%swap3A_1332, %swap3A_1333], %gather3A_1326 {strides = array<i32>} : memref<2x32768xf32, #tpu.memory_space<vmem>>, vector<16xf32>,
        %add3A_1335 = arith.constant 640 : i32
        %add3A_1336 = vector.broadcast %add3A_1335 : i32 to vector<16xi32>
        %add3A_1337 = arith.addi %get3A_1214, %add3A_1336 : vector<16xi32>
        %gather3A_1338 = tpu.vector_load_idx %arg5[%add3A_1337] : memref<1024xf32, #tpu.memory_space<vmem>>[vector<16xi32>], vector<16xf32>,
        %mul3A_1339 = arith.constant 16 : i32
        %mul3A_1340 = arith.muli %scan3A_1208, %mul3A_1339 : i32
        %add3A_1341 = arith.constant 20480 : i32
        %add3A_1342 = arith.addi %add3A_1341, %mul3A_1340 : i32
        %swap3A_1343 = arith.constant 0 : i32
        %swap3A_1344 = arith.index_cast %swap3A_1343 : i32 to index
        %swap3A_1345 = arith.index_cast %add3A_1342 : i32 to index
        %swap3A_1346 = tpu.vector_load %arg7[%swap3A_1344, %swap3A_1345] {strides = array<i32>} : memref<2x32768xf32, #tpu.memory_space<vmem>>, vector<16xf32>,
        tpu.vector_store %arg7[%swap3A_1344, %swap3A_1345], %gather3A_1338 {strides = array<i32>} : memref<2x32768xf32, #tpu.memory_space<vmem>>, vector<16xf32>,
        %add3A_1347 = arith.constant 704 : i32
        %add3A_1348 = vector.broadcast %add3A_1347 : i32 to vector<16xi32>
        %add3A_1349 = arith.addi %get3A_1214, %add3A_1348 : vector<16xi32>
        %gather3A_1350 = tpu.vector_load_idx %arg5[%add3A_1349] : memref<1024xf32, #tpu.memory_space<vmem>>[vector<16xi32>], vector<16xf32>,
        %mul3A_1351 = arith.constant 16 : i32
        %mul3A_1352 = arith.muli %scan3A_1208, %mul3A_1351 : i32
        %add3A_1353 = arith.constant 22528 : i32
        %add3A_1354 = arith.addi %add3A_1353, %mul3A_1352 : i32
        %swap3A_1355 = arith.constant 0 : i32
        %swap3A_1356 = arith.index_cast %swap3A_1355 : i32 to index
        %swap3A_1357 = arith.index_cast %add3A_1354 : i32 to index
        %swap3A_1358 = tpu.vector_load %arg7[%swap3A_1356, %swap3A_1357] {strides = array<i32>} : memref<2x32768xf32, #tpu.memory_space<vmem>>, vector<16xf32>,
        tpu.vector_store %arg7[%swap3A_1356, %swap3A_1357], %gather3A_1350 {strides = array<i32>} : memref<2x32768xf32, #tpu.memory_space<vmem>>, vector<16xf32>,
        %add3A_1359 = arith.constant 768 : i32
        %add3A_1360 = vector.broadcast %add3A_1359 : i32 to vector<16xi32>
        %add3A_1361 = arith.addi %get3A_1214, %add3A_1360 : vector<16xi32>
        %gather3A_1362 = tpu.vector_load_idx %arg5[%add3A_1361] : memref<1024xf32, #tpu.memory_space<vmem>>[vector<16xi32>], vector<16xf32>,
        %mul3A_1363 = arith.constant 16 : i32
        %mul3A_1364 = arith.muli %scan3A_1208, %mul3A_1363 : i32
        %add3A_1365 = arith.constant 24576 : i32
        %add3A_1366 = arith.addi %add3A_1365, %mul3A_1364 : i32
        %swap3A_1367 = arith.constant 0 : i32
        %swap3A_1368 = arith.index_cast %swap3A_1367 : i32 to index
        %swap3A_1369 = arith.index_cast %add3A_1366 : i32 to index
        %swap3A_1370 = tpu.vector_load %arg7[%swap3A_1368, %swap3A_1369] {strides = array<i32>} : memref<2x32768xf32, #tpu.memory_space<vmem>>, vector<16xf32>,
        tpu.vector_store %arg7[%swap3A_1368, %swap3A_1369], %gather3A_1362 {strides = array<i32>} : memref<2x32768xf32, #tpu.memory_space<vmem>>, vector<16xf32>,
        %add3A_1371 = arith.constant 832 : i32
        %add3A_1372 = vector.broadcast %add3A_1371 : i32 to vector<16xi32>
        %add3A_1373 = arith.addi %get3A_1214, %add3A_1372 : vector<16xi32>
        %gather3A_1374 = tpu.vector_load_idx %arg5[%add3A_1373] : memref<1024xf32, #tpu.memory_space<vmem>>[vector<16xi32>], vector<16xf32>,
        %mul3A_1375 = arith.constant 16 : i32
        %mul3A_1376 = arith.muli %scan3A_1208, %mul3A_1375 : i32
        %add3A_1377 = arith.constant 26624 : i32
        %add3A_1378 = arith.addi %add3A_1377, %mul3A_1376 : i32
        %swap3A_1379 = arith.constant 0 : i32
        %swap3A_1380 = arith.index_cast %swap3A_1379 : i32 to index
        %swap3A_1381 = arith.index_cast %add3A_1378 : i32 to index
        %swap3A_1382 = tpu.vector_load %arg7[%swap3A_1380, %swap3A_1381] {strides = array<i32>} : memref<2x32768xf32, #tpu.memory_space<vmem>>, vector<16xf32>,
        tpu.vector_store %arg7[%swap3A_1380, %swap3A_1381], %gather3A_1374 {strides = array<i32>} : memref<2x32768xf32, #tpu.memory_space<vmem>>, vector<16xf32>,
        %add3A_1383 = arith.constant 896 : i32
        %add3A_1384 = vector.broadcast %add3A_1383 : i32 to vector<16xi32>
        %add3A_1385 = arith.addi %get3A_1214, %add3A_1384 : vector<16xi32>
        %gather3A_1386 = tpu.vector_load_idx %arg5[%add3A_1385] : memref<1024xf32, #tpu.memory_space<vmem>>[vector<16xi32>], vector<16xf32>,
        %mul3A_1387 = arith.constant 16 : i32
        %mul3A_1388 = arith.muli %scan3A_1208, %mul3A_1387 : i32
        %add3A_1389 = arith.constant 28672 : i32
        %add3A_1390 = arith.addi %add3A_1389, %mul3A_1388 : i32
        %swap3A_1391 = arith.constant 0 : i32
        %swap3A_1392 = arith.index_cast %swap3A_1391 : i32 to index
        %swap3A_1393 = arith.index_cast %add3A_1390 : i32 to index
        %swap3A_1394 = tpu.vector_load %arg7[%swap3A_1392, %swap3A_1393] {strides = array<i32>} : memref<2x32768xf32, #tpu.memory_space<vmem>>, vector<16xf32>,
        tpu.vector_store %arg7[%swap3A_1392, %swap3A_1393], %gather3A_1386 {strides = array<i32>} : memref<2x32768xf32, #tpu.memory_space<vmem>>, vector<16xf32>,
        %add3A_1395 = arith.constant 960 : i32
        %add3A_1396 = vector.broadcast %add3A_1395 : i32 to vector<16xi32>
        %add3A_1397 = arith.addi %get3A_1214, %add3A_1396 : vector<16xi32>
        %gather3A_1398 = tpu.vector_load_idx %arg5[%add3A_1397] : memref<1024xf32, #tpu.memory_space<vmem>>[vector<16xi32>], vector<16xf32>,
        %mul3A_1399 = arith.constant 16 : i32
        %mul3A_1400 = arith.muli %scan3A_1208, %mul3A_1399 : i32
        %add3A_1401 = arith.constant 30720 : i32
        %add3A_1402 = arith.addi %add3A_1401, %mul3A_1400 : i32
        %swap3A_1403 = arith.constant 0 : i32
        %swap3A_1404 = arith.index_cast %swap3A_1403 : i32 to index
        %swap3A_1405 = arith.index_cast %add3A_1402 : i32 to index
        %swap3A_1406 = tpu.vector_load %arg7[%swap3A_1404, %swap3A_1405] {strides = array<i32>} : memref<2x32768xf32, #tpu.memory_space<vmem>>, vector<16xf32>,
        tpu.vector_store %arg7[%swap3A_1404, %swap3A_1405], %gather3A_1398 {strides = array<i32>} : memref<2x32768xf32, #tpu.memory_space<vmem>>, vector<16xf32>,
        %scan3A_1407 = arith.constant 3 : i32
        %scan3A_1408 = arith.addi %scan3A_811, %scan3A_1407 : i32
        %mul3A_1409 = arith.constant 16 : i32
        %mul3A_1410 = arith.muli %scan3A_1408, %mul3A_1409 : i32
        %get3A_1411 = arith.constant 0 : i32
        %get3A_1412 = arith.index_cast %get3A_1411 : i32 to index
        %get3A_1413 = arith.index_cast %mul3A_1410 : i32 to index
        %get3A_1414 = tpu.vector_load %arg6[%get3A_1412, %get3A_1413] {strides = array<i32>} : memref<2x2048xi32, #tpu.memory_space<vmem>>, vector<16xi32>,
        %add3A_1415 = arith.constant 0 : i32
        %add3A_1416 = vector.broadcast %add3A_1415 : i32 to vector<16xi32>
        %add3A_1417 = arith.addi %get3A_1414, %add3A_1416 : vector<16xi32>
        %gather3A_1418 = tpu.vector_load_idx %arg5[%add3A_1417] : memref<1024xf32, #tpu.memory_space<vmem>>[vector<16xi32>], vector<16xf32>,
        %mul3A_1419 = arith.constant 16 : i32
        %mul3A_1420 = arith.muli %scan3A_1408, %mul3A_1419 : i32
        %add3A_1421 = arith.constant 0 : i32
        %add3A_1422 = arith.addi %add3A_1421, %mul3A_1420 : i32
        %swap3A_1423 = arith.constant 0 : i32
        %swap3A_1424 = arith.index_cast %swap3A_1423 : i32 to index
        %swap3A_1425 = arith.index_cast %add3A_1422 : i32 to index
        %swap3A_1426 = tpu.vector_load %arg7[%swap3A_1424, %swap3A_1425] {strides = array<i32>} : memref<2x32768xf32, #tpu.memory_space<vmem>>, vector<16xf32>,
        tpu.vector_store %arg7[%swap3A_1424, %swap3A_1425], %gather3A_1418 {strides = array<i32>} : memref<2x32768xf32, #tpu.memory_space<vmem>>, vector<16xf32>,
        %add3A_1427 = arith.constant 64 : i32
        %add3A_1428 = vector.broadcast %add3A_1427 : i32 to vector<16xi32>
        %add3A_1429 = arith.addi %get3A_1414, %add3A_1428 : vector<16xi32>
        %gather3A_1430 = tpu.vector_load_idx %arg5[%add3A_1429] : memref<1024xf32, #tpu.memory_space<vmem>>[vector<16xi32>], vector<16xf32>,
        %mul3A_1431 = arith.constant 16 : i32
        %mul3A_1432 = arith.muli %scan3A_1408, %mul3A_1431 : i32
        %add3A_1433 = arith.constant 2048 : i32
        %add3A_1434 = arith.addi %add3A_1433, %mul3A_1432 : i32
        %swap3A_1435 = arith.constant 0 : i32
        %swap3A_1436 = arith.index_cast %swap3A_1435 : i32 to index
        %swap3A_1437 = arith.index_cast %add3A_1434 : i32 to index
        %swap3A_1438 = tpu.vector_load %arg7[%swap3A_1436, %swap3A_1437] {strides = array<i32>} : memref<2x32768xf32, #tpu.memory_space<vmem>>, vector<16xf32>,
        tpu.vector_store %arg7[%swap3A_1436, %swap3A_1437], %gather3A_1430 {strides = array<i32>} : memref<2x32768xf32, #tpu.memory_space<vmem>>, vector<16xf32>,
        %add3A_1439 = arith.constant 128 : i32
        %add3A_1440 = vector.broadcast %add3A_1439 : i32 to vector<16xi32>
        %add3A_1441 = arith.addi %get3A_1414, %add3A_1440 : vector<16xi32>
        %gather3A_1442 = tpu.vector_load_idx %arg5[%add3A_1441] : memref<1024xf32, #tpu.memory_space<vmem>>[vector<16xi32>], vector<16xf32>,
        %mul3A_1443 = arith.constant 16 : i32
        %mul3A_1444 = arith.muli %scan3A_1408, %mul3A_1443 : i32
        %add3A_1445 = arith.constant 4096 : i32
        %add3A_1446 = arith.addi %add3A_1445, %mul3A_1444 : i32
        %swap3A_1447 = arith.constant 0 : i32
        %swap3A_1448 = arith.index_cast %swap3A_1447 : i32 to index
        %swap3A_1449 = arith.index_cast %add3A_1446 : i32 to index
        %swap3A_1450 = tpu.vector_load %arg7[%swap3A_1448, %swap3A_1449] {strides = array<i32>} : memref<2x32768xf32, #tpu.memory_space<vmem>>, vector<16xf32>,
        tpu.vector_store %arg7[%swap3A_1448, %swap3A_1449], %gather3A_1442 {strides = array<i32>} : memref<2x32768xf32, #tpu.memory_space<vmem>>, vector<16xf32>,
        %add3A_1451 = arith.constant 192 : i32
        %add3A_1452 = vector.broadcast %add3A_1451 : i32 to vector<16xi32>
        %add3A_1453 = arith.addi %get3A_1414, %add3A_1452 : vector<16xi32>
        %gather3A_1454 = tpu.vector_load_idx %arg5[%add3A_1453] : memref<1024xf32, #tpu.memory_space<vmem>>[vector<16xi32>], vector<16xf32>,
        %mul3A_1455 = arith.constant 16 : i32
        %mul3A_1456 = arith.muli %scan3A_1408, %mul3A_1455 : i32
        %add3A_1457 = arith.constant 6144 : i32
        %add3A_1458 = arith.addi %add3A_1457, %mul3A_1456 : i32
        %swap3A_1459 = arith.constant 0 : i32
        %swap3A_1460 = arith.index_cast %swap3A_1459 : i32 to index
        %swap3A_1461 = arith.index_cast %add3A_1458 : i32 to index
        %swap3A_1462 = tpu.vector_load %arg7[%swap3A_1460, %swap3A_1461] {strides = array<i32>} : memref<2x32768xf32, #tpu.memory_space<vmem>>, vector<16xf32>,
        tpu.vector_store %arg7[%swap3A_1460, %swap3A_1461], %gather3A_1454 {strides = array<i32>} : memref<2x32768xf32, #tpu.memory_space<vmem>>, vector<16xf32>,
        %add3A_1463 = arith.constant 256 : i32
        %add3A_1464 = vector.broadcast %add3A_1463 : i32 to vector<16xi32>
        %add3A_1465 = arith.addi %get3A_1414, %add3A_1464 : vector<16xi32>
        %gather3A_1466 = tpu.vector_load_idx %arg5[%add3A_1465] : memref<1024xf32, #tpu.memory_space<vmem>>[vector<16xi32>], vector<16xf32>,
        %mul3A_1467 = arith.constant 16 : i32
        %mul3A_1468 = arith.muli %scan3A_1408, %mul3A_1467 : i32
        %add3A_1469 = arith.constant 8192 : i32
        %add3A_1470 = arith.addi %add3A_1469, %mul3A_1468 : i32
        %swap3A_1471 = arith.constant 0 : i32
        %swap3A_1472 = arith.index_cast %swap3A_1471 : i32 to index
        %swap3A_1473 = arith.index_cast %add3A_1470 : i32 to index
        %swap3A_1474 = tpu.vector_load %arg7[%swap3A_1472, %swap3A_1473] {strides = array<i32>} : memref<2x32768xf32, #tpu.memory_space<vmem>>, vector<16xf32>,
        tpu.vector_store %arg7[%swap3A_1472, %swap3A_1473], %gather3A_1466 {strides = array<i32>} : memref<2x32768xf32, #tpu.memory_space<vmem>>, vector<16xf32>,
        %add3A_1475 = arith.constant 320 : i32
        %add3A_1476 = vector.broadcast %add3A_1475 : i32 to vector<16xi32>
        %add3A_1477 = arith.addi %get3A_1414, %add3A_1476 : vector<16xi32>
        %gather3A_1478 = tpu.vector_load_idx %arg5[%add3A_1477] : memref<1024xf32, #tpu.memory_space<vmem>>[vector<16xi32>], vector<16xf32>,
        %mul3A_1479 = arith.constant 16 : i32
        %mul3A_1480 = arith.muli %scan3A_1408, %mul3A_1479 : i32
        %add3A_1481 = arith.constant 10240 : i32
        %add3A_1482 = arith.addi %add3A_1481, %mul3A_1480 : i32
        %swap3A_1483 = arith.constant 0 : i32
        %swap3A_1484 = arith.index_cast %swap3A_1483 : i32 to index
        %swap3A_1485 = arith.index_cast %add3A_1482 : i32 to index
        %swap3A_1486 = tpu.vector_load %arg7[%swap3A_1484, %swap3A_1485] {strides = array<i32>} : memref<2x32768xf32, #tpu.memory_space<vmem>>, vector<16xf32>,
        tpu.vector_store %arg7[%swap3A_1484, %swap3A_1485], %gather3A_1478 {strides = array<i32>} : memref<2x32768xf32, #tpu.memory_space<vmem>>, vector<16xf32>,
        %add3A_1487 = arith.constant 384 : i32
        %add3A_1488 = vector.broadcast %add3A_1487 : i32 to vector<16xi32>
        %add3A_1489 = arith.addi %get3A_1414, %add3A_1488 : vector<16xi32>
        %gather3A_1490 = tpu.vector_load_idx %arg5[%add3A_1489] : memref<1024xf32, #tpu.memory_space<vmem>>[vector<16xi32>], vector<16xf32>,
        %mul3A_1491 = arith.constant 16 : i32
        %mul3A_1492 = arith.muli %scan3A_1408, %mul3A_1491 : i32
        %add3A_1493 = arith.constant 12288 : i32
        %add3A_1494 = arith.addi %add3A_1493, %mul3A_1492 : i32
        %swap3A_1495 = arith.constant 0 : i32
        %swap3A_1496 = arith.index_cast %swap3A_1495 : i32 to index
        %swap3A_1497 = arith.index_cast %add3A_1494 : i32 to index
        %swap3A_1498 = tpu.vector_load %arg7[%swap3A_1496, %swap3A_1497] {strides = array<i32>} : memref<2x32768xf32, #tpu.memory_space<vmem>>, vector<16xf32>,
        tpu.vector_store %arg7[%swap3A_1496, %swap3A_1497], %gather3A_1490 {strides = array<i32>} : memref<2x32768xf32, #tpu.memory_space<vmem>>, vector<16xf32>,
        %add3A_1499 = arith.constant 448 : i32
        %add3A_1500 = vector.broadcast %add3A_1499 : i32 to vector<16xi32>
        %add3A_1501 = arith.addi %get3A_1414, %add3A_1500 : vector<16xi32>
        %gather3A_1502 = tpu.vector_load_idx %arg5[%add3A_1501] : memref<1024xf32, #tpu.memory_space<vmem>>[vector<16xi32>], vector<16xf32>,
        %mul3A_1503 = arith.constant 16 : i32
        %mul3A_1504 = arith.muli %scan3A_1408, %mul3A_1503 : i32
        %add3A_1505 = arith.constant 14336 : i32
        %add3A_1506 = arith.addi %add3A_1505, %mul3A_1504 : i32
        %swap3A_1507 = arith.constant 0 : i32
        %swap3A_1508 = arith.index_cast %swap3A_1507 : i32 to index
        %swap3A_1509 = arith.index_cast %add3A_1506 : i32 to index
        %swap3A_1510 = tpu.vector_load %arg7[%swap3A_1508, %swap3A_1509] {strides = array<i32>} : memref<2x32768xf32, #tpu.memory_space<vmem>>, vector<16xf32>,
        tpu.vector_store %arg7[%swap3A_1508, %swap3A_1509], %gather3A_1502 {strides = array<i32>} : memref<2x32768xf32, #tpu.memory_space<vmem>>, vector<16xf32>,
        %add3A_1511 = arith.constant 512 : i32
        %add3A_1512 = vector.broadcast %add3A_1511 : i32 to vector<16xi32>
        %add3A_1513 = arith.addi %get3A_1414, %add3A_1512 : vector<16xi32>
        %gather3A_1514 = tpu.vector_load_idx %arg5[%add3A_1513] : memref<1024xf32, #tpu.memory_space<vmem>>[vector<16xi32>], vector<16xf32>,
        %mul3A_1515 = arith.constant 16 : i32
        %mul3A_1516 = arith.muli %scan3A_1408, %mul3A_1515 : i32
        %add3A_1517 = arith.constant 16384 : i32
        %add3A_1518 = arith.addi %add3A_1517, %mul3A_1516 : i32
        %swap3A_1519 = arith.constant 0 : i32
        %swap3A_1520 = arith.index_cast %swap3A_1519 : i32 to index
        %swap3A_1521 = arith.index_cast %add3A_1518 : i32 to index
        %swap3A_1522 = tpu.vector_load %arg7[%swap3A_1520, %swap3A_1521] {strides = array<i32>} : memref<2x32768xf32, #tpu.memory_space<vmem>>, vector<16xf32>,
        tpu.vector_store %arg7[%swap3A_1520, %swap3A_1521], %gather3A_1514 {strides = array<i32>} : memref<2x32768xf32, #tpu.memory_space<vmem>>, vector<16xf32>,
        %add3A_1523 = arith.constant 576 : i32
        %add3A_1524 = vector.broadcast %add3A_1523 : i32 to vector<16xi32>
        %add3A_1525 = arith.addi %get3A_1414, %add3A_1524 : vector<16xi32>
        %gather3A_1526 = tpu.vector_load_idx %arg5[%add3A_1525] : memref<1024xf32, #tpu.memory_space<vmem>>[vector<16xi32>], vector<16xf32>,
        %mul3A_1527 = arith.constant 16 : i32
        %mul3A_1528 = arith.muli %scan3A_1408, %mul3A_1527 : i32
        %add3A_1529 = arith.constant 18432 : i32
        %add3A_1530 = arith.addi %add3A_1529, %mul3A_1528 : i32
        %swap3A_1531 = arith.constant 0 : i32
        %swap3A_1532 = arith.index_cast %swap3A_1531 : i32 to index
        %swap3A_1533 = arith.index_cast %add3A_1530 : i32 to index
        %swap3A_1534 = tpu.vector_load %arg7[%swap3A_1532, %swap3A_1533] {strides = array<i32>} : memref<2x32768xf32, #tpu.memory_space<vmem>>, vector<16xf32>,
        tpu.vector_store %arg7[%swap3A_1532, %swap3A_1533], %gather3A_1526 {strides = array<i32>} : memref<2x32768xf32, #tpu.memory_space<vmem>>, vector<16xf32>,
        %add3A_1535 = arith.constant 640 : i32
        %add3A_1536 = vector.broadcast %add3A_1535 : i32 to vector<16xi32>
        %add3A_1537 = arith.addi %get3A_1414, %add3A_1536 : vector<16xi32>
        %gather3A_1538 = tpu.vector_load_idx %arg5[%add3A_1537] : memref<1024xf32, #tpu.memory_space<vmem>>[vector<16xi32>], vector<16xf32>,
        %mul3A_1539 = arith.constant 16 : i32
        %mul3A_1540 = arith.muli %scan3A_1408, %mul3A_1539 : i32
        %add3A_1541 = arith.constant 20480 : i32
        %add3A_1542 = arith.addi %add3A_1541, %mul3A_1540 : i32
        %swap3A_1543 = arith.constant 0 : i32
        %swap3A_1544 = arith.index_cast %swap3A_1543 : i32 to index
        %swap3A_1545 = arith.index_cast %add3A_1542 : i32 to index
        %swap3A_1546 = tpu.vector_load %arg7[%swap3A_1544, %swap3A_1545] {strides = array<i32>} : memref<2x32768xf32, #tpu.memory_space<vmem>>, vector<16xf32>,
        tpu.vector_store %arg7[%swap3A_1544, %swap3A_1545], %gather3A_1538 {strides = array<i32>} : memref<2x32768xf32, #tpu.memory_space<vmem>>, vector<16xf32>,
        %add3A_1547 = arith.constant 704 : i32
        %add3A_1548 = vector.broadcast %add3A_1547 : i32 to vector<16xi32>
        %add3A_1549 = arith.addi %get3A_1414, %add3A_1548 : vector<16xi32>
        %gather3A_1550 = tpu.vector_load_idx %arg5[%add3A_1549] : memref<1024xf32, #tpu.memory_space<vmem>>[vector<16xi32>], vector<16xf32>,
        %mul3A_1551 = arith.constant 16 : i32
        %mul3A_1552 = arith.muli %scan3A_1408, %mul3A_1551 : i32
        %add3A_1553 = arith.constant 22528 : i32
        %add3A_1554 = arith.addi %add3A_1553, %mul3A_1552 : i32
        %swap3A_1555 = arith.constant 0 : i32
        %swap3A_1556 = arith.index_cast %swap3A_1555 : i32 to index
        %swap3A_1557 = arith.index_cast %add3A_1554 : i32 to index
        %swap3A_1558 = tpu.vector_load %arg7[%swap3A_1556, %swap3A_1557] {strides = array<i32>} : memref<2x32768xf32, #tpu.memory_space<vmem>>, vector<16xf32>,
        tpu.vector_store %arg7[%swap3A_1556, %swap3A_1557], %gather3A_1550 {strides = array<i32>} : memref<2x32768xf32, #tpu.memory_space<vmem>>, vector<16xf32>,
        %add3A_1559 = arith.constant 768 : i32
        %add3A_1560 = vector.broadcast %add3A_1559 : i32 to vector<16xi32>
        %add3A_1561 = arith.addi %get3A_1414, %add3A_1560 : vector<16xi32>
        %gather3A_1562 = tpu.vector_load_idx %arg5[%add3A_1561] : memref<1024xf32, #tpu.memory_space<vmem>>[vector<16xi32>], vector<16xf32>,
        %mul3A_1563 = arith.constant 16 : i32
        %mul3A_1564 = arith.muli %scan3A_1408, %mul3A_1563 : i32
        %add3A_1565 = arith.constant 24576 : i32
        %add3A_1566 = arith.addi %add3A_1565, %mul3A_1564 : i32
        %swap3A_1567 = arith.constant 0 : i32
        %swap3A_1568 = arith.index_cast %swap3A_1567 : i32 to index
        %swap3A_1569 = arith.index_cast %add3A_1566 : i32 to index
        %swap3A_1570 = tpu.vector_load %arg7[%swap3A_1568, %swap3A_1569] {strides = array<i32>} : memref<2x32768xf32, #tpu.memory_space<vmem>>, vector<16xf32>,
        tpu.vector_store %arg7[%swap3A_1568, %swap3A_1569], %gather3A_1562 {strides = array<i32>} : memref<2x32768xf32, #tpu.memory_space<vmem>>, vector<16xf32>,
        %add3A_1571 = arith.constant 832 : i32
        %add3A_1572 = vector.broadcast %add3A_1571 : i32 to vector<16xi32>
        %add3A_1573 = arith.addi %get3A_1414, %add3A_1572 : vector<16xi32>
        %gather3A_1574 = tpu.vector_load_idx %arg5[%add3A_1573] : memref<1024xf32, #tpu.memory_space<vmem>>[vector<16xi32>], vector<16xf32>,
        %mul3A_1575 = arith.constant 16 : i32
        %mul3A_1576 = arith.muli %scan3A_1408, %mul3A_1575 : i32
        %add3A_1577 = arith.constant 26624 : i32
        %add3A_1578 = arith.addi %add3A_1577, %mul3A_1576 : i32
        %swap3A_1579 = arith.constant 0 : i32
        %swap3A_1580 = arith.index_cast %swap3A_1579 : i32 to index
        %swap3A_1581 = arith.index_cast %add3A_1578 : i32 to index
        %swap3A_1582 = tpu.vector_load %arg7[%swap3A_1580, %swap3A_1581] {strides = array<i32>} : memref<2x32768xf32, #tpu.memory_space<vmem>>, vector<16xf32>,
        tpu.vector_store %arg7[%swap3A_1580, %swap3A_1581], %gather3A_1574 {strides = array<i32>} : memref<2x32768xf32, #tpu.memory_space<vmem>>, vector<16xf32>,
        %add3A_1583 = arith.constant 896 : i32
        %add3A_1584 = vector.broadcast %add3A_1583 : i32 to vector<16xi32>
        %add3A_1585 = arith.addi %get3A_1414, %add3A_1584 : vector<16xi32>
        %gather3A_1586 = tpu.vector_load_idx %arg5[%add3A_1585] : memref<1024xf32, #tpu.memory_space<vmem>>[vector<16xi32>], vector<16xf32>,
        %mul3A_1587 = arith.constant 16 : i32
        %mul3A_1588 = arith.muli %scan3A_1408, %mul3A_1587 : i32
        %add3A_1589 = arith.constant 28672 : i32
        %add3A_1590 = arith.addi %add3A_1589, %mul3A_1588 : i32
        %swap3A_1591 = arith.constant 0 : i32
        %swap3A_1592 = arith.index_cast %swap3A_1591 : i32 to index
        %swap3A_1593 = arith.index_cast %add3A_1590 : i32 to index
        %swap3A_1594 = tpu.vector_load %arg7[%swap3A_1592, %swap3A_1593] {strides = array<i32>} : memref<2x32768xf32, #tpu.memory_space<vmem>>, vector<16xf32>,
        tpu.vector_store %arg7[%swap3A_1592, %swap3A_1593], %gather3A_1586 {strides = array<i32>} : memref<2x32768xf32, #tpu.memory_space<vmem>>, vector<16xf32>,
        %add3A_1595 = arith.constant 960 : i32
        %add3A_1596 = vector.broadcast %add3A_1595 : i32 to vector<16xi32>
        %add3A_1597 = arith.addi %get3A_1414, %add3A_1596 : vector<16xi32>
        %gather3A_1598 = tpu.vector_load_idx %arg5[%add3A_1597] : memref<1024xf32, #tpu.memory_space<vmem>>[vector<16xi32>], vector<16xf32>,
        %mul3A_1599 = arith.constant 16 : i32
        %mul3A_1600 = arith.muli %scan3A_1408, %mul3A_1599 : i32
        %add3A_1601 = arith.constant 30720 : i32
        %add3A_1602 = arith.addi %add3A_1601, %mul3A_1600 : i32
        %swap3A_1603 = arith.constant 0 : i32
        %swap3A_1604 = arith.index_cast %swap3A_1603 : i32 to index
        %swap3A_1605 = arith.index_cast %add3A_1602 : i32 to index
        %swap3A_1606 = tpu.vector_load %arg7[%swap3A_1604, %swap3A_1605] {strides = array<i32>} : memref<2x32768xf32, #tpu.memory_space<vmem>>, vector<16xf32>,
        tpu.vector_store %arg7[%swap3A_1604, %swap3A_1605], %gather3A_1598 {strides = array<i32>} : memref<2x32768xf32, #tpu.memory_space<vmem>>, vector<16xf32>,
      }
      %scan3A_407 = arith.constant 128 : i32
      %dma_start3A = arith.constant 0 : i32
      %dma_start3A_408 = arith.constant 0 : i32
      %dma_start3A_409 = arith.constant 0 : i32
      %dma_start3A_410 = tpu.memref_slice %arg7[%dma_start3A, %dma_start3A_409] : memref<2x32768xf32, #tpu.memory_space<vmem>> -> memref<1x2048xf32, #tpu.memory_space<vmem>>
      %dma_start3A_411 = tpu.memref_squeeze %dma_start3A_410 : memref<1x2048xf32, #tpu.memory_space<vmem>> -> memref<2048xf32, #tpu.memory_space<vmem>>
      %dma_start3A_412 = tpu.memref_slice %arg4[%dma_start3A_408, %add3A_398] : memref<16x1048576xf32, #tpu.memory_space<hbm>> -> memref<1x2048xf32, #tpu.memory_space<hbm>>
      %dma_start3A_413 = tpu.memref_squeeze %dma_start3A_412 : memref<1x2048xf32, #tpu.memory_space<hbm>> -> memref<2048xf32, #tpu.memory_space<hbm>>
      %dma_start3A_414 = tpu.memref_slice %arg4[%dma_start3A_408, %add3A_398] : memref<16x1048576xf32, #tpu.memory_space<hbm>> -> memref<1x2048xf32, #tpu.memory_space<hbm>>
      %dma_start3A_415 = tpu.memref_squeeze %dma_start3A_414 : memref<1x2048xf32, #tpu.memory_space<hbm>> -> memref<2048xf32, #tpu.memory_space<hbm>>
      %dma_start3A_416 = arith.constant 0 : i32
      %dma_start3A_417 = tpu.memref_slice %arg7[%dma_start3A, %dma_start3A_416] : memref<2x32768xf32, #tpu.memory_space<vmem>> -> memref<1x2048xf32, #tpu.memory_space<vmem>>
      %dma_start3A_418 = tpu.memref_squeeze %dma_start3A_417 : memref<1x2048xf32, #tpu.memory_space<vmem>> -> memref<2048xf32, #tpu.memory_space<vmem>>
      tpu.enqueue_dma source(%dma_start3A_418 : memref<2048xf32, #tpu.memory_space<vmem>>) target(%dma_start3A_415 : memref<2048xf32, #tpu.memory_space<hbm>>) target_semaphore(%arg8 : memref<!tpu.dma_semaphore, #tpu.memory_space<semaphore_mem>>)
      %dma_start3A_419 = arith.constant 0 : i32
      %dma_start3A_420 = arith.constant 1 : i32
      %dma_start3A_421 = arith.constant 2048 : i32
      %dma_start3A_422 = tpu.memref_slice %arg7[%dma_start3A_419, %dma_start3A_421] : memref<2x32768xf32, #tpu.memory_space<vmem>> -> memref<1x2048xf32, #tpu.memory_space<vmem>>
      %dma_start3A_423 = tpu.memref_squeeze %dma_start3A_422 : memref<1x2048xf32, #tpu.memory_space<vmem>> -> memref<2048xf32, #tpu.memory_space<vmem>>
      %dma_start3A_424 = tpu.memref_slice %arg4[%dma_start3A_420, %add3A_398] : memref<16x1048576xf32, #tpu.memory_space<hbm>> -> memref<1x2048xf32, #tpu.memory_space<hbm>>
      %dma_start3A_425 = tpu.memref_squeeze %dma_start3A_424 : memref<1x2048xf32, #tpu.memory_space<hbm>> -> memref<2048xf32, #tpu.memory_space<hbm>>
      %dma_start3A_426 = tpu.memref_slice %arg4[%dma_start3A_420, %add3A_398] : memref<16x1048576xf32, #tpu.memory_space<hbm>> -> memref<1x2048xf32, #tpu.memory_space<hbm>>
      %dma_start3A_427 = tpu.memref_squeeze %dma_start3A_426 : memref<1x2048xf32, #tpu.memory_space<hbm>> -> memref<2048xf32, #tpu.memory_space<hbm>>
      %dma_start3A_428 = arith.constant 2048 : i32
      %dma_start3A_429 = tpu.memref_slice %arg7[%dma_start3A_419, %dma_start3A_428] : memref<2x32768xf32, #tpu.memory_space<vmem>> -> memref<1x2048xf32, #tpu.memory_space<vmem>>
      %dma_start3A_430 = tpu.memref_squeeze %dma_start3A_429 : memref<1x2048xf32, #tpu.memory_space<vmem>> -> memref<2048xf32, #tpu.memory_space<vmem>>
      tpu.enqueue_dma source(%dma_start3A_430 : memref<2048xf32, #tpu.memory_space<vmem>>) target(%dma_start3A_427 : memref<2048xf32, #tpu.memory_space<hbm>>) target_semaphore(%arg8 : memref<!tpu.dma_semaphore, #tpu.memory_space<semaphore_mem>>)
      %dma_start3A_431 = arith.constant 0 : i32
      %dma_start3A_432 = arith.constant 2 : i32
      %dma_start3A_433 = arith.constant 4096 : i32
      %dma_start3A_434 = tpu.memref_slice %arg7[%dma_start3A_431, %dma_start3A_433] : memref<2x32768xf32, #tpu.memory_space<vmem>> -> memref<1x2048xf32, #tpu.memory_space<vmem>>
      %dma_start3A_435 = tpu.memref_squeeze %dma_start3A_434 : memref<1x2048xf32, #tpu.memory_space<vmem>> -> memref<2048xf32, #tpu.memory_space<vmem>>
      %dma_start3A_436 = tpu.memref_slice %arg4[%dma_start3A_432, %add3A_398] : memref<16x1048576xf32, #tpu.memory_space<hbm>> -> memref<1x2048xf32, #tpu.memory_space<hbm>>
      %dma_start3A_437 = tpu.memref_squeeze %dma_start3A_436 : memref<1x2048xf32, #tpu.memory_space<hbm>> -> memref<2048xf32, #tpu.memory_space<hbm>>
      %dma_start3A_438 = tpu.memref_slice %arg4[%dma_start3A_432, %add3A_398] : memref<16x1048576xf32, #tpu.memory_space<hbm>> -> memref<1x2048xf32, #tpu.memory_space<hbm>>
      %dma_start3A_439 = tpu.memref_squeeze %dma_start3A_438 : memref<1x2048xf32, #tpu.memory_space<hbm>> -> memref<2048xf32, #tpu.memory_space<hbm>>
      %dma_start3A_440 = arith.constant 4096 : i32
      %dma_start3A_441 = tpu.memref_slice %arg7[%dma_start3A_431, %dma_start3A_440] : memref<2x32768xf32, #tpu.memory_space<vmem>> -> memref<1x2048xf32, #tpu.memory_space<vmem>>
      %dma_start3A_442 = tpu.memref_squeeze %dma_start3A_441 : memref<1x2048xf32, #tpu.memory_space<vmem>> -> memref<2048xf32, #tpu.memory_space<vmem>>
      tpu.enqueue_dma source(%dma_start3A_442 : memref<2048xf32, #tpu.memory_space<vmem>>) target(%dma_start3A_439 : memref<2048xf32, #tpu.memory_space<hbm>>) target_semaphore(%arg8 : memref<!tpu.dma_semaphore, #tpu.memory_space<semaphore_mem>>)
      %dma_start3A_443 = arith.constant 0 : i32
      %dma_start3A_444 = arith.constant 3 : i32
      %dma_start3A_445 = arith.constant 6144 : i32
      %dma_start3A_446 = tpu.memref_slice %arg7[%dma_start3A_443, %dma_start3A_445] : memref<2x32768xf32, #tpu.memory_space<vmem>> -> memref<1x2048xf32, #tpu.memory_space<vmem>>
      %dma_start3A_447 = tpu.memref_squeeze %dma_start3A_446 : memref<1x2048xf32, #tpu.memory_space<vmem>> -> memref<2048xf32, #tpu.memory_space<vmem>>
      %dma_start3A_448 = tpu.memref_slice %arg4[%dma_start3A_444, %add3A_398] : memref<16x1048576xf32, #tpu.memory_space<hbm>> -> memref<1x2048xf32, #tpu.memory_space<hbm>>
      %dma_start3A_449 = tpu.memref_squeeze %dma_start3A_448 : memref<1x2048xf32, #tpu.memory_space<hbm>> -> memref<2048xf32, #tpu.memory_space<hbm>>
      %dma_start3A_450 = tpu.memref_slice %arg4[%dma_start3A_444, %add3A_398] : memref<16x1048576xf32, #tpu.memory_space<hbm>> -> memref<1x2048xf32, #tpu.memory_space<hbm>>
      %dma_start3A_451 = tpu.memref_squeeze %dma_start3A_450 : memref<1x2048xf32, #tpu.memory_space<hbm>> -> memref<2048xf32, #tpu.memory_space<hbm>>
      %dma_start3A_452 = arith.constant 6144 : i32
      %dma_start3A_453 = tpu.memref_slice %arg7[%dma_start3A_443, %dma_start3A_452] : memref<2x32768xf32, #tpu.memory_space<vmem>> -> memref<1x2048xf32, #tpu.memory_space<vmem>>
      %dma_start3A_454 = tpu.memref_squeeze %dma_start3A_453 : memref<1x2048xf32, #tpu.memory_space<vmem>> -> memref<2048xf32, #tpu.memory_space<vmem>>
      tpu.enqueue_dma source(%dma_start3A_454 : memref<2048xf32, #tpu.memory_space<vmem>>) target(%dma_start3A_451 : memref<2048xf32, #tpu.memory_space<hbm>>) target_semaphore(%arg8 : memref<!tpu.dma_semaphore, #tpu.memory_space<semaphore_mem>>)
      %dma_start3A_455 = arith.constant 0 : i32
      %dma_start3A_456 = arith.constant 4 : i32
      %dma_start3A_457 = arith.constant 8192 : i32
      %dma_start3A_458 = tpu.memref_slice %arg7[%dma_start3A_455, %dma_start3A_457] : memref<2x32768xf32, #tpu.memory_space<vmem>> -> memref<1x2048xf32, #tpu.memory_space<vmem>>
      %dma_start3A_459 = tpu.memref_squeeze %dma_start3A_458 : memref<1x2048xf32, #tpu.memory_space<vmem>> -> memref<2048xf32, #tpu.memory_space<vmem>>
      %dma_start3A_460 = tpu.memref_slice %arg4[%dma_start3A_456, %add3A_398] : memref<16x1048576xf32, #tpu.memory_space<hbm>> -> memref<1x2048xf32, #tpu.memory_space<hbm>>
      %dma_start3A_461 = tpu.memref_squeeze %dma_start3A_460 : memref<1x2048xf32, #tpu.memory_space<hbm>> -> memref<2048xf32, #tpu.memory_space<hbm>>
      %dma_start3A_462 = tpu.memref_slice %arg4[%dma_start3A_456, %add3A_398] : memref<16x1048576xf32, #tpu.memory_space<hbm>> -> memref<1x2048xf32, #tpu.memory_space<hbm>>
      %dma_start3A_463 = tpu.memref_squeeze %dma_start3A_462 : memref<1x2048xf32, #tpu.memory_space<hbm>> -> memref<2048xf32, #tpu.memory_space<hbm>>
      %dma_start3A_464 = arith.constant 8192 : i32
      %dma_start3A_465 = tpu.memref_slice %arg7[%dma_start3A_455, %dma_start3A_464] : memref<2x32768xf32, #tpu.memory_space<vmem>> -> memref<1x2048xf32, #tpu.memory_space<vmem>>
      %dma_start3A_466 = tpu.memref_squeeze %dma_start3A_465 : memref<1x2048xf32, #tpu.memory_space<vmem>> -> memref<2048xf32, #tpu.memory_space<vmem>>
      tpu.enqueue_dma source(%dma_start3A_466 : memref<2048xf32, #tpu.memory_space<vmem>>) target(%dma_start3A_463 : memref<2048xf32, #tpu.memory_space<hbm>>) target_semaphore(%arg8 : memref<!tpu.dma_semaphore, #tpu.memory_space<semaphore_mem>>)
      %dma_start3A_467 = arith.constant 0 : i32
      %dma_start3A_468 = arith.constant 5 : i32
      %dma_start3A_469 = arith.constant 10240 : i32
      %dma_start3A_470 = tpu.memref_slice %arg7[%dma_start3A_467, %dma_start3A_469] : memref<2x32768xf32, #tpu.memory_space<vmem>> -> memref<1x2048xf32, #tpu.memory_space<vmem>>
      %dma_start3A_471 = tpu.memref_squeeze %dma_start3A_470 : memref<1x2048xf32, #tpu.memory_space<vmem>> -> memref<2048xf32, #tpu.memory_space<vmem>>
      %dma_start3A_472 = tpu.memref_slice %arg4[%dma_start3A_468, %add3A_398] : memref<16x1048576xf32, #tpu.memory_space<hbm>> -> memref<1x2048xf32, #tpu.memory_space<hbm>>
      %dma_start3A_473 = tpu.memref_squeeze %dma_start3A_472 : memref<1x2048xf32, #tpu.memory_space<hbm>> -> memref<2048xf32, #tpu.memory_space<hbm>>
      %dma_start3A_474 = tpu.memref_slice %arg4[%dma_start3A_468, %add3A_398] : memref<16x1048576xf32, #tpu.memory_space<hbm>> -> memref<1x2048xf32, #tpu.memory_space<hbm>>
      %dma_start3A_475 = tpu.memref_squeeze %dma_start3A_474 : memref<1x2048xf32, #tpu.memory_space<hbm>> -> memref<2048xf32, #tpu.memory_space<hbm>>
      %dma_start3A_476 = arith.constant 10240 : i32
      %dma_start3A_477 = tpu.memref_slice %arg7[%dma_start3A_467, %dma_start3A_476] : memref<2x32768xf32, #tpu.memory_space<vmem>> -> memref<1x2048xf32, #tpu.memory_space<vmem>>
      %dma_start3A_478 = tpu.memref_squeeze %dma_start3A_477 : memref<1x2048xf32, #tpu.memory_space<vmem>> -> memref<2048xf32, #tpu.memory_space<vmem>>
      tpu.enqueue_dma source(%dma_start3A_478 : memref<2048xf32, #tpu.memory_space<vmem>>) target(%dma_start3A_475 : memref<2048xf32, #tpu.memory_space<hbm>>) target_semaphore(%arg8 : memref<!tpu.dma_semaphore, #tpu.memory_space<semaphore_mem>>)
      %dma_start3A_479 = arith.constant 0 : i32
      %dma_start3A_480 = arith.constant 6 : i32
      %dma_start3A_481 = arith.constant 12288 : i32
      %dma_start3A_482 = tpu.memref_slice %arg7[%dma_start3A_479, %dma_start3A_481] : memref<2x32768xf32, #tpu.memory_space<vmem>> -> memref<1x2048xf32, #tpu.memory_space<vmem>>
      %dma_start3A_483 = tpu.memref_squeeze %dma_start3A_482 : memref<1x2048xf32, #tpu.memory_space<vmem>> -> memref<2048xf32, #tpu.memory_space<vmem>>
      %dma_start3A_484 = tpu.memref_slice %arg4[%dma_start3A_480, %add3A_398] : memref<16x1048576xf32, #tpu.memory_space<hbm>> -> memref<1x2048xf32, #tpu.memory_space<hbm>>
      %dma_start3A_485 = tpu.memref_squeeze %dma_start3A_484 : memref<1x2048xf32, #tpu.memory_space<hbm>> -> memref<2048xf32, #tpu.memory_space<hbm>>
      %dma_start3A_486 = tpu.memref_slice %arg4[%dma_start3A_480, %add3A_398] : memref<16x1048576xf32, #tpu.memory_space<hbm>> -> memref<1x2048xf32, #tpu.memory_space<hbm>>
      %dma_start3A_487 = tpu.memref_squeeze %dma_start3A_486 : memref<1x2048xf32, #tpu.memory_space<hbm>> -> memref<2048xf32, #tpu.memory_space<hbm>>
      %dma_start3A_488 = arith.constant 12288 : i32
      %dma_start3A_489 = tpu.memref_slice %arg7[%dma_start3A_479, %dma_start3A_488] : memref<2x32768xf32, #tpu.memory_space<vmem>> -> memref<1x2048xf32, #tpu.memory_space<vmem>>
      %dma_start3A_490 = tpu.memref_squeeze %dma_start3A_489 : memref<1x2048xf32, #tpu.memory_space<vmem>> -> memref<2048xf32, #tpu.memory_space<vmem>>
      tpu.enqueue_dma source(%dma_start3A_490 : memref<2048xf32, #tpu.memory_space<vmem>>) target(%dma_start3A_487 : memref<2048xf32, #tpu.memory_space<hbm>>) target_semaphore(%arg8 : memref<!tpu.dma_semaphore, #tpu.memory_space<semaphore_mem>>)
      %dma_start3A_491 = arith.constant 0 : i32
      %dma_start3A_492 = arith.constant 7 : i32
      %dma_start3A_493 = arith.constant 14336 : i32
      %dma_start3A_494 = tpu.memref_slice %arg7[%dma_start3A_491, %dma_start3A_493] : memref<2x32768xf32, #tpu.memory_space<vmem>> -> memref<1x2048xf32, #tpu.memory_space<vmem>>
      %dma_start3A_495 = tpu.memref_squeeze %dma_start3A_494 : memref<1x2048xf32, #tpu.memory_space<vmem>> -> memref<2048xf32, #tpu.memory_space<vmem>>
      %dma_start3A_496 = tpu.memref_slice %arg4[%dma_start3A_492, %add3A_398] : memref<16x1048576xf32, #tpu.memory_space<hbm>> -> memref<1x2048xf32, #tpu.memory_space<hbm>>
      %dma_start3A_497 = tpu.memref_squeeze %dma_start3A_496 : memref<1x2048xf32, #tpu.memory_space<hbm>> -> memref<2048xf32, #tpu.memory_space<hbm>>
      %dma_start3A_498 = tpu.memref_slice %arg4[%dma_start3A_492, %add3A_398] : memref<16x1048576xf32, #tpu.memory_space<hbm>> -> memref<1x2048xf32, #tpu.memory_space<hbm>>
      %dma_start3A_499 = tpu.memref_squeeze %dma_start3A_498 : memref<1x2048xf32, #tpu.memory_space<hbm>> -> memref<2048xf32, #tpu.memory_space<hbm>>
      %dma_start3A_500 = arith.constant 14336 : i32
      %dma_start3A_501 = tpu.memref_slice %arg7[%dma_start3A_491, %dma_start3A_500] : memref<2x32768xf32, #tpu.memory_space<vmem>> -> memref<1x2048xf32, #tpu.memory_space<vmem>>
      %dma_start3A_502 = tpu.memref_squeeze %dma_start3A_501 : memref<1x2048xf32, #tpu.memory_space<vmem>> -> memref<2048xf32, #tpu.memory_space<vmem>>
      tpu.enqueue_dma source(%dma_start3A_502 : memref<2048xf32, #tpu.memory_space<vmem>>) target(%dma_start3A_499 : memref<2048xf32, #tpu.memory_space<hbm>>) target_semaphore(%arg8 : memref<!tpu.dma_semaphore, #tpu.memory_space<semaphore_mem>>)
      %dma_start3A_503 = arith.constant 0 : i32
      %dma_start3A_504 = arith.constant 8 : i32
      %dma_start3A_505 = arith.constant 16384 : i32
      %dma_start3A_506 = tpu.memref_slice %arg7[%dma_start3A_503, %dma_start3A_505] : memref<2x32768xf32, #tpu.memory_space<vmem>> -> memref<1x2048xf32, #tpu.memory_space<vmem>>
      %dma_start3A_507 = tpu.memref_squeeze %dma_start3A_506 : memref<1x2048xf32, #tpu.memory_space<vmem>> -> memref<2048xf32, #tpu.memory_space<vmem>>
      %dma_start3A_508 = tpu.memref_slice %arg4[%dma_start3A_504, %add3A_398] : memref<16x1048576xf32, #tpu.memory_space<hbm>> -> memref<1x2048xf32, #tpu.memory_space<hbm>>
      %dma_start3A_509 = tpu.memref_squeeze %dma_start3A_508 : memref<1x2048xf32, #tpu.memory_space<hbm>> -> memref<2048xf32, #tpu.memory_space<hbm>>
      %dma_start3A_510 = tpu.memref_slice %arg4[%dma_start3A_504, %add3A_398] : memref<16x1048576xf32, #tpu.memory_space<hbm>> -> memref<1x2048xf32, #tpu.memory_space<hbm>>
      %dma_start3A_511 = tpu.memref_squeeze %dma_start3A_510 : memref<1x2048xf32, #tpu.memory_space<hbm>> -> memref<2048xf32, #tpu.memory_space<hbm>>
      %dma_start3A_512 = arith.constant 16384 : i32
      %dma_start3A_513 = tpu.memref_slice %arg7[%dma_start3A_503, %dma_start3A_512] : memref<2x32768xf32, #tpu.memory_space<vmem>> -> memref<1x2048xf32, #tpu.memory_space<vmem>>
      %dma_start3A_514 = tpu.memref_squeeze %dma_start3A_513 : memref<1x2048xf32, #tpu.memory_space<vmem>> -> memref<2048xf32, #tpu.memory_space<vmem>>
      tpu.enqueue_dma source(%dma_start3A_514 : memref<2048xf32, #tpu.memory_space<vmem>>) target(%dma_start3A_511 : memref<2048xf32, #tpu.memory_space<hbm>>) target_semaphore(%arg8 : memref<!tpu.dma_semaphore, #tpu.memory_space<semaphore_mem>>)
      %dma_start3A_515 = arith.constant 0 : i32
      %dma_start3A_516 = arith.constant 9 : i32
      %dma_start3A_517 = arith.constant 18432 : i32
      %dma_start3A_518 = tpu.memref_slice %arg7[%dma_start3A_515, %dma_start3A_517] : memref<2x32768xf32, #tpu.memory_space<vmem>> -> memref<1x2048xf32, #tpu.memory_space<vmem>>
      %dma_start3A_519 = tpu.memref_squeeze %dma_start3A_518 : memref<1x2048xf32, #tpu.memory_space<vmem>> -> memref<2048xf32, #tpu.memory_space<vmem>>
      %dma_start3A_520 = tpu.memref_slice %arg4[%dma_start3A_516, %add3A_398] : memref<16x1048576xf32, #tpu.memory_space<hbm>> -> memref<1x2048xf32, #tpu.memory_space<hbm>>
      %dma_start3A_521 = tpu.memref_squeeze %dma_start3A_520 : memref<1x2048xf32, #tpu.memory_space<hbm>> -> memref<2048xf32, #tpu.memory_space<hbm>>
      %dma_start3A_522 = tpu.memref_slice %arg4[%dma_start3A_516, %add3A_398] : memref<16x1048576xf32, #tpu.memory_space<hbm>> -> memref<1x2048xf32, #tpu.memory_space<hbm>>
      %dma_start3A_523 = tpu.memref_squeeze %dma_start3A_522 : memref<1x2048xf32, #tpu.memory_space<hbm>> -> memref<2048xf32, #tpu.memory_space<hbm>>
      %dma_start3A_524 = arith.constant 18432 : i32
      %dma_start3A_525 = tpu.memref_slice %arg7[%dma_start3A_515, %dma_start3A_524] : memref<2x32768xf32, #tpu.memory_space<vmem>> -> memref<1x2048xf32, #tpu.memory_space<vmem>>
      %dma_start3A_526 = tpu.memref_squeeze %dma_start3A_525 : memref<1x2048xf32, #tpu.memory_space<vmem>> -> memref<2048xf32, #tpu.memory_space<vmem>>
      tpu.enqueue_dma source(%dma_start3A_526 : memref<2048xf32, #tpu.memory_space<vmem>>) target(%dma_start3A_523 : memref<2048xf32, #tpu.memory_space<hbm>>) target_semaphore(%arg8 : memref<!tpu.dma_semaphore, #tpu.memory_space<semaphore_mem>>)
      %dma_start3A_527 = arith.constant 0 : i32
      %dma_start3A_528 = arith.constant 10 : i32
      %dma_start3A_529 = arith.constant 20480 : i32
      %dma_start3A_530 = tpu.memref_slice %arg7[%dma_start3A_527, %dma_start3A_529] : memref<2x32768xf32, #tpu.memory_space<vmem>> -> memref<1x2048xf32, #tpu.memory_space<vmem>>
      %dma_start3A_531 = tpu.memref_squeeze %dma_start3A_530 : memref<1x2048xf32, #tpu.memory_space<vmem>> -> memref<2048xf32, #tpu.memory_space<vmem>>
      %dma_start3A_532 = tpu.memref_slice %arg4[%dma_start3A_528, %add3A_398] : memref<16x1048576xf32, #tpu.memory_space<hbm>> -> memref<1x2048xf32, #tpu.memory_space<hbm>>
      %dma_start3A_533 = tpu.memref_squeeze %dma_start3A_532 : memref<1x2048xf32, #tpu.memory_space<hbm>> -> memref<2048xf32, #tpu.memory_space<hbm>>
      %dma_start3A_534 = tpu.memref_slice %arg4[%dma_start3A_528, %add3A_398] : memref<16x1048576xf32, #tpu.memory_space<hbm>> -> memref<1x2048xf32, #tpu.memory_space<hbm>>
      %dma_start3A_535 = tpu.memref_squeeze %dma_start3A_534 : memref<1x2048xf32, #tpu.memory_space<hbm>> -> memref<2048xf32, #tpu.memory_space<hbm>>
      %dma_start3A_536 = arith.constant 20480 : i32
      %dma_start3A_537 = tpu.memref_slice %arg7[%dma_start3A_527, %dma_start3A_536] : memref<2x32768xf32, #tpu.memory_space<vmem>> -> memref<1x2048xf32, #tpu.memory_space<vmem>>
      %dma_start3A_538 = tpu.memref_squeeze %dma_start3A_537 : memref<1x2048xf32, #tpu.memory_space<vmem>> -> memref<2048xf32, #tpu.memory_space<vmem>>
      tpu.enqueue_dma source(%dma_start3A_538 : memref<2048xf32, #tpu.memory_space<vmem>>) target(%dma_start3A_535 : memref<2048xf32, #tpu.memory_space<hbm>>) target_semaphore(%arg8 : memref<!tpu.dma_semaphore, #tpu.memory_space<semaphore_mem>>)
      %dma_start3A_539 = arith.constant 0 : i32
      %dma_start3A_540 = arith.constant 11 : i32
      %dma_start3A_541 = arith.constant 22528 : i32
      %dma_start3A_542 = tpu.memref_slice %arg7[%dma_start3A_539, %dma_start3A_541] : memref<2x32768xf32, #tpu.memory_space<vmem>> -> memref<1x2048xf32, #tpu.memory_space<vmem>>
      %dma_start3A_543 = tpu.memref_squeeze %dma_start3A_542 : memref<1x2048xf32, #tpu.memory_space<vmem>> -> memref<2048xf32, #tpu.memory_space<vmem>>
      %dma_start3A_544 = tpu.memref_slice %arg4[%dma_start3A_540, %add3A_398] : memref<16x1048576xf32, #tpu.memory_space<hbm>> -> memref<1x2048xf32, #tpu.memory_space<hbm>>
      %dma_start3A_545 = tpu.memref_squeeze %dma_start3A_544 : memref<1x2048xf32, #tpu.memory_space<hbm>> -> memref<2048xf32, #tpu.memory_space<hbm>>
      %dma_start3A_546 = tpu.memref_slice %arg4[%dma_start3A_540, %add3A_398] : memref<16x1048576xf32, #tpu.memory_space<hbm>> -> memref<1x2048xf32, #tpu.memory_space<hbm>>
      %dma_start3A_547 = tpu.memref_squeeze %dma_start3A_546 : memref<1x2048xf32, #tpu.memory_space<hbm>> -> memref<2048xf32, #tpu.memory_space<hbm>>
      %dma_start3A_548 = arith.constant 22528 : i32
      %dma_start3A_549 = tpu.memref_slice %arg7[%dma_start3A_539, %dma_start3A_548] : memref<2x32768xf32, #tpu.memory_space<vmem>> -> memref<1x2048xf32, #tpu.memory_space<vmem>>
      %dma_start3A_550 = tpu.memref_squeeze %dma_start3A_549 : memref<1x2048xf32, #tpu.memory_space<vmem>> -> memref<2048xf32, #tpu.memory_space<vmem>>
      tpu.enqueue_dma source(%dma_start3A_550 : memref<2048xf32, #tpu.memory_space<vmem>>) target(%dma_start3A_547 : memref<2048xf32, #tpu.memory_space<hbm>>) target_semaphore(%arg8 : memref<!tpu.dma_semaphore, #tpu.memory_space<semaphore_mem>>)
      %dma_start3A_551 = arith.constant 0 : i32
      %dma_start3A_552 = arith.constant 12 : i32
      %dma_start3A_553 = arith.constant 24576 : i32
      %dma_start3A_554 = tpu.memref_slice %arg7[%dma_start3A_551, %dma_start3A_553] : memref<2x32768xf32, #tpu.memory_space<vmem>> -> memref<1x2048xf32, #tpu.memory_space<vmem>>
      %dma_start3A_555 = tpu.memref_squeeze %dma_start3A_554 : memref<1x2048xf32, #tpu.memory_space<vmem>> -> memref<2048xf32, #tpu.memory_space<vmem>>
      %dma_start3A_556 = tpu.memref_slice %arg4[%dma_start3A_552, %add3A_398] : memref<16x1048576xf32, #tpu.memory_space<hbm>> -> memref<1x2048xf32, #tpu.memory_space<hbm>>
      %dma_start3A_557 = tpu.memref_squeeze %dma_start3A_556 : memref<1x2048xf32, #tpu.memory_space<hbm>> -> memref<2048xf32, #tpu.memory_space<hbm>>
      %dma_start3A_558 = tpu.memref_slice %arg4[%dma_start3A_552, %add3A_398] : memref<16x1048576xf32, #tpu.memory_space<hbm>> -> memref<1x2048xf32, #tpu.memory_space<hbm>>
      %dma_start3A_559 = tpu.memref_squeeze %dma_start3A_558 : memref<1x2048xf32, #tpu.memory_space<hbm>> -> memref<2048xf32, #tpu.memory_space<hbm>>
      %dma_start3A_560 = arith.constant 24576 : i32
      %dma_start3A_561 = tpu.memref_slice %arg7[%dma_start3A_551, %dma_start3A_560] : memref<2x32768xf32, #tpu.memory_space<vmem>> -> memref<1x2048xf32, #tpu.memory_space<vmem>>
      %dma_start3A_562 = tpu.memref_squeeze %dma_start3A_561 : memref<1x2048xf32, #tpu.memory_space<vmem>> -> memref<2048xf32, #tpu.memory_space<vmem>>
      tpu.enqueue_dma source(%dma_start3A_562 : memref<2048xf32, #tpu.memory_space<vmem>>) target(%dma_start3A_559 : memref<2048xf32, #tpu.memory_space<hbm>>) target_semaphore(%arg8 : memref<!tpu.dma_semaphore, #tpu.memory_space<semaphore_mem>>)
      %dma_start3A_563 = arith.constant 0 : i32
      %dma_start3A_564 = arith.constant 13 : i32
      %dma_start3A_565 = arith.constant 26624 : i32
      %dma_start3A_566 = tpu.memref_slice %arg7[%dma_start3A_563, %dma_start3A_565] : memref<2x32768xf32, #tpu.memory_space<vmem>> -> memref<1x2048xf32, #tpu.memory_space<vmem>>
      %dma_start3A_567 = tpu.memref_squeeze %dma_start3A_566 : memref<1x2048xf32, #tpu.memory_space<vmem>> -> memref<2048xf32, #tpu.memory_space<vmem>>
      %dma_start3A_568 = tpu.memref_slice %arg4[%dma_start3A_564, %add3A_398] : memref<16x1048576xf32, #tpu.memory_space<hbm>> -> memref<1x2048xf32, #tpu.memory_space<hbm>>
      %dma_start3A_569 = tpu.memref_squeeze %dma_start3A_568 : memref<1x2048xf32, #tpu.memory_space<hbm>> -> memref<2048xf32, #tpu.memory_space<hbm>>
      %dma_start3A_570 = tpu.memref_slice %arg4[%dma_start3A_564, %add3A_398] : memref<16x1048576xf32, #tpu.memory_space<hbm>> -> memref<1x2048xf32, #tpu.memory_space<hbm>>
      %dma_start3A_571 = tpu.memref_squeeze %dma_start3A_570 : memref<1x2048xf32, #tpu.memory_space<hbm>> -> memref<2048xf32, #tpu.memory_space<hbm>>
      %dma_start3A_572 = arith.constant 26624 : i32
      %dma_start3A_573 = tpu.memref_slice %arg7[%dma_start3A_563, %dma_start3A_572] : memref<2x32768xf32, #tpu.memory_space<vmem>> -> memref<1x2048xf32, #tpu.memory_space<vmem>>
      %dma_start3A_574 = tpu.memref_squeeze %dma_start3A_573 : memref<1x2048xf32, #tpu.memory_space<vmem>> -> memref<2048xf32, #tpu.memory_space<vmem>>
      tpu.enqueue_dma source(%dma_start3A_574 : memref<2048xf32, #tpu.memory_space<vmem>>) target(%dma_start3A_571 : memref<2048xf32, #tpu.memory_space<hbm>>) target_semaphore(%arg8 : memref<!tpu.dma_semaphore, #tpu.memory_space<semaphore_mem>>)
      %dma_start3A_575 = arith.constant 0 : i32
      %dma_start3A_576 = arith.constant 14 : i32
      %dma_start3A_577 = arith.constant 28672 : i32
      %dma_start3A_578 = tpu.memref_slice %arg7[%dma_start3A_575, %dma_start3A_577] : memref<2x32768xf32, #tpu.memory_space<vmem>> -> memref<1x2048xf32, #tpu.memory_space<vmem>>
      %dma_start3A_579 = tpu.memref_squeeze %dma_start3A_578 : memref<1x2048xf32, #tpu.memory_space<vmem>> -> memref<2048xf32, #tpu.memory_space<vmem>>
      %dma_start3A_580 = tpu.memref_slice %arg4[%dma_start3A_576, %add3A_398] : memref<16x1048576xf32, #tpu.memory_space<hbm>> -> memref<1x2048xf32, #tpu.memory_space<hbm>>
      %dma_start3A_581 = tpu.memref_squeeze %dma_start3A_580 : memref<1x2048xf32, #tpu.memory_space<hbm>> -> memref<2048xf32, #tpu.memory_space<hbm>>
      %dma_start3A_582 = tpu.memref_slice %arg4[%dma_start3A_576, %add3A_398] : memref<16x1048576xf32, #tpu.memory_space<hbm>> -> memref<1x2048xf32, #tpu.memory_space<hbm>>
      %dma_start3A_583 = tpu.memref_squeeze %dma_start3A_582 : memref<1x2048xf32, #tpu.memory_space<hbm>> -> memref<2048xf32, #tpu.memory_space<hbm>>
      %dma_start3A_584 = arith.constant 28672 : i32
      %dma_start3A_585 = tpu.memref_slice %arg7[%dma_start3A_575, %dma_start3A_584] : memref<2x32768xf32, #tpu.memory_space<vmem>> -> memref<1x2048xf32, #tpu.memory_space<vmem>>
      %dma_start3A_586 = tpu.memref_squeeze %dma_start3A_585 : memref<1x2048xf32, #tpu.memory_space<vmem>> -> memref<2048xf32, #tpu.memory_space<vmem>>
      tpu.enqueue_dma source(%dma_start3A_586 : memref<2048xf32, #tpu.memory_space<vmem>>) target(%dma_start3A_583 : memref<2048xf32, #tpu.memory_space<hbm>>) target_semaphore(%arg8 : memref<!tpu.dma_semaphore, #tpu.memory_space<semaphore_mem>>)
      %dma_start3A_587 = arith.constant 0 : i32
      %dma_start3A_588 = arith.constant 15 : i32
      %dma_start3A_589 = arith.constant 30720 : i32
      %dma_start3A_590 = tpu.memref_slice %arg7[%dma_start3A_587, %dma_start3A_589] : memref<2x32768xf32, #tpu.memory_space<vmem>> -> memref<1x2048xf32, #tpu.memory_space<vmem>>
      %dma_start3A_591 = tpu.memref_squeeze %dma_start3A_590 : memref<1x2048xf32, #tpu.memory_space<vmem>> -> memref<2048xf32, #tpu.memory_space<vmem>>
      %dma_start3A_592 = tpu.memref_slice %arg4[%dma_start3A_588, %add3A_398] : memref<16x1048576xf32, #tpu.memory_space<hbm>> -> memref<1x2048xf32, #tpu.memory_space<hbm>>
      %dma_start3A_593 = tpu.memref_squeeze %dma_start3A_592 : memref<1x2048xf32, #tpu.memory_space<hbm>> -> memref<2048xf32, #tpu.memory_space<hbm>>
      %dma_start3A_594 = tpu.memref_slice %arg4[%dma_start3A_588, %add3A_398] : memref<16x1048576xf32, #tpu.memory_space<hbm>> -> memref<1x2048xf32, #tpu.memory_space<hbm>>
      %dma_start3A_595 = tpu.memref_squeeze %dma_start3A_594 : memref<1x2048xf32, #tpu.memory_space<hbm>> -> memref<2048xf32, #tpu.memory_space<hbm>>
      %dma_start3A_596 = arith.constant 30720 : i32
      %dma_start3A_597 = tpu.memref_slice %arg7[%dma_start3A_587, %dma_start3A_596] : memref<2x32768xf32, #tpu.memory_space<vmem>> -> memref<1x2048xf32, #tpu.memory_space<vmem>>
      %dma_start3A_598 = tpu.memref_squeeze %dma_start3A_597 : memref<1x2048xf32, #tpu.memory_space<vmem>> -> memref<2048xf32, #tpu.memory_space<vmem>>
      tpu.enqueue_dma source(%dma_start3A_598 : memref<2048xf32, #tpu.memory_space<vmem>>) target(%dma_start3A_595 : memref<2048xf32, #tpu.memory_space<hbm>>) target_semaphore(%arg8 : memref<!tpu.dma_semaphore, #tpu.memory_space<semaphore_mem>>)
      %mul3A_599 = arith.constant 2 : i32
      %mul3A_600 = arith.muli %mul3A_599, %scan3A_391 : i32
      %add3A_601 = arith.constant 1 : i32
      %add3A_602 = arith.addi %mul3A_600, %add3A_601 : i32
      %mul3A_603 = arith.constant 2048 : i32
      %mul3A_604 = arith.muli %add3A_602, %mul3A_603 : i32
      %add3A_605 = arith.addi %mul3A_2, %mul3A_604 : i32
      %run_scoped3A_606 = arith.constant 0 : i32
      %run_scoped3A_607 = arith.constant 1 : i32
      "tpu.region"() ({
        %run_scoped3A_811 = tpu.sem_alloc : memref<!tpu.dma_semaphore, #tpu.memory_space<semaphore_mem>>
        %dma_start3A_812 = arith.constant 0 : i32
        %dma_start3A_813 = tpu.memref_slice %arg6[%run_scoped3A_607, %dma_start3A_812] : memref<2x2048xi32, #tpu.memory_space<vmem>> -> memref<1x2048xi32, #tpu.memory_space<vmem>>
        %dma_start3A_814 = tpu.memref_squeeze %dma_start3A_813 : memref<1x2048xi32, #tpu.memory_space<vmem>> -> memref<2048xi32, #tpu.memory_space<vmem>>
        %dma_start3A_815 = tpu.memref_slice %arg3[%run_scoped3A_606, %add3A_605] : memref<1x1048576xi32, #tpu.memory_space<hbm>> -> memref<1x2048xi32, #tpu.memory_space<hbm>>
        %dma_start3A_816 = tpu.memref_squeeze %dma_start3A_815 : memref<1x2048xi32, #tpu.memory_space<hbm>> -> memref<2048xi32, #tpu.memory_space<hbm>>
        %dma_start3A_817 = arith.constant 0 : i32
        %dma_start3A_818 = tpu.memref_slice %arg6[%run_scoped3A_607, %dma_start3A_817] : memref<2x2048xi32, #tpu.memory_space<vmem>> -> memref<1x2048xi32, #tpu.memory_space<vmem>>
        %dma_start3A_819 = tpu.memref_squeeze %dma_start3A_818 : memref<1x2048xi32, #tpu.memory_space<vmem>> -> memref<2048xi32, #tpu.memory_space<vmem>>
        %dma_start3A_820 = tpu.memref_slice %arg3[%run_scoped3A_606, %add3A_605] : memref<1x1048576xi32, #tpu.memory_space<hbm>> -> memref<1x2048xi32, #tpu.memory_space<hbm>>
        %dma_start3A_821 = tpu.memref_squeeze %dma_start3A_820 : memref<1x2048xi32, #tpu.memory_space<hbm>> -> memref<2048xi32, #tpu.memory_space<hbm>>
        tpu.enqueue_dma source(%dma_start3A_821 : memref<2048xi32, #tpu.memory_space<hbm>>) target(%dma_start3A_819 : memref<2048xi32, #tpu.memory_space<vmem>>) target_semaphore(%run_scoped3A_811 : memref<!tpu.dma_semaphore, #tpu.memory_space<semaphore_mem>>)
        %dma_wait3A_822 = arith.constant 0 : i32
        %dma_wait3A_823 = tpu.memref_slice %arg6[%run_scoped3A_607, %dma_wait3A_822] : memref<2x2048xi32, #tpu.memory_space<vmem>> -> memref<1x2048xi32, #tpu.memory_space<vmem>>
        %dma_wait3A_824 = tpu.memref_squeeze %dma_wait3A_823 : memref<1x2048xi32, #tpu.memory_space<vmem>> -> memref<2048xi32, #tpu.memory_space<vmem>>
        %dma_wait3A_825 = tpu.memref_slice %arg3[%run_scoped3A_606, %add3A_605] : memref<1x1048576xi32, #tpu.memory_space<hbm>> -> memref<1x2048xi32, #tpu.memory_space<hbm>>
        %dma_wait3A_826 = tpu.memref_squeeze %dma_wait3A_825 : memref<1x2048xi32, #tpu.memory_space<hbm>> -> memref<2048xi32, #tpu.memory_space<hbm>>
        %dma_wait3A_827 = arith.constant 0 : i32
        %dma_wait3A_828 = tpu.memref_slice %arg6[%run_scoped3A_607, %dma_wait3A_827] : memref<2x2048xi32, #tpu.memory_space<vmem>> -> memref<1x2048xi32, #tpu.memory_space<vmem>>
        %dma_wait3A_829 = tpu.memref_squeeze %dma_wait3A_828 : memref<1x2048xi32, #tpu.memory_space<vmem>> -> memref<2048xi32, #tpu.memory_space<vmem>>
        %dma_wait3A_830 = tpu.memref_slice %arg3[%run_scoped3A_606, %add3A_605] : memref<1x1048576xi32, #tpu.memory_space<hbm>> -> memref<1x2048xi32, #tpu.memory_space<hbm>>
        %dma_wait3A_831 = tpu.memref_squeeze %dma_wait3A_830 : memref<1x2048xi32, #tpu.memory_space<hbm>> -> memref<2048xi32, #tpu.memory_space<hbm>>
        tpu.wait_dma2 semaphore(%run_scoped3A_811 : memref<!tpu.dma_semaphore, #tpu.memory_space<semaphore_mem>>) src(%dma_wait3A_831 : memref<2048xi32, #tpu.memory_space<hbm>>) dst(%dma_wait3A_829 : memref<2048xi32, #tpu.memory_space<vmem>>)
        tpu.yield
      }) : () -> ()
      %gt3A_608 = arith.constant 0 : i32
      %gt3A_609 = arith.cmpi sgt, %scan3A_391, %gt3A_608 : i32
      %convert_element_type3A_610 = arith.extui %gt3A_609 : i1 to i32
      %cond3A_611 = arith.constant 0 : i32
      %cond3A_612 = arith.cmpi ne, %convert_element_type3A_610, %cond3A_611 : i32
      scf.if %cond3A_612 {
        %dma_wait3A_811 = arith.constant 1 : i32
        %dma_wait3A_812 = arith.constant 0 : i32
        %dma_wait3A_813 = arith.constant 0 : i32
        %dma_wait3A_814 = tpu.memref_slice %arg7[%dma_wait3A_811, %dma_wait3A_813] : memref<2x32768xf32, #tpu.memory_space<vmem>> -> memref<1x2048xf32, #tpu.memory_space<vmem>>
        %dma_wait3A_815 = tpu.memref_squeeze %dma_wait3A_814 : memref<1x2048xf32, #tpu.memory_space<vmem>> -> memref<2048xf32, #tpu.memory_space<vmem>>
        %dma_wait3A_816 = tpu.memref_slice %arg4[%dma_wait3A_812, %add3A_605] : memref<16x1048576xf32, #tpu.memory_space<hbm>> -> memref<1x2048xf32, #tpu.memory_space<hbm>>
        %dma_wait3A_817 = tpu.memref_squeeze %dma_wait3A_816 : memref<1x2048xf32, #tpu.memory_space<hbm>> -> memref<2048xf32, #tpu.memory_space<hbm>>
        %dma_wait3A_818 = tpu.memref_slice %arg4[%dma_wait3A_812, %add3A_605] : memref<16x1048576xf32, #tpu.memory_space<hbm>> -> memref<1x2048xf32, #tpu.memory_space<hbm>>
        %dma_wait3A_819 = tpu.memref_squeeze %dma_wait3A_818 : memref<1x2048xf32, #tpu.memory_space<hbm>> -> memref<2048xf32, #tpu.memory_space<hbm>>
        %dma_wait3A_820 = arith.constant 0 : i32
        %dma_wait3A_821 = tpu.memref_slice %arg7[%dma_wait3A_811, %dma_wait3A_820] : memref<2x32768xf32, #tpu.memory_space<vmem>> -> memref<1x2048xf32, #tpu.memory_space<vmem>>
        %dma_wait3A_822 = tpu.memref_squeeze %dma_wait3A_821 : memref<1x2048xf32, #tpu.memory_space<vmem>> -> memref<2048xf32, #tpu.memory_space<vmem>>
        tpu.wait_dma2 semaphore(%arg8 : memref<!tpu.dma_semaphore, #tpu.memory_space<semaphore_mem>>) src(%dma_wait3A_822 : memref<2048xf32, #tpu.memory_space<vmem>>) dst(%dma_wait3A_819 : memref<2048xf32, #tpu.memory_space<hbm>>)
        %dma_wait3A_823 = arith.constant 1 : i32
        %dma_wait3A_824 = arith.constant 1 : i32
        %dma_wait3A_825 = arith.constant 2048 : i32
        %dma_wait3A_826 = tpu.memref_slice %arg7[%dma_wait3A_823, %dma_wait3A_825] : memref<2x32768xf32, #tpu.memory_space<vmem>> -> memref<1x2048xf32, #tpu.memory_space<vmem>>
        %dma_wait3A_827 = tpu.memref_squeeze %dma_wait3A_826 : memref<1x2048xf32, #tpu.memory_space<vmem>> -> memref<2048xf32, #tpu.memory_space<vmem>>
        %dma_wait3A_828 = tpu.memref_slice %arg4[%dma_wait3A_824, %add3A_605] : memref<16x1048576xf32, #tpu.memory_space<hbm>> -> memref<1x2048xf32, #tpu.memory_space<hbm>>
        %dma_wait3A_829 = tpu.memref_squeeze %dma_wait3A_828 : memref<1x2048xf32, #tpu.memory_space<hbm>> -> memref<2048xf32, #tpu.memory_space<hbm>>
        %dma_wait3A_830 = tpu.memref_slice %arg4[%dma_wait3A_824, %add3A_605] : memref<16x1048576xf32, #tpu.memory_space<hbm>> -> memref<1x2048xf32, #tpu.memory_space<hbm>>
        %dma_wait3A_831 = tpu.memref_squeeze %dma_wait3A_830 : memref<1x2048xf32, #tpu.memory_space<hbm>> -> memref<2048xf32, #tpu.memory_space<hbm>>
        %dma_wait3A_832 = arith.constant 2048 : i32
        %dma_wait3A_833 = tpu.memref_slice %arg7[%dma_wait3A_823, %dma_wait3A_832] : memref<2x32768xf32, #tpu.memory_space<vmem>> -> memref<1x2048xf32, #tpu.memory_space<vmem>>
        %dma_wait3A_834 = tpu.memref_squeeze %dma_wait3A_833 : memref<1x2048xf32, #tpu.memory_space<vmem>> -> memref<2048xf32, #tpu.memory_space<vmem>>
        tpu.wait_dma2 semaphore(%arg8 : memref<!tpu.dma_semaphore, #tpu.memory_space<semaphore_mem>>) src(%dma_wait3A_834 : memref<2048xf32, #tpu.memory_space<vmem>>) dst(%dma_wait3A_831 : memref<2048xf32, #tpu.memory_space<hbm>>)
        %dma_wait3A_835 = arith.constant 1 : i32
        %dma_wait3A_836 = arith.constant 2 : i32
        %dma_wait3A_837 = arith.constant 4096 : i32
        %dma_wait3A_838 = tpu.memref_slice %arg7[%dma_wait3A_835, %dma_wait3A_837] : memref<2x32768xf32, #tpu.memory_space<vmem>> -> memref<1x2048xf32, #tpu.memory_space<vmem>>
        %dma_wait3A_839 = tpu.memref_squeeze %dma_wait3A_838 : memref<1x2048xf32, #tpu.memory_space<vmem>> -> memref<2048xf32, #tpu.memory_space<vmem>>
        %dma_wait3A_840 = tpu.memref_slice %arg4[%dma_wait3A_836, %add3A_605] : memref<16x1048576xf32, #tpu.memory_space<hbm>> -> memref<1x2048xf32, #tpu.memory_space<hbm>>
        %dma_wait3A_841 = tpu.memref_squeeze %dma_wait3A_840 : memref<1x2048xf32, #tpu.memory_space<hbm>> -> memref<2048xf32, #tpu.memory_space<hbm>>
        %dma_wait3A_842 = tpu.memref_slice %arg4[%dma_wait3A_836, %add3A_605] : memref<16x1048576xf32, #tpu.memory_space<hbm>> -> memref<1x2048xf32, #tpu.memory_space<hbm>>
        %dma_wait3A_843 = tpu.memref_squeeze %dma_wait3A_842 : memref<1x2048xf32, #tpu.memory_space<hbm>> -> memref<2048xf32, #tpu.memory_space<hbm>>
        %dma_wait3A_844 = arith.constant 4096 : i32
        %dma_wait3A_845 = tpu.memref_slice %arg7[%dma_wait3A_835, %dma_wait3A_844] : memref<2x32768xf32, #tpu.memory_space<vmem>> -> memref<1x2048xf32, #tpu.memory_space<vmem>>
        %dma_wait3A_846 = tpu.memref_squeeze %dma_wait3A_845 : memref<1x2048xf32, #tpu.memory_space<vmem>> -> memref<2048xf32, #tpu.memory_space<vmem>>
        tpu.wait_dma2 semaphore(%arg8 : memref<!tpu.dma_semaphore, #tpu.memory_space<semaphore_mem>>) src(%dma_wait3A_846 : memref<2048xf32, #tpu.memory_space<vmem>>) dst(%dma_wait3A_843 : memref<2048xf32, #tpu.memory_space<hbm>>)
        %dma_wait3A_847 = arith.constant 1 : i32
        %dma_wait3A_848 = arith.constant 3 : i32
        %dma_wait3A_849 = arith.constant 6144 : i32
        %dma_wait3A_850 = tpu.memref_slice %arg7[%dma_wait3A_847, %dma_wait3A_849] : memref<2x32768xf32, #tpu.memory_space<vmem>> -> memref<1x2048xf32, #tpu.memory_space<vmem>>
        %dma_wait3A_851 = tpu.memref_squeeze %dma_wait3A_850 : memref<1x2048xf32, #tpu.memory_space<vmem>> -> memref<2048xf32, #tpu.memory_space<vmem>>
        %dma_wait3A_852 = tpu.memref_slice %arg4[%dma_wait3A_848, %add3A_605] : memref<16x1048576xf32, #tpu.memory_space<hbm>> -> memref<1x2048xf32, #tpu.memory_space<hbm>>
        %dma_wait3A_853 = tpu.memref_squeeze %dma_wait3A_852 : memref<1x2048xf32, #tpu.memory_space<hbm>> -> memref<2048xf32, #tpu.memory_space<hbm>>
        %dma_wait3A_854 = tpu.memref_slice %arg4[%dma_wait3A_848, %add3A_605] : memref<16x1048576xf32, #tpu.memory_space<hbm>> -> memref<1x2048xf32, #tpu.memory_space<hbm>>
        %dma_wait3A_855 = tpu.memref_squeeze %dma_wait3A_854 : memref<1x2048xf32, #tpu.memory_space<hbm>> -> memref<2048xf32, #tpu.memory_space<hbm>>
        %dma_wait3A_856 = arith.constant 6144 : i32
        %dma_wait3A_857 = tpu.memref_slice %arg7[%dma_wait3A_847, %dma_wait3A_856] : memref<2x32768xf32, #tpu.memory_space<vmem>> -> memref<1x2048xf32, #tpu.memory_space<vmem>>
        %dma_wait3A_858 = tpu.memref_squeeze %dma_wait3A_857 : memref<1x2048xf32, #tpu.memory_space<vmem>> -> memref<2048xf32, #tpu.memory_space<vmem>>
        tpu.wait_dma2 semaphore(%arg8 : memref<!tpu.dma_semaphore, #tpu.memory_space<semaphore_mem>>) src(%dma_wait3A_858 : memref<2048xf32, #tpu.memory_space<vmem>>) dst(%dma_wait3A_855 : memref<2048xf32, #tpu.memory_space<hbm>>)
        %dma_wait3A_859 = arith.constant 1 : i32
        %dma_wait3A_860 = arith.constant 4 : i32
        %dma_wait3A_861 = arith.constant 8192 : i32
        %dma_wait3A_862 = tpu.memref_slice %arg7[%dma_wait3A_859, %dma_wait3A_861] : memref<2x32768xf32, #tpu.memory_space<vmem>> -> memref<1x2048xf32, #tpu.memory_space<vmem>>
        %dma_wait3A_863 = tpu.memref_squeeze %dma_wait3A_862 : memref<1x2048xf32, #tpu.memory_space<vmem>> -> memref<2048xf32, #tpu.memory_space<vmem>>
        %dma_wait3A_864 = tpu.memref_slice %arg4[%dma_wait3A_860, %add3A_605] : memref<16x1048576xf32, #tpu.memory_space<hbm>> -> memref<1x2048xf32, #tpu.memory_space<hbm>>
        %dma_wait3A_865 = tpu.memref_squeeze %dma_wait3A_864 : memref<1x2048xf32, #tpu.memory_space<hbm>> -> memref<2048xf32, #tpu.memory_space<hbm>>
        %dma_wait3A_866 = tpu.memref_slice %arg4[%dma_wait3A_860, %add3A_605] : memref<16x1048576xf32, #tpu.memory_space<hbm>> -> memref<1x2048xf32, #tpu.memory_space<hbm>>
        %dma_wait3A_867 = tpu.memref_squeeze %dma_wait3A_866 : memref<1x2048xf32, #tpu.memory_space<hbm>> -> memref<2048xf32, #tpu.memory_space<hbm>>
        %dma_wait3A_868 = arith.constant 8192 : i32
        %dma_wait3A_869 = tpu.memref_slice %arg7[%dma_wait3A_859, %dma_wait3A_868] : memref<2x32768xf32, #tpu.memory_space<vmem>> -> memref<1x2048xf32, #tpu.memory_space<vmem>>
        %dma_wait3A_870 = tpu.memref_squeeze %dma_wait3A_869 : memref<1x2048xf32, #tpu.memory_space<vmem>> -> memref<2048xf32, #tpu.memory_space<vmem>>
        tpu.wait_dma2 semaphore(%arg8 : memref<!tpu.dma_semaphore, #tpu.memory_space<semaphore_mem>>) src(%dma_wait3A_870 : memref<2048xf32, #tpu.memory_space<vmem>>) dst(%dma_wait3A_867 : memref<2048xf32, #tpu.memory_space<hbm>>)
        %dma_wait3A_871 = arith.constant 1 : i32
        %dma_wait3A_872 = arith.constant 5 : i32
        %dma_wait3A_873 = arith.constant 10240 : i32
        %dma_wait3A_874 = tpu.memref_slice %arg7[%dma_wait3A_871, %dma_wait3A_873] : memref<2x32768xf32, #tpu.memory_space<vmem>> -> memref<1x2048xf32, #tpu.memory_space<vmem>>
        %dma_wait3A_875 = tpu.memref_squeeze %dma_wait3A_874 : memref<1x2048xf32, #tpu.memory_space<vmem>> -> memref<2048xf32, #tpu.memory_space<vmem>>
        %dma_wait3A_876 = tpu.memref_slice %arg4[%dma_wait3A_872, %add3A_605] : memref<16x1048576xf32, #tpu.memory_space<hbm>> -> memref<1x2048xf32, #tpu.memory_space<hbm>>
        %dma_wait3A_877 = tpu.memref_squeeze %dma_wait3A_876 : memref<1x2048xf32, #tpu.memory_space<hbm>> -> memref<2048xf32, #tpu.memory_space<hbm>>
        %dma_wait3A_878 = tpu.memref_slice %arg4[%dma_wait3A_872, %add3A_605] : memref<16x1048576xf32, #tpu.memory_space<hbm>> -> memref<1x2048xf32, #tpu.memory_space<hbm>>
        %dma_wait3A_879 = tpu.memref_squeeze %dma_wait3A_878 : memref<1x2048xf32, #tpu.memory_space<hbm>> -> memref<2048xf32, #tpu.memory_space<hbm>>
        %dma_wait3A_880 = arith.constant 10240 : i32
        %dma_wait3A_881 = tpu.memref_slice %arg7[%dma_wait3A_871, %dma_wait3A_880] : memref<2x32768xf32, #tpu.memory_space<vmem>> -> memref<1x2048xf32, #tpu.memory_space<vmem>>
        %dma_wait3A_882 = tpu.memref_squeeze %dma_wait3A_881 : memref<1x2048xf32, #tpu.memory_space<vmem>> -> memref<2048xf32, #tpu.memory_space<vmem>>
        tpu.wait_dma2 semaphore(%arg8 : memref<!tpu.dma_semaphore, #tpu.memory_space<semaphore_mem>>) src(%dma_wait3A_882 : memref<2048xf32, #tpu.memory_space<vmem>>) dst(%dma_wait3A_879 : memref<2048xf32, #tpu.memory_space<hbm>>)
        %dma_wait3A_883 = arith.constant 1 : i32
        %dma_wait3A_884 = arith.constant 6 : i32
        %dma_wait3A_885 = arith.constant 12288 : i32
        %dma_wait3A_886 = tpu.memref_slice %arg7[%dma_wait3A_883, %dma_wait3A_885] : memref<2x32768xf32, #tpu.memory_space<vmem>> -> memref<1x2048xf32, #tpu.memory_space<vmem>>
        %dma_wait3A_887 = tpu.memref_squeeze %dma_wait3A_886 : memref<1x2048xf32, #tpu.memory_space<vmem>> -> memref<2048xf32, #tpu.memory_space<vmem>>
        %dma_wait3A_888 = tpu.memref_slice %arg4[%dma_wait3A_884, %add3A_605] : memref<16x1048576xf32, #tpu.memory_space<hbm>> -> memref<1x2048xf32, #tpu.memory_space<hbm>>
        %dma_wait3A_889 = tpu.memref_squeeze %dma_wait3A_888 : memref<1x2048xf32, #tpu.memory_space<hbm>> -> memref<2048xf32, #tpu.memory_space<hbm>>
        %dma_wait3A_890 = tpu.memref_slice %arg4[%dma_wait3A_884, %add3A_605] : memref<16x1048576xf32, #tpu.memory_space<hbm>> -> memref<1x2048xf32, #tpu.memory_space<hbm>>
        %dma_wait3A_891 = tpu.memref_squeeze %dma_wait3A_890 : memref<1x2048xf32, #tpu.memory_space<hbm>> -> memref<2048xf32, #tpu.memory_space<hbm>>
        %dma_wait3A_892 = arith.constant 12288 : i32
        %dma_wait3A_893 = tpu.memref_slice %arg7[%dma_wait3A_883, %dma_wait3A_892] : memref<2x32768xf32, #tpu.memory_space<vmem>> -> memref<1x2048xf32, #tpu.memory_space<vmem>>
        %dma_wait3A_894 = tpu.memref_squeeze %dma_wait3A_893 : memref<1x2048xf32, #tpu.memory_space<vmem>> -> memref<2048xf32, #tpu.memory_space<vmem>>
        tpu.wait_dma2 semaphore(%arg8 : memref<!tpu.dma_semaphore, #tpu.memory_space<semaphore_mem>>) src(%dma_wait3A_894 : memref<2048xf32, #tpu.memory_space<vmem>>) dst(%dma_wait3A_891 : memref<2048xf32, #tpu.memory_space<hbm>>)
        %dma_wait3A_895 = arith.constant 1 : i32
        %dma_wait3A_896 = arith.constant 7 : i32
        %dma_wait3A_897 = arith.constant 14336 : i32
        %dma_wait3A_898 = tpu.memref_slice %arg7[%dma_wait3A_895, %dma_wait3A_897] : memref<2x32768xf32, #tpu.memory_space<vmem>> -> memref<1x2048xf32, #tpu.memory_space<vmem>>
        %dma_wait3A_899 = tpu.memref_squeeze %dma_wait3A_898 : memref<1x2048xf32, #tpu.memory_space<vmem>> -> memref<2048xf32, #tpu.memory_space<vmem>>
        %dma_wait3A_900 = tpu.memref_slice %arg4[%dma_wait3A_896, %add3A_605] : memref<16x1048576xf32, #tpu.memory_space<hbm>> -> memref<1x2048xf32, #tpu.memory_space<hbm>>
        %dma_wait3A_901 = tpu.memref_squeeze %dma_wait3A_900 : memref<1x2048xf32, #tpu.memory_space<hbm>> -> memref<2048xf32, #tpu.memory_space<hbm>>
        %dma_wait3A_902 = tpu.memref_slice %arg4[%dma_wait3A_896, %add3A_605] : memref<16x1048576xf32, #tpu.memory_space<hbm>> -> memref<1x2048xf32, #tpu.memory_space<hbm>>
        %dma_wait3A_903 = tpu.memref_squeeze %dma_wait3A_902 : memref<1x2048xf32, #tpu.memory_space<hbm>> -> memref<2048xf32, #tpu.memory_space<hbm>>
        %dma_wait3A_904 = arith.constant 14336 : i32
        %dma_wait3A_905 = tpu.memref_slice %arg7[%dma_wait3A_895, %dma_wait3A_904] : memref<2x32768xf32, #tpu.memory_space<vmem>> -> memref<1x2048xf32, #tpu.memory_space<vmem>>
        %dma_wait3A_906 = tpu.memref_squeeze %dma_wait3A_905 : memref<1x2048xf32, #tpu.memory_space<vmem>> -> memref<2048xf32, #tpu.memory_space<vmem>>
        tpu.wait_dma2 semaphore(%arg8 : memref<!tpu.dma_semaphore, #tpu.memory_space<semaphore_mem>>) src(%dma_wait3A_906 : memref<2048xf32, #tpu.memory_space<vmem>>) dst(%dma_wait3A_903 : memref<2048xf32, #tpu.memory_space<hbm>>)
        %dma_wait3A_907 = arith.constant 1 : i32
        %dma_wait3A_908 = arith.constant 8 : i32
        %dma_wait3A_909 = arith.constant 16384 : i32
        %dma_wait3A_910 = tpu.memref_slice %arg7[%dma_wait3A_907, %dma_wait3A_909] : memref<2x32768xf32, #tpu.memory_space<vmem>> -> memref<1x2048xf32, #tpu.memory_space<vmem>>
        %dma_wait3A_911 = tpu.memref_squeeze %dma_wait3A_910 : memref<1x2048xf32, #tpu.memory_space<vmem>> -> memref<2048xf32, #tpu.memory_space<vmem>>
        %dma_wait3A_912 = tpu.memref_slice %arg4[%dma_wait3A_908, %add3A_605] : memref<16x1048576xf32, #tpu.memory_space<hbm>> -> memref<1x2048xf32, #tpu.memory_space<hbm>>
        %dma_wait3A_913 = tpu.memref_squeeze %dma_wait3A_912 : memref<1x2048xf32, #tpu.memory_space<hbm>> -> memref<2048xf32, #tpu.memory_space<hbm>>
        %dma_wait3A_914 = tpu.memref_slice %arg4[%dma_wait3A_908, %add3A_605] : memref<16x1048576xf32, #tpu.memory_space<hbm>> -> memref<1x2048xf32, #tpu.memory_space<hbm>>
        %dma_wait3A_915 = tpu.memref_squeeze %dma_wait3A_914 : memref<1x2048xf32, #tpu.memory_space<hbm>> -> memref<2048xf32, #tpu.memory_space<hbm>>
        %dma_wait3A_916 = arith.constant 16384 : i32
        %dma_wait3A_917 = tpu.memref_slice %arg7[%dma_wait3A_907, %dma_wait3A_916] : memref<2x32768xf32, #tpu.memory_space<vmem>> -> memref<1x2048xf32, #tpu.memory_space<vmem>>
        %dma_wait3A_918 = tpu.memref_squeeze %dma_wait3A_917 : memref<1x2048xf32, #tpu.memory_space<vmem>> -> memref<2048xf32, #tpu.memory_space<vmem>>
        tpu.wait_dma2 semaphore(%arg8 : memref<!tpu.dma_semaphore, #tpu.memory_space<semaphore_mem>>) src(%dma_wait3A_918 : memref<2048xf32, #tpu.memory_space<vmem>>) dst(%dma_wait3A_915 : memref<2048xf32, #tpu.memory_space<hbm>>)
        %dma_wait3A_919 = arith.constant 1 : i32
        %dma_wait3A_920 = arith.constant 9 : i32
        %dma_wait3A_921 = arith.constant 18432 : i32
        %dma_wait3A_922 = tpu.memref_slice %arg7[%dma_wait3A_919, %dma_wait3A_921] : memref<2x32768xf32, #tpu.memory_space<vmem>> -> memref<1x2048xf32, #tpu.memory_space<vmem>>
        %dma_wait3A_923 = tpu.memref_squeeze %dma_wait3A_922 : memref<1x2048xf32, #tpu.memory_space<vmem>> -> memref<2048xf32, #tpu.memory_space<vmem>>
        %dma_wait3A_924 = tpu.memref_slice %arg4[%dma_wait3A_920, %add3A_605] : memref<16x1048576xf32, #tpu.memory_space<hbm>> -> memref<1x2048xf32, #tpu.memory_space<hbm>>
        %dma_wait3A_925 = tpu.memref_squeeze %dma_wait3A_924 : memref<1x2048xf32, #tpu.memory_space<hbm>> -> memref<2048xf32, #tpu.memory_space<hbm>>
        %dma_wait3A_926 = tpu.memref_slice %arg4[%dma_wait3A_920, %add3A_605] : memref<16x1048576xf32, #tpu.memory_space<hbm>> -> memref<1x2048xf32, #tpu.memory_space<hbm>>
        %dma_wait3A_927 = tpu.memref_squeeze %dma_wait3A_926 : memref<1x2048xf32, #tpu.memory_space<hbm>> -> memref<2048xf32, #tpu.memory_space<hbm>>
        %dma_wait3A_928 = arith.constant 18432 : i32
        %dma_wait3A_929 = tpu.memref_slice %arg7[%dma_wait3A_919, %dma_wait3A_928] : memref<2x32768xf32, #tpu.memory_space<vmem>> -> memref<1x2048xf32, #tpu.memory_space<vmem>>
        %dma_wait3A_930 = tpu.memref_squeeze %dma_wait3A_929 : memref<1x2048xf32, #tpu.memory_space<vmem>> -> memref<2048xf32, #tpu.memory_space<vmem>>
        tpu.wait_dma2 semaphore(%arg8 : memref<!tpu.dma_semaphore, #tpu.memory_space<semaphore_mem>>) src(%dma_wait3A_930 : memref<2048xf32, #tpu.memory_space<vmem>>) dst(%dma_wait3A_927 : memref<2048xf32, #tpu.memory_space<hbm>>)
        %dma_wait3A_931 = arith.constant 1 : i32
        %dma_wait3A_932 = arith.constant 10 : i32
        %dma_wait3A_933 = arith.constant 20480 : i32
        %dma_wait3A_934 = tpu.memref_slice %arg7[%dma_wait3A_931, %dma_wait3A_933] : memref<2x32768xf32, #tpu.memory_space<vmem>> -> memref<1x2048xf32, #tpu.memory_space<vmem>>
        %dma_wait3A_935 = tpu.memref_squeeze %dma_wait3A_934 : memref<1x2048xf32, #tpu.memory_space<vmem>> -> memref<2048xf32, #tpu.memory_space<vmem>>
        %dma_wait3A_936 = tpu.memref_slice %arg4[%dma_wait3A_932, %add3A_605] : memref<16x1048576xf32, #tpu.memory_space<hbm>> -> memref<1x2048xf32, #tpu.memory_space<hbm>>
        %dma_wait3A_937 = tpu.memref_squeeze %dma_wait3A_936 : memref<1x2048xf32, #tpu.memory_space<hbm>> -> memref<2048xf32, #tpu.memory_space<hbm>>
        %dma_wait3A_938 = tpu.memref_slice %arg4[%dma_wait3A_932, %add3A_605] : memref<16x1048576xf32, #tpu.memory_space<hbm>> -> memref<1x2048xf32, #tpu.memory_space<hbm>>
        %dma_wait3A_939 = tpu.memref_squeeze %dma_wait3A_938 : memref<1x2048xf32, #tpu.memory_space<hbm>> -> memref<2048xf32, #tpu.memory_space<hbm>>
        %dma_wait3A_940 = arith.constant 20480 : i32
        %dma_wait3A_941 = tpu.memref_slice %arg7[%dma_wait3A_931, %dma_wait3A_940] : memref<2x32768xf32, #tpu.memory_space<vmem>> -> memref<1x2048xf32, #tpu.memory_space<vmem>>
        %dma_wait3A_942 = tpu.memref_squeeze %dma_wait3A_941 : memref<1x2048xf32, #tpu.memory_space<vmem>> -> memref<2048xf32, #tpu.memory_space<vmem>>
        tpu.wait_dma2 semaphore(%arg8 : memref<!tpu.dma_semaphore, #tpu.memory_space<semaphore_mem>>) src(%dma_wait3A_942 : memref<2048xf32, #tpu.memory_space<vmem>>) dst(%dma_wait3A_939 : memref<2048xf32, #tpu.memory_space<hbm>>)
        %dma_wait3A_943 = arith.constant 1 : i32
        %dma_wait3A_944 = arith.constant 11 : i32
        %dma_wait3A_945 = arith.constant 22528 : i32
        %dma_wait3A_946 = tpu.memref_slice %arg7[%dma_wait3A_943, %dma_wait3A_945] : memref<2x32768xf32, #tpu.memory_space<vmem>> -> memref<1x2048xf32, #tpu.memory_space<vmem>>
        %dma_wait3A_947 = tpu.memref_squeeze %dma_wait3A_946 : memref<1x2048xf32, #tpu.memory_space<vmem>> -> memref<2048xf32, #tpu.memory_space<vmem>>
        %dma_wait3A_948 = tpu.memref_slice %arg4[%dma_wait3A_944, %add3A_605] : memref<16x1048576xf32, #tpu.memory_space<hbm>> -> memref<1x2048xf32, #tpu.memory_space<hbm>>
        %dma_wait3A_949 = tpu.memref_squeeze %dma_wait3A_948 : memref<1x2048xf32, #tpu.memory_space<hbm>> -> memref<2048xf32, #tpu.memory_space<hbm>>
        %dma_wait3A_950 = tpu.memref_slice %arg4[%dma_wait3A_944, %add3A_605] : memref<16x1048576xf32, #tpu.memory_space<hbm>> -> memref<1x2048xf32, #tpu.memory_space<hbm>>
        %dma_wait3A_951 = tpu.memref_squeeze %dma_wait3A_950 : memref<1x2048xf32, #tpu.memory_space<hbm>> -> memref<2048xf32, #tpu.memory_space<hbm>>
        %dma_wait3A_952 = arith.constant 22528 : i32
        %dma_wait3A_953 = tpu.memref_slice %arg7[%dma_wait3A_943, %dma_wait3A_952] : memref<2x32768xf32, #tpu.memory_space<vmem>> -> memref<1x2048xf32, #tpu.memory_space<vmem>>
        %dma_wait3A_954 = tpu.memref_squeeze %dma_wait3A_953 : memref<1x2048xf32, #tpu.memory_space<vmem>> -> memref<2048xf32, #tpu.memory_space<vmem>>
        tpu.wait_dma2 semaphore(%arg8 : memref<!tpu.dma_semaphore, #tpu.memory_space<semaphore_mem>>) src(%dma_wait3A_954 : memref<2048xf32, #tpu.memory_space<vmem>>) dst(%dma_wait3A_951 : memref<2048xf32, #tpu.memory_space<hbm>>)
        %dma_wait3A_955 = arith.constant 1 : i32
        %dma_wait3A_956 = arith.constant 12 : i32
        %dma_wait3A_957 = arith.constant 24576 : i32
        %dma_wait3A_958 = tpu.memref_slice %arg7[%dma_wait3A_955, %dma_wait3A_957] : memref<2x32768xf32, #tpu.memory_space<vmem>> -> memref<1x2048xf32, #tpu.memory_space<vmem>>
        %dma_wait3A_959 = tpu.memref_squeeze %dma_wait3A_958 : memref<1x2048xf32, #tpu.memory_space<vmem>> -> memref<2048xf32, #tpu.memory_space<vmem>>
        %dma_wait3A_960 = tpu.memref_slice %arg4[%dma_wait3A_956, %add3A_605] : memref<16x1048576xf32, #tpu.memory_space<hbm>> -> memref<1x2048xf32, #tpu.memory_space<hbm>>
        %dma_wait3A_961 = tpu.memref_squeeze %dma_wait3A_960 : memref<1x2048xf32, #tpu.memory_space<hbm>> -> memref<2048xf32, #tpu.memory_space<hbm>>
        %dma_wait3A_962 = tpu.memref_slice %arg4[%dma_wait3A_956, %add3A_605] : memref<16x1048576xf32, #tpu.memory_space<hbm>> -> memref<1x2048xf32, #tpu.memory_space<hbm>>
        %dma_wait3A_963 = tpu.memref_squeeze %dma_wait3A_962 : memref<1x2048xf32, #tpu.memory_space<hbm>> -> memref<2048xf32, #tpu.memory_space<hbm>>
        %dma_wait3A_964 = arith.constant 24576 : i32
        %dma_wait3A_965 = tpu.memref_slice %arg7[%dma_wait3A_955, %dma_wait3A_964] : memref<2x32768xf32, #tpu.memory_space<vmem>> -> memref<1x2048xf32, #tpu.memory_space<vmem>>
        %dma_wait3A_966 = tpu.memref_squeeze %dma_wait3A_965 : memref<1x2048xf32, #tpu.memory_space<vmem>> -> memref<2048xf32, #tpu.memory_space<vmem>>
        tpu.wait_dma2 semaphore(%arg8 : memref<!tpu.dma_semaphore, #tpu.memory_space<semaphore_mem>>) src(%dma_wait3A_966 : memref<2048xf32, #tpu.memory_space<vmem>>) dst(%dma_wait3A_963 : memref<2048xf32, #tpu.memory_space<hbm>>)
        %dma_wait3A_967 = arith.constant 1 : i32
        %dma_wait3A_968 = arith.constant 13 : i32
        %dma_wait3A_969 = arith.constant 26624 : i32
        %dma_wait3A_970 = tpu.memref_slice %arg7[%dma_wait3A_967, %dma_wait3A_969] : memref<2x32768xf32, #tpu.memory_space<vmem>> -> memref<1x2048xf32, #tpu.memory_space<vmem>>
        %dma_wait3A_971 = tpu.memref_squeeze %dma_wait3A_970 : memref<1x2048xf32, #tpu.memory_space<vmem>> -> memref<2048xf32, #tpu.memory_space<vmem>>
        %dma_wait3A_972 = tpu.memref_slice %arg4[%dma_wait3A_968, %add3A_605] : memref<16x1048576xf32, #tpu.memory_space<hbm>> -> memref<1x2048xf32, #tpu.memory_space<hbm>>
        %dma_wait3A_973 = tpu.memref_squeeze %dma_wait3A_972 : memref<1x2048xf32, #tpu.memory_space<hbm>> -> memref<2048xf32, #tpu.memory_space<hbm>>
        %dma_wait3A_974 = tpu.memref_slice %arg4[%dma_wait3A_968, %add3A_605] : memref<16x1048576xf32, #tpu.memory_space<hbm>> -> memref<1x2048xf32, #tpu.memory_space<hbm>>
        %dma_wait3A_975 = tpu.memref_squeeze %dma_wait3A_974 : memref<1x2048xf32, #tpu.memory_space<hbm>> -> memref<2048xf32, #tpu.memory_space<hbm>>
        %dma_wait3A_976 = arith.constant 26624 : i32
        %dma_wait3A_977 = tpu.memref_slice %arg7[%dma_wait3A_967, %dma_wait3A_976] : memref<2x32768xf32, #tpu.memory_space<vmem>> -> memref<1x2048xf32, #tpu.memory_space<vmem>>
        %dma_wait3A_978 = tpu.memref_squeeze %dma_wait3A_977 : memref<1x2048xf32, #tpu.memory_space<vmem>> -> memref<2048xf32, #tpu.memory_space<vmem>>
        tpu.wait_dma2 semaphore(%arg8 : memref<!tpu.dma_semaphore, #tpu.memory_space<semaphore_mem>>) src(%dma_wait3A_978 : memref<2048xf32, #tpu.memory_space<vmem>>) dst(%dma_wait3A_975 : memref<2048xf32, #tpu.memory_space<hbm>>)
        %dma_wait3A_979 = arith.constant 1 : i32
        %dma_wait3A_980 = arith.constant 14 : i32
        %dma_wait3A_981 = arith.constant 28672 : i32
        %dma_wait3A_982 = tpu.memref_slice %arg7[%dma_wait3A_979, %dma_wait3A_981] : memref<2x32768xf32, #tpu.memory_space<vmem>> -> memref<1x2048xf32, #tpu.memory_space<vmem>>
        %dma_wait3A_983 = tpu.memref_squeeze %dma_wait3A_982 : memref<1x2048xf32, #tpu.memory_space<vmem>> -> memref<2048xf32, #tpu.memory_space<vmem>>
        %dma_wait3A_984 = tpu.memref_slice %arg4[%dma_wait3A_980, %add3A_605] : memref<16x1048576xf32, #tpu.memory_space<hbm>> -> memref<1x2048xf32, #tpu.memory_space<hbm>>
        %dma_wait3A_985 = tpu.memref_squeeze %dma_wait3A_984 : memref<1x2048xf32, #tpu.memory_space<hbm>> -> memref<2048xf32, #tpu.memory_space<hbm>>
        %dma_wait3A_986 = tpu.memref_slice %arg4[%dma_wait3A_980, %add3A_605] : memref<16x1048576xf32, #tpu.memory_space<hbm>> -> memref<1x2048xf32, #tpu.memory_space<hbm>>
        %dma_wait3A_987 = tpu.memref_squeeze %dma_wait3A_986 : memref<1x2048xf32, #tpu.memory_space<hbm>> -> memref<2048xf32, #tpu.memory_space<hbm>>
        %dma_wait3A_988 = arith.constant 28672 : i32
        %dma_wait3A_989 = tpu.memref_slice %arg7[%dma_wait3A_979, %dma_wait3A_988] : memref<2x32768xf32, #tpu.memory_space<vmem>> -> memref<1x2048xf32, #tpu.memory_space<vmem>>
        %dma_wait3A_990 = tpu.memref_squeeze %dma_wait3A_989 : memref<1x2048xf32, #tpu.memory_space<vmem>> -> memref<2048xf32, #tpu.memory_space<vmem>>
        tpu.wait_dma2 semaphore(%arg8 : memref<!tpu.dma_semaphore, #tpu.memory_space<semaphore_mem>>) src(%dma_wait3A_990 : memref<2048xf32, #tpu.memory_space<vmem>>) dst(%dma_wait3A_987 : memref<2048xf32, #tpu.memory_space<hbm>>)
        %dma_wait3A_991 = arith.constant 1 : i32
        %dma_wait3A_992 = arith.constant 15 : i32
        %dma_wait3A_993 = arith.constant 30720 : i32
        %dma_wait3A_994 = tpu.memref_slice %arg7[%dma_wait3A_991, %dma_wait3A_993] : memref<2x32768xf32, #tpu.memory_space<vmem>> -> memref<1x2048xf32, #tpu.memory_space<vmem>>
        %dma_wait3A_995 = tpu.memref_squeeze %dma_wait3A_994 : memref<1x2048xf32, #tpu.memory_space<vmem>> -> memref<2048xf32, #tpu.memory_space<vmem>>
        %dma_wait3A_996 = tpu.memref_slice %arg4[%dma_wait3A_992, %add3A_605] : memref<16x1048576xf32, #tpu.memory_space<hbm>> -> memref<1x2048xf32, #tpu.memory_space<hbm>>
        %dma_wait3A_997 = tpu.memref_squeeze %dma_wait3A_996 : memref<1x2048xf32, #tpu.memory_space<hbm>> -> memref<2048xf32, #tpu.memory_space<hbm>>
        %dma_wait3A_998 = tpu.memref_slice %arg4[%dma_wait3A_992, %add3A_605] : memref<16x1048576xf32, #tpu.memory_space<hbm>> -> memref<1x2048xf32, #tpu.memory_space<hbm>>
        %dma_wait3A_999 = tpu.memref_squeeze %dma_wait3A_998 : memref<1x2048xf32, #tpu.memory_space<hbm>> -> memref<2048xf32, #tpu.memory_space<hbm>>
        %dma_wait3A_1000 = arith.constant 30720 : i32
        %dma_wait3A_1001 = tpu.memref_slice %arg7[%dma_wait3A_991, %dma_wait3A_1000] : memref<2x32768xf32, #tpu.memory_space<vmem>> -> memref<1x2048xf32, #tpu.memory_space<vmem>>
        %dma_wait3A_1002 = tpu.memref_squeeze %dma_wait3A_1001 : memref<1x2048xf32, #tpu.memory_space<vmem>> -> memref<2048xf32, #tpu.memory_space<vmem>>
        tpu.wait_dma2 semaphore(%arg8 : memref<!tpu.dma_semaphore, #tpu.memory_space<semaphore_mem>>) src(%dma_wait3A_1002 : memref<2048xf32, #tpu.memory_space<vmem>>) dst(%dma_wait3A_999 : memref<2048xf32, #tpu.memory_space<hbm>>)
      } else {
      }
      %scan3A_613 = arith.constant 0 : i32
      %scan3A_614 = arith.constant 0 : i32
      %scan3A_615 = arith.constant 128 : i32
      %scan3A_616 = arith.addi %scan3A_614, %scan3A_615 : i32
      %scan3A_617 = arith.constant 4 : i32
      scf.for %scan3A_811 = %scan3A_614 to %scan3A_616 step %scan3A_617  : i32 {
        %mul3A_812 = arith.constant 16 : i32
        %mul3A_813 = arith.muli %scan3A_811, %mul3A_812 : i32
        %get3A = arith.constant 1 : i32
        %get3A_814 = arith.index_cast %get3A : i32 to index
        %get3A_815 = arith.index_cast %mul3A_813 : i32 to index
        %get3A_816 = tpu.vector_load %arg6[%get3A_814, %get3A_815] {strides = array<i32>} : memref<2x2048xi32, #tpu.memory_space<vmem>>, vector<16xi32>,
        %add3A_817 = arith.constant 0 : i32
        %add3A_818 = vector.broadcast %add3A_817 : i32 to vector<16xi32>
        %add3A_819 = arith.addi %get3A_816, %add3A_818 : vector<16xi32>
        %gather3A = tpu.vector_load_idx %arg5[%add3A_819] : memref<1024xf32, #tpu.memory_space<vmem>>[vector<16xi32>], vector<16xf32>,
        %mul3A_820 = arith.constant 16 : i32
        %mul3A_821 = arith.muli %scan3A_811, %mul3A_820 : i32
        %add3A_822 = arith.constant 0 : i32
        %add3A_823 = arith.addi %add3A_822, %mul3A_821 : i32
        %swap3A = arith.constant 1 : i32
        %swap3A_824 = arith.index_cast %swap3A : i32 to index
        %swap3A_825 = arith.index_cast %add3A_823 : i32 to index
        %swap3A_826 = tpu.vector_load %arg7[%swap3A_824, %swap3A_825] {strides = array<i32>} : memref<2x32768xf32, #tpu.memory_space<vmem>>, vector<16xf32>,
        tpu.vector_store %arg7[%swap3A_824, %swap3A_825], %gather3A {strides = array<i32>} : memref<2x32768xf32, #tpu.memory_space<vmem>>, vector<16xf32>,
        %add3A_827 = arith.constant 64 : i32
        %add3A_828 = vector.broadcast %add3A_827 : i32 to vector<16xi32>
        %add3A_829 = arith.addi %get3A_816, %add3A_828 : vector<16xi32>
        %gather3A_830 = tpu.vector_load_idx %arg5[%add3A_829] : memref<1024xf32, #tpu.memory_space<vmem>>[vector<16xi32>], vector<16xf32>,
        %mul3A_831 = arith.constant 16 : i32
        %mul3A_832 = arith.muli %scan3A_811, %mul3A_831 : i32
        %add3A_833 = arith.constant 2048 : i32
        %add3A_834 = arith.addi %add3A_833, %mul3A_832 : i32
        %swap3A_835 = arith.constant 1 : i32
        %swap3A_836 = arith.index_cast %swap3A_835 : i32 to index
        %swap3A_837 = arith.index_cast %add3A_834 : i32 to index
        %swap3A_838 = tpu.vector_load %arg7[%swap3A_836, %swap3A_837] {strides = array<i32>} : memref<2x32768xf32, #tpu.memory_space<vmem>>, vector<16xf32>,
        tpu.vector_store %arg7[%swap3A_836, %swap3A_837], %gather3A_830 {strides = array<i32>} : memref<2x32768xf32, #tpu.memory_space<vmem>>, vector<16xf32>,
        %add3A_839 = arith.constant 128 : i32
        %add3A_840 = vector.broadcast %add3A_839 : i32 to vector<16xi32>
        %add3A_841 = arith.addi %get3A_816, %add3A_840 : vector<16xi32>
        %gather3A_842 = tpu.vector_load_idx %arg5[%add3A_841] : memref<1024xf32, #tpu.memory_space<vmem>>[vector<16xi32>], vector<16xf32>,
        %mul3A_843 = arith.constant 16 : i32
        %mul3A_844 = arith.muli %scan3A_811, %mul3A_843 : i32
        %add3A_845 = arith.constant 4096 : i32
        %add3A_846 = arith.addi %add3A_845, %mul3A_844 : i32
        %swap3A_847 = arith.constant 1 : i32
        %swap3A_848 = arith.index_cast %swap3A_847 : i32 to index
        %swap3A_849 = arith.index_cast %add3A_846 : i32 to index
        %swap3A_850 = tpu.vector_load %arg7[%swap3A_848, %swap3A_849] {strides = array<i32>} : memref<2x32768xf32, #tpu.memory_space<vmem>>, vector<16xf32>,
        tpu.vector_store %arg7[%swap3A_848, %swap3A_849], %gather3A_842 {strides = array<i32>} : memref<2x32768xf32, #tpu.memory_space<vmem>>, vector<16xf32>,
        %add3A_851 = arith.constant 192 : i32
        %add3A_852 = vector.broadcast %add3A_851 : i32 to vector<16xi32>
        %add3A_853 = arith.addi %get3A_816, %add3A_852 : vector<16xi32>
        %gather3A_854 = tpu.vector_load_idx %arg5[%add3A_853] : memref<1024xf32, #tpu.memory_space<vmem>>[vector<16xi32>], vector<16xf32>,
        %mul3A_855 = arith.constant 16 : i32
        %mul3A_856 = arith.muli %scan3A_811, %mul3A_855 : i32
        %add3A_857 = arith.constant 6144 : i32
        %add3A_858 = arith.addi %add3A_857, %mul3A_856 : i32
        %swap3A_859 = arith.constant 1 : i32
        %swap3A_860 = arith.index_cast %swap3A_859 : i32 to index
        %swap3A_861 = arith.index_cast %add3A_858 : i32 to index
        %swap3A_862 = tpu.vector_load %arg7[%swap3A_860, %swap3A_861] {strides = array<i32>} : memref<2x32768xf32, #tpu.memory_space<vmem>>, vector<16xf32>,
        tpu.vector_store %arg7[%swap3A_860, %swap3A_861], %gather3A_854 {strides = array<i32>} : memref<2x32768xf32, #tpu.memory_space<vmem>>, vector<16xf32>,
        %add3A_863 = arith.constant 256 : i32
        %add3A_864 = vector.broadcast %add3A_863 : i32 to vector<16xi32>
        %add3A_865 = arith.addi %get3A_816, %add3A_864 : vector<16xi32>
        %gather3A_866 = tpu.vector_load_idx %arg5[%add3A_865] : memref<1024xf32, #tpu.memory_space<vmem>>[vector<16xi32>], vector<16xf32>,
        %mul3A_867 = arith.constant 16 : i32
        %mul3A_868 = arith.muli %scan3A_811, %mul3A_867 : i32
        %add3A_869 = arith.constant 8192 : i32
        %add3A_870 = arith.addi %add3A_869, %mul3A_868 : i32
        %swap3A_871 = arith.constant 1 : i32
        %swap3A_872 = arith.index_cast %swap3A_871 : i32 to index
        %swap3A_873 = arith.index_cast %add3A_870 : i32 to index
        %swap3A_874 = tpu.vector_load %arg7[%swap3A_872, %swap3A_873] {strides = array<i32>} : memref<2x32768xf32, #tpu.memory_space<vmem>>, vector<16xf32>,
        tpu.vector_store %arg7[%swap3A_872, %swap3A_873], %gather3A_866 {strides = array<i32>} : memref<2x32768xf32, #tpu.memory_space<vmem>>, vector<16xf32>,
        %add3A_875 = arith.constant 320 : i32
        %add3A_876 = vector.broadcast %add3A_875 : i32 to vector<16xi32>
        %add3A_877 = arith.addi %get3A_816, %add3A_876 : vector<16xi32>
        %gather3A_878 = tpu.vector_load_idx %arg5[%add3A_877] : memref<1024xf32, #tpu.memory_space<vmem>>[vector<16xi32>], vector<16xf32>,
        %mul3A_879 = arith.constant 16 : i32
        %mul3A_880 = arith.muli %scan3A_811, %mul3A_879 : i32
        %add3A_881 = arith.constant 10240 : i32
        %add3A_882 = arith.addi %add3A_881, %mul3A_880 : i32
        %swap3A_883 = arith.constant 1 : i32
        %swap3A_884 = arith.index_cast %swap3A_883 : i32 to index
        %swap3A_885 = arith.index_cast %add3A_882 : i32 to index
        %swap3A_886 = tpu.vector_load %arg7[%swap3A_884, %swap3A_885] {strides = array<i32>} : memref<2x32768xf32, #tpu.memory_space<vmem>>, vector<16xf32>,
        tpu.vector_store %arg7[%swap3A_884, %swap3A_885], %gather3A_878 {strides = array<i32>} : memref<2x32768xf32, #tpu.memory_space<vmem>>, vector<16xf32>,
        %add3A_887 = arith.constant 384 : i32
        %add3A_888 = vector.broadcast %add3A_887 : i32 to vector<16xi32>
        %add3A_889 = arith.addi %get3A_816, %add3A_888 : vector<16xi32>
        %gather3A_890 = tpu.vector_load_idx %arg5[%add3A_889] : memref<1024xf32, #tpu.memory_space<vmem>>[vector<16xi32>], vector<16xf32>,
        %mul3A_891 = arith.constant 16 : i32
        %mul3A_892 = arith.muli %scan3A_811, %mul3A_891 : i32
        %add3A_893 = arith.constant 12288 : i32
        %add3A_894 = arith.addi %add3A_893, %mul3A_892 : i32
        %swap3A_895 = arith.constant 1 : i32
        %swap3A_896 = arith.index_cast %swap3A_895 : i32 to index
        %swap3A_897 = arith.index_cast %add3A_894 : i32 to index
        %swap3A_898 = tpu.vector_load %arg7[%swap3A_896, %swap3A_897] {strides = array<i32>} : memref<2x32768xf32, #tpu.memory_space<vmem>>, vector<16xf32>,
        tpu.vector_store %arg7[%swap3A_896, %swap3A_897], %gather3A_890 {strides = array<i32>} : memref<2x32768xf32, #tpu.memory_space<vmem>>, vector<16xf32>,
        %add3A_899 = arith.constant 448 : i32
        %add3A_900 = vector.broadcast %add3A_899 : i32 to vector<16xi32>
        %add3A_901 = arith.addi %get3A_816, %add3A_900 : vector<16xi32>
        %gather3A_902 = tpu.vector_load_idx %arg5[%add3A_901] : memref<1024xf32, #tpu.memory_space<vmem>>[vector<16xi32>], vector<16xf32>,
        %mul3A_903 = arith.constant 16 : i32
        %mul3A_904 = arith.muli %scan3A_811, %mul3A_903 : i32
        %add3A_905 = arith.constant 14336 : i32
        %add3A_906 = arith.addi %add3A_905, %mul3A_904 : i32
        %swap3A_907 = arith.constant 1 : i32
        %swap3A_908 = arith.index_cast %swap3A_907 : i32 to index
        %swap3A_909 = arith.index_cast %add3A_906 : i32 to index
        %swap3A_910 = tpu.vector_load %arg7[%swap3A_908, %swap3A_909] {strides = array<i32>} : memref<2x32768xf32, #tpu.memory_space<vmem>>, vector<16xf32>,
        tpu.vector_store %arg7[%swap3A_908, %swap3A_909], %gather3A_902 {strides = array<i32>} : memref<2x32768xf32, #tpu.memory_space<vmem>>, vector<16xf32>,
        %add3A_911 = arith.constant 512 : i32
        %add3A_912 = vector.broadcast %add3A_911 : i32 to vector<16xi32>
        %add3A_913 = arith.addi %get3A_816, %add3A_912 : vector<16xi32>
        %gather3A_914 = tpu.vector_load_idx %arg5[%add3A_913] : memref<1024xf32, #tpu.memory_space<vmem>>[vector<16xi32>], vector<16xf32>,
        %mul3A_915 = arith.constant 16 : i32
        %mul3A_916 = arith.muli %scan3A_811, %mul3A_915 : i32
        %add3A_917 = arith.constant 16384 : i32
        %add3A_918 = arith.addi %add3A_917, %mul3A_916 : i32
        %swap3A_919 = arith.constant 1 : i32
        %swap3A_920 = arith.index_cast %swap3A_919 : i32 to index
        %swap3A_921 = arith.index_cast %add3A_918 : i32 to index
        %swap3A_922 = tpu.vector_load %arg7[%swap3A_920, %swap3A_921] {strides = array<i32>} : memref<2x32768xf32, #tpu.memory_space<vmem>>, vector<16xf32>,
        tpu.vector_store %arg7[%swap3A_920, %swap3A_921], %gather3A_914 {strides = array<i32>} : memref<2x32768xf32, #tpu.memory_space<vmem>>, vector<16xf32>,
        %add3A_923 = arith.constant 576 : i32
        %add3A_924 = vector.broadcast %add3A_923 : i32 to vector<16xi32>
        %add3A_925 = arith.addi %get3A_816, %add3A_924 : vector<16xi32>
        %gather3A_926 = tpu.vector_load_idx %arg5[%add3A_925] : memref<1024xf32, #tpu.memory_space<vmem>>[vector<16xi32>], vector<16xf32>,
        %mul3A_927 = arith.constant 16 : i32
        %mul3A_928 = arith.muli %scan3A_811, %mul3A_927 : i32
        %add3A_929 = arith.constant 18432 : i32
        %add3A_930 = arith.addi %add3A_929, %mul3A_928 : i32
        %swap3A_931 = arith.constant 1 : i32
        %swap3A_932 = arith.index_cast %swap3A_931 : i32 to index
        %swap3A_933 = arith.index_cast %add3A_930 : i32 to index
        %swap3A_934 = tpu.vector_load %arg7[%swap3A_932, %swap3A_933] {strides = array<i32>} : memref<2x32768xf32, #tpu.memory_space<vmem>>, vector<16xf32>,
        tpu.vector_store %arg7[%swap3A_932, %swap3A_933], %gather3A_926 {strides = array<i32>} : memref<2x32768xf32, #tpu.memory_space<vmem>>, vector<16xf32>,
        %add3A_935 = arith.constant 640 : i32
        %add3A_936 = vector.broadcast %add3A_935 : i32 to vector<16xi32>
        %add3A_937 = arith.addi %get3A_816, %add3A_936 : vector<16xi32>
        %gather3A_938 = tpu.vector_load_idx %arg5[%add3A_937] : memref<1024xf32, #tpu.memory_space<vmem>>[vector<16xi32>], vector<16xf32>,
        %mul3A_939 = arith.constant 16 : i32
        %mul3A_940 = arith.muli %scan3A_811, %mul3A_939 : i32
        %add3A_941 = arith.constant 20480 : i32
        %add3A_942 = arith.addi %add3A_941, %mul3A_940 : i32
        %swap3A_943 = arith.constant 1 : i32
        %swap3A_944 = arith.index_cast %swap3A_943 : i32 to index
        %swap3A_945 = arith.index_cast %add3A_942 : i32 to index
        %swap3A_946 = tpu.vector_load %arg7[%swap3A_944, %swap3A_945] {strides = array<i32>} : memref<2x32768xf32, #tpu.memory_space<vmem>>, vector<16xf32>,
        tpu.vector_store %arg7[%swap3A_944, %swap3A_945], %gather3A_938 {strides = array<i32>} : memref<2x32768xf32, #tpu.memory_space<vmem>>, vector<16xf32>,
        %add3A_947 = arith.constant 704 : i32
        %add3A_948 = vector.broadcast %add3A_947 : i32 to vector<16xi32>
        %add3A_949 = arith.addi %get3A_816, %add3A_948 : vector<16xi32>
        %gather3A_950 = tpu.vector_load_idx %arg5[%add3A_949] : memref<1024xf32, #tpu.memory_space<vmem>>[vector<16xi32>], vector<16xf32>,
        %mul3A_951 = arith.constant 16 : i32
        %mul3A_952 = arith.muli %scan3A_811, %mul3A_951 : i32
        %add3A_953 = arith.constant 22528 : i32
        %add3A_954 = arith.addi %add3A_953, %mul3A_952 : i32
        %swap3A_955 = arith.constant 1 : i32
        %swap3A_956 = arith.index_cast %swap3A_955 : i32 to index
        %swap3A_957 = arith.index_cast %add3A_954 : i32 to index
        %swap3A_958 = tpu.vector_load %arg7[%swap3A_956, %swap3A_957] {strides = array<i32>} : memref<2x32768xf32, #tpu.memory_space<vmem>>, vector<16xf32>,
        tpu.vector_store %arg7[%swap3A_956, %swap3A_957], %gather3A_950 {strides = array<i32>} : memref<2x32768xf32, #tpu.memory_space<vmem>>, vector<16xf32>,
        %add3A_959 = arith.constant 768 : i32
        %add3A_960 = vector.broadcast %add3A_959 : i32 to vector<16xi32>
        %add3A_961 = arith.addi %get3A_816, %add3A_960 : vector<16xi32>
        %gather3A_962 = tpu.vector_load_idx %arg5[%add3A_961] : memref<1024xf32, #tpu.memory_space<vmem>>[vector<16xi32>], vector<16xf32>,
        %mul3A_963 = arith.constant 16 : i32
        %mul3A_964 = arith.muli %scan3A_811, %mul3A_963 : i32
        %add3A_965 = arith.constant 24576 : i32
        %add3A_966 = arith.addi %add3A_965, %mul3A_964 : i32
        %swap3A_967 = arith.constant 1 : i32
        %swap3A_968 = arith.index_cast %swap3A_967 : i32 to index
        %swap3A_969 = arith.index_cast %add3A_966 : i32 to index
        %swap3A_970 = tpu.vector_load %arg7[%swap3A_968, %swap3A_969] {strides = array<i32>} : memref<2x32768xf32, #tpu.memory_space<vmem>>, vector<16xf32>,
        tpu.vector_store %arg7[%swap3A_968, %swap3A_969], %gather3A_962 {strides = array<i32>} : memref<2x32768xf32, #tpu.memory_space<vmem>>, vector<16xf32>,
        %add3A_971 = arith.constant 832 : i32
        %add3A_972 = vector.broadcast %add3A_971 : i32 to vector<16xi32>
        %add3A_973 = arith.addi %get3A_816, %add3A_972 : vector<16xi32>
        %gather3A_974 = tpu.vector_load_idx %arg5[%add3A_973] : memref<1024xf32, #tpu.memory_space<vmem>>[vector<16xi32>], vector<16xf32>,
        %mul3A_975 = arith.constant 16 : i32
        %mul3A_976 = arith.muli %scan3A_811, %mul3A_975 : i32
        %add3A_977 = arith.constant 26624 : i32
        %add3A_978 = arith.addi %add3A_977, %mul3A_976 : i32
        %swap3A_979 = arith.constant 1 : i32
        %swap3A_980 = arith.index_cast %swap3A_979 : i32 to index
        %swap3A_981 = arith.index_cast %add3A_978 : i32 to index
        %swap3A_982 = tpu.vector_load %arg7[%swap3A_980, %swap3A_981] {strides = array<i32>} : memref<2x32768xf32, #tpu.memory_space<vmem>>, vector<16xf32>,
        tpu.vector_store %arg7[%swap3A_980, %swap3A_981], %gather3A_974 {strides = array<i32>} : memref<2x32768xf32, #tpu.memory_space<vmem>>, vector<16xf32>,
        %add3A_983 = arith.constant 896 : i32
        %add3A_984 = vector.broadcast %add3A_983 : i32 to vector<16xi32>
        %add3A_985 = arith.addi %get3A_816, %add3A_984 : vector<16xi32>
        %gather3A_986 = tpu.vector_load_idx %arg5[%add3A_985] : memref<1024xf32, #tpu.memory_space<vmem>>[vector<16xi32>], vector<16xf32>,
        %mul3A_987 = arith.constant 16 : i32
        %mul3A_988 = arith.muli %scan3A_811, %mul3A_987 : i32
        %add3A_989 = arith.constant 28672 : i32
        %add3A_990 = arith.addi %add3A_989, %mul3A_988 : i32
        %swap3A_991 = arith.constant 1 : i32
        %swap3A_992 = arith.index_cast %swap3A_991 : i32 to index
        %swap3A_993 = arith.index_cast %add3A_990 : i32 to index
        %swap3A_994 = tpu.vector_load %arg7[%swap3A_992, %swap3A_993] {strides = array<i32>} : memref<2x32768xf32, #tpu.memory_space<vmem>>, vector<16xf32>,
        tpu.vector_store %arg7[%swap3A_992, %swap3A_993], %gather3A_986 {strides = array<i32>} : memref<2x32768xf32, #tpu.memory_space<vmem>>, vector<16xf32>,
        %add3A_995 = arith.constant 960 : i32
        %add3A_996 = vector.broadcast %add3A_995 : i32 to vector<16xi32>
        %add3A_997 = arith.addi %get3A_816, %add3A_996 : vector<16xi32>
        %gather3A_998 = tpu.vector_load_idx %arg5[%add3A_997] : memref<1024xf32, #tpu.memory_space<vmem>>[vector<16xi32>], vector<16xf32>,
        %mul3A_999 = arith.constant 16 : i32
        %mul3A_1000 = arith.muli %scan3A_811, %mul3A_999 : i32
        %add3A_1001 = arith.constant 30720 : i32
        %add3A_1002 = arith.addi %add3A_1001, %mul3A_1000 : i32
        %swap3A_1003 = arith.constant 1 : i32
        %swap3A_1004 = arith.index_cast %swap3A_1003 : i32 to index
        %swap3A_1005 = arith.index_cast %add3A_1002 : i32 to index
        %swap3A_1006 = tpu.vector_load %arg7[%swap3A_1004, %swap3A_1005] {strides = array<i32>} : memref<2x32768xf32, #tpu.memory_space<vmem>>, vector<16xf32>,
        tpu.vector_store %arg7[%swap3A_1004, %swap3A_1005], %gather3A_998 {strides = array<i32>} : memref<2x32768xf32, #tpu.memory_space<vmem>>, vector<16xf32>,
        %scan3A_1007 = arith.constant 1 : i32
        %scan3A_1008 = arith.addi %scan3A_811, %scan3A_1007 : i32
        %mul3A_1009 = arith.constant 16 : i32
        %mul3A_1010 = arith.muli %scan3A_1008, %mul3A_1009 : i32
        %get3A_1011 = arith.constant 1 : i32
        %get3A_1012 = arith.index_cast %get3A_1011 : i32 to index
        %get3A_1013 = arith.index_cast %mul3A_1010 : i32 to index
        %get3A_1014 = tpu.vector_load %arg6[%get3A_1012, %get3A_1013] {strides = array<i32>} : memref<2x2048xi32, #tpu.memory_space<vmem>>, vector<16xi32>,
        %add3A_1015 = arith.constant 0 : i32
        %add3A_1016 = vector.broadcast %add3A_1015 : i32 to vector<16xi32>
        %add3A_1017 = arith.addi %get3A_1014, %add3A_1016 : vector<16xi32>
        %gather3A_1018 = tpu.vector_load_idx %arg5[%add3A_1017] : memref<1024xf32, #tpu.memory_space<vmem>>[vector<16xi32>], vector<16xf32>,
        %mul3A_1019 = arith.constant 16 : i32
        %mul3A_1020 = arith.muli %scan3A_1008, %mul3A_1019 : i32
        %add3A_1021 = arith.constant 0 : i32
        %add3A_1022 = arith.addi %add3A_1021, %mul3A_1020 : i32
        %swap3A_1023 = arith.constant 1 : i32
        %swap3A_1024 = arith.index_cast %swap3A_1023 : i32 to index
        %swap3A_1025 = arith.index_cast %add3A_1022 : i32 to index
        %swap3A_1026 = tpu.vector_load %arg7[%swap3A_1024, %swap3A_1025] {strides = array<i32>} : memref<2x32768xf32, #tpu.memory_space<vmem>>, vector<16xf32>,
        tpu.vector_store %arg7[%swap3A_1024, %swap3A_1025], %gather3A_1018 {strides = array<i32>} : memref<2x32768xf32, #tpu.memory_space<vmem>>, vector<16xf32>,
        %add3A_1027 = arith.constant 64 : i32
        %add3A_1028 = vector.broadcast %add3A_1027 : i32 to vector<16xi32>
        %add3A_1029 = arith.addi %get3A_1014, %add3A_1028 : vector<16xi32>
        %gather3A_1030 = tpu.vector_load_idx %arg5[%add3A_1029] : memref<1024xf32, #tpu.memory_space<vmem>>[vector<16xi32>], vector<16xf32>,
        %mul3A_1031 = arith.constant 16 : i32
        %mul3A_1032 = arith.muli %scan3A_1008, %mul3A_1031 : i32
        %add3A_1033 = arith.constant 2048 : i32
        %add3A_1034 = arith.addi %add3A_1033, %mul3A_1032 : i32
        %swap3A_1035 = arith.constant 1 : i32
        %swap3A_1036 = arith.index_cast %swap3A_1035 : i32 to index
        %swap3A_1037 = arith.index_cast %add3A_1034 : i32 to index
        %swap3A_1038 = tpu.vector_load %arg7[%swap3A_1036, %swap3A_1037] {strides = array<i32>} : memref<2x32768xf32, #tpu.memory_space<vmem>>, vector<16xf32>,
        tpu.vector_store %arg7[%swap3A_1036, %swap3A_1037], %gather3A_1030 {strides = array<i32>} : memref<2x32768xf32, #tpu.memory_space<vmem>>, vector<16xf32>,
        %add3A_1039 = arith.constant 128 : i32
        %add3A_1040 = vector.broadcast %add3A_1039 : i32 to vector<16xi32>
        %add3A_1041 = arith.addi %get3A_1014, %add3A_1040 : vector<16xi32>
        %gather3A_1042 = tpu.vector_load_idx %arg5[%add3A_1041] : memref<1024xf32, #tpu.memory_space<vmem>>[vector<16xi32>], vector<16xf32>,
        %mul3A_1043 = arith.constant 16 : i32
        %mul3A_1044 = arith.muli %scan3A_1008, %mul3A_1043 : i32
        %add3A_1045 = arith.constant 4096 : i32
        %add3A_1046 = arith.addi %add3A_1045, %mul3A_1044 : i32
        %swap3A_1047 = arith.constant 1 : i32
        %swap3A_1048 = arith.index_cast %swap3A_1047 : i32 to index
        %swap3A_1049 = arith.index_cast %add3A_1046 : i32 to index
        %swap3A_1050 = tpu.vector_load %arg7[%swap3A_1048, %swap3A_1049] {strides = array<i32>} : memref<2x32768xf32, #tpu.memory_space<vmem>>, vector<16xf32>,
        tpu.vector_store %arg7[%swap3A_1048, %swap3A_1049], %gather3A_1042 {strides = array<i32>} : memref<2x32768xf32, #tpu.memory_space<vmem>>, vector<16xf32>,
        %add3A_1051 = arith.constant 192 : i32
        %add3A_1052 = vector.broadcast %add3A_1051 : i32 to vector<16xi32>
        %add3A_1053 = arith.addi %get3A_1014, %add3A_1052 : vector<16xi32>
        %gather3A_1054 = tpu.vector_load_idx %arg5[%add3A_1053] : memref<1024xf32, #tpu.memory_space<vmem>>[vector<16xi32>], vector<16xf32>,
        %mul3A_1055 = arith.constant 16 : i32
        %mul3A_1056 = arith.muli %scan3A_1008, %mul3A_1055 : i32
        %add3A_1057 = arith.constant 6144 : i32
        %add3A_1058 = arith.addi %add3A_1057, %mul3A_1056 : i32
        %swap3A_1059 = arith.constant 1 : i32
        %swap3A_1060 = arith.index_cast %swap3A_1059 : i32 to index
        %swap3A_1061 = arith.index_cast %add3A_1058 : i32 to index
        %swap3A_1062 = tpu.vector_load %arg7[%swap3A_1060, %swap3A_1061] {strides = array<i32>} : memref<2x32768xf32, #tpu.memory_space<vmem>>, vector<16xf32>,
        tpu.vector_store %arg7[%swap3A_1060, %swap3A_1061], %gather3A_1054 {strides = array<i32>} : memref<2x32768xf32, #tpu.memory_space<vmem>>, vector<16xf32>,
        %add3A_1063 = arith.constant 256 : i32
        %add3A_1064 = vector.broadcast %add3A_1063 : i32 to vector<16xi32>
        %add3A_1065 = arith.addi %get3A_1014, %add3A_1064 : vector<16xi32>
        %gather3A_1066 = tpu.vector_load_idx %arg5[%add3A_1065] : memref<1024xf32, #tpu.memory_space<vmem>>[vector<16xi32>], vector<16xf32>,
        %mul3A_1067 = arith.constant 16 : i32
        %mul3A_1068 = arith.muli %scan3A_1008, %mul3A_1067 : i32
        %add3A_1069 = arith.constant 8192 : i32
        %add3A_1070 = arith.addi %add3A_1069, %mul3A_1068 : i32
        %swap3A_1071 = arith.constant 1 : i32
        %swap3A_1072 = arith.index_cast %swap3A_1071 : i32 to index
        %swap3A_1073 = arith.index_cast %add3A_1070 : i32 to index
        %swap3A_1074 = tpu.vector_load %arg7[%swap3A_1072, %swap3A_1073] {strides = array<i32>} : memref<2x32768xf32, #tpu.memory_space<vmem>>, vector<16xf32>,
        tpu.vector_store %arg7[%swap3A_1072, %swap3A_1073], %gather3A_1066 {strides = array<i32>} : memref<2x32768xf32, #tpu.memory_space<vmem>>, vector<16xf32>,
        %add3A_1075 = arith.constant 320 : i32
        %add3A_1076 = vector.broadcast %add3A_1075 : i32 to vector<16xi32>
        %add3A_1077 = arith.addi %get3A_1014, %add3A_1076 : vector<16xi32>
        %gather3A_1078 = tpu.vector_load_idx %arg5[%add3A_1077] : memref<1024xf32, #tpu.memory_space<vmem>>[vector<16xi32>], vector<16xf32>,
        %mul3A_1079 = arith.constant 16 : i32
        %mul3A_1080 = arith.muli %scan3A_1008, %mul3A_1079 : i32
        %add3A_1081 = arith.constant 10240 : i32
        %add3A_1082 = arith.addi %add3A_1081, %mul3A_1080 : i32
        %swap3A_1083 = arith.constant 1 : i32
        %swap3A_1084 = arith.index_cast %swap3A_1083 : i32 to index
        %swap3A_1085 = arith.index_cast %add3A_1082 : i32 to index
        %swap3A_1086 = tpu.vector_load %arg7[%swap3A_1084, %swap3A_1085] {strides = array<i32>} : memref<2x32768xf32, #tpu.memory_space<vmem>>, vector<16xf32>,
        tpu.vector_store %arg7[%swap3A_1084, %swap3A_1085], %gather3A_1078 {strides = array<i32>} : memref<2x32768xf32, #tpu.memory_space<vmem>>, vector<16xf32>,
        %add3A_1087 = arith.constant 384 : i32
        %add3A_1088 = vector.broadcast %add3A_1087 : i32 to vector<16xi32>
        %add3A_1089 = arith.addi %get3A_1014, %add3A_1088 : vector<16xi32>
        %gather3A_1090 = tpu.vector_load_idx %arg5[%add3A_1089] : memref<1024xf32, #tpu.memory_space<vmem>>[vector<16xi32>], vector<16xf32>,
        %mul3A_1091 = arith.constant 16 : i32
        %mul3A_1092 = arith.muli %scan3A_1008, %mul3A_1091 : i32
        %add3A_1093 = arith.constant 12288 : i32
        %add3A_1094 = arith.addi %add3A_1093, %mul3A_1092 : i32
        %swap3A_1095 = arith.constant 1 : i32
        %swap3A_1096 = arith.index_cast %swap3A_1095 : i32 to index
        %swap3A_1097 = arith.index_cast %add3A_1094 : i32 to index
        %swap3A_1098 = tpu.vector_load %arg7[%swap3A_1096, %swap3A_1097] {strides = array<i32>} : memref<2x32768xf32, #tpu.memory_space<vmem>>, vector<16xf32>,
        tpu.vector_store %arg7[%swap3A_1096, %swap3A_1097], %gather3A_1090 {strides = array<i32>} : memref<2x32768xf32, #tpu.memory_space<vmem>>, vector<16xf32>,
        %add3A_1099 = arith.constant 448 : i32
        %add3A_1100 = vector.broadcast %add3A_1099 : i32 to vector<16xi32>
        %add3A_1101 = arith.addi %get3A_1014, %add3A_1100 : vector<16xi32>
        %gather3A_1102 = tpu.vector_load_idx %arg5[%add3A_1101] : memref<1024xf32, #tpu.memory_space<vmem>>[vector<16xi32>], vector<16xf32>,
        %mul3A_1103 = arith.constant 16 : i32
        %mul3A_1104 = arith.muli %scan3A_1008, %mul3A_1103 : i32
        %add3A_1105 = arith.constant 14336 : i32
        %add3A_1106 = arith.addi %add3A_1105, %mul3A_1104 : i32
        %swap3A_1107 = arith.constant 1 : i32
        %swap3A_1108 = arith.index_cast %swap3A_1107 : i32 to index
        %swap3A_1109 = arith.index_cast %add3A_1106 : i32 to index
        %swap3A_1110 = tpu.vector_load %arg7[%swap3A_1108, %swap3A_1109] {strides = array<i32>} : memref<2x32768xf32, #tpu.memory_space<vmem>>, vector<16xf32>,
        tpu.vector_store %arg7[%swap3A_1108, %swap3A_1109], %gather3A_1102 {strides = array<i32>} : memref<2x32768xf32, #tpu.memory_space<vmem>>, vector<16xf32>,
        %add3A_1111 = arith.constant 512 : i32
        %add3A_1112 = vector.broadcast %add3A_1111 : i32 to vector<16xi32>
        %add3A_1113 = arith.addi %get3A_1014, %add3A_1112 : vector<16xi32>
        %gather3A_1114 = tpu.vector_load_idx %arg5[%add3A_1113] : memref<1024xf32, #tpu.memory_space<vmem>>[vector<16xi32>], vector<16xf32>,
        %mul3A_1115 = arith.constant 16 : i32
        %mul3A_1116 = arith.muli %scan3A_1008, %mul3A_1115 : i32
        %add3A_1117 = arith.constant 16384 : i32
        %add3A_1118 = arith.addi %add3A_1117, %mul3A_1116 : i32
        %swap3A_1119 = arith.constant 1 : i32
        %swap3A_1120 = arith.index_cast %swap3A_1119 : i32 to index
        %swap3A_1121 = arith.index_cast %add3A_1118 : i32 to index
        %swap3A_1122 = tpu.vector_load %arg7[%swap3A_1120, %swap3A_1121] {strides = array<i32>} : memref<2x32768xf32, #tpu.memory_space<vmem>>, vector<16xf32>,
        tpu.vector_store %arg7[%swap3A_1120, %swap3A_1121], %gather3A_1114 {strides = array<i32>} : memref<2x32768xf32, #tpu.memory_space<vmem>>, vector<16xf32>,
        %add3A_1123 = arith.constant 576 : i32
        %add3A_1124 = vector.broadcast %add3A_1123 : i32 to vector<16xi32>
        %add3A_1125 = arith.addi %get3A_1014, %add3A_1124 : vector<16xi32>
        %gather3A_1126 = tpu.vector_load_idx %arg5[%add3A_1125] : memref<1024xf32, #tpu.memory_space<vmem>>[vector<16xi32>], vector<16xf32>,
        %mul3A_1127 = arith.constant 16 : i32
        %mul3A_1128 = arith.muli %scan3A_1008, %mul3A_1127 : i32
        %add3A_1129 = arith.constant 18432 : i32
        %add3A_1130 = arith.addi %add3A_1129, %mul3A_1128 : i32
        %swap3A_1131 = arith.constant 1 : i32
        %swap3A_1132 = arith.index_cast %swap3A_1131 : i32 to index
        %swap3A_1133 = arith.index_cast %add3A_1130 : i32 to index
        %swap3A_1134 = tpu.vector_load %arg7[%swap3A_1132, %swap3A_1133] {strides = array<i32>} : memref<2x32768xf32, #tpu.memory_space<vmem>>, vector<16xf32>,
        tpu.vector_store %arg7[%swap3A_1132, %swap3A_1133], %gather3A_1126 {strides = array<i32>} : memref<2x32768xf32, #tpu.memory_space<vmem>>, vector<16xf32>,
        %add3A_1135 = arith.constant 640 : i32
        %add3A_1136 = vector.broadcast %add3A_1135 : i32 to vector<16xi32>
        %add3A_1137 = arith.addi %get3A_1014, %add3A_1136 : vector<16xi32>
        %gather3A_1138 = tpu.vector_load_idx %arg5[%add3A_1137] : memref<1024xf32, #tpu.memory_space<vmem>>[vector<16xi32>], vector<16xf32>,
        %mul3A_1139 = arith.constant 16 : i32
        %mul3A_1140 = arith.muli %scan3A_1008, %mul3A_1139 : i32
        %add3A_1141 = arith.constant 20480 : i32
        %add3A_1142 = arith.addi %add3A_1141, %mul3A_1140 : i32
        %swap3A_1143 = arith.constant 1 : i32
        %swap3A_1144 = arith.index_cast %swap3A_1143 : i32 to index
        %swap3A_1145 = arith.index_cast %add3A_1142 : i32 to index
        %swap3A_1146 = tpu.vector_load %arg7[%swap3A_1144, %swap3A_1145] {strides = array<i32>} : memref<2x32768xf32, #tpu.memory_space<vmem>>, vector<16xf32>,
        tpu.vector_store %arg7[%swap3A_1144, %swap3A_1145], %gather3A_1138 {strides = array<i32>} : memref<2x32768xf32, #tpu.memory_space<vmem>>, vector<16xf32>,
        %add3A_1147 = arith.constant 704 : i32
        %add3A_1148 = vector.broadcast %add3A_1147 : i32 to vector<16xi32>
        %add3A_1149 = arith.addi %get3A_1014, %add3A_1148 : vector<16xi32>
        %gather3A_1150 = tpu.vector_load_idx %arg5[%add3A_1149] : memref<1024xf32, #tpu.memory_space<vmem>>[vector<16xi32>], vector<16xf32>,
        %mul3A_1151 = arith.constant 16 : i32
        %mul3A_1152 = arith.muli %scan3A_1008, %mul3A_1151 : i32
        %add3A_1153 = arith.constant 22528 : i32
        %add3A_1154 = arith.addi %add3A_1153, %mul3A_1152 : i32
        %swap3A_1155 = arith.constant 1 : i32
        %swap3A_1156 = arith.index_cast %swap3A_1155 : i32 to index
        %swap3A_1157 = arith.index_cast %add3A_1154 : i32 to index
        %swap3A_1158 = tpu.vector_load %arg7[%swap3A_1156, %swap3A_1157] {strides = array<i32>} : memref<2x32768xf32, #tpu.memory_space<vmem>>, vector<16xf32>,
        tpu.vector_store %arg7[%swap3A_1156, %swap3A_1157], %gather3A_1150 {strides = array<i32>} : memref<2x32768xf32, #tpu.memory_space<vmem>>, vector<16xf32>,
        %add3A_1159 = arith.constant 768 : i32
        %add3A_1160 = vector.broadcast %add3A_1159 : i32 to vector<16xi32>
        %add3A_1161 = arith.addi %get3A_1014, %add3A_1160 : vector<16xi32>
        %gather3A_1162 = tpu.vector_load_idx %arg5[%add3A_1161] : memref<1024xf32, #tpu.memory_space<vmem>>[vector<16xi32>], vector<16xf32>,
        %mul3A_1163 = arith.constant 16 : i32
        %mul3A_1164 = arith.muli %scan3A_1008, %mul3A_1163 : i32
        %add3A_1165 = arith.constant 24576 : i32
        %add3A_1166 = arith.addi %add3A_1165, %mul3A_1164 : i32
        %swap3A_1167 = arith.constant 1 : i32
        %swap3A_1168 = arith.index_cast %swap3A_1167 : i32 to index
        %swap3A_1169 = arith.index_cast %add3A_1166 : i32 to index
        %swap3A_1170 = tpu.vector_load %arg7[%swap3A_1168, %swap3A_1169] {strides = array<i32>} : memref<2x32768xf32, #tpu.memory_space<vmem>>, vector<16xf32>,
        tpu.vector_store %arg7[%swap3A_1168, %swap3A_1169], %gather3A_1162 {strides = array<i32>} : memref<2x32768xf32, #tpu.memory_space<vmem>>, vector<16xf32>,
        %add3A_1171 = arith.constant 832 : i32
        %add3A_1172 = vector.broadcast %add3A_1171 : i32 to vector<16xi32>
        %add3A_1173 = arith.addi %get3A_1014, %add3A_1172 : vector<16xi32>
        %gather3A_1174 = tpu.vector_load_idx %arg5[%add3A_1173] : memref<1024xf32, #tpu.memory_space<vmem>>[vector<16xi32>], vector<16xf32>,
        %mul3A_1175 = arith.constant 16 : i32
        %mul3A_1176 = arith.muli %scan3A_1008, %mul3A_1175 : i32
        %add3A_1177 = arith.constant 26624 : i32
        %add3A_1178 = arith.addi %add3A_1177, %mul3A_1176 : i32
        %swap3A_1179 = arith.constant 1 : i32
        %swap3A_1180 = arith.index_cast %swap3A_1179 : i32 to index
        %swap3A_1181 = arith.index_cast %add3A_1178 : i32 to index
        %swap3A_1182 = tpu.vector_load %arg7[%swap3A_1180, %swap3A_1181] {strides = array<i32>} : memref<2x32768xf32, #tpu.memory_space<vmem>>, vector<16xf32>,
        tpu.vector_store %arg7[%swap3A_1180, %swap3A_1181], %gather3A_1174 {strides = array<i32>} : memref<2x32768xf32, #tpu.memory_space<vmem>>, vector<16xf32>,
        %add3A_1183 = arith.constant 896 : i32
        %add3A_1184 = vector.broadcast %add3A_1183 : i32 to vector<16xi32>
        %add3A_1185 = arith.addi %get3A_1014, %add3A_1184 : vector<16xi32>
        %gather3A_1186 = tpu.vector_load_idx %arg5[%add3A_1185] : memref<1024xf32, #tpu.memory_space<vmem>>[vector<16xi32>], vector<16xf32>,
        %mul3A_1187 = arith.constant 16 : i32
        %mul3A_1188 = arith.muli %scan3A_1008, %mul3A_1187 : i32
        %add3A_1189 = arith.constant 28672 : i32
        %add3A_1190 = arith.addi %add3A_1189, %mul3A_1188 : i32
        %swap3A_1191 = arith.constant 1 : i32
        %swap3A_1192 = arith.index_cast %swap3A_1191 : i32 to index
        %swap3A_1193 = arith.index_cast %add3A_1190 : i32 to index
        %swap3A_1194 = tpu.vector_load %arg7[%swap3A_1192, %swap3A_1193] {strides = array<i32>} : memref<2x32768xf32, #tpu.memory_space<vmem>>, vector<16xf32>,
        tpu.vector_store %arg7[%swap3A_1192, %swap3A_1193], %gather3A_1186 {strides = array<i32>} : memref<2x32768xf32, #tpu.memory_space<vmem>>, vector<16xf32>,
        %add3A_1195 = arith.constant 960 : i32
        %add3A_1196 = vector.broadcast %add3A_1195 : i32 to vector<16xi32>
        %add3A_1197 = arith.addi %get3A_1014, %add3A_1196 : vector<16xi32>
        %gather3A_1198 = tpu.vector_load_idx %arg5[%add3A_1197] : memref<1024xf32, #tpu.memory_space<vmem>>[vector<16xi32>], vector<16xf32>,
        %mul3A_1199 = arith.constant 16 : i32
        %mul3A_1200 = arith.muli %scan3A_1008, %mul3A_1199 : i32
        %add3A_1201 = arith.constant 30720 : i32
        %add3A_1202 = arith.addi %add3A_1201, %mul3A_1200 : i32
        %swap3A_1203 = arith.constant 1 : i32
        %swap3A_1204 = arith.index_cast %swap3A_1203 : i32 to index
        %swap3A_1205 = arith.index_cast %add3A_1202 : i32 to index
        %swap3A_1206 = tpu.vector_load %arg7[%swap3A_1204, %swap3A_1205] {strides = array<i32>} : memref<2x32768xf32, #tpu.memory_space<vmem>>, vector<16xf32>,
        tpu.vector_store %arg7[%swap3A_1204, %swap3A_1205], %gather3A_1198 {strides = array<i32>} : memref<2x32768xf32, #tpu.memory_space<vmem>>, vector<16xf32>,
        %scan3A_1207 = arith.constant 2 : i32
        %scan3A_1208 = arith.addi %scan3A_811, %scan3A_1207 : i32
        %mul3A_1209 = arith.constant 16 : i32
        %mul3A_1210 = arith.muli %scan3A_1208, %mul3A_1209 : i32
        %get3A_1211 = arith.constant 1 : i32
        %get3A_1212 = arith.index_cast %get3A_1211 : i32 to index
        %get3A_1213 = arith.index_cast %mul3A_1210 : i32 to index
        %get3A_1214 = tpu.vector_load %arg6[%get3A_1212, %get3A_1213] {strides = array<i32>} : memref<2x2048xi32, #tpu.memory_space<vmem>>, vector<16xi32>,
        %add3A_1215 = arith.constant 0 : i32
        %add3A_1216 = vector.broadcast %add3A_1215 : i32 to vector<16xi32>
        %add3A_1217 = arith.addi %get3A_1214, %add3A_1216 : vector<16xi32>
        %gather3A_1218 = tpu.vector_load_idx %arg5[%add3A_1217] : memref<1024xf32, #tpu.memory_space<vmem>>[vector<16xi32>], vector<16xf32>,
        %mul3A_1219 = arith.constant 16 : i32
        %mul3A_1220 = arith.muli %scan3A_1208, %mul3A_1219 : i32
        %add3A_1221 = arith.constant 0 : i32
        %add3A_1222 = arith.addi %add3A_1221, %mul3A_1220 : i32
        %swap3A_1223 = arith.constant 1 : i32
        %swap3A_1224 = arith.index_cast %swap3A_1223 : i32 to index
        %swap3A_1225 = arith.index_cast %add3A_1222 : i32 to index
        %swap3A_1226 = tpu.vector_load %arg7[%swap3A_1224, %swap3A_1225] {strides = array<i32>} : memref<2x32768xf32, #tpu.memory_space<vmem>>, vector<16xf32>,
        tpu.vector_store %arg7[%swap3A_1224, %swap3A_1225], %gather3A_1218 {strides = array<i32>} : memref<2x32768xf32, #tpu.memory_space<vmem>>, vector<16xf32>,
        %add3A_1227 = arith.constant 64 : i32
        %add3A_1228 = vector.broadcast %add3A_1227 : i32 to vector<16xi32>
        %add3A_1229 = arith.addi %get3A_1214, %add3A_1228 : vector<16xi32>
        %gather3A_1230 = tpu.vector_load_idx %arg5[%add3A_1229] : memref<1024xf32, #tpu.memory_space<vmem>>[vector<16xi32>], vector<16xf32>,
        %mul3A_1231 = arith.constant 16 : i32
        %mul3A_1232 = arith.muli %scan3A_1208, %mul3A_1231 : i32
        %add3A_1233 = arith.constant 2048 : i32
        %add3A_1234 = arith.addi %add3A_1233, %mul3A_1232 : i32
        %swap3A_1235 = arith.constant 1 : i32
        %swap3A_1236 = arith.index_cast %swap3A_1235 : i32 to index
        %swap3A_1237 = arith.index_cast %add3A_1234 : i32 to index
        %swap3A_1238 = tpu.vector_load %arg7[%swap3A_1236, %swap3A_1237] {strides = array<i32>} : memref<2x32768xf32, #tpu.memory_space<vmem>>, vector<16xf32>,
        tpu.vector_store %arg7[%swap3A_1236, %swap3A_1237], %gather3A_1230 {strides = array<i32>} : memref<2x32768xf32, #tpu.memory_space<vmem>>, vector<16xf32>,
        %add3A_1239 = arith.constant 128 : i32
        %add3A_1240 = vector.broadcast %add3A_1239 : i32 to vector<16xi32>
        %add3A_1241 = arith.addi %get3A_1214, %add3A_1240 : vector<16xi32>
        %gather3A_1242 = tpu.vector_load_idx %arg5[%add3A_1241] : memref<1024xf32, #tpu.memory_space<vmem>>[vector<16xi32>], vector<16xf32>,
        %mul3A_1243 = arith.constant 16 : i32
        %mul3A_1244 = arith.muli %scan3A_1208, %mul3A_1243 : i32
        %add3A_1245 = arith.constant 4096 : i32
        %add3A_1246 = arith.addi %add3A_1245, %mul3A_1244 : i32
        %swap3A_1247 = arith.constant 1 : i32
        %swap3A_1248 = arith.index_cast %swap3A_1247 : i32 to index
        %swap3A_1249 = arith.index_cast %add3A_1246 : i32 to index
        %swap3A_1250 = tpu.vector_load %arg7[%swap3A_1248, %swap3A_1249] {strides = array<i32>} : memref<2x32768xf32, #tpu.memory_space<vmem>>, vector<16xf32>,
        tpu.vector_store %arg7[%swap3A_1248, %swap3A_1249], %gather3A_1242 {strides = array<i32>} : memref<2x32768xf32, #tpu.memory_space<vmem>>, vector<16xf32>,
        %add3A_1251 = arith.constant 192 : i32
        %add3A_1252 = vector.broadcast %add3A_1251 : i32 to vector<16xi32>
        %add3A_1253 = arith.addi %get3A_1214, %add3A_1252 : vector<16xi32>
        %gather3A_1254 = tpu.vector_load_idx %arg5[%add3A_1253] : memref<1024xf32, #tpu.memory_space<vmem>>[vector<16xi32>], vector<16xf32>,
        %mul3A_1255 = arith.constant 16 : i32
        %mul3A_1256 = arith.muli %scan3A_1208, %mul3A_1255 : i32
        %add3A_1257 = arith.constant 6144 : i32
        %add3A_1258 = arith.addi %add3A_1257, %mul3A_1256 : i32
        %swap3A_1259 = arith.constant 1 : i32
        %swap3A_1260 = arith.index_cast %swap3A_1259 : i32 to index
        %swap3A_1261 = arith.index_cast %add3A_1258 : i32 to index
        %swap3A_1262 = tpu.vector_load %arg7[%swap3A_1260, %swap3A_1261] {strides = array<i32>} : memref<2x32768xf32, #tpu.memory_space<vmem>>, vector<16xf32>,
        tpu.vector_store %arg7[%swap3A_1260, %swap3A_1261], %gather3A_1254 {strides = array<i32>} : memref<2x32768xf32, #tpu.memory_space<vmem>>, vector<16xf32>,
        %add3A_1263 = arith.constant 256 : i32
        %add3A_1264 = vector.broadcast %add3A_1263 : i32 to vector<16xi32>
        %add3A_1265 = arith.addi %get3A_1214, %add3A_1264 : vector<16xi32>
        %gather3A_1266 = tpu.vector_load_idx %arg5[%add3A_1265] : memref<1024xf32, #tpu.memory_space<vmem>>[vector<16xi32>], vector<16xf32>,
        %mul3A_1267 = arith.constant 16 : i32
        %mul3A_1268 = arith.muli %scan3A_1208, %mul3A_1267 : i32
        %add3A_1269 = arith.constant 8192 : i32
        %add3A_1270 = arith.addi %add3A_1269, %mul3A_1268 : i32
        %swap3A_1271 = arith.constant 1 : i32
        %swap3A_1272 = arith.index_cast %swap3A_1271 : i32 to index
        %swap3A_1273 = arith.index_cast %add3A_1270 : i32 to index
        %swap3A_1274 = tpu.vector_load %arg7[%swap3A_1272, %swap3A_1273] {strides = array<i32>} : memref<2x32768xf32, #tpu.memory_space<vmem>>, vector<16xf32>,
        tpu.vector_store %arg7[%swap3A_1272, %swap3A_1273], %gather3A_1266 {strides = array<i32>} : memref<2x32768xf32, #tpu.memory_space<vmem>>, vector<16xf32>,
        %add3A_1275 = arith.constant 320 : i32
        %add3A_1276 = vector.broadcast %add3A_1275 : i32 to vector<16xi32>
        %add3A_1277 = arith.addi %get3A_1214, %add3A_1276 : vector<16xi32>
        %gather3A_1278 = tpu.vector_load_idx %arg5[%add3A_1277] : memref<1024xf32, #tpu.memory_space<vmem>>[vector<16xi32>], vector<16xf32>,
        %mul3A_1279 = arith.constant 16 : i32
        %mul3A_1280 = arith.muli %scan3A_1208, %mul3A_1279 : i32
        %add3A_1281 = arith.constant 10240 : i32
        %add3A_1282 = arith.addi %add3A_1281, %mul3A_1280 : i32
        %swap3A_1283 = arith.constant 1 : i32
        %swap3A_1284 = arith.index_cast %swap3A_1283 : i32 to index
        %swap3A_1285 = arith.index_cast %add3A_1282 : i32 to index
        %swap3A_1286 = tpu.vector_load %arg7[%swap3A_1284, %swap3A_1285] {strides = array<i32>} : memref<2x32768xf32, #tpu.memory_space<vmem>>, vector<16xf32>,
        tpu.vector_store %arg7[%swap3A_1284, %swap3A_1285], %gather3A_1278 {strides = array<i32>} : memref<2x32768xf32, #tpu.memory_space<vmem>>, vector<16xf32>,
        %add3A_1287 = arith.constant 384 : i32
        %add3A_1288 = vector.broadcast %add3A_1287 : i32 to vector<16xi32>
        %add3A_1289 = arith.addi %get3A_1214, %add3A_1288 : vector<16xi32>
        %gather3A_1290 = tpu.vector_load_idx %arg5[%add3A_1289] : memref<1024xf32, #tpu.memory_space<vmem>>[vector<16xi32>], vector<16xf32>,
        %mul3A_1291 = arith.constant 16 : i32
        %mul3A_1292 = arith.muli %scan3A_1208, %mul3A_1291 : i32
        %add3A_1293 = arith.constant 12288 : i32
        %add3A_1294 = arith.addi %add3A_1293, %mul3A_1292 : i32
        %swap3A_1295 = arith.constant 1 : i32
        %swap3A_1296 = arith.index_cast %swap3A_1295 : i32 to index
        %swap3A_1297 = arith.index_cast %add3A_1294 : i32 to index
        %swap3A_1298 = tpu.vector_load %arg7[%swap3A_1296, %swap3A_1297] {strides = array<i32>} : memref<2x32768xf32, #tpu.memory_space<vmem>>, vector<16xf32>,
        tpu.vector_store %arg7[%swap3A_1296, %swap3A_1297], %gather3A_1290 {strides = array<i32>} : memref<2x32768xf32, #tpu.memory_space<vmem>>, vector<16xf32>,
        %add3A_1299 = arith.constant 448 : i32
        %add3A_1300 = vector.broadcast %add3A_1299 : i32 to vector<16xi32>
        %add3A_1301 = arith.addi %get3A_1214, %add3A_1300 : vector<16xi32>
        %gather3A_1302 = tpu.vector_load_idx %arg5[%add3A_1301] : memref<1024xf32, #tpu.memory_space<vmem>>[vector<16xi32>], vector<16xf32>,
        %mul3A_1303 = arith.constant 16 : i32
        %mul3A_1304 = arith.muli %scan3A_1208, %mul3A_1303 : i32
        %add3A_1305 = arith.constant 14336 : i32
        %add3A_1306 = arith.addi %add3A_1305, %mul3A_1304 : i32
        %swap3A_1307 = arith.constant 1 : i32
        %swap3A_1308 = arith.index_cast %swap3A_1307 : i32 to index
        %swap3A_1309 = arith.index_cast %add3A_1306 : i32 to index
        %swap3A_1310 = tpu.vector_load %arg7[%swap3A_1308, %swap3A_1309] {strides = array<i32>} : memref<2x32768xf32, #tpu.memory_space<vmem>>, vector<16xf32>,
        tpu.vector_store %arg7[%swap3A_1308, %swap3A_1309], %gather3A_1302 {strides = array<i32>} : memref<2x32768xf32, #tpu.memory_space<vmem>>, vector<16xf32>,
        %add3A_1311 = arith.constant 512 : i32
        %add3A_1312 = vector.broadcast %add3A_1311 : i32 to vector<16xi32>
        %add3A_1313 = arith.addi %get3A_1214, %add3A_1312 : vector<16xi32>
        %gather3A_1314 = tpu.vector_load_idx %arg5[%add3A_1313] : memref<1024xf32, #tpu.memory_space<vmem>>[vector<16xi32>], vector<16xf32>,
        %mul3A_1315 = arith.constant 16 : i32
        %mul3A_1316 = arith.muli %scan3A_1208, %mul3A_1315 : i32
        %add3A_1317 = arith.constant 16384 : i32
        %add3A_1318 = arith.addi %add3A_1317, %mul3A_1316 : i32
        %swap3A_1319 = arith.constant 1 : i32
        %swap3A_1320 = arith.index_cast %swap3A_1319 : i32 to index
        %swap3A_1321 = arith.index_cast %add3A_1318 : i32 to index
        %swap3A_1322 = tpu.vector_load %arg7[%swap3A_1320, %swap3A_1321] {strides = array<i32>} : memref<2x32768xf32, #tpu.memory_space<vmem>>, vector<16xf32>,
        tpu.vector_store %arg7[%swap3A_1320, %swap3A_1321], %gather3A_1314 {strides = array<i32>} : memref<2x32768xf32, #tpu.memory_space<vmem>>, vector<16xf32>,
        %add3A_1323 = arith.constant 576 : i32
        %add3A_1324 = vector.broadcast %add3A_1323 : i32 to vector<16xi32>
        %add3A_1325 = arith.addi %get3A_1214, %add3A_1324 : vector<16xi32>
        %gather3A_1326 = tpu.vector_load_idx %arg5[%add3A_1325] : memref<1024xf32, #tpu.memory_space<vmem>>[vector<16xi32>], vector<16xf32>,
        %mul3A_1327 = arith.constant 16 : i32
        %mul3A_1328 = arith.muli %scan3A_1208, %mul3A_1327 : i32
        %add3A_1329 = arith.constant 18432 : i32
        %add3A_1330 = arith.addi %add3A_1329, %mul3A_1328 : i32
        %swap3A_1331 = arith.constant 1 : i32
        %swap3A_1332 = arith.index_cast %swap3A_1331 : i32 to index
        %swap3A_1333 = arith.index_cast %add3A_1330 : i32 to index
        %swap3A_1334 = tpu.vector_load %arg7[%swap3A_1332, %swap3A_1333] {strides = array<i32>} : memref<2x32768xf32, #tpu.memory_space<vmem>>, vector<16xf32>,
        tpu.vector_store %arg7[%swap3A_1332, %swap3A_1333], %gather3A_1326 {strides = array<i32>} : memref<2x32768xf32, #tpu.memory_space<vmem>>, vector<16xf32>,
        %add3A_1335 = arith.constant 640 : i32
        %add3A_1336 = vector.broadcast %add3A_1335 : i32 to vector<16xi32>
        %add3A_1337 = arith.addi %get3A_1214, %add3A_1336 : vector<16xi32>
        %gather3A_1338 = tpu.vector_load_idx %arg5[%add3A_1337] : memref<1024xf32, #tpu.memory_space<vmem>>[vector<16xi32>], vector<16xf32>,
        %mul3A_1339 = arith.constant 16 : i32
        %mul3A_1340 = arith.muli %scan3A_1208, %mul3A_1339 : i32
        %add3A_1341 = arith.constant 20480 : i32
        %add3A_1342 = arith.addi %add3A_1341, %mul3A_1340 : i32
        %swap3A_1343 = arith.constant 1 : i32
        %swap3A_1344 = arith.index_cast %swap3A_1343 : i32 to index
        %swap3A_1345 = arith.index_cast %add3A_1342 : i32 to index
        %swap3A_1346 = tpu.vector_load %arg7[%swap3A_1344, %swap3A_1345] {strides = array<i32>} : memref<2x32768xf32, #tpu.memory_space<vmem>>, vector<16xf32>,
        tpu.vector_store %arg7[%swap3A_1344, %swap3A_1345], %gather3A_1338 {strides = array<i32>} : memref<2x32768xf32, #tpu.memory_space<vmem>>, vector<16xf32>,
        %add3A_1347 = arith.constant 704 : i32
        %add3A_1348 = vector.broadcast %add3A_1347 : i32 to vector<16xi32>
        %add3A_1349 = arith.addi %get3A_1214, %add3A_1348 : vector<16xi32>
        %gather3A_1350 = tpu.vector_load_idx %arg5[%add3A_1349] : memref<1024xf32, #tpu.memory_space<vmem>>[vector<16xi32>], vector<16xf32>,
        %mul3A_1351 = arith.constant 16 : i32
        %mul3A_1352 = arith.muli %scan3A_1208, %mul3A_1351 : i32
        %add3A_1353 = arith.constant 22528 : i32
        %add3A_1354 = arith.addi %add3A_1353, %mul3A_1352 : i32
        %swap3A_1355 = arith.constant 1 : i32
        %swap3A_1356 = arith.index_cast %swap3A_1355 : i32 to index
        %swap3A_1357 = arith.index_cast %add3A_1354 : i32 to index
        %swap3A_1358 = tpu.vector_load %arg7[%swap3A_1356, %swap3A_1357] {strides = array<i32>} : memref<2x32768xf32, #tpu.memory_space<vmem>>, vector<16xf32>,
        tpu.vector_store %arg7[%swap3A_1356, %swap3A_1357], %gather3A_1350 {strides = array<i32>} : memref<2x32768xf32, #tpu.memory_space<vmem>>, vector<16xf32>,
        %add3A_1359 = arith.constant 768 : i32
        %add3A_1360 = vector.broadcast %add3A_1359 : i32 to vector<16xi32>
        %add3A_1361 = arith.addi %get3A_1214, %add3A_1360 : vector<16xi32>
        %gather3A_1362 = tpu.vector_load_idx %arg5[%add3A_1361] : memref<1024xf32, #tpu.memory_space<vmem>>[vector<16xi32>], vector<16xf32>,
        %mul3A_1363 = arith.constant 16 : i32
        %mul3A_1364 = arith.muli %scan3A_1208, %mul3A_1363 : i32
        %add3A_1365 = arith.constant 24576 : i32
        %add3A_1366 = arith.addi %add3A_1365, %mul3A_1364 : i32
        %swap3A_1367 = arith.constant 1 : i32
        %swap3A_1368 = arith.index_cast %swap3A_1367 : i32 to index
        %swap3A_1369 = arith.index_cast %add3A_1366 : i32 to index
        %swap3A_1370 = tpu.vector_load %arg7[%swap3A_1368, %swap3A_1369] {strides = array<i32>} : memref<2x32768xf32, #tpu.memory_space<vmem>>, vector<16xf32>,
        tpu.vector_store %arg7[%swap3A_1368, %swap3A_1369], %gather3A_1362 {strides = array<i32>} : memref<2x32768xf32, #tpu.memory_space<vmem>>, vector<16xf32>,
        %add3A_1371 = arith.constant 832 : i32
        %add3A_1372 = vector.broadcast %add3A_1371 : i32 to vector<16xi32>
        %add3A_1373 = arith.addi %get3A_1214, %add3A_1372 : vector<16xi32>
        %gather3A_1374 = tpu.vector_load_idx %arg5[%add3A_1373] : memref<1024xf32, #tpu.memory_space<vmem>>[vector<16xi32>], vector<16xf32>,
        %mul3A_1375 = arith.constant 16 : i32
        %mul3A_1376 = arith.muli %scan3A_1208, %mul3A_1375 : i32
        %add3A_1377 = arith.constant 26624 : i32
        %add3A_1378 = arith.addi %add3A_1377, %mul3A_1376 : i32
        %swap3A_1379 = arith.constant 1 : i32
        %swap3A_1380 = arith.index_cast %swap3A_1379 : i32 to index
        %swap3A_1381 = arith.index_cast %add3A_1378 : i32 to index
        %swap3A_1382 = tpu.vector_load %arg7[%swap3A_1380, %swap3A_1381] {strides = array<i32>} : memref<2x32768xf32, #tpu.memory_space<vmem>>, vector<16xf32>,
        tpu.vector_store %arg7[%swap3A_1380, %swap3A_1381], %gather3A_1374 {strides = array<i32>} : memref<2x32768xf32, #tpu.memory_space<vmem>>, vector<16xf32>,
        %add3A_1383 = arith.constant 896 : i32
        %add3A_1384 = vector.broadcast %add3A_1383 : i32 to vector<16xi32>
        %add3A_1385 = arith.addi %get3A_1214, %add3A_1384 : vector<16xi32>
        %gather3A_1386 = tpu.vector_load_idx %arg5[%add3A_1385] : memref<1024xf32, #tpu.memory_space<vmem>>[vector<16xi32>], vector<16xf32>,
        %mul3A_1387 = arith.constant 16 : i32
        %mul3A_1388 = arith.muli %scan3A_1208, %mul3A_1387 : i32
        %add3A_1389 = arith.constant 28672 : i32
        %add3A_1390 = arith.addi %add3A_1389, %mul3A_1388 : i32
        %swap3A_1391 = arith.constant 1 : i32
        %swap3A_1392 = arith.index_cast %swap3A_1391 : i32 to index
        %swap3A_1393 = arith.index_cast %add3A_1390 : i32 to index
        %swap3A_1394 = tpu.vector_load %arg7[%swap3A_1392, %swap3A_1393] {strides = array<i32>} : memref<2x32768xf32, #tpu.memory_space<vmem>>, vector<16xf32>,
        tpu.vector_store %arg7[%swap3A_1392, %swap3A_1393], %gather3A_1386 {strides = array<i32>} : memref<2x32768xf32, #tpu.memory_space<vmem>>, vector<16xf32>,
        %add3A_1395 = arith.constant 960 : i32
        %add3A_1396 = vector.broadcast %add3A_1395 : i32 to vector<16xi32>
        %add3A_1397 = arith.addi %get3A_1214, %add3A_1396 : vector<16xi32>
        %gather3A_1398 = tpu.vector_load_idx %arg5[%add3A_1397] : memref<1024xf32, #tpu.memory_space<vmem>>[vector<16xi32>], vector<16xf32>,
        %mul3A_1399 = arith.constant 16 : i32
        %mul3A_1400 = arith.muli %scan3A_1208, %mul3A_1399 : i32
        %add3A_1401 = arith.constant 30720 : i32
        %add3A_1402 = arith.addi %add3A_1401, %mul3A_1400 : i32
        %swap3A_1403 = arith.constant 1 : i32
        %swap3A_1404 = arith.index_cast %swap3A_1403 : i32 to index
        %swap3A_1405 = arith.index_cast %add3A_1402 : i32 to index
        %swap3A_1406 = tpu.vector_load %arg7[%swap3A_1404, %swap3A_1405] {strides = array<i32>} : memref<2x32768xf32, #tpu.memory_space<vmem>>, vector<16xf32>,
        tpu.vector_store %arg7[%swap3A_1404, %swap3A_1405], %gather3A_1398 {strides = array<i32>} : memref<2x32768xf32, #tpu.memory_space<vmem>>, vector<16xf32>,
        %scan3A_1407 = arith.constant 3 : i32
        %scan3A_1408 = arith.addi %scan3A_811, %scan3A_1407 : i32
        %mul3A_1409 = arith.constant 16 : i32
        %mul3A_1410 = arith.muli %scan3A_1408, %mul3A_1409 : i32
        %get3A_1411 = arith.constant 1 : i32
        %get3A_1412 = arith.index_cast %get3A_1411 : i32 to index
        %get3A_1413 = arith.index_cast %mul3A_1410 : i32 to index
        %get3A_1414 = tpu.vector_load %arg6[%get3A_1412, %get3A_1413] {strides = array<i32>} : memref<2x2048xi32, #tpu.memory_space<vmem>>, vector<16xi32>,
        %add3A_1415 = arith.constant 0 : i32
        %add3A_1416 = vector.broadcast %add3A_1415 : i32 to vector<16xi32>
        %add3A_1417 = arith.addi %get3A_1414, %add3A_1416 : vector<16xi32>
        %gather3A_1418 = tpu.vector_load_idx %arg5[%add3A_1417] : memref<1024xf32, #tpu.memory_space<vmem>>[vector<16xi32>], vector<16xf32>,
        %mul3A_1419 = arith.constant 16 : i32
        %mul3A_1420 = arith.muli %scan3A_1408, %mul3A_1419 : i32
        %add3A_1421 = arith.constant 0 : i32
        %add3A_1422 = arith.addi %add3A_1421, %mul3A_1420 : i32
        %swap3A_1423 = arith.constant 1 : i32
        %swap3A_1424 = arith.index_cast %swap3A_1423 : i32 to index
        %swap3A_1425 = arith.index_cast %add3A_1422 : i32 to index
        %swap3A_1426 = tpu.vector_load %arg7[%swap3A_1424, %swap3A_1425] {strides = array<i32>} : memref<2x32768xf32, #tpu.memory_space<vmem>>, vector<16xf32>,
        tpu.vector_store %arg7[%swap3A_1424, %swap3A_1425], %gather3A_1418 {strides = array<i32>} : memref<2x32768xf32, #tpu.memory_space<vmem>>, vector<16xf32>,
        %add3A_1427 = arith.constant 64 : i32
        %add3A_1428 = vector.broadcast %add3A_1427 : i32 to vector<16xi32>
        %add3A_1429 = arith.addi %get3A_1414, %add3A_1428 : vector<16xi32>
        %gather3A_1430 = tpu.vector_load_idx %arg5[%add3A_1429] : memref<1024xf32, #tpu.memory_space<vmem>>[vector<16xi32>], vector<16xf32>,
        %mul3A_1431 = arith.constant 16 : i32
        %mul3A_1432 = arith.muli %scan3A_1408, %mul3A_1431 : i32
        %add3A_1433 = arith.constant 2048 : i32
        %add3A_1434 = arith.addi %add3A_1433, %mul3A_1432 : i32
        %swap3A_1435 = arith.constant 1 : i32
        %swap3A_1436 = arith.index_cast %swap3A_1435 : i32 to index
        %swap3A_1437 = arith.index_cast %add3A_1434 : i32 to index
        %swap3A_1438 = tpu.vector_load %arg7[%swap3A_1436, %swap3A_1437] {strides = array<i32>} : memref<2x32768xf32, #tpu.memory_space<vmem>>, vector<16xf32>,
        tpu.vector_store %arg7[%swap3A_1436, %swap3A_1437], %gather3A_1430 {strides = array<i32>} : memref<2x32768xf32, #tpu.memory_space<vmem>>, vector<16xf32>,
        %add3A_1439 = arith.constant 128 : i32
        %add3A_1440 = vector.broadcast %add3A_1439 : i32 to vector<16xi32>
        %add3A_1441 = arith.addi %get3A_1414, %add3A_1440 : vector<16xi32>
        %gather3A_1442 = tpu.vector_load_idx %arg5[%add3A_1441] : memref<1024xf32, #tpu.memory_space<vmem>>[vector<16xi32>], vector<16xf32>,
        %mul3A_1443 = arith.constant 16 : i32
        %mul3A_1444 = arith.muli %scan3A_1408, %mul3A_1443 : i32
        %add3A_1445 = arith.constant 4096 : i32
        %add3A_1446 = arith.addi %add3A_1445, %mul3A_1444 : i32
        %swap3A_1447 = arith.constant 1 : i32
        %swap3A_1448 = arith.index_cast %swap3A_1447 : i32 to index
        %swap3A_1449 = arith.index_cast %add3A_1446 : i32 to index
        %swap3A_1450 = tpu.vector_load %arg7[%swap3A_1448, %swap3A_1449] {strides = array<i32>} : memref<2x32768xf32, #tpu.memory_space<vmem>>, vector<16xf32>,
        tpu.vector_store %arg7[%swap3A_1448, %swap3A_1449], %gather3A_1442 {strides = array<i32>} : memref<2x32768xf32, #tpu.memory_space<vmem>>, vector<16xf32>,
        %add3A_1451 = arith.constant 192 : i32
        %add3A_1452 = vector.broadcast %add3A_1451 : i32 to vector<16xi32>
        %add3A_1453 = arith.addi %get3A_1414, %add3A_1452 : vector<16xi32>
        %gather3A_1454 = tpu.vector_load_idx %arg5[%add3A_1453] : memref<1024xf32, #tpu.memory_space<vmem>>[vector<16xi32>], vector<16xf32>,
        %mul3A_1455 = arith.constant 16 : i32
        %mul3A_1456 = arith.muli %scan3A_1408, %mul3A_1455 : i32
        %add3A_1457 = arith.constant 6144 : i32
        %add3A_1458 = arith.addi %add3A_1457, %mul3A_1456 : i32
        %swap3A_1459 = arith.constant 1 : i32
        %swap3A_1460 = arith.index_cast %swap3A_1459 : i32 to index
        %swap3A_1461 = arith.index_cast %add3A_1458 : i32 to index
        %swap3A_1462 = tpu.vector_load %arg7[%swap3A_1460, %swap3A_1461] {strides = array<i32>} : memref<2x32768xf32, #tpu.memory_space<vmem>>, vector<16xf32>,
        tpu.vector_store %arg7[%swap3A_1460, %swap3A_1461], %gather3A_1454 {strides = array<i32>} : memref<2x32768xf32, #tpu.memory_space<vmem>>, vector<16xf32>,
        %add3A_1463 = arith.constant 256 : i32
        %add3A_1464 = vector.broadcast %add3A_1463 : i32 to vector<16xi32>
        %add3A_1465 = arith.addi %get3A_1414, %add3A_1464 : vector<16xi32>
        %gather3A_1466 = tpu.vector_load_idx %arg5[%add3A_1465] : memref<1024xf32, #tpu.memory_space<vmem>>[vector<16xi32>], vector<16xf32>,
        %mul3A_1467 = arith.constant 16 : i32
        %mul3A_1468 = arith.muli %scan3A_1408, %mul3A_1467 : i32
        %add3A_1469 = arith.constant 8192 : i32
        %add3A_1470 = arith.addi %add3A_1469, %mul3A_1468 : i32
        %swap3A_1471 = arith.constant 1 : i32
        %swap3A_1472 = arith.index_cast %swap3A_1471 : i32 to index
        %swap3A_1473 = arith.index_cast %add3A_1470 : i32 to index
        %swap3A_1474 = tpu.vector_load %arg7[%swap3A_1472, %swap3A_1473] {strides = array<i32>} : memref<2x32768xf32, #tpu.memory_space<vmem>>, vector<16xf32>,
        tpu.vector_store %arg7[%swap3A_1472, %swap3A_1473], %gather3A_1466 {strides = array<i32>} : memref<2x32768xf32, #tpu.memory_space<vmem>>, vector<16xf32>,
        %add3A_1475 = arith.constant 320 : i32
        %add3A_1476 = vector.broadcast %add3A_1475 : i32 to vector<16xi32>
        %add3A_1477 = arith.addi %get3A_1414, %add3A_1476 : vector<16xi32>
        %gather3A_1478 = tpu.vector_load_idx %arg5[%add3A_1477] : memref<1024xf32, #tpu.memory_space<vmem>>[vector<16xi32>], vector<16xf32>,
        %mul3A_1479 = arith.constant 16 : i32
        %mul3A_1480 = arith.muli %scan3A_1408, %mul3A_1479 : i32
        %add3A_1481 = arith.constant 10240 : i32
        %add3A_1482 = arith.addi %add3A_1481, %mul3A_1480 : i32
        %swap3A_1483 = arith.constant 1 : i32
        %swap3A_1484 = arith.index_cast %swap3A_1483 : i32 to index
        %swap3A_1485 = arith.index_cast %add3A_1482 : i32 to index
        %swap3A_1486 = tpu.vector_load %arg7[%swap3A_1484, %swap3A_1485] {strides = array<i32>} : memref<2x32768xf32, #tpu.memory_space<vmem>>, vector<16xf32>,
        tpu.vector_store %arg7[%swap3A_1484, %swap3A_1485], %gather3A_1478 {strides = array<i32>} : memref<2x32768xf32, #tpu.memory_space<vmem>>, vector<16xf32>,
        %add3A_1487 = arith.constant 384 : i32
        %add3A_1488 = vector.broadcast %add3A_1487 : i32 to vector<16xi32>
        %add3A_1489 = arith.addi %get3A_1414, %add3A_1488 : vector<16xi32>
        %gather3A_1490 = tpu.vector_load_idx %arg5[%add3A_1489] : memref<1024xf32, #tpu.memory_space<vmem>>[vector<16xi32>], vector<16xf32>,
        %mul3A_1491 = arith.constant 16 : i32
        %mul3A_1492 = arith.muli %scan3A_1408, %mul3A_1491 : i32
        %add3A_1493 = arith.constant 12288 : i32
        %add3A_1494 = arith.addi %add3A_1493, %mul3A_1492 : i32
        %swap3A_1495 = arith.constant 1 : i32
        %swap3A_1496 = arith.index_cast %swap3A_1495 : i32 to index
        %swap3A_1497 = arith.index_cast %add3A_1494 : i32 to index
        %swap3A_1498 = tpu.vector_load %arg7[%swap3A_1496, %swap3A_1497] {strides = array<i32>} : memref<2x32768xf32, #tpu.memory_space<vmem>>, vector<16xf32>,
        tpu.vector_store %arg7[%swap3A_1496, %swap3A_1497], %gather3A_1490 {strides = array<i32>} : memref<2x32768xf32, #tpu.memory_space<vmem>>, vector<16xf32>,
        %add3A_1499 = arith.constant 448 : i32
        %add3A_1500 = vector.broadcast %add3A_1499 : i32 to vector<16xi32>
        %add3A_1501 = arith.addi %get3A_1414, %add3A_1500 : vector<16xi32>
        %gather3A_1502 = tpu.vector_load_idx %arg5[%add3A_1501] : memref<1024xf32, #tpu.memory_space<vmem>>[vector<16xi32>], vector<16xf32>,
        %mul3A_1503 = arith.constant 16 : i32
        %mul3A_1504 = arith.muli %scan3A_1408, %mul3A_1503 : i32
        %add3A_1505 = arith.constant 14336 : i32
        %add3A_1506 = arith.addi %add3A_1505, %mul3A_1504 : i32
        %swap3A_1507 = arith.constant 1 : i32
        %swap3A_1508 = arith.index_cast %swap3A_1507 : i32 to index
        %swap3A_1509 = arith.index_cast %add3A_1506 : i32 to index
        %swap3A_1510 = tpu.vector_load %arg7[%swap3A_1508, %swap3A_1509] {strides = array<i32>} : memref<2x32768xf32, #tpu.memory_space<vmem>>, vector<16xf32>,
        tpu.vector_store %arg7[%swap3A_1508, %swap3A_1509], %gather3A_1502 {strides = array<i32>} : memref<2x32768xf32, #tpu.memory_space<vmem>>, vector<16xf32>,
        %add3A_1511 = arith.constant 512 : i32
        %add3A_1512 = vector.broadcast %add3A_1511 : i32 to vector<16xi32>
        %add3A_1513 = arith.addi %get3A_1414, %add3A_1512 : vector<16xi32>
        %gather3A_1514 = tpu.vector_load_idx %arg5[%add3A_1513] : memref<1024xf32, #tpu.memory_space<vmem>>[vector<16xi32>], vector<16xf32>,
        %mul3A_1515 = arith.constant 16 : i32
        %mul3A_1516 = arith.muli %scan3A_1408, %mul3A_1515 : i32
        %add3A_1517 = arith.constant 16384 : i32
        %add3A_1518 = arith.addi %add3A_1517, %mul3A_1516 : i32
        %swap3A_1519 = arith.constant 1 : i32
        %swap3A_1520 = arith.index_cast %swap3A_1519 : i32 to index
        %swap3A_1521 = arith.index_cast %add3A_1518 : i32 to index
        %swap3A_1522 = tpu.vector_load %arg7[%swap3A_1520, %swap3A_1521] {strides = array<i32>} : memref<2x32768xf32, #tpu.memory_space<vmem>>, vector<16xf32>,
        tpu.vector_store %arg7[%swap3A_1520, %swap3A_1521], %gather3A_1514 {strides = array<i32>} : memref<2x32768xf32, #tpu.memory_space<vmem>>, vector<16xf32>,
        %add3A_1523 = arith.constant 576 : i32
        %add3A_1524 = vector.broadcast %add3A_1523 : i32 to vector<16xi32>
        %add3A_1525 = arith.addi %get3A_1414, %add3A_1524 : vector<16xi32>
        %gather3A_1526 = tpu.vector_load_idx %arg5[%add3A_1525] : memref<1024xf32, #tpu.memory_space<vmem>>[vector<16xi32>], vector<16xf32>,
        %mul3A_1527 = arith.constant 16 : i32
        %mul3A_1528 = arith.muli %scan3A_1408, %mul3A_1527 : i32
        %add3A_1529 = arith.constant 18432 : i32
        %add3A_1530 = arith.addi %add3A_1529, %mul3A_1528 : i32
        %swap3A_1531 = arith.constant 1 : i32
        %swap3A_1532 = arith.index_cast %swap3A_1531 : i32 to index
        %swap3A_1533 = arith.index_cast %add3A_1530 : i32 to index
        %swap3A_1534 = tpu.vector_load %arg7[%swap3A_1532, %swap3A_1533] {strides = array<i32>} : memref<2x32768xf32, #tpu.memory_space<vmem>>, vector<16xf32>,
        tpu.vector_store %arg7[%swap3A_1532, %swap3A_1533], %gather3A_1526 {strides = array<i32>} : memref<2x32768xf32, #tpu.memory_space<vmem>>, vector<16xf32>,
        %add3A_1535 = arith.constant 640 : i32
        %add3A_1536 = vector.broadcast %add3A_1535 : i32 to vector<16xi32>
        %add3A_1537 = arith.addi %get3A_1414, %add3A_1536 : vector<16xi32>
        %gather3A_1538 = tpu.vector_load_idx %arg5[%add3A_1537] : memref<1024xf32, #tpu.memory_space<vmem>>[vector<16xi32>], vector<16xf32>,
        %mul3A_1539 = arith.constant 16 : i32
        %mul3A_1540 = arith.muli %scan3A_1408, %mul3A_1539 : i32
        %add3A_1541 = arith.constant 20480 : i32
        %add3A_1542 = arith.addi %add3A_1541, %mul3A_1540 : i32
        %swap3A_1543 = arith.constant 1 : i32
        %swap3A_1544 = arith.index_cast %swap3A_1543 : i32 to index
        %swap3A_1545 = arith.index_cast %add3A_1542 : i32 to index
        %swap3A_1546 = tpu.vector_load %arg7[%swap3A_1544, %swap3A_1545] {strides = array<i32>} : memref<2x32768xf32, #tpu.memory_space<vmem>>, vector<16xf32>,
        tpu.vector_store %arg7[%swap3A_1544, %swap3A_1545], %gather3A_1538 {strides = array<i32>} : memref<2x32768xf32, #tpu.memory_space<vmem>>, vector<16xf32>,
        %add3A_1547 = arith.constant 704 : i32
        %add3A_1548 = vector.broadcast %add3A_1547 : i32 to vector<16xi32>
        %add3A_1549 = arith.addi %get3A_1414, %add3A_1548 : vector<16xi32>
        %gather3A_1550 = tpu.vector_load_idx %arg5[%add3A_1549] : memref<1024xf32, #tpu.memory_space<vmem>>[vector<16xi32>], vector<16xf32>,
        %mul3A_1551 = arith.constant 16 : i32
        %mul3A_1552 = arith.muli %scan3A_1408, %mul3A_1551 : i32
        %add3A_1553 = arith.constant 22528 : i32
        %add3A_1554 = arith.addi %add3A_1553, %mul3A_1552 : i32
        %swap3A_1555 = arith.constant 1 : i32
        %swap3A_1556 = arith.index_cast %swap3A_1555 : i32 to index
        %swap3A_1557 = arith.index_cast %add3A_1554 : i32 to index
        %swap3A_1558 = tpu.vector_load %arg7[%swap3A_1556, %swap3A_1557] {strides = array<i32>} : memref<2x32768xf32, #tpu.memory_space<vmem>>, vector<16xf32>,
        tpu.vector_store %arg7[%swap3A_1556, %swap3A_1557], %gather3A_1550 {strides = array<i32>} : memref<2x32768xf32, #tpu.memory_space<vmem>>, vector<16xf32>,
        %add3A_1559 = arith.constant 768 : i32
        %add3A_1560 = vector.broadcast %add3A_1559 : i32 to vector<16xi32>
        %add3A_1561 = arith.addi %get3A_1414, %add3A_1560 : vector<16xi32>
        %gather3A_1562 = tpu.vector_load_idx %arg5[%add3A_1561] : memref<1024xf32, #tpu.memory_space<vmem>>[vector<16xi32>], vector<16xf32>,
        %mul3A_1563 = arith.constant 16 : i32
        %mul3A_1564 = arith.muli %scan3A_1408, %mul3A_1563 : i32
        %add3A_1565 = arith.constant 24576 : i32
        %add3A_1566 = arith.addi %add3A_1565, %mul3A_1564 : i32
        %swap3A_1567 = arith.constant 1 : i32
        %swap3A_1568 = arith.index_cast %swap3A_1567 : i32 to index
        %swap3A_1569 = arith.index_cast %add3A_1566 : i32 to index
        %swap3A_1570 = tpu.vector_load %arg7[%swap3A_1568, %swap3A_1569] {strides = array<i32>} : memref<2x32768xf32, #tpu.memory_space<vmem>>, vector<16xf32>,
        tpu.vector_store %arg7[%swap3A_1568, %swap3A_1569], %gather3A_1562 {strides = array<i32>} : memref<2x32768xf32, #tpu.memory_space<vmem>>, vector<16xf32>,
        %add3A_1571 = arith.constant 832 : i32
        %add3A_1572 = vector.broadcast %add3A_1571 : i32 to vector<16xi32>
        %add3A_1573 = arith.addi %get3A_1414, %add3A_1572 : vector<16xi32>
        %gather3A_1574 = tpu.vector_load_idx %arg5[%add3A_1573] : memref<1024xf32, #tpu.memory_space<vmem>>[vector<16xi32>], vector<16xf32>,
        %mul3A_1575 = arith.constant 16 : i32
        %mul3A_1576 = arith.muli %scan3A_1408, %mul3A_1575 : i32
        %add3A_1577 = arith.constant 26624 : i32
        %add3A_1578 = arith.addi %add3A_1577, %mul3A_1576 : i32
        %swap3A_1579 = arith.constant 1 : i32
        %swap3A_1580 = arith.index_cast %swap3A_1579 : i32 to index
        %swap3A_1581 = arith.index_cast %add3A_1578 : i32 to index
        %swap3A_1582 = tpu.vector_load %arg7[%swap3A_1580, %swap3A_1581] {strides = array<i32>} : memref<2x32768xf32, #tpu.memory_space<vmem>>, vector<16xf32>,
        tpu.vector_store %arg7[%swap3A_1580, %swap3A_1581], %gather3A_1574 {strides = array<i32>} : memref<2x32768xf32, #tpu.memory_space<vmem>>, vector<16xf32>,
        %add3A_1583 = arith.constant 896 : i32
        %add3A_1584 = vector.broadcast %add3A_1583 : i32 to vector<16xi32>
        %add3A_1585 = arith.addi %get3A_1414, %add3A_1584 : vector<16xi32>
        %gather3A_1586 = tpu.vector_load_idx %arg5[%add3A_1585] : memref<1024xf32, #tpu.memory_space<vmem>>[vector<16xi32>], vector<16xf32>,
        %mul3A_1587 = arith.constant 16 : i32
        %mul3A_1588 = arith.muli %scan3A_1408, %mul3A_1587 : i32
        %add3A_1589 = arith.constant 28672 : i32
        %add3A_1590 = arith.addi %add3A_1589, %mul3A_1588 : i32
        %swap3A_1591 = arith.constant 1 : i32
        %swap3A_1592 = arith.index_cast %swap3A_1591 : i32 to index
        %swap3A_1593 = arith.index_cast %add3A_1590 : i32 to index
        %swap3A_1594 = tpu.vector_load %arg7[%swap3A_1592, %swap3A_1593] {strides = array<i32>} : memref<2x32768xf32, #tpu.memory_space<vmem>>, vector<16xf32>,
        tpu.vector_store %arg7[%swap3A_1592, %swap3A_1593], %gather3A_1586 {strides = array<i32>} : memref<2x32768xf32, #tpu.memory_space<vmem>>, vector<16xf32>,
        %add3A_1595 = arith.constant 960 : i32
        %add3A_1596 = vector.broadcast %add3A_1595 : i32 to vector<16xi32>
        %add3A_1597 = arith.addi %get3A_1414, %add3A_1596 : vector<16xi32>
        %gather3A_1598 = tpu.vector_load_idx %arg5[%add3A_1597] : memref<1024xf32, #tpu.memory_space<vmem>>[vector<16xi32>], vector<16xf32>,
        %mul3A_1599 = arith.constant 16 : i32
        %mul3A_1600 = arith.muli %scan3A_1408, %mul3A_1599 : i32
        %add3A_1601 = arith.constant 30720 : i32
        %add3A_1602 = arith.addi %add3A_1601, %mul3A_1600 : i32
        %swap3A_1603 = arith.constant 1 : i32
        %swap3A_1604 = arith.index_cast %swap3A_1603 : i32 to index
        %swap3A_1605 = arith.index_cast %add3A_1602 : i32 to index
        %swap3A_1606 = tpu.vector_load %arg7[%swap3A_1604, %swap3A_1605] {strides = array<i32>} : memref<2x32768xf32, #tpu.memory_space<vmem>>, vector<16xf32>,
        tpu.vector_store %arg7[%swap3A_1604, %swap3A_1605], %gather3A_1598 {strides = array<i32>} : memref<2x32768xf32, #tpu.memory_space<vmem>>, vector<16xf32>,
      }
      %scan3A_618 = arith.constant 128 : i32
      %dma_start3A_619 = arith.constant 1 : i32
      %dma_start3A_620 = arith.constant 0 : i32
      %dma_start3A_621 = arith.constant 0 : i32
      %dma_start3A_622 = tpu.memref_slice %arg7[%dma_start3A_619, %dma_start3A_621] : memref<2x32768xf32, #tpu.memory_space<vmem>> -> memref<1x2048xf32, #tpu.memory_space<vmem>>
      %dma_start3A_623 = tpu.memref_squeeze %dma_start3A_622 : memref<1x2048xf32, #tpu.memory_space<vmem>> -> memref<2048xf32, #tpu.memory_space<vmem>>
      %dma_start3A_624 = tpu.memref_slice %arg4[%dma_start3A_620, %add3A_605] : memref<16x1048576xf32, #tpu.memory_space<hbm>> -> memref<1x2048xf32, #tpu.memory_space<hbm>>
      %dma_start3A_625 = tpu.memref_squeeze %dma_start3A_624 : memref<1x2048xf32, #tpu.memory_space<hbm>> -> memref<2048xf32, #tpu.memory_space<hbm>>
      %dma_start3A_626 = tpu.memref_slice %arg4[%dma_start3A_620, %add3A_605] : memref<16x1048576xf32, #tpu.memory_space<hbm>> -> memref<1x2048xf32, #tpu.memory_space<hbm>>
      %dma_start3A_627 = tpu.memref_squeeze %dma_start3A_626 : memref<1x2048xf32, #tpu.memory_space<hbm>> -> memref<2048xf32, #tpu.memory_space<hbm>>
      %dma_start3A_628 = arith.constant 0 : i32
      %dma_start3A_629 = tpu.memref_slice %arg7[%dma_start3A_619, %dma_start3A_628] : memref<2x32768xf32, #tpu.memory_space<vmem>> -> memref<1x2048xf32, #tpu.memory_space<vmem>>
      %dma_start3A_630 = tpu.memref_squeeze %dma_start3A_629 : memref<1x2048xf32, #tpu.memory_space<vmem>> -> memref<2048xf32, #tpu.memory_space<vmem>>
      tpu.enqueue_dma source(%dma_start3A_630 : memref<2048xf32, #tpu.memory_space<vmem>>) target(%dma_start3A_627 : memref<2048xf32, #tpu.memory_space<hbm>>) target_semaphore(%arg8 : memref<!tpu.dma_semaphore, #tpu.memory_space<semaphore_mem>>)
      %dma_start3A_631 = arith.constant 1 : i32
      %dma_start3A_632 = arith.constant 1 : i32
      %dma_start3A_633 = arith.constant 2048 : i32
      %dma_start3A_634 = tpu.memref_slice %arg7[%dma_start3A_631, %dma_start3A_633] : memref<2x32768xf32, #tpu.memory_space<vmem>> -> memref<1x2048xf32, #tpu.memory_space<vmem>>
      %dma_start3A_635 = tpu.memref_squeeze %dma_start3A_634 : memref<1x2048xf32, #tpu.memory_space<vmem>> -> memref<2048xf32, #tpu.memory_space<vmem>>
      %dma_start3A_636 = tpu.memref_slice %arg4[%dma_start3A_632, %add3A_605] : memref<16x1048576xf32, #tpu.memory_space<hbm>> -> memref<1x2048xf32, #tpu.memory_space<hbm>>
      %dma_start3A_637 = tpu.memref_squeeze %dma_start3A_636 : memref<1x2048xf32, #tpu.memory_space<hbm>> -> memref<2048xf32, #tpu.memory_space<hbm>>
      %dma_start3A_638 = tpu.memref_slice %arg4[%dma_start3A_632, %add3A_605] : memref<16x1048576xf32, #tpu.memory_space<hbm>> -> memref<1x2048xf32, #tpu.memory_space<hbm>>
      %dma_start3A_639 = tpu.memref_squeeze %dma_start3A_638 : memref<1x2048xf32, #tpu.memory_space<hbm>> -> memref<2048xf32, #tpu.memory_space<hbm>>
      %dma_start3A_640 = arith.constant 2048 : i32
      %dma_start3A_641 = tpu.memref_slice %arg7[%dma_start3A_631, %dma_start3A_640] : memref<2x32768xf32, #tpu.memory_space<vmem>> -> memref<1x2048xf32, #tpu.memory_space<vmem>>
      %dma_start3A_642 = tpu.memref_squeeze %dma_start3A_641 : memref<1x2048xf32, #tpu.memory_space<vmem>> -> memref<2048xf32, #tpu.memory_space<vmem>>
      tpu.enqueue_dma source(%dma_start3A_642 : memref<2048xf32, #tpu.memory_space<vmem>>) target(%dma_start3A_639 : memref<2048xf32, #tpu.memory_space<hbm>>) target_semaphore(%arg8 : memref<!tpu.dma_semaphore, #tpu.memory_space<semaphore_mem>>)
      %dma_start3A_643 = arith.constant 1 : i32
      %dma_start3A_644 = arith.constant 2 : i32
      %dma_start3A_645 = arith.constant 4096 : i32
      %dma_start3A_646 = tpu.memref_slice %arg7[%dma_start3A_643, %dma_start3A_645] : memref<2x32768xf32, #tpu.memory_space<vmem>> -> memref<1x2048xf32, #tpu.memory_space<vmem>>
      %dma_start3A_647 = tpu.memref_squeeze %dma_start3A_646 : memref<1x2048xf32, #tpu.memory_space<vmem>> -> memref<2048xf32, #tpu.memory_space<vmem>>
      %dma_start3A_648 = tpu.memref_slice %arg4[%dma_start3A_644, %add3A_605] : memref<16x1048576xf32, #tpu.memory_space<hbm>> -> memref<1x2048xf32, #tpu.memory_space<hbm>>
      %dma_start3A_649 = tpu.memref_squeeze %dma_start3A_648 : memref<1x2048xf32, #tpu.memory_space<hbm>> -> memref<2048xf32, #tpu.memory_space<hbm>>
      %dma_start3A_650 = tpu.memref_slice %arg4[%dma_start3A_644, %add3A_605] : memref<16x1048576xf32, #tpu.memory_space<hbm>> -> memref<1x2048xf32, #tpu.memory_space<hbm>>
      %dma_start3A_651 = tpu.memref_squeeze %dma_start3A_650 : memref<1x2048xf32, #tpu.memory_space<hbm>> -> memref<2048xf32, #tpu.memory_space<hbm>>
      %dma_start3A_652 = arith.constant 4096 : i32
      %dma_start3A_653 = tpu.memref_slice %arg7[%dma_start3A_643, %dma_start3A_652] : memref<2x32768xf32, #tpu.memory_space<vmem>> -> memref<1x2048xf32, #tpu.memory_space<vmem>>
      %dma_start3A_654 = tpu.memref_squeeze %dma_start3A_653 : memref<1x2048xf32, #tpu.memory_space<vmem>> -> memref<2048xf32, #tpu.memory_space<vmem>>
      tpu.enqueue_dma source(%dma_start3A_654 : memref<2048xf32, #tpu.memory_space<vmem>>) target(%dma_start3A_651 : memref<2048xf32, #tpu.memory_space<hbm>>) target_semaphore(%arg8 : memref<!tpu.dma_semaphore, #tpu.memory_space<semaphore_mem>>)
      %dma_start3A_655 = arith.constant 1 : i32
      %dma_start3A_656 = arith.constant 3 : i32
      %dma_start3A_657 = arith.constant 6144 : i32
      %dma_start3A_658 = tpu.memref_slice %arg7[%dma_start3A_655, %dma_start3A_657] : memref<2x32768xf32, #tpu.memory_space<vmem>> -> memref<1x2048xf32, #tpu.memory_space<vmem>>
      %dma_start3A_659 = tpu.memref_squeeze %dma_start3A_658 : memref<1x2048xf32, #tpu.memory_space<vmem>> -> memref<2048xf32, #tpu.memory_space<vmem>>
      %dma_start3A_660 = tpu.memref_slice %arg4[%dma_start3A_656, %add3A_605] : memref<16x1048576xf32, #tpu.memory_space<hbm>> -> memref<1x2048xf32, #tpu.memory_space<hbm>>
      %dma_start3A_661 = tpu.memref_squeeze %dma_start3A_660 : memref<1x2048xf32, #tpu.memory_space<hbm>> -> memref<2048xf32, #tpu.memory_space<hbm>>
      %dma_start3A_662 = tpu.memref_slice %arg4[%dma_start3A_656, %add3A_605] : memref<16x1048576xf32, #tpu.memory_space<hbm>> -> memref<1x2048xf32, #tpu.memory_space<hbm>>
      %dma_start3A_663 = tpu.memref_squeeze %dma_start3A_662 : memref<1x2048xf32, #tpu.memory_space<hbm>> -> memref<2048xf32, #tpu.memory_space<hbm>>
      %dma_start3A_664 = arith.constant 6144 : i32
      %dma_start3A_665 = tpu.memref_slice %arg7[%dma_start3A_655, %dma_start3A_664] : memref<2x32768xf32, #tpu.memory_space<vmem>> -> memref<1x2048xf32, #tpu.memory_space<vmem>>
      %dma_start3A_666 = tpu.memref_squeeze %dma_start3A_665 : memref<1x2048xf32, #tpu.memory_space<vmem>> -> memref<2048xf32, #tpu.memory_space<vmem>>
      tpu.enqueue_dma source(%dma_start3A_666 : memref<2048xf32, #tpu.memory_space<vmem>>) target(%dma_start3A_663 : memref<2048xf32, #tpu.memory_space<hbm>>) target_semaphore(%arg8 : memref<!tpu.dma_semaphore, #tpu.memory_space<semaphore_mem>>)
      %dma_start3A_667 = arith.constant 1 : i32
      %dma_start3A_668 = arith.constant 4 : i32
      %dma_start3A_669 = arith.constant 8192 : i32
      %dma_start3A_670 = tpu.memref_slice %arg7[%dma_start3A_667, %dma_start3A_669] : memref<2x32768xf32, #tpu.memory_space<vmem>> -> memref<1x2048xf32, #tpu.memory_space<vmem>>
      %dma_start3A_671 = tpu.memref_squeeze %dma_start3A_670 : memref<1x2048xf32, #tpu.memory_space<vmem>> -> memref<2048xf32, #tpu.memory_space<vmem>>
      %dma_start3A_672 = tpu.memref_slice %arg4[%dma_start3A_668, %add3A_605] : memref<16x1048576xf32, #tpu.memory_space<hbm>> -> memref<1x2048xf32, #tpu.memory_space<hbm>>
      %dma_start3A_673 = tpu.memref_squeeze %dma_start3A_672 : memref<1x2048xf32, #tpu.memory_space<hbm>> -> memref<2048xf32, #tpu.memory_space<hbm>>
      %dma_start3A_674 = tpu.memref_slice %arg4[%dma_start3A_668, %add3A_605] : memref<16x1048576xf32, #tpu.memory_space<hbm>> -> memref<1x2048xf32, #tpu.memory_space<hbm>>
      %dma_start3A_675 = tpu.memref_squeeze %dma_start3A_674 : memref<1x2048xf32, #tpu.memory_space<hbm>> -> memref<2048xf32, #tpu.memory_space<hbm>>
      %dma_start3A_676 = arith.constant 8192 : i32
      %dma_start3A_677 = tpu.memref_slice %arg7[%dma_start3A_667, %dma_start3A_676] : memref<2x32768xf32, #tpu.memory_space<vmem>> -> memref<1x2048xf32, #tpu.memory_space<vmem>>
      %dma_start3A_678 = tpu.memref_squeeze %dma_start3A_677 : memref<1x2048xf32, #tpu.memory_space<vmem>> -> memref<2048xf32, #tpu.memory_space<vmem>>
      tpu.enqueue_dma source(%dma_start3A_678 : memref<2048xf32, #tpu.memory_space<vmem>>) target(%dma_start3A_675 : memref<2048xf32, #tpu.memory_space<hbm>>) target_semaphore(%arg8 : memref<!tpu.dma_semaphore, #tpu.memory_space<semaphore_mem>>)
      %dma_start3A_679 = arith.constant 1 : i32
      %dma_start3A_680 = arith.constant 5 : i32
      %dma_start3A_681 = arith.constant 10240 : i32
      %dma_start3A_682 = tpu.memref_slice %arg7[%dma_start3A_679, %dma_start3A_681] : memref<2x32768xf32, #tpu.memory_space<vmem>> -> memref<1x2048xf32, #tpu.memory_space<vmem>>
      %dma_start3A_683 = tpu.memref_squeeze %dma_start3A_682 : memref<1x2048xf32, #tpu.memory_space<vmem>> -> memref<2048xf32, #tpu.memory_space<vmem>>
      %dma_start3A_684 = tpu.memref_slice %arg4[%dma_start3A_680, %add3A_605] : memref<16x1048576xf32, #tpu.memory_space<hbm>> -> memref<1x2048xf32, #tpu.memory_space<hbm>>
      %dma_start3A_685 = tpu.memref_squeeze %dma_start3A_684 : memref<1x2048xf32, #tpu.memory_space<hbm>> -> memref<2048xf32, #tpu.memory_space<hbm>>
      %dma_start3A_686 = tpu.memref_slice %arg4[%dma_start3A_680, %add3A_605] : memref<16x1048576xf32, #tpu.memory_space<hbm>> -> memref<1x2048xf32, #tpu.memory_space<hbm>>
      %dma_start3A_687 = tpu.memref_squeeze %dma_start3A_686 : memref<1x2048xf32, #tpu.memory_space<hbm>> -> memref<2048xf32, #tpu.memory_space<hbm>>
      %dma_start3A_688 = arith.constant 10240 : i32
      %dma_start3A_689 = tpu.memref_slice %arg7[%dma_start3A_679, %dma_start3A_688] : memref<2x32768xf32, #tpu.memory_space<vmem>> -> memref<1x2048xf32, #tpu.memory_space<vmem>>
      %dma_start3A_690 = tpu.memref_squeeze %dma_start3A_689 : memref<1x2048xf32, #tpu.memory_space<vmem>> -> memref<2048xf32, #tpu.memory_space<vmem>>
      tpu.enqueue_dma source(%dma_start3A_690 : memref<2048xf32, #tpu.memory_space<vmem>>) target(%dma_start3A_687 : memref<2048xf32, #tpu.memory_space<hbm>>) target_semaphore(%arg8 : memref<!tpu.dma_semaphore, #tpu.memory_space<semaphore_mem>>)
      %dma_start3A_691 = arith.constant 1 : i32
      %dma_start3A_692 = arith.constant 6 : i32
      %dma_start3A_693 = arith.constant 12288 : i32
      %dma_start3A_694 = tpu.memref_slice %arg7[%dma_start3A_691, %dma_start3A_693] : memref<2x32768xf32, #tpu.memory_space<vmem>> -> memref<1x2048xf32, #tpu.memory_space<vmem>>
      %dma_start3A_695 = tpu.memref_squeeze %dma_start3A_694 : memref<1x2048xf32, #tpu.memory_space<vmem>> -> memref<2048xf32, #tpu.memory_space<vmem>>
      %dma_start3A_696 = tpu.memref_slice %arg4[%dma_start3A_692, %add3A_605] : memref<16x1048576xf32, #tpu.memory_space<hbm>> -> memref<1x2048xf32, #tpu.memory_space<hbm>>
      %dma_start3A_697 = tpu.memref_squeeze %dma_start3A_696 : memref<1x2048xf32, #tpu.memory_space<hbm>> -> memref<2048xf32, #tpu.memory_space<hbm>>
      %dma_start3A_698 = tpu.memref_slice %arg4[%dma_start3A_692, %add3A_605] : memref<16x1048576xf32, #tpu.memory_space<hbm>> -> memref<1x2048xf32, #tpu.memory_space<hbm>>
      %dma_start3A_699 = tpu.memref_squeeze %dma_start3A_698 : memref<1x2048xf32, #tpu.memory_space<hbm>> -> memref<2048xf32, #tpu.memory_space<hbm>>
      %dma_start3A_700 = arith.constant 12288 : i32
      %dma_start3A_701 = tpu.memref_slice %arg7[%dma_start3A_691, %dma_start3A_700] : memref<2x32768xf32, #tpu.memory_space<vmem>> -> memref<1x2048xf32, #tpu.memory_space<vmem>>
      %dma_start3A_702 = tpu.memref_squeeze %dma_start3A_701 : memref<1x2048xf32, #tpu.memory_space<vmem>> -> memref<2048xf32, #tpu.memory_space<vmem>>
      tpu.enqueue_dma source(%dma_start3A_702 : memref<2048xf32, #tpu.memory_space<vmem>>) target(%dma_start3A_699 : memref<2048xf32, #tpu.memory_space<hbm>>) target_semaphore(%arg8 : memref<!tpu.dma_semaphore, #tpu.memory_space<semaphore_mem>>)
      %dma_start3A_703 = arith.constant 1 : i32
      %dma_start3A_704 = arith.constant 7 : i32
      %dma_start3A_705 = arith.constant 14336 : i32
      %dma_start3A_706 = tpu.memref_slice %arg7[%dma_start3A_703, %dma_start3A_705] : memref<2x32768xf32, #tpu.memory_space<vmem>> -> memref<1x2048xf32, #tpu.memory_space<vmem>>
      %dma_start3A_707 = tpu.memref_squeeze %dma_start3A_706 : memref<1x2048xf32, #tpu.memory_space<vmem>> -> memref<2048xf32, #tpu.memory_space<vmem>>
      %dma_start3A_708 = tpu.memref_slice %arg4[%dma_start3A_704, %add3A_605] : memref<16x1048576xf32, #tpu.memory_space<hbm>> -> memref<1x2048xf32, #tpu.memory_space<hbm>>
      %dma_start3A_709 = tpu.memref_squeeze %dma_start3A_708 : memref<1x2048xf32, #tpu.memory_space<hbm>> -> memref<2048xf32, #tpu.memory_space<hbm>>
      %dma_start3A_710 = tpu.memref_slice %arg4[%dma_start3A_704, %add3A_605] : memref<16x1048576xf32, #tpu.memory_space<hbm>> -> memref<1x2048xf32, #tpu.memory_space<hbm>>
      %dma_start3A_711 = tpu.memref_squeeze %dma_start3A_710 : memref<1x2048xf32, #tpu.memory_space<hbm>> -> memref<2048xf32, #tpu.memory_space<hbm>>
      %dma_start3A_712 = arith.constant 14336 : i32
      %dma_start3A_713 = tpu.memref_slice %arg7[%dma_start3A_703, %dma_start3A_712] : memref<2x32768xf32, #tpu.memory_space<vmem>> -> memref<1x2048xf32, #tpu.memory_space<vmem>>
      %dma_start3A_714 = tpu.memref_squeeze %dma_start3A_713 : memref<1x2048xf32, #tpu.memory_space<vmem>> -> memref<2048xf32, #tpu.memory_space<vmem>>
      tpu.enqueue_dma source(%dma_start3A_714 : memref<2048xf32, #tpu.memory_space<vmem>>) target(%dma_start3A_711 : memref<2048xf32, #tpu.memory_space<hbm>>) target_semaphore(%arg8 : memref<!tpu.dma_semaphore, #tpu.memory_space<semaphore_mem>>)
      %dma_start3A_715 = arith.constant 1 : i32
      %dma_start3A_716 = arith.constant 8 : i32
      %dma_start3A_717 = arith.constant 16384 : i32
      %dma_start3A_718 = tpu.memref_slice %arg7[%dma_start3A_715, %dma_start3A_717] : memref<2x32768xf32, #tpu.memory_space<vmem>> -> memref<1x2048xf32, #tpu.memory_space<vmem>>
      %dma_start3A_719 = tpu.memref_squeeze %dma_start3A_718 : memref<1x2048xf32, #tpu.memory_space<vmem>> -> memref<2048xf32, #tpu.memory_space<vmem>>
      %dma_start3A_720 = tpu.memref_slice %arg4[%dma_start3A_716, %add3A_605] : memref<16x1048576xf32, #tpu.memory_space<hbm>> -> memref<1x2048xf32, #tpu.memory_space<hbm>>
      %dma_start3A_721 = tpu.memref_squeeze %dma_start3A_720 : memref<1x2048xf32, #tpu.memory_space<hbm>> -> memref<2048xf32, #tpu.memory_space<hbm>>
      %dma_start3A_722 = tpu.memref_slice %arg4[%dma_start3A_716, %add3A_605] : memref<16x1048576xf32, #tpu.memory_space<hbm>> -> memref<1x2048xf32, #tpu.memory_space<hbm>>
      %dma_start3A_723 = tpu.memref_squeeze %dma_start3A_722 : memref<1x2048xf32, #tpu.memory_space<hbm>> -> memref<2048xf32, #tpu.memory_space<hbm>>
      %dma_start3A_724 = arith.constant 16384 : i32
      %dma_start3A_725 = tpu.memref_slice %arg7[%dma_start3A_715, %dma_start3A_724] : memref<2x32768xf32, #tpu.memory_space<vmem>> -> memref<1x2048xf32, #tpu.memory_space<vmem>>
      %dma_start3A_726 = tpu.memref_squeeze %dma_start3A_725 : memref<1x2048xf32, #tpu.memory_space<vmem>> -> memref<2048xf32, #tpu.memory_space<vmem>>
      tpu.enqueue_dma source(%dma_start3A_726 : memref<2048xf32, #tpu.memory_space<vmem>>) target(%dma_start3A_723 : memref<2048xf32, #tpu.memory_space<hbm>>) target_semaphore(%arg8 : memref<!tpu.dma_semaphore, #tpu.memory_space<semaphore_mem>>)
      %dma_start3A_727 = arith.constant 1 : i32
      %dma_start3A_728 = arith.constant 9 : i32
      %dma_start3A_729 = arith.constant 18432 : i32
      %dma_start3A_730 = tpu.memref_slice %arg7[%dma_start3A_727, %dma_start3A_729] : memref<2x32768xf32, #tpu.memory_space<vmem>> -> memref<1x2048xf32, #tpu.memory_space<vmem>>
      %dma_start3A_731 = tpu.memref_squeeze %dma_start3A_730 : memref<1x2048xf32, #tpu.memory_space<vmem>> -> memref<2048xf32, #tpu.memory_space<vmem>>
      %dma_start3A_732 = tpu.memref_slice %arg4[%dma_start3A_728, %add3A_605] : memref<16x1048576xf32, #tpu.memory_space<hbm>> -> memref<1x2048xf32, #tpu.memory_space<hbm>>
      %dma_start3A_733 = tpu.memref_squeeze %dma_start3A_732 : memref<1x2048xf32, #tpu.memory_space<hbm>> -> memref<2048xf32, #tpu.memory_space<hbm>>
      %dma_start3A_734 = tpu.memref_slice %arg4[%dma_start3A_728, %add3A_605] : memref<16x1048576xf32, #tpu.memory_space<hbm>> -> memref<1x2048xf32, #tpu.memory_space<hbm>>
      %dma_start3A_735 = tpu.memref_squeeze %dma_start3A_734 : memref<1x2048xf32, #tpu.memory_space<hbm>> -> memref<2048xf32, #tpu.memory_space<hbm>>
      %dma_start3A_736 = arith.constant 18432 : i32
      %dma_start3A_737 = tpu.memref_slice %arg7[%dma_start3A_727, %dma_start3A_736] : memref<2x32768xf32, #tpu.memory_space<vmem>> -> memref<1x2048xf32, #tpu.memory_space<vmem>>
      %dma_start3A_738 = tpu.memref_squeeze %dma_start3A_737 : memref<1x2048xf32, #tpu.memory_space<vmem>> -> memref<2048xf32, #tpu.memory_space<vmem>>
      tpu.enqueue_dma source(%dma_start3A_738 : memref<2048xf32, #tpu.memory_space<vmem>>) target(%dma_start3A_735 : memref<2048xf32, #tpu.memory_space<hbm>>) target_semaphore(%arg8 : memref<!tpu.dma_semaphore, #tpu.memory_space<semaphore_mem>>)
      %dma_start3A_739 = arith.constant 1 : i32
      %dma_start3A_740 = arith.constant 10 : i32
      %dma_start3A_741 = arith.constant 20480 : i32
      %dma_start3A_742 = tpu.memref_slice %arg7[%dma_start3A_739, %dma_start3A_741] : memref<2x32768xf32, #tpu.memory_space<vmem>> -> memref<1x2048xf32, #tpu.memory_space<vmem>>
      %dma_start3A_743 = tpu.memref_squeeze %dma_start3A_742 : memref<1x2048xf32, #tpu.memory_space<vmem>> -> memref<2048xf32, #tpu.memory_space<vmem>>
      %dma_start3A_744 = tpu.memref_slice %arg4[%dma_start3A_740, %add3A_605] : memref<16x1048576xf32, #tpu.memory_space<hbm>> -> memref<1x2048xf32, #tpu.memory_space<hbm>>
      %dma_start3A_745 = tpu.memref_squeeze %dma_start3A_744 : memref<1x2048xf32, #tpu.memory_space<hbm>> -> memref<2048xf32, #tpu.memory_space<hbm>>
      %dma_start3A_746 = tpu.memref_slice %arg4[%dma_start3A_740, %add3A_605] : memref<16x1048576xf32, #tpu.memory_space<hbm>> -> memref<1x2048xf32, #tpu.memory_space<hbm>>
      %dma_start3A_747 = tpu.memref_squeeze %dma_start3A_746 : memref<1x2048xf32, #tpu.memory_space<hbm>> -> memref<2048xf32, #tpu.memory_space<hbm>>
      %dma_start3A_748 = arith.constant 20480 : i32
      %dma_start3A_749 = tpu.memref_slice %arg7[%dma_start3A_739, %dma_start3A_748] : memref<2x32768xf32, #tpu.memory_space<vmem>> -> memref<1x2048xf32, #tpu.memory_space<vmem>>
      %dma_start3A_750 = tpu.memref_squeeze %dma_start3A_749 : memref<1x2048xf32, #tpu.memory_space<vmem>> -> memref<2048xf32, #tpu.memory_space<vmem>>
      tpu.enqueue_dma source(%dma_start3A_750 : memref<2048xf32, #tpu.memory_space<vmem>>) target(%dma_start3A_747 : memref<2048xf32, #tpu.memory_space<hbm>>) target_semaphore(%arg8 : memref<!tpu.dma_semaphore, #tpu.memory_space<semaphore_mem>>)
      %dma_start3A_751 = arith.constant 1 : i32
      %dma_start3A_752 = arith.constant 11 : i32
      %dma_start3A_753 = arith.constant 22528 : i32
      %dma_start3A_754 = tpu.memref_slice %arg7[%dma_start3A_751, %dma_start3A_753] : memref<2x32768xf32, #tpu.memory_space<vmem>> -> memref<1x2048xf32, #tpu.memory_space<vmem>>
      %dma_start3A_755 = tpu.memref_squeeze %dma_start3A_754 : memref<1x2048xf32, #tpu.memory_space<vmem>> -> memref<2048xf32, #tpu.memory_space<vmem>>
      %dma_start3A_756 = tpu.memref_slice %arg4[%dma_start3A_752, %add3A_605] : memref<16x1048576xf32, #tpu.memory_space<hbm>> -> memref<1x2048xf32, #tpu.memory_space<hbm>>
      %dma_start3A_757 = tpu.memref_squeeze %dma_start3A_756 : memref<1x2048xf32, #tpu.memory_space<hbm>> -> memref<2048xf32, #tpu.memory_space<hbm>>
      %dma_start3A_758 = tpu.memref_slice %arg4[%dma_start3A_752, %add3A_605] : memref<16x1048576xf32, #tpu.memory_space<hbm>> -> memref<1x2048xf32, #tpu.memory_space<hbm>>
      %dma_start3A_759 = tpu.memref_squeeze %dma_start3A_758 : memref<1x2048xf32, #tpu.memory_space<hbm>> -> memref<2048xf32, #tpu.memory_space<hbm>>
      %dma_start3A_760 = arith.constant 22528 : i32
      %dma_start3A_761 = tpu.memref_slice %arg7[%dma_start3A_751, %dma_start3A_760] : memref<2x32768xf32, #tpu.memory_space<vmem>> -> memref<1x2048xf32, #tpu.memory_space<vmem>>
      %dma_start3A_762 = tpu.memref_squeeze %dma_start3A_761 : memref<1x2048xf32, #tpu.memory_space<vmem>> -> memref<2048xf32, #tpu.memory_space<vmem>>
      tpu.enqueue_dma source(%dma_start3A_762 : memref<2048xf32, #tpu.memory_space<vmem>>) target(%dma_start3A_759 : memref<2048xf32, #tpu.memory_space<hbm>>) target_semaphore(%arg8 : memref<!tpu.dma_semaphore, #tpu.memory_space<semaphore_mem>>)
      %dma_start3A_763 = arith.constant 1 : i32
      %dma_start3A_764 = arith.constant 12 : i32
      %dma_start3A_765 = arith.constant 24576 : i32
      %dma_start3A_766 = tpu.memref_slice %arg7[%dma_start3A_763, %dma_start3A_765] : memref<2x32768xf32, #tpu.memory_space<vmem>> -> memref<1x2048xf32, #tpu.memory_space<vmem>>
      %dma_start3A_767 = tpu.memref_squeeze %dma_start3A_766 : memref<1x2048xf32, #tpu.memory_space<vmem>> -> memref<2048xf32, #tpu.memory_space<vmem>>
      %dma_start3A_768 = tpu.memref_slice %arg4[%dma_start3A_764, %add3A_605] : memref<16x1048576xf32, #tpu.memory_space<hbm>> -> memref<1x2048xf32, #tpu.memory_space<hbm>>
      %dma_start3A_769 = tpu.memref_squeeze %dma_start3A_768 : memref<1x2048xf32, #tpu.memory_space<hbm>> -> memref<2048xf32, #tpu.memory_space<hbm>>
      %dma_start3A_770 = tpu.memref_slice %arg4[%dma_start3A_764, %add3A_605] : memref<16x1048576xf32, #tpu.memory_space<hbm>> -> memref<1x2048xf32, #tpu.memory_space<hbm>>
      %dma_start3A_771 = tpu.memref_squeeze %dma_start3A_770 : memref<1x2048xf32, #tpu.memory_space<hbm>> -> memref<2048xf32, #tpu.memory_space<hbm>>
      %dma_start3A_772 = arith.constant 24576 : i32
      %dma_start3A_773 = tpu.memref_slice %arg7[%dma_start3A_763, %dma_start3A_772] : memref<2x32768xf32, #tpu.memory_space<vmem>> -> memref<1x2048xf32, #tpu.memory_space<vmem>>
      %dma_start3A_774 = tpu.memref_squeeze %dma_start3A_773 : memref<1x2048xf32, #tpu.memory_space<vmem>> -> memref<2048xf32, #tpu.memory_space<vmem>>
      tpu.enqueue_dma source(%dma_start3A_774 : memref<2048xf32, #tpu.memory_space<vmem>>) target(%dma_start3A_771 : memref<2048xf32, #tpu.memory_space<hbm>>) target_semaphore(%arg8 : memref<!tpu.dma_semaphore, #tpu.memory_space<semaphore_mem>>)
      %dma_start3A_775 = arith.constant 1 : i32
      %dma_start3A_776 = arith.constant 13 : i32
      %dma_start3A_777 = arith.constant 26624 : i32
      %dma_start3A_778 = tpu.memref_slice %arg7[%dma_start3A_775, %dma_start3A_777] : memref<2x32768xf32, #tpu.memory_space<vmem>> -> memref<1x2048xf32, #tpu.memory_space<vmem>>
      %dma_start3A_779 = tpu.memref_squeeze %dma_start3A_778 : memref<1x2048xf32, #tpu.memory_space<vmem>> -> memref<2048xf32, #tpu.memory_space<vmem>>
      %dma_start3A_780 = tpu.memref_slice %arg4[%dma_start3A_776, %add3A_605] : memref<16x1048576xf32, #tpu.memory_space<hbm>> -> memref<1x2048xf32, #tpu.memory_space<hbm>>
      %dma_start3A_781 = tpu.memref_squeeze %dma_start3A_780 : memref<1x2048xf32, #tpu.memory_space<hbm>> -> memref<2048xf32, #tpu.memory_space<hbm>>
      %dma_start3A_782 = tpu.memref_slice %arg4[%dma_start3A_776, %add3A_605] : memref<16x1048576xf32, #tpu.memory_space<hbm>> -> memref<1x2048xf32, #tpu.memory_space<hbm>>
      %dma_start3A_783 = tpu.memref_squeeze %dma_start3A_782 : memref<1x2048xf32, #tpu.memory_space<hbm>> -> memref<2048xf32, #tpu.memory_space<hbm>>
      %dma_start3A_784 = arith.constant 26624 : i32
      %dma_start3A_785 = tpu.memref_slice %arg7[%dma_start3A_775, %dma_start3A_784] : memref<2x32768xf32, #tpu.memory_space<vmem>> -> memref<1x2048xf32, #tpu.memory_space<vmem>>
      %dma_start3A_786 = tpu.memref_squeeze %dma_start3A_785 : memref<1x2048xf32, #tpu.memory_space<vmem>> -> memref<2048xf32, #tpu.memory_space<vmem>>
      tpu.enqueue_dma source(%dma_start3A_786 : memref<2048xf32, #tpu.memory_space<vmem>>) target(%dma_start3A_783 : memref<2048xf32, #tpu.memory_space<hbm>>) target_semaphore(%arg8 : memref<!tpu.dma_semaphore, #tpu.memory_space<semaphore_mem>>)
      %dma_start3A_787 = arith.constant 1 : i32
      %dma_start3A_788 = arith.constant 14 : i32
      %dma_start3A_789 = arith.constant 28672 : i32
      %dma_start3A_790 = tpu.memref_slice %arg7[%dma_start3A_787, %dma_start3A_789] : memref<2x32768xf32, #tpu.memory_space<vmem>> -> memref<1x2048xf32, #tpu.memory_space<vmem>>
      %dma_start3A_791 = tpu.memref_squeeze %dma_start3A_790 : memref<1x2048xf32, #tpu.memory_space<vmem>> -> memref<2048xf32, #tpu.memory_space<vmem>>
      %dma_start3A_792 = tpu.memref_slice %arg4[%dma_start3A_788, %add3A_605] : memref<16x1048576xf32, #tpu.memory_space<hbm>> -> memref<1x2048xf32, #tpu.memory_space<hbm>>
      %dma_start3A_793 = tpu.memref_squeeze %dma_start3A_792 : memref<1x2048xf32, #tpu.memory_space<hbm>> -> memref<2048xf32, #tpu.memory_space<hbm>>
      %dma_start3A_794 = tpu.memref_slice %arg4[%dma_start3A_788, %add3A_605] : memref<16x1048576xf32, #tpu.memory_space<hbm>> -> memref<1x2048xf32, #tpu.memory_space<hbm>>
      %dma_start3A_795 = tpu.memref_squeeze %dma_start3A_794 : memref<1x2048xf32, #tpu.memory_space<hbm>> -> memref<2048xf32, #tpu.memory_space<hbm>>
      %dma_start3A_796 = arith.constant 28672 : i32
      %dma_start3A_797 = tpu.memref_slice %arg7[%dma_start3A_787, %dma_start3A_796] : memref<2x32768xf32, #tpu.memory_space<vmem>> -> memref<1x2048xf32, #tpu.memory_space<vmem>>
      %dma_start3A_798 = tpu.memref_squeeze %dma_start3A_797 : memref<1x2048xf32, #tpu.memory_space<vmem>> -> memref<2048xf32, #tpu.memory_space<vmem>>
      tpu.enqueue_dma source(%dma_start3A_798 : memref<2048xf32, #tpu.memory_space<vmem>>) target(%dma_start3A_795 : memref<2048xf32, #tpu.memory_space<hbm>>) target_semaphore(%arg8 : memref<!tpu.dma_semaphore, #tpu.memory_space<semaphore_mem>>)
      %dma_start3A_799 = arith.constant 1 : i32
      %dma_start3A_800 = arith.constant 15 : i32
      %dma_start3A_801 = arith.constant 30720 : i32
      %dma_start3A_802 = tpu.memref_slice %arg7[%dma_start3A_799, %dma_start3A_801] : memref<2x32768xf32, #tpu.memory_space<vmem>> -> memref<1x2048xf32, #tpu.memory_space<vmem>>
      %dma_start3A_803 = tpu.memref_squeeze %dma_start3A_802 : memref<1x2048xf32, #tpu.memory_space<vmem>> -> memref<2048xf32, #tpu.memory_space<vmem>>
      %dma_start3A_804 = tpu.memref_slice %arg4[%dma_start3A_800, %add3A_605] : memref<16x1048576xf32, #tpu.memory_space<hbm>> -> memref<1x2048xf32, #tpu.memory_space<hbm>>
      %dma_start3A_805 = tpu.memref_squeeze %dma_start3A_804 : memref<1x2048xf32, #tpu.memory_space<hbm>> -> memref<2048xf32, #tpu.memory_space<hbm>>
      %dma_start3A_806 = tpu.memref_slice %arg4[%dma_start3A_800, %add3A_605] : memref<16x1048576xf32, #tpu.memory_space<hbm>> -> memref<1x2048xf32, #tpu.memory_space<hbm>>
      %dma_start3A_807 = tpu.memref_squeeze %dma_start3A_806 : memref<1x2048xf32, #tpu.memory_space<hbm>> -> memref<2048xf32, #tpu.memory_space<hbm>>
      %dma_start3A_808 = arith.constant 30720 : i32
      %dma_start3A_809 = tpu.memref_slice %arg7[%dma_start3A_799, %dma_start3A_808] : memref<2x32768xf32, #tpu.memory_space<vmem>> -> memref<1x2048xf32, #tpu.memory_space<vmem>>
      %dma_start3A_810 = tpu.memref_squeeze %dma_start3A_809 : memref<1x2048xf32, #tpu.memory_space<vmem>> -> memref<2048xf32, #tpu.memory_space<vmem>>
      tpu.enqueue_dma source(%dma_start3A_810 : memref<2048xf32, #tpu.memory_space<vmem>>) target(%dma_start3A_807 : memref<2048xf32, #tpu.memory_space<hbm>>) target_semaphore(%arg8 : memref<!tpu.dma_semaphore, #tpu.memory_space<semaphore_mem>>)
    }
    %scan3A_7 = arith.constant 8 : i32
    %dma_wait3A = arith.constant 0 : i32
    %dma_wait3A_8 = arith.constant 0 : i32
    %dma_wait3A_9 = arith.constant 0 : i32
    %dma_wait3A_10 = tpu.memref_slice %arg7[%dma_wait3A, %dma_wait3A_9] : memref<2x32768xf32, #tpu.memory_space<vmem>> -> memref<1x2048xf32, #tpu.memory_space<vmem>>
    %dma_wait3A_11 = tpu.memref_squeeze %dma_wait3A_10 : memref<1x2048xf32, #tpu.memory_space<vmem>> -> memref<2048xf32, #tpu.memory_space<vmem>>
    %dma_wait3A_12 = tpu.memref_slice %arg4[%dma_wait3A_8, %mul3A_2] : memref<16x1048576xf32, #tpu.memory_space<hbm>> -> memref<1x2048xf32, #tpu.memory_space<hbm>>
    %dma_wait3A_13 = tpu.memref_squeeze %dma_wait3A_12 : memref<1x2048xf32, #tpu.memory_space<hbm>> -> memref<2048xf32, #tpu.memory_space<hbm>>
    %dma_wait3A_14 = tpu.memref_slice %arg4[%dma_wait3A_8, %mul3A_2] : memref<16x1048576xf32, #tpu.memory_space<hbm>> -> memref<1x2048xf32, #tpu.memory_space<hbm>>
    %dma_wait3A_15 = tpu.memref_squeeze %dma_wait3A_14 : memref<1x2048xf32, #tpu.memory_space<hbm>> -> memref<2048xf32, #tpu.memory_space<hbm>>
    %dma_wait3A_16 = arith.constant 0 : i32
    %dma_wait3A_17 = tpu.memref_slice %arg7[%dma_wait3A, %dma_wait3A_16] : memref<2x32768xf32, #tpu.memory_space<vmem>> -> memref<1x2048xf32, #tpu.memory_space<vmem>>
    %dma_wait3A_18 = tpu.memref_squeeze %dma_wait3A_17 : memref<1x2048xf32, #tpu.memory_space<vmem>> -> memref<2048xf32, #tpu.memory_space<vmem>>
    tpu.wait_dma2 semaphore(%arg8 : memref<!tpu.dma_semaphore, #tpu.memory_space<semaphore_mem>>) src(%dma_wait3A_18 : memref<2048xf32, #tpu.memory_space<vmem>>) dst(%dma_wait3A_15 : memref<2048xf32, #tpu.memory_space<hbm>>)
    %dma_wait3A_19 = arith.constant 0 : i32
    %dma_wait3A_20 = arith.constant 1 : i32
    %dma_wait3A_21 = arith.constant 2048 : i32
    %dma_wait3A_22 = tpu.memref_slice %arg7[%dma_wait3A_19, %dma_wait3A_21] : memref<2x32768xf32, #tpu.memory_space<vmem>> -> memref<1x2048xf32, #tpu.memory_space<vmem>>
    %dma_wait3A_23 = tpu.memref_squeeze %dma_wait3A_22 : memref<1x2048xf32, #tpu.memory_space<vmem>> -> memref<2048xf32, #tpu.memory_space<vmem>>
    %dma_wait3A_24 = tpu.memref_slice %arg4[%dma_wait3A_20, %mul3A_2] : memref<16x1048576xf32, #tpu.memory_space<hbm>> -> memref<1x2048xf32, #tpu.memory_space<hbm>>
    %dma_wait3A_25 = tpu.memref_squeeze %dma_wait3A_24 : memref<1x2048xf32, #tpu.memory_space<hbm>> -> memref<2048xf32, #tpu.memory_space<hbm>>
    %dma_wait3A_26 = tpu.memref_slice %arg4[%dma_wait3A_20, %mul3A_2] : memref<16x1048576xf32, #tpu.memory_space<hbm>> -> memref<1x2048xf32, #tpu.memory_space<hbm>>
    %dma_wait3A_27 = tpu.memref_squeeze %dma_wait3A_26 : memref<1x2048xf32, #tpu.memory_space<hbm>> -> memref<2048xf32, #tpu.memory_space<hbm>>
    %dma_wait3A_28 = arith.constant 2048 : i32
    %dma_wait3A_29 = tpu.memref_slice %arg7[%dma_wait3A_19, %dma_wait3A_28] : memref<2x32768xf32, #tpu.memory_space<vmem>> -> memref<1x2048xf32, #tpu.memory_space<vmem>>
    %dma_wait3A_30 = tpu.memref_squeeze %dma_wait3A_29 : memref<1x2048xf32, #tpu.memory_space<vmem>> -> memref<2048xf32, #tpu.memory_space<vmem>>
    tpu.wait_dma2 semaphore(%arg8 : memref<!tpu.dma_semaphore, #tpu.memory_space<semaphore_mem>>) src(%dma_wait3A_30 : memref<2048xf32, #tpu.memory_space<vmem>>) dst(%dma_wait3A_27 : memref<2048xf32, #tpu.memory_space<hbm>>)
    %dma_wait3A_31 = arith.constant 0 : i32
    %dma_wait3A_32 = arith.constant 2 : i32
    %dma_wait3A_33 = arith.constant 4096 : i32
    %dma_wait3A_34 = tpu.memref_slice %arg7[%dma_wait3A_31, %dma_wait3A_33] : memref<2x32768xf32, #tpu.memory_space<vmem>> -> memref<1x2048xf32, #tpu.memory_space<vmem>>
    %dma_wait3A_35 = tpu.memref_squeeze %dma_wait3A_34 : memref<1x2048xf32, #tpu.memory_space<vmem>> -> memref<2048xf32, #tpu.memory_space<vmem>>
    %dma_wait3A_36 = tpu.memref_slice %arg4[%dma_wait3A_32, %mul3A_2] : memref<16x1048576xf32, #tpu.memory_space<hbm>> -> memref<1x2048xf32, #tpu.memory_space<hbm>>
    %dma_wait3A_37 = tpu.memref_squeeze %dma_wait3A_36 : memref<1x2048xf32, #tpu.memory_space<hbm>> -> memref<2048xf32, #tpu.memory_space<hbm>>
    %dma_wait3A_38 = tpu.memref_slice %arg4[%dma_wait3A_32, %mul3A_2] : memref<16x1048576xf32, #tpu.memory_space<hbm>> -> memref<1x2048xf32, #tpu.memory_space<hbm>>
    %dma_wait3A_39 = tpu.memref_squeeze %dma_wait3A_38 : memref<1x2048xf32, #tpu.memory_space<hbm>> -> memref<2048xf32, #tpu.memory_space<hbm>>
    %dma_wait3A_40 = arith.constant 4096 : i32
    %dma_wait3A_41 = tpu.memref_slice %arg7[%dma_wait3A_31, %dma_wait3A_40] : memref<2x32768xf32, #tpu.memory_space<vmem>> -> memref<1x2048xf32, #tpu.memory_space<vmem>>
    %dma_wait3A_42 = tpu.memref_squeeze %dma_wait3A_41 : memref<1x2048xf32, #tpu.memory_space<vmem>> -> memref<2048xf32, #tpu.memory_space<vmem>>
    tpu.wait_dma2 semaphore(%arg8 : memref<!tpu.dma_semaphore, #tpu.memory_space<semaphore_mem>>) src(%dma_wait3A_42 : memref<2048xf32, #tpu.memory_space<vmem>>) dst(%dma_wait3A_39 : memref<2048xf32, #tpu.memory_space<hbm>>)
    %dma_wait3A_43 = arith.constant 0 : i32
    %dma_wait3A_44 = arith.constant 3 : i32
    %dma_wait3A_45 = arith.constant 6144 : i32
    %dma_wait3A_46 = tpu.memref_slice %arg7[%dma_wait3A_43, %dma_wait3A_45] : memref<2x32768xf32, #tpu.memory_space<vmem>> -> memref<1x2048xf32, #tpu.memory_space<vmem>>
    %dma_wait3A_47 = tpu.memref_squeeze %dma_wait3A_46 : memref<1x2048xf32, #tpu.memory_space<vmem>> -> memref<2048xf32, #tpu.memory_space<vmem>>
    %dma_wait3A_48 = tpu.memref_slice %arg4[%dma_wait3A_44, %mul3A_2] : memref<16x1048576xf32, #tpu.memory_space<hbm>> -> memref<1x2048xf32, #tpu.memory_space<hbm>>
    %dma_wait3A_49 = tpu.memref_squeeze %dma_wait3A_48 : memref<1x2048xf32, #tpu.memory_space<hbm>> -> memref<2048xf32, #tpu.memory_space<hbm>>
    %dma_wait3A_50 = tpu.memref_slice %arg4[%dma_wait3A_44, %mul3A_2] : memref<16x1048576xf32, #tpu.memory_space<hbm>> -> memref<1x2048xf32, #tpu.memory_space<hbm>>
    %dma_wait3A_51 = tpu.memref_squeeze %dma_wait3A_50 : memref<1x2048xf32, #tpu.memory_space<hbm>> -> memref<2048xf32, #tpu.memory_space<hbm>>
    %dma_wait3A_52 = arith.constant 6144 : i32
    %dma_wait3A_53 = tpu.memref_slice %arg7[%dma_wait3A_43, %dma_wait3A_52] : memref<2x32768xf32, #tpu.memory_space<vmem>> -> memref<1x2048xf32, #tpu.memory_space<vmem>>
    %dma_wait3A_54 = tpu.memref_squeeze %dma_wait3A_53 : memref<1x2048xf32, #tpu.memory_space<vmem>> -> memref<2048xf32, #tpu.memory_space<vmem>>
    tpu.wait_dma2 semaphore(%arg8 : memref<!tpu.dma_semaphore, #tpu.memory_space<semaphore_mem>>) src(%dma_wait3A_54 : memref<2048xf32, #tpu.memory_space<vmem>>) dst(%dma_wait3A_51 : memref<2048xf32, #tpu.memory_space<hbm>>)
    %dma_wait3A_55 = arith.constant 0 : i32
    %dma_wait3A_56 = arith.constant 4 : i32
    %dma_wait3A_57 = arith.constant 8192 : i32
    %dma_wait3A_58 = tpu.memref_slice %arg7[%dma_wait3A_55, %dma_wait3A_57] : memref<2x32768xf32, #tpu.memory_space<vmem>> -> memref<1x2048xf32, #tpu.memory_space<vmem>>
    %dma_wait3A_59 = tpu.memref_squeeze %dma_wait3A_58 : memref<1x2048xf32, #tpu.memory_space<vmem>> -> memref<2048xf32, #tpu.memory_space<vmem>>
    %dma_wait3A_60 = tpu.memref_slice %arg4[%dma_wait3A_56, %mul3A_2] : memref<16x1048576xf32, #tpu.memory_space<hbm>> -> memref<1x2048xf32, #tpu.memory_space<hbm>>
    %dma_wait3A_61 = tpu.memref_squeeze %dma_wait3A_60 : memref<1x2048xf32, #tpu.memory_space<hbm>> -> memref<2048xf32, #tpu.memory_space<hbm>>
    %dma_wait3A_62 = tpu.memref_slice %arg4[%dma_wait3A_56, %mul3A_2] : memref<16x1048576xf32, #tpu.memory_space<hbm>> -> memref<1x2048xf32, #tpu.memory_space<hbm>>
    %dma_wait3A_63 = tpu.memref_squeeze %dma_wait3A_62 : memref<1x2048xf32, #tpu.memory_space<hbm>> -> memref<2048xf32, #tpu.memory_space<hbm>>
    %dma_wait3A_64 = arith.constant 8192 : i32
    %dma_wait3A_65 = tpu.memref_slice %arg7[%dma_wait3A_55, %dma_wait3A_64] : memref<2x32768xf32, #tpu.memory_space<vmem>> -> memref<1x2048xf32, #tpu.memory_space<vmem>>
    %dma_wait3A_66 = tpu.memref_squeeze %dma_wait3A_65 : memref<1x2048xf32, #tpu.memory_space<vmem>> -> memref<2048xf32, #tpu.memory_space<vmem>>
    tpu.wait_dma2 semaphore(%arg8 : memref<!tpu.dma_semaphore, #tpu.memory_space<semaphore_mem>>) src(%dma_wait3A_66 : memref<2048xf32, #tpu.memory_space<vmem>>) dst(%dma_wait3A_63 : memref<2048xf32, #tpu.memory_space<hbm>>)
    %dma_wait3A_67 = arith.constant 0 : i32
    %dma_wait3A_68 = arith.constant 5 : i32
    %dma_wait3A_69 = arith.constant 10240 : i32
    %dma_wait3A_70 = tpu.memref_slice %arg7[%dma_wait3A_67, %dma_wait3A_69] : memref<2x32768xf32, #tpu.memory_space<vmem>> -> memref<1x2048xf32, #tpu.memory_space<vmem>>
    %dma_wait3A_71 = tpu.memref_squeeze %dma_wait3A_70 : memref<1x2048xf32, #tpu.memory_space<vmem>> -> memref<2048xf32, #tpu.memory_space<vmem>>
    %dma_wait3A_72 = tpu.memref_slice %arg4[%dma_wait3A_68, %mul3A_2] : memref<16x1048576xf32, #tpu.memory_space<hbm>> -> memref<1x2048xf32, #tpu.memory_space<hbm>>
    %dma_wait3A_73 = tpu.memref_squeeze %dma_wait3A_72 : memref<1x2048xf32, #tpu.memory_space<hbm>> -> memref<2048xf32, #tpu.memory_space<hbm>>
    %dma_wait3A_74 = tpu.memref_slice %arg4[%dma_wait3A_68, %mul3A_2] : memref<16x1048576xf32, #tpu.memory_space<hbm>> -> memref<1x2048xf32, #tpu.memory_space<hbm>>
    %dma_wait3A_75 = tpu.memref_squeeze %dma_wait3A_74 : memref<1x2048xf32, #tpu.memory_space<hbm>> -> memref<2048xf32, #tpu.memory_space<hbm>>
    %dma_wait3A_76 = arith.constant 10240 : i32
    %dma_wait3A_77 = tpu.memref_slice %arg7[%dma_wait3A_67, %dma_wait3A_76] : memref<2x32768xf32, #tpu.memory_space<vmem>> -> memref<1x2048xf32, #tpu.memory_space<vmem>>
    %dma_wait3A_78 = tpu.memref_squeeze %dma_wait3A_77 : memref<1x2048xf32, #tpu.memory_space<vmem>> -> memref<2048xf32, #tpu.memory_space<vmem>>
    tpu.wait_dma2 semaphore(%arg8 : memref<!tpu.dma_semaphore, #tpu.memory_space<semaphore_mem>>) src(%dma_wait3A_78 : memref<2048xf32, #tpu.memory_space<vmem>>) dst(%dma_wait3A_75 : memref<2048xf32, #tpu.memory_space<hbm>>)
    %dma_wait3A_79 = arith.constant 0 : i32
    %dma_wait3A_80 = arith.constant 6 : i32
    %dma_wait3A_81 = arith.constant 12288 : i32
    %dma_wait3A_82 = tpu.memref_slice %arg7[%dma_wait3A_79, %dma_wait3A_81] : memref<2x32768xf32, #tpu.memory_space<vmem>> -> memref<1x2048xf32, #tpu.memory_space<vmem>>
    %dma_wait3A_83 = tpu.memref_squeeze %dma_wait3A_82 : memref<1x2048xf32, #tpu.memory_space<vmem>> -> memref<2048xf32, #tpu.memory_space<vmem>>
    %dma_wait3A_84 = tpu.memref_slice %arg4[%dma_wait3A_80, %mul3A_2] : memref<16x1048576xf32, #tpu.memory_space<hbm>> -> memref<1x2048xf32, #tpu.memory_space<hbm>>
    %dma_wait3A_85 = tpu.memref_squeeze %dma_wait3A_84 : memref<1x2048xf32, #tpu.memory_space<hbm>> -> memref<2048xf32, #tpu.memory_space<hbm>>
    %dma_wait3A_86 = tpu.memref_slice %arg4[%dma_wait3A_80, %mul3A_2] : memref<16x1048576xf32, #tpu.memory_space<hbm>> -> memref<1x2048xf32, #tpu.memory_space<hbm>>
    %dma_wait3A_87 = tpu.memref_squeeze %dma_wait3A_86 : memref<1x2048xf32, #tpu.memory_space<hbm>> -> memref<2048xf32, #tpu.memory_space<hbm>>
    %dma_wait3A_88 = arith.constant 12288 : i32
    %dma_wait3A_89 = tpu.memref_slice %arg7[%dma_wait3A_79, %dma_wait3A_88] : memref<2x32768xf32, #tpu.memory_space<vmem>> -> memref<1x2048xf32, #tpu.memory_space<vmem>>
    %dma_wait3A_90 = tpu.memref_squeeze %dma_wait3A_89 : memref<1x2048xf32, #tpu.memory_space<vmem>> -> memref<2048xf32, #tpu.memory_space<vmem>>
    tpu.wait_dma2 semaphore(%arg8 : memref<!tpu.dma_semaphore, #tpu.memory_space<semaphore_mem>>) src(%dma_wait3A_90 : memref<2048xf32, #tpu.memory_space<vmem>>) dst(%dma_wait3A_87 : memref<2048xf32, #tpu.memory_space<hbm>>)
    %dma_wait3A_91 = arith.constant 0 : i32
    %dma_wait3A_92 = arith.constant 7 : i32
    %dma_wait3A_93 = arith.constant 14336 : i32
    %dma_wait3A_94 = tpu.memref_slice %arg7[%dma_wait3A_91, %dma_wait3A_93] : memref<2x32768xf32, #tpu.memory_space<vmem>> -> memref<1x2048xf32, #tpu.memory_space<vmem>>
    %dma_wait3A_95 = tpu.memref_squeeze %dma_wait3A_94 : memref<1x2048xf32, #tpu.memory_space<vmem>> -> memref<2048xf32, #tpu.memory_space<vmem>>
    %dma_wait3A_96 = tpu.memref_slice %arg4[%dma_wait3A_92, %mul3A_2] : memref<16x1048576xf32, #tpu.memory_space<hbm>> -> memref<1x2048xf32, #tpu.memory_space<hbm>>
    %dma_wait3A_97 = tpu.memref_squeeze %dma_wait3A_96 : memref<1x2048xf32, #tpu.memory_space<hbm>> -> memref<2048xf32, #tpu.memory_space<hbm>>
    %dma_wait3A_98 = tpu.memref_slice %arg4[%dma_wait3A_92, %mul3A_2] : memref<16x1048576xf32, #tpu.memory_space<hbm>> -> memref<1x2048xf32, #tpu.memory_space<hbm>>
    %dma_wait3A_99 = tpu.memref_squeeze %dma_wait3A_98 : memref<1x2048xf32, #tpu.memory_space<hbm>> -> memref<2048xf32, #tpu.memory_space<hbm>>
    %dma_wait3A_100 = arith.constant 14336 : i32
    %dma_wait3A_101 = tpu.memref_slice %arg7[%dma_wait3A_91, %dma_wait3A_100] : memref<2x32768xf32, #tpu.memory_space<vmem>> -> memref<1x2048xf32, #tpu.memory_space<vmem>>
    %dma_wait3A_102 = tpu.memref_squeeze %dma_wait3A_101 : memref<1x2048xf32, #tpu.memory_space<vmem>> -> memref<2048xf32, #tpu.memory_space<vmem>>
    tpu.wait_dma2 semaphore(%arg8 : memref<!tpu.dma_semaphore, #tpu.memory_space<semaphore_mem>>) src(%dma_wait3A_102 : memref<2048xf32, #tpu.memory_space<vmem>>) dst(%dma_wait3A_99 : memref<2048xf32, #tpu.memory_space<hbm>>)
    %dma_wait3A_103 = arith.constant 0 : i32
    %dma_wait3A_104 = arith.constant 8 : i32
    %dma_wait3A_105 = arith.constant 16384 : i32
    %dma_wait3A_106 = tpu.memref_slice %arg7[%dma_wait3A_103, %dma_wait3A_105] : memref<2x32768xf32, #tpu.memory_space<vmem>> -> memref<1x2048xf32, #tpu.memory_space<vmem>>
    %dma_wait3A_107 = tpu.memref_squeeze %dma_wait3A_106 : memref<1x2048xf32, #tpu.memory_space<vmem>> -> memref<2048xf32, #tpu.memory_space<vmem>>
    %dma_wait3A_108 = tpu.memref_slice %arg4[%dma_wait3A_104, %mul3A_2] : memref<16x1048576xf32, #tpu.memory_space<hbm>> -> memref<1x2048xf32, #tpu.memory_space<hbm>>
    %dma_wait3A_109 = tpu.memref_squeeze %dma_wait3A_108 : memref<1x2048xf32, #tpu.memory_space<hbm>> -> memref<2048xf32, #tpu.memory_space<hbm>>
    %dma_wait3A_110 = tpu.memref_slice %arg4[%dma_wait3A_104, %mul3A_2] : memref<16x1048576xf32, #tpu.memory_space<hbm>> -> memref<1x2048xf32, #tpu.memory_space<hbm>>
    %dma_wait3A_111 = tpu.memref_squeeze %dma_wait3A_110 : memref<1x2048xf32, #tpu.memory_space<hbm>> -> memref<2048xf32, #tpu.memory_space<hbm>>
    %dma_wait3A_112 = arith.constant 16384 : i32
    %dma_wait3A_113 = tpu.memref_slice %arg7[%dma_wait3A_103, %dma_wait3A_112] : memref<2x32768xf32, #tpu.memory_space<vmem>> -> memref<1x2048xf32, #tpu.memory_space<vmem>>
    %dma_wait3A_114 = tpu.memref_squeeze %dma_wait3A_113 : memref<1x2048xf32, #tpu.memory_space<vmem>> -> memref<2048xf32, #tpu.memory_space<vmem>>
    tpu.wait_dma2 semaphore(%arg8 : memref<!tpu.dma_semaphore, #tpu.memory_space<semaphore_mem>>) src(%dma_wait3A_114 : memref<2048xf32, #tpu.memory_space<vmem>>) dst(%dma_wait3A_111 : memref<2048xf32, #tpu.memory_space<hbm>>)
    %dma_wait3A_115 = arith.constant 0 : i32
    %dma_wait3A_116 = arith.constant 9 : i32
    %dma_wait3A_117 = arith.constant 18432 : i32
    %dma_wait3A_118 = tpu.memref_slice %arg7[%dma_wait3A_115, %dma_wait3A_117] : memref<2x32768xf32, #tpu.memory_space<vmem>> -> memref<1x2048xf32, #tpu.memory_space<vmem>>
    %dma_wait3A_119 = tpu.memref_squeeze %dma_wait3A_118 : memref<1x2048xf32, #tpu.memory_space<vmem>> -> memref<2048xf32, #tpu.memory_space<vmem>>
    %dma_wait3A_120 = tpu.memref_slice %arg4[%dma_wait3A_116, %mul3A_2] : memref<16x1048576xf32, #tpu.memory_space<hbm>> -> memref<1x2048xf32, #tpu.memory_space<hbm>>
    %dma_wait3A_121 = tpu.memref_squeeze %dma_wait3A_120 : memref<1x2048xf32, #tpu.memory_space<hbm>> -> memref<2048xf32, #tpu.memory_space<hbm>>
    %dma_wait3A_122 = tpu.memref_slice %arg4[%dma_wait3A_116, %mul3A_2] : memref<16x1048576xf32, #tpu.memory_space<hbm>> -> memref<1x2048xf32, #tpu.memory_space<hbm>>
    %dma_wait3A_123 = tpu.memref_squeeze %dma_wait3A_122 : memref<1x2048xf32, #tpu.memory_space<hbm>> -> memref<2048xf32, #tpu.memory_space<hbm>>
    %dma_wait3A_124 = arith.constant 18432 : i32
    %dma_wait3A_125 = tpu.memref_slice %arg7[%dma_wait3A_115, %dma_wait3A_124] : memref<2x32768xf32, #tpu.memory_space<vmem>> -> memref<1x2048xf32, #tpu.memory_space<vmem>>
    %dma_wait3A_126 = tpu.memref_squeeze %dma_wait3A_125 : memref<1x2048xf32, #tpu.memory_space<vmem>> -> memref<2048xf32, #tpu.memory_space<vmem>>
    tpu.wait_dma2 semaphore(%arg8 : memref<!tpu.dma_semaphore, #tpu.memory_space<semaphore_mem>>) src(%dma_wait3A_126 : memref<2048xf32, #tpu.memory_space<vmem>>) dst(%dma_wait3A_123 : memref<2048xf32, #tpu.memory_space<hbm>>)
    %dma_wait3A_127 = arith.constant 0 : i32
    %dma_wait3A_128 = arith.constant 10 : i32
    %dma_wait3A_129 = arith.constant 20480 : i32
    %dma_wait3A_130 = tpu.memref_slice %arg7[%dma_wait3A_127, %dma_wait3A_129] : memref<2x32768xf32, #tpu.memory_space<vmem>> -> memref<1x2048xf32, #tpu.memory_space<vmem>>
    %dma_wait3A_131 = tpu.memref_squeeze %dma_wait3A_130 : memref<1x2048xf32, #tpu.memory_space<vmem>> -> memref<2048xf32, #tpu.memory_space<vmem>>
    %dma_wait3A_132 = tpu.memref_slice %arg4[%dma_wait3A_128, %mul3A_2] : memref<16x1048576xf32, #tpu.memory_space<hbm>> -> memref<1x2048xf32, #tpu.memory_space<hbm>>
    %dma_wait3A_133 = tpu.memref_squeeze %dma_wait3A_132 : memref<1x2048xf32, #tpu.memory_space<hbm>> -> memref<2048xf32, #tpu.memory_space<hbm>>
    %dma_wait3A_134 = tpu.memref_slice %arg4[%dma_wait3A_128, %mul3A_2] : memref<16x1048576xf32, #tpu.memory_space<hbm>> -> memref<1x2048xf32, #tpu.memory_space<hbm>>
    %dma_wait3A_135 = tpu.memref_squeeze %dma_wait3A_134 : memref<1x2048xf32, #tpu.memory_space<hbm>> -> memref<2048xf32, #tpu.memory_space<hbm>>
    %dma_wait3A_136 = arith.constant 20480 : i32
    %dma_wait3A_137 = tpu.memref_slice %arg7[%dma_wait3A_127, %dma_wait3A_136] : memref<2x32768xf32, #tpu.memory_space<vmem>> -> memref<1x2048xf32, #tpu.memory_space<vmem>>
    %dma_wait3A_138 = tpu.memref_squeeze %dma_wait3A_137 : memref<1x2048xf32, #tpu.memory_space<vmem>> -> memref<2048xf32, #tpu.memory_space<vmem>>
    tpu.wait_dma2 semaphore(%arg8 : memref<!tpu.dma_semaphore, #tpu.memory_space<semaphore_mem>>) src(%dma_wait3A_138 : memref<2048xf32, #tpu.memory_space<vmem>>) dst(%dma_wait3A_135 : memref<2048xf32, #tpu.memory_space<hbm>>)
    %dma_wait3A_139 = arith.constant 0 : i32
    %dma_wait3A_140 = arith.constant 11 : i32
    %dma_wait3A_141 = arith.constant 22528 : i32
    %dma_wait3A_142 = tpu.memref_slice %arg7[%dma_wait3A_139, %dma_wait3A_141] : memref<2x32768xf32, #tpu.memory_space<vmem>> -> memref<1x2048xf32, #tpu.memory_space<vmem>>
    %dma_wait3A_143 = tpu.memref_squeeze %dma_wait3A_142 : memref<1x2048xf32, #tpu.memory_space<vmem>> -> memref<2048xf32, #tpu.memory_space<vmem>>
    %dma_wait3A_144 = tpu.memref_slice %arg4[%dma_wait3A_140, %mul3A_2] : memref<16x1048576xf32, #tpu.memory_space<hbm>> -> memref<1x2048xf32, #tpu.memory_space<hbm>>
    %dma_wait3A_145 = tpu.memref_squeeze %dma_wait3A_144 : memref<1x2048xf32, #tpu.memory_space<hbm>> -> memref<2048xf32, #tpu.memory_space<hbm>>
    %dma_wait3A_146 = tpu.memref_slice %arg4[%dma_wait3A_140, %mul3A_2] : memref<16x1048576xf32, #tpu.memory_space<hbm>> -> memref<1x2048xf32, #tpu.memory_space<hbm>>
    %dma_wait3A_147 = tpu.memref_squeeze %dma_wait3A_146 : memref<1x2048xf32, #tpu.memory_space<hbm>> -> memref<2048xf32, #tpu.memory_space<hbm>>
    %dma_wait3A_148 = arith.constant 22528 : i32
    %dma_wait3A_149 = tpu.memref_slice %arg7[%dma_wait3A_139, %dma_wait3A_148] : memref<2x32768xf32, #tpu.memory_space<vmem>> -> memref<1x2048xf32, #tpu.memory_space<vmem>>
    %dma_wait3A_150 = tpu.memref_squeeze %dma_wait3A_149 : memref<1x2048xf32, #tpu.memory_space<vmem>> -> memref<2048xf32, #tpu.memory_space<vmem>>
    tpu.wait_dma2 semaphore(%arg8 : memref<!tpu.dma_semaphore, #tpu.memory_space<semaphore_mem>>) src(%dma_wait3A_150 : memref<2048xf32, #tpu.memory_space<vmem>>) dst(%dma_wait3A_147 : memref<2048xf32, #tpu.memory_space<hbm>>)
    %dma_wait3A_151 = arith.constant 0 : i32
    %dma_wait3A_152 = arith.constant 12 : i32
    %dma_wait3A_153 = arith.constant 24576 : i32
    %dma_wait3A_154 = tpu.memref_slice %arg7[%dma_wait3A_151, %dma_wait3A_153] : memref<2x32768xf32, #tpu.memory_space<vmem>> -> memref<1x2048xf32, #tpu.memory_space<vmem>>
    %dma_wait3A_155 = tpu.memref_squeeze %dma_wait3A_154 : memref<1x2048xf32, #tpu.memory_space<vmem>> -> memref<2048xf32, #tpu.memory_space<vmem>>
    %dma_wait3A_156 = tpu.memref_slice %arg4[%dma_wait3A_152, %mul3A_2] : memref<16x1048576xf32, #tpu.memory_space<hbm>> -> memref<1x2048xf32, #tpu.memory_space<hbm>>
    %dma_wait3A_157 = tpu.memref_squeeze %dma_wait3A_156 : memref<1x2048xf32, #tpu.memory_space<hbm>> -> memref<2048xf32, #tpu.memory_space<hbm>>
    %dma_wait3A_158 = tpu.memref_slice %arg4[%dma_wait3A_152, %mul3A_2] : memref<16x1048576xf32, #tpu.memory_space<hbm>> -> memref<1x2048xf32, #tpu.memory_space<hbm>>
    %dma_wait3A_159 = tpu.memref_squeeze %dma_wait3A_158 : memref<1x2048xf32, #tpu.memory_space<hbm>> -> memref<2048xf32, #tpu.memory_space<hbm>>
    %dma_wait3A_160 = arith.constant 24576 : i32
    %dma_wait3A_161 = tpu.memref_slice %arg7[%dma_wait3A_151, %dma_wait3A_160] : memref<2x32768xf32, #tpu.memory_space<vmem>> -> memref<1x2048xf32, #tpu.memory_space<vmem>>
    %dma_wait3A_162 = tpu.memref_squeeze %dma_wait3A_161 : memref<1x2048xf32, #tpu.memory_space<vmem>> -> memref<2048xf32, #tpu.memory_space<vmem>>
    tpu.wait_dma2 semaphore(%arg8 : memref<!tpu.dma_semaphore, #tpu.memory_space<semaphore_mem>>) src(%dma_wait3A_162 : memref<2048xf32, #tpu.memory_space<vmem>>) dst(%dma_wait3A_159 : memref<2048xf32, #tpu.memory_space<hbm>>)
    %dma_wait3A_163 = arith.constant 0 : i32
    %dma_wait3A_164 = arith.constant 13 : i32
    %dma_wait3A_165 = arith.constant 26624 : i32
    %dma_wait3A_166 = tpu.memref_slice %arg7[%dma_wait3A_163, %dma_wait3A_165] : memref<2x32768xf32, #tpu.memory_space<vmem>> -> memref<1x2048xf32, #tpu.memory_space<vmem>>
    %dma_wait3A_167 = tpu.memref_squeeze %dma_wait3A_166 : memref<1x2048xf32, #tpu.memory_space<vmem>> -> memref<2048xf32, #tpu.memory_space<vmem>>
    %dma_wait3A_168 = tpu.memref_slice %arg4[%dma_wait3A_164, %mul3A_2] : memref<16x1048576xf32, #tpu.memory_space<hbm>> -> memref<1x2048xf32, #tpu.memory_space<hbm>>
    %dma_wait3A_169 = tpu.memref_squeeze %dma_wait3A_168 : memref<1x2048xf32, #tpu.memory_space<hbm>> -> memref<2048xf32, #tpu.memory_space<hbm>>
    %dma_wait3A_170 = tpu.memref_slice %arg4[%dma_wait3A_164, %mul3A_2] : memref<16x1048576xf32, #tpu.memory_space<hbm>> -> memref<1x2048xf32, #tpu.memory_space<hbm>>
    %dma_wait3A_171 = tpu.memref_squeeze %dma_wait3A_170 : memref<1x2048xf32, #tpu.memory_space<hbm>> -> memref<2048xf32, #tpu.memory_space<hbm>>
    %dma_wait3A_172 = arith.constant 26624 : i32
    %dma_wait3A_173 = tpu.memref_slice %arg7[%dma_wait3A_163, %dma_wait3A_172] : memref<2x32768xf32, #tpu.memory_space<vmem>> -> memref<1x2048xf32, #tpu.memory_space<vmem>>
    %dma_wait3A_174 = tpu.memref_squeeze %dma_wait3A_173 : memref<1x2048xf32, #tpu.memory_space<vmem>> -> memref<2048xf32, #tpu.memory_space<vmem>>
    tpu.wait_dma2 semaphore(%arg8 : memref<!tpu.dma_semaphore, #tpu.memory_space<semaphore_mem>>) src(%dma_wait3A_174 : memref<2048xf32, #tpu.memory_space<vmem>>) dst(%dma_wait3A_171 : memref<2048xf32, #tpu.memory_space<hbm>>)
    %dma_wait3A_175 = arith.constant 0 : i32
    %dma_wait3A_176 = arith.constant 14 : i32
    %dma_wait3A_177 = arith.constant 28672 : i32
    %dma_wait3A_178 = tpu.memref_slice %arg7[%dma_wait3A_175, %dma_wait3A_177] : memref<2x32768xf32, #tpu.memory_space<vmem>> -> memref<1x2048xf32, #tpu.memory_space<vmem>>
    %dma_wait3A_179 = tpu.memref_squeeze %dma_wait3A_178 : memref<1x2048xf32, #tpu.memory_space<vmem>> -> memref<2048xf32, #tpu.memory_space<vmem>>
    %dma_wait3A_180 = tpu.memref_slice %arg4[%dma_wait3A_176, %mul3A_2] : memref<16x1048576xf32, #tpu.memory_space<hbm>> -> memref<1x2048xf32, #tpu.memory_space<hbm>>
    %dma_wait3A_181 = tpu.memref_squeeze %dma_wait3A_180 : memref<1x2048xf32, #tpu.memory_space<hbm>> -> memref<2048xf32, #tpu.memory_space<hbm>>
    %dma_wait3A_182 = tpu.memref_slice %arg4[%dma_wait3A_176, %mul3A_2] : memref<16x1048576xf32, #tpu.memory_space<hbm>> -> memref<1x2048xf32, #tpu.memory_space<hbm>>
    %dma_wait3A_183 = tpu.memref_squeeze %dma_wait3A_182 : memref<1x2048xf32, #tpu.memory_space<hbm>> -> memref<2048xf32, #tpu.memory_space<hbm>>
    %dma_wait3A_184 = arith.constant 28672 : i32
    %dma_wait3A_185 = tpu.memref_slice %arg7[%dma_wait3A_175, %dma_wait3A_184] : memref<2x32768xf32, #tpu.memory_space<vmem>> -> memref<1x2048xf32, #tpu.memory_space<vmem>>
    %dma_wait3A_186 = tpu.memref_squeeze %dma_wait3A_185 : memref<1x2048xf32, #tpu.memory_space<vmem>> -> memref<2048xf32, #tpu.memory_space<vmem>>
    tpu.wait_dma2 semaphore(%arg8 : memref<!tpu.dma_semaphore, #tpu.memory_space<semaphore_mem>>) src(%dma_wait3A_186 : memref<2048xf32, #tpu.memory_space<vmem>>) dst(%dma_wait3A_183 : memref<2048xf32, #tpu.memory_space<hbm>>)
    %dma_wait3A_187 = arith.constant 0 : i32
    %dma_wait3A_188 = arith.constant 15 : i32
    %dma_wait3A_189 = arith.constant 30720 : i32
    %dma_wait3A_190 = tpu.memref_slice %arg7[%dma_wait3A_187, %dma_wait3A_189] : memref<2x32768xf32, #tpu.memory_space<vmem>> -> memref<1x2048xf32, #tpu.memory_space<vmem>>
    %dma_wait3A_191 = tpu.memref_squeeze %dma_wait3A_190 : memref<1x2048xf32, #tpu.memory_space<vmem>> -> memref<2048xf32, #tpu.memory_space<vmem>>
    %dma_wait3A_192 = tpu.memref_slice %arg4[%dma_wait3A_188, %mul3A_2] : memref<16x1048576xf32, #tpu.memory_space<hbm>> -> memref<1x2048xf32, #tpu.memory_space<hbm>>
    %dma_wait3A_193 = tpu.memref_squeeze %dma_wait3A_192 : memref<1x2048xf32, #tpu.memory_space<hbm>> -> memref<2048xf32, #tpu.memory_space<hbm>>
    %dma_wait3A_194 = tpu.memref_slice %arg4[%dma_wait3A_188, %mul3A_2] : memref<16x1048576xf32, #tpu.memory_space<hbm>> -> memref<1x2048xf32, #tpu.memory_space<hbm>>
    %dma_wait3A_195 = tpu.memref_squeeze %dma_wait3A_194 : memref<1x2048xf32, #tpu.memory_space<hbm>> -> memref<2048xf32, #tpu.memory_space<hbm>>
    %dma_wait3A_196 = arith.constant 30720 : i32
    %dma_wait3A_197 = tpu.memref_slice %arg7[%dma_wait3A_187, %dma_wait3A_196] : memref<2x32768xf32, #tpu.memory_space<vmem>> -> memref<1x2048xf32, #tpu.memory_space<vmem>>
    %dma_wait3A_198 = tpu.memref_squeeze %dma_wait3A_197 : memref<1x2048xf32, #tpu.memory_space<vmem>> -> memref<2048xf32, #tpu.memory_space<vmem>>
    tpu.wait_dma2 semaphore(%arg8 : memref<!tpu.dma_semaphore, #tpu.memory_space<semaphore_mem>>) src(%dma_wait3A_198 : memref<2048xf32, #tpu.memory_space<vmem>>) dst(%dma_wait3A_195 : memref<2048xf32, #tpu.memory_space<hbm>>)
    %dma_wait3A_199 = arith.constant 1 : i32
    %dma_wait3A_200 = arith.constant 0 : i32
    %dma_wait3A_201 = arith.constant 0 : i32
    %dma_wait3A_202 = tpu.memref_slice %arg7[%dma_wait3A_199, %dma_wait3A_201] : memref<2x32768xf32, #tpu.memory_space<vmem>> -> memref<1x2048xf32, #tpu.memory_space<vmem>>
    %dma_wait3A_203 = tpu.memref_squeeze %dma_wait3A_202 : memref<1x2048xf32, #tpu.memory_space<vmem>> -> memref<2048xf32, #tpu.memory_space<vmem>>
    %dma_wait3A_204 = tpu.memref_slice %arg4[%dma_wait3A_200, %mul3A_2] : memref<16x1048576xf32, #tpu.memory_space<hbm>> -> memref<1x2048xf32, #tpu.memory_space<hbm>>
    %dma_wait3A_205 = tpu.memref_squeeze %dma_wait3A_204 : memref<1x2048xf32, #tpu.memory_space<hbm>> -> memref<2048xf32, #tpu.memory_space<hbm>>
    %dma_wait3A_206 = tpu.memref_slice %arg4[%dma_wait3A_200, %mul3A_2] : memref<16x1048576xf32, #tpu.memory_space<hbm>> -> memref<1x2048xf32, #tpu.memory_space<hbm>>
    %dma_wait3A_207 = tpu.memref_squeeze %dma_wait3A_206 : memref<1x2048xf32, #tpu.memory_space<hbm>> -> memref<2048xf32, #tpu.memory_space<hbm>>
    %dma_wait3A_208 = arith.constant 0 : i32
    %dma_wait3A_209 = tpu.memref_slice %arg7[%dma_wait3A_199, %dma_wait3A_208] : memref<2x32768xf32, #tpu.memory_space<vmem>> -> memref<1x2048xf32, #tpu.memory_space<vmem>>
    %dma_wait3A_210 = tpu.memref_squeeze %dma_wait3A_209 : memref<1x2048xf32, #tpu.memory_space<vmem>> -> memref<2048xf32, #tpu.memory_space<vmem>>
    tpu.wait_dma2 semaphore(%arg8 : memref<!tpu.dma_semaphore, #tpu.memory_space<semaphore_mem>>) src(%dma_wait3A_210 : memref<2048xf32, #tpu.memory_space<vmem>>) dst(%dma_wait3A_207 : memref<2048xf32, #tpu.memory_space<hbm>>)
    %dma_wait3A_211 = arith.constant 1 : i32
    %dma_wait3A_212 = arith.constant 1 : i32
    %dma_wait3A_213 = arith.constant 2048 : i32
    %dma_wait3A_214 = tpu.memref_slice %arg7[%dma_wait3A_211, %dma_wait3A_213] : memref<2x32768xf32, #tpu.memory_space<vmem>> -> memref<1x2048xf32, #tpu.memory_space<vmem>>
    %dma_wait3A_215 = tpu.memref_squeeze %dma_wait3A_214 : memref<1x2048xf32, #tpu.memory_space<vmem>> -> memref<2048xf32, #tpu.memory_space<vmem>>
    %dma_wait3A_216 = tpu.memref_slice %arg4[%dma_wait3A_212, %mul3A_2] : memref<16x1048576xf32, #tpu.memory_space<hbm>> -> memref<1x2048xf32, #tpu.memory_space<hbm>>
    %dma_wait3A_217 = tpu.memref_squeeze %dma_wait3A_216 : memref<1x2048xf32, #tpu.memory_space<hbm>> -> memref<2048xf32, #tpu.memory_space<hbm>>
    %dma_wait3A_218 = tpu.memref_slice %arg4[%dma_wait3A_212, %mul3A_2] : memref<16x1048576xf32, #tpu.memory_space<hbm>> -> memref<1x2048xf32, #tpu.memory_space<hbm>>
    %dma_wait3A_219 = tpu.memref_squeeze %dma_wait3A_218 : memref<1x2048xf32, #tpu.memory_space<hbm>> -> memref<2048xf32, #tpu.memory_space<hbm>>
    %dma_wait3A_220 = arith.constant 2048 : i32
    %dma_wait3A_221 = tpu.memref_slice %arg7[%dma_wait3A_211, %dma_wait3A_220] : memref<2x32768xf32, #tpu.memory_space<vmem>> -> memref<1x2048xf32, #tpu.memory_space<vmem>>
    %dma_wait3A_222 = tpu.memref_squeeze %dma_wait3A_221 : memref<1x2048xf32, #tpu.memory_space<vmem>> -> memref<2048xf32, #tpu.memory_space<vmem>>
    tpu.wait_dma2 semaphore(%arg8 : memref<!tpu.dma_semaphore, #tpu.memory_space<semaphore_mem>>) src(%dma_wait3A_222 : memref<2048xf32, #tpu.memory_space<vmem>>) dst(%dma_wait3A_219 : memref<2048xf32, #tpu.memory_space<hbm>>)
    %dma_wait3A_223 = arith.constant 1 : i32
    %dma_wait3A_224 = arith.constant 2 : i32
    %dma_wait3A_225 = arith.constant 4096 : i32
    %dma_wait3A_226 = tpu.memref_slice %arg7[%dma_wait3A_223, %dma_wait3A_225] : memref<2x32768xf32, #tpu.memory_space<vmem>> -> memref<1x2048xf32, #tpu.memory_space<vmem>>
    %dma_wait3A_227 = tpu.memref_squeeze %dma_wait3A_226 : memref<1x2048xf32, #tpu.memory_space<vmem>> -> memref<2048xf32, #tpu.memory_space<vmem>>
    %dma_wait3A_228 = tpu.memref_slice %arg4[%dma_wait3A_224, %mul3A_2] : memref<16x1048576xf32, #tpu.memory_space<hbm>> -> memref<1x2048xf32, #tpu.memory_space<hbm>>
    %dma_wait3A_229 = tpu.memref_squeeze %dma_wait3A_228 : memref<1x2048xf32, #tpu.memory_space<hbm>> -> memref<2048xf32, #tpu.memory_space<hbm>>
    %dma_wait3A_230 = tpu.memref_slice %arg4[%dma_wait3A_224, %mul3A_2] : memref<16x1048576xf32, #tpu.memory_space<hbm>> -> memref<1x2048xf32, #tpu.memory_space<hbm>>
    %dma_wait3A_231 = tpu.memref_squeeze %dma_wait3A_230 : memref<1x2048xf32, #tpu.memory_space<hbm>> -> memref<2048xf32, #tpu.memory_space<hbm>>
    %dma_wait3A_232 = arith.constant 4096 : i32
    %dma_wait3A_233 = tpu.memref_slice %arg7[%dma_wait3A_223, %dma_wait3A_232] : memref<2x32768xf32, #tpu.memory_space<vmem>> -> memref<1x2048xf32, #tpu.memory_space<vmem>>
    %dma_wait3A_234 = tpu.memref_squeeze %dma_wait3A_233 : memref<1x2048xf32, #tpu.memory_space<vmem>> -> memref<2048xf32, #tpu.memory_space<vmem>>
    tpu.wait_dma2 semaphore(%arg8 : memref<!tpu.dma_semaphore, #tpu.memory_space<semaphore_mem>>) src(%dma_wait3A_234 : memref<2048xf32, #tpu.memory_space<vmem>>) dst(%dma_wait3A_231 : memref<2048xf32, #tpu.memory_space<hbm>>)
    %dma_wait3A_235 = arith.constant 1 : i32
    %dma_wait3A_236 = arith.constant 3 : i32
    %dma_wait3A_237 = arith.constant 6144 : i32
    %dma_wait3A_238 = tpu.memref_slice %arg7[%dma_wait3A_235, %dma_wait3A_237] : memref<2x32768xf32, #tpu.memory_space<vmem>> -> memref<1x2048xf32, #tpu.memory_space<vmem>>
    %dma_wait3A_239 = tpu.memref_squeeze %dma_wait3A_238 : memref<1x2048xf32, #tpu.memory_space<vmem>> -> memref<2048xf32, #tpu.memory_space<vmem>>
    %dma_wait3A_240 = tpu.memref_slice %arg4[%dma_wait3A_236, %mul3A_2] : memref<16x1048576xf32, #tpu.memory_space<hbm>> -> memref<1x2048xf32, #tpu.memory_space<hbm>>
    %dma_wait3A_241 = tpu.memref_squeeze %dma_wait3A_240 : memref<1x2048xf32, #tpu.memory_space<hbm>> -> memref<2048xf32, #tpu.memory_space<hbm>>
    %dma_wait3A_242 = tpu.memref_slice %arg4[%dma_wait3A_236, %mul3A_2] : memref<16x1048576xf32, #tpu.memory_space<hbm>> -> memref<1x2048xf32, #tpu.memory_space<hbm>>
    %dma_wait3A_243 = tpu.memref_squeeze %dma_wait3A_242 : memref<1x2048xf32, #tpu.memory_space<hbm>> -> memref<2048xf32, #tpu.memory_space<hbm>>
    %dma_wait3A_244 = arith.constant 6144 : i32
    %dma_wait3A_245 = tpu.memref_slice %arg7[%dma_wait3A_235, %dma_wait3A_244] : memref<2x32768xf32, #tpu.memory_space<vmem>> -> memref<1x2048xf32, #tpu.memory_space<vmem>>
    %dma_wait3A_246 = tpu.memref_squeeze %dma_wait3A_245 : memref<1x2048xf32, #tpu.memory_space<vmem>> -> memref<2048xf32, #tpu.memory_space<vmem>>
    tpu.wait_dma2 semaphore(%arg8 : memref<!tpu.dma_semaphore, #tpu.memory_space<semaphore_mem>>) src(%dma_wait3A_246 : memref<2048xf32, #tpu.memory_space<vmem>>) dst(%dma_wait3A_243 : memref<2048xf32, #tpu.memory_space<hbm>>)
    %dma_wait3A_247 = arith.constant 1 : i32
    %dma_wait3A_248 = arith.constant 4 : i32
    %dma_wait3A_249 = arith.constant 8192 : i32
    %dma_wait3A_250 = tpu.memref_slice %arg7[%dma_wait3A_247, %dma_wait3A_249] : memref<2x32768xf32, #tpu.memory_space<vmem>> -> memref<1x2048xf32, #tpu.memory_space<vmem>>
    %dma_wait3A_251 = tpu.memref_squeeze %dma_wait3A_250 : memref<1x2048xf32, #tpu.memory_space<vmem>> -> memref<2048xf32, #tpu.memory_space<vmem>>
    %dma_wait3A_252 = tpu.memref_slice %arg4[%dma_wait3A_248, %mul3A_2] : memref<16x1048576xf32, #tpu.memory_space<hbm>> -> memref<1x2048xf32, #tpu.memory_space<hbm>>
    %dma_wait3A_253 = tpu.memref_squeeze %dma_wait3A_252 : memref<1x2048xf32, #tpu.memory_space<hbm>> -> memref<2048xf32, #tpu.memory_space<hbm>>
    %dma_wait3A_254 = tpu.memref_slice %arg4[%dma_wait3A_248, %mul3A_2] : memref<16x1048576xf32, #tpu.memory_space<hbm>> -> memref<1x2048xf32, #tpu.memory_space<hbm>>
    %dma_wait3A_255 = tpu.memref_squeeze %dma_wait3A_254 : memref<1x2048xf32, #tpu.memory_space<hbm>> -> memref<2048xf32, #tpu.memory_space<hbm>>
    %dma_wait3A_256 = arith.constant 8192 : i32
    %dma_wait3A_257 = tpu.memref_slice %arg7[%dma_wait3A_247, %dma_wait3A_256] : memref<2x32768xf32, #tpu.memory_space<vmem>> -> memref<1x2048xf32, #tpu.memory_space<vmem>>
    %dma_wait3A_258 = tpu.memref_squeeze %dma_wait3A_257 : memref<1x2048xf32, #tpu.memory_space<vmem>> -> memref<2048xf32, #tpu.memory_space<vmem>>
    tpu.wait_dma2 semaphore(%arg8 : memref<!tpu.dma_semaphore, #tpu.memory_space<semaphore_mem>>) src(%dma_wait3A_258 : memref<2048xf32, #tpu.memory_space<vmem>>) dst(%dma_wait3A_255 : memref<2048xf32, #tpu.memory_space<hbm>>)
    %dma_wait3A_259 = arith.constant 1 : i32
    %dma_wait3A_260 = arith.constant 5 : i32
    %dma_wait3A_261 = arith.constant 10240 : i32
    %dma_wait3A_262 = tpu.memref_slice %arg7[%dma_wait3A_259, %dma_wait3A_261] : memref<2x32768xf32, #tpu.memory_space<vmem>> -> memref<1x2048xf32, #tpu.memory_space<vmem>>
    %dma_wait3A_263 = tpu.memref_squeeze %dma_wait3A_262 : memref<1x2048xf32, #tpu.memory_space<vmem>> -> memref<2048xf32, #tpu.memory_space<vmem>>
    %dma_wait3A_264 = tpu.memref_slice %arg4[%dma_wait3A_260, %mul3A_2] : memref<16x1048576xf32, #tpu.memory_space<hbm>> -> memref<1x2048xf32, #tpu.memory_space<hbm>>
    %dma_wait3A_265 = tpu.memref_squeeze %dma_wait3A_264 : memref<1x2048xf32, #tpu.memory_space<hbm>> -> memref<2048xf32, #tpu.memory_space<hbm>>
    %dma_wait3A_266 = tpu.memref_slice %arg4[%dma_wait3A_260, %mul3A_2] : memref<16x1048576xf32, #tpu.memory_space<hbm>> -> memref<1x2048xf32, #tpu.memory_space<hbm>>
    %dma_wait3A_267 = tpu.memref_squeeze %dma_wait3A_266 : memref<1x2048xf32, #tpu.memory_space<hbm>> -> memref<2048xf32, #tpu.memory_space<hbm>>
    %dma_wait3A_268 = arith.constant 10240 : i32
    %dma_wait3A_269 = tpu.memref_slice %arg7[%dma_wait3A_259, %dma_wait3A_268] : memref<2x32768xf32, #tpu.memory_space<vmem>> -> memref<1x2048xf32, #tpu.memory_space<vmem>>
    %dma_wait3A_270 = tpu.memref_squeeze %dma_wait3A_269 : memref<1x2048xf32, #tpu.memory_space<vmem>> -> memref<2048xf32, #tpu.memory_space<vmem>>
    tpu.wait_dma2 semaphore(%arg8 : memref<!tpu.dma_semaphore, #tpu.memory_space<semaphore_mem>>) src(%dma_wait3A_270 : memref<2048xf32, #tpu.memory_space<vmem>>) dst(%dma_wait3A_267 : memref<2048xf32, #tpu.memory_space<hbm>>)
    %dma_wait3A_271 = arith.constant 1 : i32
    %dma_wait3A_272 = arith.constant 6 : i32
    %dma_wait3A_273 = arith.constant 12288 : i32
    %dma_wait3A_274 = tpu.memref_slice %arg7[%dma_wait3A_271, %dma_wait3A_273] : memref<2x32768xf32, #tpu.memory_space<vmem>> -> memref<1x2048xf32, #tpu.memory_space<vmem>>
    %dma_wait3A_275 = tpu.memref_squeeze %dma_wait3A_274 : memref<1x2048xf32, #tpu.memory_space<vmem>> -> memref<2048xf32, #tpu.memory_space<vmem>>
    %dma_wait3A_276 = tpu.memref_slice %arg4[%dma_wait3A_272, %mul3A_2] : memref<16x1048576xf32, #tpu.memory_space<hbm>> -> memref<1x2048xf32, #tpu.memory_space<hbm>>
    %dma_wait3A_277 = tpu.memref_squeeze %dma_wait3A_276 : memref<1x2048xf32, #tpu.memory_space<hbm>> -> memref<2048xf32, #tpu.memory_space<hbm>>
    %dma_wait3A_278 = tpu.memref_slice %arg4[%dma_wait3A_272, %mul3A_2] : memref<16x1048576xf32, #tpu.memory_space<hbm>> -> memref<1x2048xf32, #tpu.memory_space<hbm>>
    %dma_wait3A_279 = tpu.memref_squeeze %dma_wait3A_278 : memref<1x2048xf32, #tpu.memory_space<hbm>> -> memref<2048xf32, #tpu.memory_space<hbm>>
    %dma_wait3A_280 = arith.constant 12288 : i32
    %dma_wait3A_281 = tpu.memref_slice %arg7[%dma_wait3A_271, %dma_wait3A_280] : memref<2x32768xf32, #tpu.memory_space<vmem>> -> memref<1x2048xf32, #tpu.memory_space<vmem>>
    %dma_wait3A_282 = tpu.memref_squeeze %dma_wait3A_281 : memref<1x2048xf32, #tpu.memory_space<vmem>> -> memref<2048xf32, #tpu.memory_space<vmem>>
    tpu.wait_dma2 semaphore(%arg8 : memref<!tpu.dma_semaphore, #tpu.memory_space<semaphore_mem>>) src(%dma_wait3A_282 : memref<2048xf32, #tpu.memory_space<vmem>>) dst(%dma_wait3A_279 : memref<2048xf32, #tpu.memory_space<hbm>>)
    %dma_wait3A_283 = arith.constant 1 : i32
    %dma_wait3A_284 = arith.constant 7 : i32
    %dma_wait3A_285 = arith.constant 14336 : i32
    %dma_wait3A_286 = tpu.memref_slice %arg7[%dma_wait3A_283, %dma_wait3A_285] : memref<2x32768xf32, #tpu.memory_space<vmem>> -> memref<1x2048xf32, #tpu.memory_space<vmem>>
    %dma_wait3A_287 = tpu.memref_squeeze %dma_wait3A_286 : memref<1x2048xf32, #tpu.memory_space<vmem>> -> memref<2048xf32, #tpu.memory_space<vmem>>
    %dma_wait3A_288 = tpu.memref_slice %arg4[%dma_wait3A_284, %mul3A_2] : memref<16x1048576xf32, #tpu.memory_space<hbm>> -> memref<1x2048xf32, #tpu.memory_space<hbm>>
    %dma_wait3A_289 = tpu.memref_squeeze %dma_wait3A_288 : memref<1x2048xf32, #tpu.memory_space<hbm>> -> memref<2048xf32, #tpu.memory_space<hbm>>
    %dma_wait3A_290 = tpu.memref_slice %arg4[%dma_wait3A_284, %mul3A_2] : memref<16x1048576xf32, #tpu.memory_space<hbm>> -> memref<1x2048xf32, #tpu.memory_space<hbm>>
    %dma_wait3A_291 = tpu.memref_squeeze %dma_wait3A_290 : memref<1x2048xf32, #tpu.memory_space<hbm>> -> memref<2048xf32, #tpu.memory_space<hbm>>
    %dma_wait3A_292 = arith.constant 14336 : i32
    %dma_wait3A_293 = tpu.memref_slice %arg7[%dma_wait3A_283, %dma_wait3A_292] : memref<2x32768xf32, #tpu.memory_space<vmem>> -> memref<1x2048xf32, #tpu.memory_space<vmem>>
    %dma_wait3A_294 = tpu.memref_squeeze %dma_wait3A_293 : memref<1x2048xf32, #tpu.memory_space<vmem>> -> memref<2048xf32, #tpu.memory_space<vmem>>
    tpu.wait_dma2 semaphore(%arg8 : memref<!tpu.dma_semaphore, #tpu.memory_space<semaphore_mem>>) src(%dma_wait3A_294 : memref<2048xf32, #tpu.memory_space<vmem>>) dst(%dma_wait3A_291 : memref<2048xf32, #tpu.memory_space<hbm>>)
    %dma_wait3A_295 = arith.constant 1 : i32
    %dma_wait3A_296 = arith.constant 8 : i32
    %dma_wait3A_297 = arith.constant 16384 : i32
    %dma_wait3A_298 = tpu.memref_slice %arg7[%dma_wait3A_295, %dma_wait3A_297] : memref<2x32768xf32, #tpu.memory_space<vmem>> -> memref<1x2048xf32, #tpu.memory_space<vmem>>
    %dma_wait3A_299 = tpu.memref_squeeze %dma_wait3A_298 : memref<1x2048xf32, #tpu.memory_space<vmem>> -> memref<2048xf32, #tpu.memory_space<vmem>>
    %dma_wait3A_300 = tpu.memref_slice %arg4[%dma_wait3A_296, %mul3A_2] : memref<16x1048576xf32, #tpu.memory_space<hbm>> -> memref<1x2048xf32, #tpu.memory_space<hbm>>
    %dma_wait3A_301 = tpu.memref_squeeze %dma_wait3A_300 : memref<1x2048xf32, #tpu.memory_space<hbm>> -> memref<2048xf32, #tpu.memory_space<hbm>>
    %dma_wait3A_302 = tpu.memref_slice %arg4[%dma_wait3A_296, %mul3A_2] : memref<16x1048576xf32, #tpu.memory_space<hbm>> -> memref<1x2048xf32, #tpu.memory_space<hbm>>
    %dma_wait3A_303 = tpu.memref_squeeze %dma_wait3A_302 : memref<1x2048xf32, #tpu.memory_space<hbm>> -> memref<2048xf32, #tpu.memory_space<hbm>>
    %dma_wait3A_304 = arith.constant 16384 : i32
    %dma_wait3A_305 = tpu.memref_slice %arg7[%dma_wait3A_295, %dma_wait3A_304] : memref<2x32768xf32, #tpu.memory_space<vmem>> -> memref<1x2048xf32, #tpu.memory_space<vmem>>
    %dma_wait3A_306 = tpu.memref_squeeze %dma_wait3A_305 : memref<1x2048xf32, #tpu.memory_space<vmem>> -> memref<2048xf32, #tpu.memory_space<vmem>>
    tpu.wait_dma2 semaphore(%arg8 : memref<!tpu.dma_semaphore, #tpu.memory_space<semaphore_mem>>) src(%dma_wait3A_306 : memref<2048xf32, #tpu.memory_space<vmem>>) dst(%dma_wait3A_303 : memref<2048xf32, #tpu.memory_space<hbm>>)
    %dma_wait3A_307 = arith.constant 1 : i32
    %dma_wait3A_308 = arith.constant 9 : i32
    %dma_wait3A_309 = arith.constant 18432 : i32
    %dma_wait3A_310 = tpu.memref_slice %arg7[%dma_wait3A_307, %dma_wait3A_309] : memref<2x32768xf32, #tpu.memory_space<vmem>> -> memref<1x2048xf32, #tpu.memory_space<vmem>>
    %dma_wait3A_311 = tpu.memref_squeeze %dma_wait3A_310 : memref<1x2048xf32, #tpu.memory_space<vmem>> -> memref<2048xf32, #tpu.memory_space<vmem>>
    %dma_wait3A_312 = tpu.memref_slice %arg4[%dma_wait3A_308, %mul3A_2] : memref<16x1048576xf32, #tpu.memory_space<hbm>> -> memref<1x2048xf32, #tpu.memory_space<hbm>>
    %dma_wait3A_313 = tpu.memref_squeeze %dma_wait3A_312 : memref<1x2048xf32, #tpu.memory_space<hbm>> -> memref<2048xf32, #tpu.memory_space<hbm>>
    %dma_wait3A_314 = tpu.memref_slice %arg4[%dma_wait3A_308, %mul3A_2] : memref<16x1048576xf32, #tpu.memory_space<hbm>> -> memref<1x2048xf32, #tpu.memory_space<hbm>>
    %dma_wait3A_315 = tpu.memref_squeeze %dma_wait3A_314 : memref<1x2048xf32, #tpu.memory_space<hbm>> -> memref<2048xf32, #tpu.memory_space<hbm>>
    %dma_wait3A_316 = arith.constant 18432 : i32
    %dma_wait3A_317 = tpu.memref_slice %arg7[%dma_wait3A_307, %dma_wait3A_316] : memref<2x32768xf32, #tpu.memory_space<vmem>> -> memref<1x2048xf32, #tpu.memory_space<vmem>>
    %dma_wait3A_318 = tpu.memref_squeeze %dma_wait3A_317 : memref<1x2048xf32, #tpu.memory_space<vmem>> -> memref<2048xf32, #tpu.memory_space<vmem>>
    tpu.wait_dma2 semaphore(%arg8 : memref<!tpu.dma_semaphore, #tpu.memory_space<semaphore_mem>>) src(%dma_wait3A_318 : memref<2048xf32, #tpu.memory_space<vmem>>) dst(%dma_wait3A_315 : memref<2048xf32, #tpu.memory_space<hbm>>)
    %dma_wait3A_319 = arith.constant 1 : i32
    %dma_wait3A_320 = arith.constant 10 : i32
    %dma_wait3A_321 = arith.constant 20480 : i32
    %dma_wait3A_322 = tpu.memref_slice %arg7[%dma_wait3A_319, %dma_wait3A_321] : memref<2x32768xf32, #tpu.memory_space<vmem>> -> memref<1x2048xf32, #tpu.memory_space<vmem>>
    %dma_wait3A_323 = tpu.memref_squeeze %dma_wait3A_322 : memref<1x2048xf32, #tpu.memory_space<vmem>> -> memref<2048xf32, #tpu.memory_space<vmem>>
    %dma_wait3A_324 = tpu.memref_slice %arg4[%dma_wait3A_320, %mul3A_2] : memref<16x1048576xf32, #tpu.memory_space<hbm>> -> memref<1x2048xf32, #tpu.memory_space<hbm>>
    %dma_wait3A_325 = tpu.memref_squeeze %dma_wait3A_324 : memref<1x2048xf32, #tpu.memory_space<hbm>> -> memref<2048xf32, #tpu.memory_space<hbm>>
    %dma_wait3A_326 = tpu.memref_slice %arg4[%dma_wait3A_320, %mul3A_2] : memref<16x1048576xf32, #tpu.memory_space<hbm>> -> memref<1x2048xf32, #tpu.memory_space<hbm>>
    %dma_wait3A_327 = tpu.memref_squeeze %dma_wait3A_326 : memref<1x2048xf32, #tpu.memory_space<hbm>> -> memref<2048xf32, #tpu.memory_space<hbm>>
    %dma_wait3A_328 = arith.constant 20480 : i32
    %dma_wait3A_329 = tpu.memref_slice %arg7[%dma_wait3A_319, %dma_wait3A_328] : memref<2x32768xf32, #tpu.memory_space<vmem>> -> memref<1x2048xf32, #tpu.memory_space<vmem>>
    %dma_wait3A_330 = tpu.memref_squeeze %dma_wait3A_329 : memref<1x2048xf32, #tpu.memory_space<vmem>> -> memref<2048xf32, #tpu.memory_space<vmem>>
    tpu.wait_dma2 semaphore(%arg8 : memref<!tpu.dma_semaphore, #tpu.memory_space<semaphore_mem>>) src(%dma_wait3A_330 : memref<2048xf32, #tpu.memory_space<vmem>>) dst(%dma_wait3A_327 : memref<2048xf32, #tpu.memory_space<hbm>>)
    %dma_wait3A_331 = arith.constant 1 : i32
    %dma_wait3A_332 = arith.constant 11 : i32
    %dma_wait3A_333 = arith.constant 22528 : i32
    %dma_wait3A_334 = tpu.memref_slice %arg7[%dma_wait3A_331, %dma_wait3A_333] : memref<2x32768xf32, #tpu.memory_space<vmem>> -> memref<1x2048xf32, #tpu.memory_space<vmem>>
    %dma_wait3A_335 = tpu.memref_squeeze %dma_wait3A_334 : memref<1x2048xf32, #tpu.memory_space<vmem>> -> memref<2048xf32, #tpu.memory_space<vmem>>
    %dma_wait3A_336 = tpu.memref_slice %arg4[%dma_wait3A_332, %mul3A_2] : memref<16x1048576xf32, #tpu.memory_space<hbm>> -> memref<1x2048xf32, #tpu.memory_space<hbm>>
    %dma_wait3A_337 = tpu.memref_squeeze %dma_wait3A_336 : memref<1x2048xf32, #tpu.memory_space<hbm>> -> memref<2048xf32, #tpu.memory_space<hbm>>
    %dma_wait3A_338 = tpu.memref_slice %arg4[%dma_wait3A_332, %mul3A_2] : memref<16x1048576xf32, #tpu.memory_space<hbm>> -> memref<1x2048xf32, #tpu.memory_space<hbm>>
    %dma_wait3A_339 = tpu.memref_squeeze %dma_wait3A_338 : memref<1x2048xf32, #tpu.memory_space<hbm>> -> memref<2048xf32, #tpu.memory_space<hbm>>
    %dma_wait3A_340 = arith.constant 22528 : i32
    %dma_wait3A_341 = tpu.memref_slice %arg7[%dma_wait3A_331, %dma_wait3A_340] : memref<2x32768xf32, #tpu.memory_space<vmem>> -> memref<1x2048xf32, #tpu.memory_space<vmem>>
    %dma_wait3A_342 = tpu.memref_squeeze %dma_wait3A_341 : memref<1x2048xf32, #tpu.memory_space<vmem>> -> memref<2048xf32, #tpu.memory_space<vmem>>
    tpu.wait_dma2 semaphore(%arg8 : memref<!tpu.dma_semaphore, #tpu.memory_space<semaphore_mem>>) src(%dma_wait3A_342 : memref<2048xf32, #tpu.memory_space<vmem>>) dst(%dma_wait3A_339 : memref<2048xf32, #tpu.memory_space<hbm>>)
    %dma_wait3A_343 = arith.constant 1 : i32
    %dma_wait3A_344 = arith.constant 12 : i32
    %dma_wait3A_345 = arith.constant 24576 : i32
    %dma_wait3A_346 = tpu.memref_slice %arg7[%dma_wait3A_343, %dma_wait3A_345] : memref<2x32768xf32, #tpu.memory_space<vmem>> -> memref<1x2048xf32, #tpu.memory_space<vmem>>
    %dma_wait3A_347 = tpu.memref_squeeze %dma_wait3A_346 : memref<1x2048xf32, #tpu.memory_space<vmem>> -> memref<2048xf32, #tpu.memory_space<vmem>>
    %dma_wait3A_348 = tpu.memref_slice %arg4[%dma_wait3A_344, %mul3A_2] : memref<16x1048576xf32, #tpu.memory_space<hbm>> -> memref<1x2048xf32, #tpu.memory_space<hbm>>
    %dma_wait3A_349 = tpu.memref_squeeze %dma_wait3A_348 : memref<1x2048xf32, #tpu.memory_space<hbm>> -> memref<2048xf32, #tpu.memory_space<hbm>>
    %dma_wait3A_350 = tpu.memref_slice %arg4[%dma_wait3A_344, %mul3A_2] : memref<16x1048576xf32, #tpu.memory_space<hbm>> -> memref<1x2048xf32, #tpu.memory_space<hbm>>
    %dma_wait3A_351 = tpu.memref_squeeze %dma_wait3A_350 : memref<1x2048xf32, #tpu.memory_space<hbm>> -> memref<2048xf32, #tpu.memory_space<hbm>>
    %dma_wait3A_352 = arith.constant 24576 : i32
    %dma_wait3A_353 = tpu.memref_slice %arg7[%dma_wait3A_343, %dma_wait3A_352] : memref<2x32768xf32, #tpu.memory_space<vmem>> -> memref<1x2048xf32, #tpu.memory_space<vmem>>
    %dma_wait3A_354 = tpu.memref_squeeze %dma_wait3A_353 : memref<1x2048xf32, #tpu.memory_space<vmem>> -> memref<2048xf32, #tpu.memory_space<vmem>>
    tpu.wait_dma2 semaphore(%arg8 : memref<!tpu.dma_semaphore, #tpu.memory_space<semaphore_mem>>) src(%dma_wait3A_354 : memref<2048xf32, #tpu.memory_space<vmem>>) dst(%dma_wait3A_351 : memref<2048xf32, #tpu.memory_space<hbm>>)
    %dma_wait3A_355 = arith.constant 1 : i32
    %dma_wait3A_356 = arith.constant 13 : i32
    %dma_wait3A_357 = arith.constant 26624 : i32
    %dma_wait3A_358 = tpu.memref_slice %arg7[%dma_wait3A_355, %dma_wait3A_357] : memref<2x32768xf32, #tpu.memory_space<vmem>> -> memref<1x2048xf32, #tpu.memory_space<vmem>>
    %dma_wait3A_359 = tpu.memref_squeeze %dma_wait3A_358 : memref<1x2048xf32, #tpu.memory_space<vmem>> -> memref<2048xf32, #tpu.memory_space<vmem>>
    %dma_wait3A_360 = tpu.memref_slice %arg4[%dma_wait3A_356, %mul3A_2] : memref<16x1048576xf32, #tpu.memory_space<hbm>> -> memref<1x2048xf32, #tpu.memory_space<hbm>>
    %dma_wait3A_361 = tpu.memref_squeeze %dma_wait3A_360 : memref<1x2048xf32, #tpu.memory_space<hbm>> -> memref<2048xf32, #tpu.memory_space<hbm>>
    %dma_wait3A_362 = tpu.memref_slice %arg4[%dma_wait3A_356, %mul3A_2] : memref<16x1048576xf32, #tpu.memory_space<hbm>> -> memref<1x2048xf32, #tpu.memory_space<hbm>>
    %dma_wait3A_363 = tpu.memref_squeeze %dma_wait3A_362 : memref<1x2048xf32, #tpu.memory_space<hbm>> -> memref<2048xf32, #tpu.memory_space<hbm>>
    %dma_wait3A_364 = arith.constant 26624 : i32
    %dma_wait3A_365 = tpu.memref_slice %arg7[%dma_wait3A_355, %dma_wait3A_364] : memref<2x32768xf32, #tpu.memory_space<vmem>> -> memref<1x2048xf32, #tpu.memory_space<vmem>>
    %dma_wait3A_366 = tpu.memref_squeeze %dma_wait3A_365 : memref<1x2048xf32, #tpu.memory_space<vmem>> -> memref<2048xf32, #tpu.memory_space<vmem>>
    tpu.wait_dma2 semaphore(%arg8 : memref<!tpu.dma_semaphore, #tpu.memory_space<semaphore_mem>>) src(%dma_wait3A_366 : memref<2048xf32, #tpu.memory_space<vmem>>) dst(%dma_wait3A_363 : memref<2048xf32, #tpu.memory_space<hbm>>)
    %dma_wait3A_367 = arith.constant 1 : i32
    %dma_wait3A_368 = arith.constant 14 : i32
    %dma_wait3A_369 = arith.constant 28672 : i32
    %dma_wait3A_370 = tpu.memref_slice %arg7[%dma_wait3A_367, %dma_wait3A_369] : memref<2x32768xf32, #tpu.memory_space<vmem>> -> memref<1x2048xf32, #tpu.memory_space<vmem>>
    %dma_wait3A_371 = tpu.memref_squeeze %dma_wait3A_370 : memref<1x2048xf32, #tpu.memory_space<vmem>> -> memref<2048xf32, #tpu.memory_space<vmem>>
    %dma_wait3A_372 = tpu.memref_slice %arg4[%dma_wait3A_368, %mul3A_2] : memref<16x1048576xf32, #tpu.memory_space<hbm>> -> memref<1x2048xf32, #tpu.memory_space<hbm>>
    %dma_wait3A_373 = tpu.memref_squeeze %dma_wait3A_372 : memref<1x2048xf32, #tpu.memory_space<hbm>> -> memref<2048xf32, #tpu.memory_space<hbm>>
    %dma_wait3A_374 = tpu.memref_slice %arg4[%dma_wait3A_368, %mul3A_2] : memref<16x1048576xf32, #tpu.memory_space<hbm>> -> memref<1x2048xf32, #tpu.memory_space<hbm>>
    %dma_wait3A_375 = tpu.memref_squeeze %dma_wait3A_374 : memref<1x2048xf32, #tpu.memory_space<hbm>> -> memref<2048xf32, #tpu.memory_space<hbm>>
    %dma_wait3A_376 = arith.constant 28672 : i32
    %dma_wait3A_377 = tpu.memref_slice %arg7[%dma_wait3A_367, %dma_wait3A_376] : memref<2x32768xf32, #tpu.memory_space<vmem>> -> memref<1x2048xf32, #tpu.memory_space<vmem>>
    %dma_wait3A_378 = tpu.memref_squeeze %dma_wait3A_377 : memref<1x2048xf32, #tpu.memory_space<vmem>> -> memref<2048xf32, #tpu.memory_space<vmem>>
    tpu.wait_dma2 semaphore(%arg8 : memref<!tpu.dma_semaphore, #tpu.memory_space<semaphore_mem>>) src(%dma_wait3A_378 : memref<2048xf32, #tpu.memory_space<vmem>>) dst(%dma_wait3A_375 : memref<2048xf32, #tpu.memory_space<hbm>>)
    %dma_wait3A_379 = arith.constant 1 : i32
    %dma_wait3A_380 = arith.constant 15 : i32
    %dma_wait3A_381 = arith.constant 30720 : i32
    %dma_wait3A_382 = tpu.memref_slice %arg7[%dma_wait3A_379, %dma_wait3A_381] : memref<2x32768xf32, #tpu.memory_space<vmem>> -> memref<1x2048xf32, #tpu.memory_space<vmem>>
    %dma_wait3A_383 = tpu.memref_squeeze %dma_wait3A_382 : memref<1x2048xf32, #tpu.memory_space<vmem>> -> memref<2048xf32, #tpu.memory_space<vmem>>
    %dma_wait3A_384 = tpu.memref_slice %arg4[%dma_wait3A_380, %mul3A_2] : memref<16x1048576xf32, #tpu.memory_space<hbm>> -> memref<1x2048xf32, #tpu.memory_space<hbm>>
    %dma_wait3A_385 = tpu.memref_squeeze %dma_wait3A_384 : memref<1x2048xf32, #tpu.memory_space<hbm>> -> memref<2048xf32, #tpu.memory_space<hbm>>
    %dma_wait3A_386 = tpu.memref_slice %arg4[%dma_wait3A_380, %mul3A_2] : memref<16x1048576xf32, #tpu.memory_space<hbm>> -> memref<1x2048xf32, #tpu.memory_space<hbm>>
    %dma_wait3A_387 = tpu.memref_squeeze %dma_wait3A_386 : memref<1x2048xf32, #tpu.memory_space<hbm>> -> memref<2048xf32, #tpu.memory_space<hbm>>
    %dma_wait3A_388 = arith.constant 30720 : i32
    %dma_wait3A_389 = tpu.memref_slice %arg7[%dma_wait3A_379, %dma_wait3A_388] : memref<2x32768xf32, #tpu.memory_space<vmem>> -> memref<1x2048xf32, #tpu.memory_space<vmem>>
    %dma_wait3A_390 = tpu.memref_squeeze %dma_wait3A_389 : memref<1x2048xf32, #tpu.memory_space<vmem>> -> memref<2048xf32, #tpu.memory_space<vmem>>
    tpu.wait_dma2 semaphore(%arg8 : memref<!tpu.dma_semaphore, #tpu.memory_space<semaphore_mem>>) src(%dma_wait3A_390 : memref<2048xf32, #tpu.memory_space<vmem>>) dst(%dma_wait3A_387 : memref<2048xf32, #tpu.memory_space<hbm>>)
    return
  }
}

module attributes {stable_mosaic.version = 14 : i64} {
  func.func @_vq_block(%arg0: i32, %arg1: memref<16x65536xf32, #tpu.memory_space<vmem>>, %arg2: memref<64x16xf32, #tpu.memory_space<vmem>>, %arg3: memref<64x1xf32, #tpu.memory_space<vmem>>, %arg4: memref<1x64xf32, #tpu.memory_space<vmem>>, %arg5: memref<1x65536xi32, #tpu.memory_space<vmem>>, %arg6: memref<1x1xf32, #tpu.memory_space<smem>>) attributes {dimension_semantics = [#tpu.dimension_semantics<arbitrary>], iteration_bounds = array<i64: 16>, scalar_prefetch = 0 : i64, scratch_operands = 0 : i64, tpu.core_type = #tpu.core_type<tc>, window_params = [{transform_indices = @transform_0, window_bounds = array<i64: 16, 65536>}, {pipeline_mode = #tpu.pipeline_mode<synchronous>, transform_indices = @transform_1, window_bounds = array<i64: 64, 16>}, {pipeline_mode = #tpu.pipeline_mode<synchronous>, transform_indices = @transform_2, window_bounds = array<i64: 64, 1>}, {pipeline_mode = #tpu.pipeline_mode<synchronous>, transform_indices = @transform_3, window_bounds = array<i64: 1, 64>}, {transform_indices = @transform_4, window_bounds = array<i64: 1, 65536>}, {transform_indices = @transform_5, window_bounds = array<i64: 1, 1>}]} {
    %get3A = arith.constant 0 : index
    %get3A_0 = arith.constant 0 : index
    %get3A_1 = vector.load %arg1[%get3A, %get3A_0] : memref<16x65536xf32, #tpu.memory_space<vmem>>, vector<16x65536xf32>
    %get3A_2 = arith.constant 0 : index
    %get3A_3 = arith.constant 0 : index
    %get3A_4 = vector.load %arg2[%get3A_2, %get3A_3] : memref<64x16xf32, #tpu.memory_space<vmem>>, vector<64x16xf32>
    %dot_general3A = arith.constant dense<0.000000e+00> : vector<64x65536xf32>
    %dot_general3A_5 = tpu.matmul %get3A_4, %get3A_1, %dot_general3A {dimension_numbers = #tpu.dot_dimension_numbers<[1], [0], [0], [1], [0, 0, 1, 1], [], []>, transpose_lhs_hint = false} : vector<64x16xf32>, vector<16x65536xf32>, vector<64x65536xf32> -> vector<64x65536xf32>
    %get3A_6 = arith.constant 0 : index
    %get3A_7 = arith.constant 0 : index
    %get3A_8 = vector.load %arg3[%get3A_6, %get3A_7] : memref<64x1xf32, #tpu.memory_space<vmem>>, vector<64x1xf32>
    %add3A = vector.broadcast %get3A_8 : vector<64x1xf32> to vector<64x65536xf32>
    %add3A_9 = arith.addf %dot_general3A_5, %add3A : vector<64x65536xf32>
    %reduce_min3A = arith.constant dense<0x7F800000> : vector<65536xf32>
    %reduce_min3A_10 = vector.multi_reduction <minimumf>, %add3A_9, %reduce_min3A [0] : vector<64x65536xf32> to vector<65536xf32>
    %broadcast_in_dim3A = vector.shape_cast %reduce_min3A_10 : vector<65536xf32> to vector<1x65536xf32>
    %eq3A = vector.broadcast %broadcast_in_dim3A : vector<1x65536xf32> to vector<64x65536xf32>
    %eq3A_11 = arith.cmpf oeq, %add3A_9, %eq3A : vector<64x65536xf32>
    %convert_element_type3A = arith.extui %eq3A_11 : vector<64x65536xi1> to vector<64x65536xi32>
    %convert_element_type3A_12 = arith.sitofp %convert_element_type3A : vector<64x65536xi32> to vector<64x65536xf32>
    %get3A_13 = arith.constant 0 : index
    %get3A_14 = arith.constant 0 : index
    %get3A_15 = vector.load %arg4[%get3A_13, %get3A_14] : memref<1x64xf32, #tpu.memory_space<vmem>>, vector<1x64xf32>
    %dot_general3A_16 = arith.constant dense<0.000000e+00> : vector<1x65536xf32>
    %dot_general3A_17 = tpu.matmul %get3A_15, %convert_element_type3A_12, %dot_general3A_16 {dimension_numbers = #tpu.dot_dimension_numbers<[1], [0], [0], [1], [0, 0, 1, 1], [], []>, transpose_lhs_hint = false} : vector<1x64xf32>, vector<64x65536xf32>, vector<1x65536xf32> -> vector<1x65536xf32>
    %convert_element_type3A_18 = arith.fptosi %dot_general3A_17 : vector<1x65536xf32> to vector<1x65536xi32>
    %swap3A = arith.constant 0 : index
    %swap3A_19 = arith.constant 0 : index
    %swap3A_20 = vector.load %arg5[%swap3A, %swap3A_19] : memref<1x65536xi32, #tpu.memory_space<vmem>>, vector<1x65536xi32>
    tpu.vector_store %arg5[%swap3A, %swap3A_19], %convert_element_type3A_18 {strides = array<i32>} : memref<1x65536xi32, #tpu.memory_space<vmem>>, vector<1x65536xi32>,
    %mul3A = arith.mulf %get3A_1, %get3A_1 : vector<16x65536xf32>
    %reduce_sum3A = vector.shape_cast %mul3A : vector<16x65536xf32> to vector<1x16x65536xf32>
    %reduce_sum3A_21 = arith.constant dense<0.000000e+00> : vector<1xf32>
    %reduce_sum3A_22 = vector.multi_reduction <add>, %reduce_sum3A, %reduce_sum3A_21 [1, 2] : vector<1x16x65536xf32> to vector<1xf32>
    %reduce_sum3A_23 = vector.shape_cast %reduce_sum3A_22 : vector<1xf32> to vector<1x1x1xf32>
    %reduce_sum3A_24 = vector.extract %reduce_sum3A_23[0, 0, 0] : f32 from vector<1x1x1xf32>
    %reduce_sum3A_25 = vector.shape_cast %broadcast_in_dim3A : vector<1x65536xf32> to vector<1x1x65536xf32>
    %reduce_sum3A_26 = arith.constant dense<0.000000e+00> : vector<1xf32>
    %reduce_sum3A_27 = vector.multi_reduction <add>, %reduce_sum3A_25, %reduce_sum3A_26 [1, 2] : vector<1x1x65536xf32> to vector<1xf32>
    %reduce_sum3A_28 = vector.shape_cast %reduce_sum3A_27 : vector<1xf32> to vector<1x1x1xf32>
    %reduce_sum3A_29 = vector.extract %reduce_sum3A_28[0, 0, 0] : f32 from vector<1x1x1xf32>
    %add3A_30 = arith.addf %reduce_sum3A_24, %reduce_sum3A_29 : f32
    %eq3A_31 = arith.constant 0 : i32
    %eq3A_32 = arith.cmpi eq, %arg0, %eq3A_31 : i32
    %convert_element_type3A_33 = arith.extui %eq3A_32 : i1 to i32
    %cond3A = arith.constant 0 : i32
    %cond3A_34 = arith.cmpi ne, %convert_element_type3A_33, %cond3A : i32
    scf.if %cond3A_34 {
      %swap3A_42 = arith.constant 0.000000e+00 : f32
      %swap3A_43 = arith.constant 0 : index
      %swap3A_44 = arith.constant 0 : index
      %swap3A_45 = memref.load %arg6[%swap3A_43, %swap3A_44] : memref<1x1xf32, #tpu.memory_space<smem>>
      memref.store %swap3A_42, %arg6[%swap3A_43, %swap3A_44] : memref<1x1xf32, #tpu.memory_space<smem>>
    } else {
    }
    %get3A_35 = arith.constant 0 : index
    %get3A_36 = arith.constant 0 : index
    %get3A_37 = memref.load %arg6[%get3A_35, %get3A_36] : memref<1x1xf32, #tpu.memory_space<smem>>
    %add3A_38 = arith.addf %get3A_37, %add3A_30 : f32
    %swap3A_39 = arith.constant 0 : index
    %swap3A_40 = arith.constant 0 : index
    %swap3A_41 = memref.load %arg6[%swap3A_39, %swap3A_40] : memref<1x1xf32, #tpu.memory_space<smem>>
    memref.store %add3A_38, %arg6[%swap3A_39, %swap3A_40] : memref<1x1xf32, #tpu.memory_space<smem>>
    return
  }
  func.func @transform_0(%arg0: i32) -> (i32, i32) {
    %c0_i32 = arith.constant 0 : i32
    %c0_i32_0 = arith.constant 0 : i32
    return %c0_i32, %arg0 : i32, i32
  }
  func.func @transform_1(%arg0: i32) -> (i32, i32) {
    %c0_i32 = arith.constant 0 : i32
    %c0_i32_0 = arith.constant 0 : i32
    %c0_i32_1 = arith.constant 0 : i32
    return %c0_i32, %c0_i32_0 : i32, i32
  }
  func.func @transform_2(%arg0: i32) -> (i32, i32) {
    %c0_i32 = arith.constant 0 : i32
    %c0_i32_0 = arith.constant 0 : i32
    %c0_i32_1 = arith.constant 0 : i32
    return %c0_i32, %c0_i32_0 : i32, i32
  }
  func.func @transform_3(%arg0: i32) -> (i32, i32) {
    %c0_i32 = arith.constant 0 : i32
    %c0_i32_0 = arith.constant 0 : i32
    %c0_i32_1 = arith.constant 0 : i32
    return %c0_i32, %c0_i32_0 : i32, i32
  }
  func.func @transform_4(%arg0: i32) -> (i32, i32) {
    %c0_i32 = arith.constant 0 : i32
    %c0_i32_0 = arith.constant 0 : i32
    return %c0_i32, %arg0 : i32, i32
  }
  func.func @transform_5(%arg0: i32) -> (i32, i32) {
    %c0_i32 = arith.constant 0 : i32
    %c0_i32_0 = arith.constant 0 : i32
    %c0_i32_1 = arith.constant 0 : i32
    return %c0_i32, %c0_i32_0 : i32, i32
  }
}

</mosaic_0001>

<sc_bundles>
// kernel: kernel.4.cloned.1.call-start
scs
__scs_entry_jumppad:
0x0: {  	(pc) =	sbr.rel $0x88, $3  }
0x1: {  	(tag) =	ssettag $0x0;
	lr =	simm.s32 $0x1  }
0x2: {  	[smem:$0x3F9F] =	sst lr;
	_ =	strace $0xD0000000  }
0x3: {  	_ = 	snop  }
0x4: {  	_ = 	snop  }
0x5: {  	_ = 	snop  }
0x6: {  	_ = 	snop  }
0x7: {  	_ = 	snop  }
__scs_overlays_trampoline_lowered:
0x8: {  	[smem:$0x3FAE] =	sst s0  }
0x9: {  	[smem:$0x3FAF] =	sst s1  }
0xa: {  	[smem:$0x3FB0] =	sst s2  }
0xb: {  	[smem:$0x3FB1] =	sst s3  }
0xc: {  	[smem:$0x3FB2] =	sst s4  }
0xd: {  	[smem:$0x3FB3] =	sst s5  }
0xe: {  	[smem:$0x3FB4] =	sst s6  }
0xf: {  	[smem:$0x3FB5] =	sst s7  }
0x10: {  	[smem:$0x3FB6] =	sst s8  }
0x11: {  	[smem:$0x3FB7] =	sst s9;
	s0 =	simm.s32 @!p0 $0x0  }
0x12: {  	s1 =	sld [smem:$0x3F9D];
	s0 =	simm.s32 @p0 $0x1  }
0x13: {  	[smem:$0x3FB8] =	sst s0;
	s0 =	simm.s32 @!p1 $0x0  }
0x14: {  	s2 =	sld [smem:$0x3F9C];
	s0 =	simm.s32 @p1 $0x1  }
0x15: {  	[smem:$0x3FB9] =	sst s0;
	s0 =	simm.s32 @!p2 $0x0  }
0x16: {  	s3 =	sld [smem:$0x3FDB];
	s0 =	simm.s32 @p2 $0x1  }
0x17: {  	s4 =	simm.s32 $0x1BF5;
	[smem:$0x3FBB] =	sst s0  }
0x18: {  	s0 =	sld [smem:$0x3F9E];
	_ =	swait.ge [sflag:s4], $0x0  }
0x19: {  	s7 =	sld [smem:$0x3F9F]  }
0x1a: {  	s8 =	sadd.s32 $0xFFFFE003, lr  }
0x1b: {  	s9 =	sadd.s32 $0xFFFFFEF7, lr;
	s5 =	simm.s32 $0xFFFFFFFF;
	p2 =	slt.u32 s8, $0xFFFFF086  }
0x1c: {  	p1 =	slt.u32 s9, $0xF7A;
	s5 =	simm.s32 @!p2 $0x0  }
0x1d: {  	s5 =	simm.s32 @p1 $0x1;
	p0 =	seq.s32 s7, s2  }
0x1e: {  	s7 =	smul.u32 @!p0 $0xF7A, s2;
	p2 =	seq.s32 @!p0 s5, $0x0  }
0x1f: {  	s9 =	smul.u32 $0xF7A, s1;
	s8 =	simm.s32 @!p0 $0x1BF5;
	p2 =	por !p2, p0  }
0x20: {  	[sflag:s8] =	ssyncset.s32 @!p0 $0xFFFFF086;
	s6 =	sadd.s32 @!p0 s3, s7;
	s7 =	simm.s32 @!p0 $0x108  }
0x21: {  	s3 =	sadd.s32 s3, s9;
	s6 =	sadd.s32 @!p0 $0x88, s6;
	s7 =	simm.s32 @p2 $0x1082  }
0x22: {  	[simem:s7], [sflag:s8] =	dma.local @!p0 [hbm:s6], $0xF7A  }
0x23: {  	s9 =	sor.u32 $0xD0000000, s2;
	s6 =	simm.s32 $0x108;
	_ =	swait.ge @!p0 [sflag:s8], $0x0  }
0x24: {  	s3 =	sadd.s32 $0x88, s3;
	s6 =	simm.s32 @!p1 $0x1082;
	[sflag:s4] =	ssyncset.s32 $0xFFFFF086  }
0x25: {  	[simem:s6], [sflag:s4] =	dma.local [hbm:s3], $0xF7A  }
0x26: {  	[smem:$0x3F9F] =	sst s1;
	(tag) =	ssettag s2;
	_ =	strace s9  }
0x27: {  	s1 =	sld [smem:$0x3FAF]  }
0x28: {  	s2 =	sld [smem:$0x3FB0]  }
0x29: {  	s4 =	sld [smem:$0x3FB2]  }
0x2a: {  	p0 =	seq.s32 s5, $0x0;
	s5 =	sld [smem:$0x3FB3]  }
0x2b: {  	s6 =	sld [smem:$0x3FB4]  }
0x2c: {  	s7 =	sld [smem:$0x3FB5]  }
0x2d: {  	s3 =	simm.s32 $0x108;
	s8 =	sld [smem:$0x3FB6]  }
0x2e: {  	s3 =	simm.s32 @!p0 $0x1082;
	s9 =	sld [smem:$0x3FB7]  }
0x2f: {  	lr =	sadd.s32 s0, s3;
	s0 =	sld [smem:$0x3FAE]  }
0x30: {  	s3 =	sld [smem:$0x3FB1]  }
0x31: {  	[smem:$0x3FBA] =	sst s10  }
0x32: {  	s10 =	sld [smem:$0x3FB8];
	_ =	sdelay $0x3  }
0x33: {  	p0 =	seq.s32 s10, $0x1;
	s10 =	sld [smem:$0x3FBA];
	_ =	sdelay $0x3  }
0x34: {  	[smem:$0x3FBA] =	sst s10  }
0x35: {  	s10 =	sld [smem:$0x3FB9];
	_ =	sdelay $0x3  }
0x36: {  	p1 =	seq.s32 s10, $0x1;
	s10 =	sld [smem:$0x3FBA];
	_ =	sdelay $0x3  }
0x37: {  	[smem:$0x3FBA] =	sst s10  }
0x38: {  	s10 =	sld [smem:$0x3FBB]  }
0x39: {  	_ = 	snop;
	(pc) =	sbr.ind lr, $3  }
0x3a: {  	_ = 	snop  }
0x3b: {  	_ = 	snop  }
0x3c: {  	p2 =	seq.s32 s10, $0x1;
	s10 =	sld [smem:$0x3FBA]  }
0x3d: {  	_ =	shalt  }
0x3e: {  	_ =	shalt  }
0x3f: {  	_ =	shalt  }
0x40: {  	_ =	shalt  }
0x41: {  	_ =	shalt  }
0x42: {  	_ =	shalt  }
0x43: {  	_ =	shalt  }
0x44: {  	_ =	shalt  }
0x45: {  	_ =	shalt  }
0x46: {  	_ =	shalt  }
0x47: {  	_ =	shalt  }
0x48: {  	_ =	shalt  }
0x49: {  	_ =	shalt  }
0x4a: {  	_ =	shalt  }
0x4b: {  	_ =	shalt  }
0x4c: {  	_ =	shalt  }
0x4d: {  	_ =	shalt  }
0x4e: {  	_ =	shalt  }
0x4f: {  	_ =	shalt  }
0x50: {  	_ =	shalt  }
0x51: {  	_ =	shalt  }
0x52: {  	_ =	shalt  }
0x53: {  	_ =	shalt  }
0x54: {  	_ =	shalt  }
0x55: {  	_ =	shalt  }
0x56: {  	_ =	shalt  }
0x57: {  	_ =	shalt  }
0x58: {  	_ =	shalt  }
0x59: {  	_ =	shalt  }
0x5a: {  	_ =	shalt  }
0x5b: {  	_ =	shalt  }
0x5c: {  	_ =	shalt  }
0x5d: {  	_ =	shalt  }
0x5e: {  	_ =	shalt  }
0x5f: {  	_ =	shalt  }
0x60: {  	_ =	shalt  }
0x61: {  	_ =	shalt  }
0x62: {  	_ =	shalt  }
0x63: {  	_ =	shalt  }
0x64: {  	_ =	shalt  }
0x65: {  	_ =	shalt  }
0x66: {  	_ =	shalt  }
0x67: {  	_ =	shalt  }
0x68: {  	_ =	shalt  }
0x69: {  	_ =	shalt  }
0x6a: {  	_ =	shalt  }
0x6b: {  	_ =	shalt  }
0x6c: {  	_ =	shalt  }
0x6d: {  	_ =	shalt  }
0x6e: {  	_ =	shalt  }
0x6f: {  	_ =	shalt  }
0x70: {  	_ =	shalt  }
0x71: {  	_ =	shalt  }
0x72: {  	_ =	shalt  }
0x73: {  	_ =	shalt  }
0x74: {  	_ =	shalt  }
0x75: {  	_ =	shalt  }
0x76: {  	_ =	shalt  }
0x77: {  	_ =	shalt  }
0x78: {  	_ =	shalt  }
0x79: {  	_ =	shalt  }
0x7a: {  	_ =	shalt  }
0x7b: {  	_ =	shalt  }
0x7c: {  	_ =	shalt  }
0x7d: {  	_ =	shalt  }
0x7e: {  	_ =	shalt  }
0x7f: {  	_ =	shalt  }
0x80: {  	_ =	shalt  }
0x81: {  	_ =	shalt  }
0x82: {  	_ =	shalt  }
0x83: {  	_ =	shalt  }
0x84: {  	_ =	shalt  }
0x85: {  	_ =	shalt  }
0x86: {  	_ =	shalt  }
0x87: {  	_ =	shalt  }
.Lfunc_end0:
.L_simem_size_0:
called_computation_lowered:
.L_overlay_start_0:
0x88: {  	s2 =	sld [smem:$0x3FD9]  }
0x89: {  	s3 =	sld [smem:$0x3FFE];
	_ =	sdelay $0x1  }
0x8a: {  	s1 =	srdreg.scid  }
0x8b: {  	s0 =	sand.u32 $0x1, s1  }
0x8c: {  	s14 =	sshll.u32 s0, $0xA;
	s2 =	sadd.s32 s3, s2  }
0x8d: {  	s2 =	sadd.s32 s2, s14  }
0x8e: {  	[smem:$0x3FC6] =	sst s2  }
0x8f: {  	_ = 	snop  }
0x90: {  	s2 =	sld [smem:$0x3FD0];
	_ =	sdelay $0x2  }
0x91: {  	s15 =	simm.s32 $0xA;
	s4 =	simm.s32 $0x10  }
0x92: {  	[smem:s4], [sflag:s15] =	dma.local [hbm:s2], $0x1  }
0x93: {  	_ =	swait.eq [sflag:s15], $0x1  }
0x94: {  	[sflag:s15] =	ssyncset.done $0x0  }
0x95: {  	s16 =	sld [smem:$0x10];
	[sflag:s15] =	ssyncadd.s32 $0xFFFFFFFF  }
0x96: {  	s17 =	sld [smem:$0x11];
	(tm) =	ssettm $0x1  }
0x97: {  	s18 =	sld [smem:$0x3FFB];
	_ =	sdelay $0x3  }
0x98: {  	_ =	strace s18  }
0x99: {  	s4 =	sld [smem:$0x3FFC];
	_ =	sdelay $0x3  }
0x9a: {  	_ =	strace s4  }
0x9b: {  	s4 =	sld [smem:$0x3FFD];
	_ =	sdelay $0x3  }
0x9c: {  	_ =	strace s4  }
0x9d: {  	_ =	strace $0x8FFFFFFF  }
0x9e: {  	s19 =	sld [smem:$0x3FDB];
	_ =	sdelay $0x1  }
0x9f: {  	s5 =	simm.s32 $_scs_section_size  }
0xa0: {  	s6 =	simm.s32 $_size__tile_overlayer_lowered;
	s7 =	simm.s32 $_tile_overlayer_lowered  }
0xa1: {  	s22 =	simm.s32 $0x1BFF;
	s21 =	sshll.u32 s7, $0x1;
	s4 =	sadd.s32 s5, s19  }
0xa2: {  	s8 =	simm.s32 $0x0;
	s20 =	sshll.u32 s6, $0x1;
	s6 =	sadd.s32 s21, s4  }
0xa3: {  	[timem:s8], [sflag:s22] =	dma.local [hbm:s6], s20  }
0xa4: {  	_ =	swait.ge [sflag:s22], s20  }
0xa5: {  	s5 =	ssub.s32 $0x0, s20;
	[sflag:s22] =	ssyncset.done $0x0  }
0xa6: {  	[sflag:s22] =	ssyncadd.s32 s5;
	_ =	sdelay $0x1  }
0xa7: {  	s23 =	simm.s32 $0x1B8B  }
0xa8: {  	_ =	swait.ge [sflag:s23], $0x1  }
0xa9: {  	[sflag:s23] =	ssyncset.done $0x0  }
0xaa: {  	s25 =	simm.s32 $0x1B8E;
	s24 =	sld [smem:$0x3FFE];
	[sflag:s23] =	ssyncadd.s32 $0xFFFFFFFF  }
0xab: {  	s26 =	simm.s32 $execute0_lowered;
	[smem:$0x3FD2] =	sst s25  }
0xac: {  	s6 =	sshll.u32 s26, $0x1;
	_ =	strace $0x80000046;
	[dreg:$0x1] =	wrdreg $0xFFFFFFFF  }
0xad: {  	s28 =	simm.s32 $_size_execute0_lowered;
	s4 =	sadd.s32 s4, s6;
	[dreg:$0x0] =	wrdreg $0x0  }
0xae: {  	s6 =	sshll.u32 s28, $0x1;
	[dreg:$0x2] =	wrdreg s4  }
0xaf: {  	[dreg:$0x3] =	wrdreg s6  }
0xb0: {  	[dreg:$0x4] =	wrdreg $0xC0  }
0xb1: {  	_ =	task [dreg:s8], $0x5FFFF  }
0xb2: {  	[dreg:$0x1] =	wrdreg $0xFFFFFFFF  }
0xb3: {  	[dreg:$0x0] =	wrdreg $0x60  }
0xb4: {  	[dreg:$0x2] =	wrdreg s24  }
0xb5: {  	[dreg:$0x3] =	wrdreg s17  }
0xb6: {  	[dreg:$0x4] =	wrdreg s16  }
0xb7: {  	[dreg:$0x5] =	wrdreg $0x9  }
0xb8: {  	_ =	task.clear_ibuf [dreg:s8], $0x6FFFF;
	_ =	strace $0x90000046  }
0xb9: {  	s29 =	simm.s32 $0x9;
	_ =	strace $0x80000048  }
0xba: {  	_ =	swait.ge [sflag:s29], $0x1  }
0xbb: {  	[sflag:s29] =	ssyncadd.s32 $0xFFFFFFFF  }
0xbc: {  	_ =	strace $0x90000048  }
0xbd: {  	_ =	sfence  }
0xbe: {  	s30 =	sld [smem:$0x0];
	_ =	sdelay $0x2  }
0xbf: {  	s31 =	sshll.u32 s1, $0xD;
	s1 =	sshrl.u32 s1, $0x2  }
0xc0: {  	s3 =	sand.u32 $0x4000, s31;
	s1 =	sadd.s32 s1, s30  }
0xc1: {  	s0 =	sor.u32 s3, s0;
	s1 =	sshll.u32 s1, $0x11  }
0xc2: {  	s0 =	sor.u32 s1, s0  }
0xc3: {  	s0 =	sadd.s32 $0x8F2B, s0  }
0xc4: {  	[sflag:s0] =	ssyncadd.remote.s32 $0x1  }
0xc5: {  	_ =	sfence.sel $0xFFFF  }
0xc6: {  	[dreg:$0x0] =	wrdreg $0xFFFFFFFF;
	(pc) =	sbr.abs _section_cstart, $3  }
0xc7: {  	[dreg:$0x1] =	wrdreg $0xFFFFFFFF  }
0xc8: {  	_ =	task.clear_ibuf [dreg:s8], $0x2FFFF;
	_ =	strace $0x9FFFFFFF  }
0xc9: {  	(tm) =	ssettm $0x7FFFFFFF  }
tec
execute0_lowered:
.L_overlay_start_1:
0x0: {  	(tag) =	ssettag $0x1  }
0x1: {  	s0 =	rddreg [dreg:$0x0]  }
0x2: {  	s1 =	rddreg [dreg:$0x1]  }
0x3: {  	s2 =	rddreg [dreg:$0x2]  }
0x4: {  	s3 =	simm.s32 $0x0;
	s4 =	srdreg.scid;
	s6 =	stileid.u32  }
0x5: {  	s23 =	simm.s32 $0x2;
	s29 =	simm.s32 $0x1;
	s25 =	simm.s32 $0x11280  }
0x6: {  	s26 =	simm.s32 $0x11380;
	[smem:$0x7FF] =	sst s3;
	s4 =	sand.u32 $0x1, s4  }
0x7: {  	s0 =	sadd.s32 $0x200, s0;
	s31 =	sshll.u32 s6, $0x10;
	s7 =	sadd.s32 $0x10, s2  }
0x8: {  	s8 =	sadd.s32 $0x20, s2;
	s9 =	sadd.s32 $0x50, s2;
	s10 =	sadd.s32 $0x70, s2  }
0x9: {  	s11 =	sadd.s32 $0x100000, s2;
	s12 =	sadd.s32 $0x30, s2;
	s13 =	sadd.s32 $0x100010, s2  }
0xa: {  	s14 =	sadd.s32 $0x100020, s2;
	s15 =	sadd.s32 $0x40, s2;
	s16 =	sadd.s32 $0x100030, s2  }
0xb: {  	s17 =	sadd.s32 $0x100040, s2;
	s18 =	sadd.s32 $0x60, s2;
	s5 =	ssub.s32 $0x2, s4  }
0xc: {  	s19 =	sadd.s32 $0x100050, s2;
	s20 =	sadd.s32 $0x100060, s2;
	s30 =	sshrl.u32 s5, $0x1  }
0xd: {  	_ =	strace $0x80000047;
	[dreg:$0x4] =	wrdreg s0;
	s0 =	ssub.s32 s5, s30  }
0xe: {  	s21 =	sadd.s32 $0x100070, s2;
	s4 =	sshll.u32 s4, $0xF;
	s0 =	smax.u32 s0, $0x1  }
0xf: {  	s6 =	sor.u32 s4, s31;
	s4 =	simm.s32 $0x0;
	[dreg:$0x5] =	wrdreg s0  }
.LBB2_1:
0x10: {  	[dreg:$0x6] =	wrdreg s4  }
0x11: {  	s0 =	rddreg [dreg:$0x4]  }
0x12: {  	[tilespmem:s3], [sflag:$0x2] =	stream.linear.gather [hbm4b:s0+s3], $0x400, $0x38;
	[tilespmem:$0x11400] =	vst v63  }
0x13: {  	_ =	swait.ge [sflag:s23], $0x400  }
0x14: {  	[sflag:s23] =	ssyncset.done $0x0  }
0x15: {  	s28 =	simm.s32 $0x0;
	[sflag:s23] =	ssyncadd.s32 $0xFFFFFC00  }
.LBB2_2:
0x16: {  	s0 =	sshll.u32 s28, $0xC  }
0x17: {  	s30 =	sor.u32 s6, s0  }
0x18: {  	s0 =	sshrl.u32 s30, $0x3  }
0x19: {  	s4 =	simm.s32 $0x400;
	s0 =	sadd.s32 s1, s0  }
0x1a: {  	[tilespmem:s4], [sflag:$0x2] =	stream.linear.gather [hbm4b:s0+s3], $0x80, $0x38;
	[tilespmem:$0x11400] =	vst v63  }
0x1b: {  	s5 =	simm.s32 $0x500;
	s24 =	sadd.s32 $0x10, s0  }
0x1c: {  	[tilespmem:s5], [sflag:$0x2] =	stream.linear.gather [hbm4b:s24+s3], $0x80, $0x38;
	[tilespmem:$0x11400] =	vst v63  }
0x1d: {  	s22 =	sadd.s32 $0x20, s0;
	s24 =	simm.s32 $0x600  }
0x1e: {  	[tilespmem:s24], [sflag:$0x2] =	stream.linear.gather [hbm4b:s22+s3], $0x80, $0x38;
	[tilespmem:$0x11400] =	vst v63  }
0x1f: {  	s22 =	sadd.s32 $0x30, s0;
	s24 =	simm.s32 $0x700  }
0x20: {  	[tilespmem:s24], [sflag:$0x2] =	stream.linear.gather [hbm4b:s22+s3], $0x80, $0x38;
	[tilespmem:$0x11400] =	vst v63  }
0x21: {  	s22 =	sadd.s32 $0x40, s0;
	s24 =	simm.s32 $0x800  }
0x22: {  	[tilespmem:s24], [sflag:$0x2] =	stream.linear.gather [hbm4b:s22+s3], $0x80, $0x38;
	[tilespmem:$0x11400] =	vst v63  }
0x23: {  	s22 =	sadd.s32 $0x50, s0;
	s24 =	simm.s32 $0x900  }
0x24: {  	[tilespmem:s24], [sflag:$0x2] =	stream.linear.gather [hbm4b:s22+s3], $0x80, $0x38;
	[tilespmem:$0x11400] =	vst v63  }
0x25: {  	s22 =	sadd.s32 $0x60, s0;
	s24 =	simm.s32 $0xA00  }
0x26: {  	[tilespmem:s24], [sflag:$0x2] =	stream.linear.gather [hbm4b:s22+s3], $0x80, $0x38;
	[tilespmem:$0x11400] =	vst v63  }
0x27: {  	s22 =	sadd.s32 $0x70, s0;
	s24 =	simm.s32 $0xB00  }
0x28: {  	[tilespmem:s24], [sflag:$0x2] =	stream.linear.gather [hbm4b:s22+s3], $0x80, $0x38;
	[tilespmem:$0x11400] =	vst v63  }
0x29: {  	s22 =	sadd.s32 $0x80, s0;
	s24 =	simm.s32 $0xC00  }
0x2a: {  	[tilespmem:s24], [sflag:$0x2] =	stream.linear.gather [hbm4b:s22+s3], $0x80, $0x38;
	[tilespmem:$0x11400] =	vst v63  }
0x2b: {  	s22 =	sadd.s32 $0x90, s0;
	s24 =	simm.s32 $0xD00  }
0x2c: {  	[tilespmem:s24], [sflag:$0x2] =	stream.linear.gather [hbm4b:s22+s3], $0x80, $0x38;
	[tilespmem:$0x11400] =	vst v63  }
0x2d: {  	s22 =	sadd.s32 $0xA0, s0;
	s24 =	simm.s32 $0xE00  }
0x2e: {  	[tilespmem:s24], [sflag:$0x2] =	stream.linear.gather [hbm4b:s22+s3], $0x80, $0x38;
	[tilespmem:$0x11400] =	vst v63  }
0x2f: {  	s22 =	sadd.s32 $0xB0, s0;
	s24 =	simm.s32 $0xF00  }
0x30: {  	[tilespmem:s24], [sflag:$0x2] =	stream.linear.gather [hbm4b:s22+s3], $0x80, $0x38;
	[tilespmem:$0x11400] =	vst v63  }
0x31: {  	s22 =	sadd.s32 $0xC0, s0;
	s24 =	simm.s32 $0x1000  }
0x32: {  	[tilespmem:s24], [sflag:$0x2] =	stream.linear.gather [hbm4b:s22+s3], $0x80, $0x38;
	[tilespmem:$0x11400] =	vst v63  }
0x33: {  	s22 =	sadd.s32 $0xD0, s0;
	s24 =	simm.s32 $0x1100  }
0x34: {  	[tilespmem:s24], [sflag:$0x2] =	stream.linear.gather [hbm4b:s22+s3], $0x80, $0x38;
	[tilespmem:$0x11400] =	vst v63  }
0x35: {  	s5 =	sadd.s32 $0xE0, s0;
	s22 =	simm.s32 $0x1200  }
0x36: {  	[tilespmem:s22], [sflag:$0x2] =	stream.linear.gather [hbm4b:s5+s3], $0x80, $0x38;
	[tilespmem:$0x11400] =	vst v63  }
0x37: {  	s0 =	sadd.s32 $0xF0, s0;
	s24 =	simm.s32 $0x1300  }
0x38: {  	[tilespmem:s24], [sflag:$0x2] =	stream.linear.gather [hbm4b:s0+s3], $0x80, $0x38;
	[tilespmem:$0x11400] =	vst v63  }
0x39: {  	_ =	swait.ge [sflag:s23], $0x800  }
0x3a: {  	p0 =	seq.s32 s28, $0x0;
	[sflag:s23] =	ssyncset.done $0x0  }
0x3b: {  	s0 =	simm.s32 @!p0 $0x1;
	[sflag:s23] =	ssyncadd.s32 $0xFFFFF800  }
0x3c: {  	_ =	swait.ge @!p0 [sflag:s0], $0x800  }
0x3d: {  	[sflag:s0] =	ssyncset.done @!p0 $0x0  }
0x3e: {  	[sflag:s0] =	ssyncadd.s32 @!p0 $0xFFFFF800  }
0x3f: {  	_ =	swait.ge @!p0 [sflag:s0], $0x800  }
0x40: {  	[sflag:s0] =	ssyncset.done @!p0 $0x0  }
0x41: {  	[sflag:s0] =	ssyncadd.s32 @!p0 $0xFFFFF800  }
0x42: {  	_ =	swait.ge @!p0 [sflag:s0], $0x800  }
0x43: {  	[sflag:s0] =	ssyncset.done @!p0 $0x0  }
0x44: {  	[sflag:s0] =	ssyncadd.s32 @!p0 $0xFFFFF800  }
0x45: {  	_ =	swait.ge @!p0 [sflag:s0], $0x800  }
0x46: {  	[sflag:s0] =	ssyncset.done @!p0 $0x0  }
0x47: {  	[sflag:s0] =	ssyncadd.s32 @!p0 $0xFFFFF800  }
0x48: {  	_ =	swait.ge @!p0 [sflag:s0], $0x800  }
0x49: {  	[sflag:s0] =	ssyncset.done @!p0 $0x0  }
0x4a: {  	[sflag:s0] =	ssyncadd.s32 @!p0 $0xFFFFF800  }
0x4b: {  	_ =	swait.ge @!p0 [sflag:s0], $0x800  }
0x4c: {  	[sflag:s0] =	ssyncset.done @!p0 $0x0  }
0x4d: {  	[sflag:s0] =	ssyncadd.s32 @!p0 $0xFFFFF800  }
0x4e: {  	_ =	swait.ge @!p0 [sflag:s0], $0x800  }
0x4f: {  	[sflag:s0] =	ssyncset.done @!p0 $0x0  }
0x50: {  	[sflag:s0] =	ssyncadd.s32 @!p0 $0xFFFFF800  }
0x51: {  	_ =	swait.ge @!p0 [sflag:s0], $0x800  }
0x52: {  	[sflag:s0] =	ssyncset.done @!p0 $0x0  }
0x53: {  	[sflag:s0] =	ssyncadd.s32 @!p0 $0xFFFFF800  }
0x54: {  	_ =	swait.ge @!p0 [sflag:s0], $0x800  }
0x55: {  	[sflag:s0] =	ssyncset.done @!p0 $0x0  }
0x56: {  	[sflag:s0] =	ssyncadd.s32 @!p0 $0xFFFFF800  }
0x57: {  	_ =	swait.ge @!p0 [sflag:s0], $0x800  }
0x58: {  	[sflag:s0] =	ssyncset.done @!p0 $0x0  }
0x59: {  	[sflag:s0] =	ssyncadd.s32 @!p0 $0xFFFFF800  }
0x5a: {  	_ =	swait.ge @!p0 [sflag:s0], $0x800  }
0x5b: {  	[sflag:s0] =	ssyncset.done @!p0 $0x0  }
0x5c: {  	[sflag:s0] =	ssyncadd.s32 @!p0 $0xFFFFF800  }
0x5d: {  	_ =	swait.ge @!p0 [sflag:s0], $0x800  }
0x5e: {  	[sflag:s0] =	ssyncset.done @!p0 $0x0  }
0x5f: {  	[sflag:s0] =	ssyncadd.s32 @!p0 $0xFFFFF800  }
0x60: {  	_ =	swait.ge @!p0 [sflag:s0], $0x800  }
0x61: {  	[sflag:s0] =	ssyncset.done @!p0 $0x0  }
0x62: {  	[sflag:s0] =	ssyncadd.s32 @!p0 $0xFFFFF800  }
0x63: {  	_ =	swait.ge @!p0 [sflag:s0], $0x800  }
0x64: {  	[sflag:s0] =	ssyncset.done @!p0 $0x0  }
0x65: {  	[sflag:s0] =	ssyncadd.s32 @!p0 $0xFFFFF800  }
0x66: {  	_ =	swait.ge @!p0 [sflag:s0], $0x800  }
0x67: {  	[sflag:s0] =	ssyncset.done @!p0 $0x0  }
0x68: {  	[sflag:s0] =	ssyncadd.s32 @!p0 $0xFFFFF800  }
0x69: {  	_ =	swait.ge @!p0 [sflag:s0], $0x800  }
0x6a: {  	s31 =	simm.s32 $0x7830;
	[sflag:s0] =	ssyncset.done @!p0 $0x0  }
0x6b: {  	s4 =	simm.s32 $0x0;
	[sflag:s0] =	ssyncadd.s32 @!p0 $0xFFFFF800;
	s0 =	simm.s32 $0xFFFFFFFC  }
.LBB2_3:
0x6c: {  	s5 =	sadd.s32 $0xFFFF87D0, s31  }
0x6d: {  	s22 =	sand.u32 $0xF00, s4;
	s5 =	sand.u32 $0x40, s5  }
0x6e: {  	s5 =	sor.u32 s5, s22  }
0x6f: {  	v0 =	vld [tilespmem:s5+$0x400];
	_ =	sdelay $0x7  }
0x70: {  	v1 =	vld.idx.msk [tilespmem:v0+s3+$0x0], $0xffff  }
0x71: {  	v2 =	vadd.s32 $0x40, v0;
	_ =	sdelay $0x3  }
0x72: {  	[tilespmem:s5+$0x1400] =	vst v1  }
0x73: {  	v1 =	vld.idx.msk [tilespmem:v2+s3+$0x0], $0xffff  }
0x74: {  	v6 =	vadd.s32 $0x80, v0;
	_ =	sdelay $0x3  }
0x75: {  	[tilespmem:s5+$0x2400] =	vst v1  }
0x76: {  	v1 =	vld.idx.msk [tilespmem:v6+s3+$0x0], $0xffff  }
0x77: {  	v7 =	vadd.s32 $0xC0, v0;
	_ =	sdelay $0x3  }
0x78: {  	[tilespmem:s5+$0x3400] =	vst v1  }
0x79: {  	v1 =	vld.idx.msk [tilespmem:v7+s3+$0x0], $0xffff  }
0x7a: {  	v8 =	vadd.s32 $0x100, v0;
	_ =	sdelay $0x3  }
0x7b: {  	[tilespmem:s5+$0x4400] =	vst v1  }
0x7c: {  	v1 =	vld.idx.msk [tilespmem:v8+s3+$0x0], $0xffff  }
0x7d: {  	v9 =	vadd.s32 $0x140, v0;
	_ =	sdelay $0x3  }
0x7e: {  	[tilespmem:s5+$0x5400] =	vst v1  }
0x7f: {  	v1 =	vld.idx.msk [tilespmem:v9+s3+$0x0], $0xffff  }
0x80: {  	v10 =	vadd.s32 $0x180, v0;
	_ =	sdelay $0x3  }
0x81: {  	[tilespmem:s5+$0x6400] =	vst v1  }
0x82: {  	v1 =	vld.idx.msk [tilespmem:v10+s3+$0x0], $0xffff  }
0x83: {  	v11 =	vadd.s32 $0x1C0, v0;
	_ =	sdelay $0x3  }
0x84: {  	[tilespmem:s5+$0x7400] =	vst v1  }
0x85: {  	v1 =	vld.idx.msk [tilespmem:v11+s3+$0x0], $0xffff  }
0x86: {  	v12 =	vadd.s32 $0x200, v0;
	_ =	sdelay $0x3  }
0x87: {  	[tilespmem:s5+$0x8400] =	vst v1  }
0x88: {  	v1 =	vld.idx.msk [tilespmem:v12+s3+$0x0], $0xffff  }
0x89: {  	v13 =	vadd.s32 $0x240, v0;
	_ =	sdelay $0x3  }
0x8a: {  	[tilespmem:s5+$0x9400] =	vst v1  }
0x8b: {  	v1 =	vld.idx.msk [tilespmem:v13+s3+$0x0], $0xffff  }
0x8c: {  	v14 =	vadd.s32 $0x280, v0;
	_ =	sdelay $0x3  }
0x8d: {  	[tilespmem:s5+$0xA400] =	vst v1  }
0x8e: {  	v1 =	vld.idx.msk [tilespmem:v14+s3+$0x0], $0xffff  }
0x8f: {  	v15 =	vadd.s32 $0x2C0, v0;
	_ =	sdelay $0x3  }
0x90: {  	[tilespmem:s5+$0xB400] =	vst v1  }
0x91: {  	v1 =	vld.idx.msk [tilespmem:v15+s3+$0x0], $0xffff  }
0x92: {  	v16 =	vadd.s32 $0x300, v0;
	_ =	sdelay $0x3  }
0x93: {  	[tilespmem:s5+$0xC400] =	vst v1  }
0x94: {  	v1 =	vld.idx.msk [tilespmem:v16+s3+$0x0], $0xffff  }
0x95: {  	v17 =	vadd.s32 $0x340, v0;
	_ =	sdelay $0x3  }
0x96: {  	[tilespmem:s5+$0xD400] =	vst v1  }
0x97: {  	v1 =	vld.idx.msk [tilespmem:v17+s3+$0x0], $0xffff  }
0x98: {  	v18 =	vadd.s32 $0x380, v0;
	_ =	sdelay $0x3  }
0x99: {  	[tilespmem:s5+$0xE400] =	vst v1  }
0x9a: {  	v1 =	vld.idx.msk [tilespmem:v18+s3+$0x0], $0xffff  }
0x9b: {  	v0 =	vadd.s32 $0x3C0, v0;
	_ =	sdelay $0x2  }
0x9c: {  	v19 =	vld [tilespmem:s5+$0x410]  }
0x9d: {  	[tilespmem:s5+$0xF400] =	vst v1  }
0x9e: {  	v0 =	vld.idx.msk [tilespmem:v0+s3+$0x0], $0xffff;
	_ =	sdelay $0x4  }
0x9f: {  	[tilespmem:s5+$0x10400] =	vst v0  }
0xa0: {  	v0 =	vld.idx.msk [tilespmem:v19+s3+$0x0], $0xffff  }
0xa1: {  	v20 =	vadd.s32 $0x40, v19;
	_ =	sdelay $0x3  }
0xa2: {  	[tilespmem:s5+$0x1410] =	vst v0  }
0xa3: {  	v0 =	vld.idx.msk [tilespmem:v20+s3+$0x0], $0xffff  }
0xa4: {  	v21 =	vadd.s32 $0x80, v19  }
0xa5: {  	s24 =	sadd.s32 $0x1020, s4;
	s22 =	sadd.s32 $0xFFFF8FE0, s31  }
0xa6: {  	s24 =	sand.u32 $0x1F00, s24;
	s22 =	sand.u32 $0x50, s22  }
0xa7: {  	s22 =	sor.u32 s22, s24  }
0xa8: {  	[tilespmem:s22+$0x1400] =	vst v0  }
0xa9: {  	v0 =	vld.idx.msk [tilespmem:v21+s3+$0x0], $0xffff  }
0xaa: {  	v22 =	vadd.s32 $0xC0, v19  }
0xab: {  	s24 =	sadd.s32 $0x2020, s4;
	s22 =	sadd.s32 $0xFFFF97E0, s31  }
0xac: {  	s24 =	sand.u32 $0x2F00, s24;
	s22 =	sand.u32 $0x50, s22  }
0xad: {  	s22 =	sor.u32 s22, s24  }
0xae: {  	[tilespmem:s22+$0x1400] =	vst v0  }
0xaf: {  	v0 =	vld.idx.msk [tilespmem:v22+s3+$0x0], $0xffff  }
0xb0: {  	v23 =	vadd.s32 $0x100, v19  }
0xb1: {  	s24 =	sadd.s32 $0x3020, s4;
	s22 =	sadd.s32 $0xFFFF9FE0, s31  }
0xb2: {  	s24 =	sand.u32 $0x3F00, s24;
	s22 =	sand.u32 $0x50, s22  }
0xb3: {  	s22 =	sor.u32 s22, s24  }
0xb4: {  	[tilespmem:s22+$0x1400] =	vst v0  }
0xb5: {  	v0 =	vld.idx.msk [tilespmem:v23+s3+$0x0], $0xffff  }
0xb6: {  	v24 =	vadd.s32 $0x140, v19  }
0xb7: {  	s24 =	sadd.s32 $0x4020, s4;
	s22 =	sadd.s32 $0xFFFFA7E0, s31  }
0xb8: {  	s24 =	sand.u32 $0x4F00, s24;
	s22 =	sand.u32 $0x50, s22  }
0xb9: {  	s22 =	sor.u32 s22, s24  }
0xba: {  	[tilespmem:s22+$0x1400] =	vst v0  }
0xbb: {  	v0 =	vld.idx.msk [tilespmem:v24+s3+$0x0], $0xffff  }
0xbc: {  	v25 =	vadd.s32 $0x180, v19  }
0xbd: {  	s24 =	sadd.s32 $0x5020, s4;
	s22 =	sadd.s32 $0xFFFFAFE0, s31  }
0xbe: {  	s24 =	sand.u32 $0x5F00, s24;
	s22 =	sand.u32 $0x50, s22  }
0xbf: {  	s22 =	sor.u32 s22, s24  }
0xc0: {  	[tilespmem:s22+$0x1400] =	vst v0  }
0xc1: {  	v0 =	vld.idx.msk [tilespmem:v25+s3+$0x0], $0xffff  }
0xc2: {  	v26 =	vadd.s32 $0x1C0, v19  }
0xc3: {  	s24 =	sadd.s32 $0x6020, s4;
	s22 =	sadd.s32 $0xFFFFB7E0, s31  }
0xc4: {  	s24 =	sand.u32 $0x6F00, s24;
	s22 =	sand.u32 $0x50, s22  }
0xc5: {  	s22 =	sor.u32 s22, s24  }
0xc6: {  	[tilespmem:s22+$0x1400] =	vst v0  }
0xc7: {  	v0 =	vld.idx.msk [tilespmem:v26+s3+$0x0], $0xffff  }
0xc8: {  	v27 =	vadd.s32 $0x200, v19  }
0xc9: {  	s24 =	sadd.s32 $0x7020, s4;
	s22 =	sadd.s32 $0xFFFFBFE0, s31  }
0xca: {  	s24 =	sand.u32 $0x7F00, s24;
	s22 =	sand.u32 $0x50, s22  }
0xcb: {  	s22 =	sor.u32 s22, s24  }
0xcc: {  	[tilespmem:s22+$0x1400] =	vst v0  }
0xcd: {  	v0 =	vld.idx.msk [tilespmem:v27+s3+$0x0], $0xffff  }
0xce: {  	v28 =	vadd.s32 $0x240, v19  }
0xcf: {  	s24 =	sadd.s32 $0x8020, s4;
	s22 =	sadd.s32 $0xFFFFC7E0, s31  }
0xd0: {  	s24 =	sand.u32 $0x8F00, s24;
	s22 =	sand.u32 $0x50, s22  }
0xd1: {  	s22 =	sor.u32 s22, s24  }
0xd2: {  	[tilespmem:s22+$0x1400] =	vst v0  }
0xd3: {  	v0 =	vld.idx.msk [tilespmem:v28+s3+$0x0], $0xffff  }
0xd4: {  	v29 =	vadd.s32 $0x280, v19  }
0xd5: {  	s24 =	sadd.s32 $0x9020, s4;
	s22 =	sadd.s32 $0xFFFFCFE0, s31  }
0xd6: {  	s24 =	sand.u32 $0x9F00, s24;
	s22 =	sand.u32 $0x50, s22  }
0xd7: {  	s22 =	sor.u32 s22, s24  }
0xd8: {  	[tilespmem:s22+$0x1400] =	vst v0  }
0xd9: {  	v0 =	vld.idx.msk [tilespmem:v29+s3+$0x0], $0xffff  }
0xda: {  	v30 =	vadd.s32 $0x2C0, v19  }
0xdb: {  	s24 =	sadd.s32 $0xA020, s4;
	s22 =	sadd.s32 $0xFFFFD7E0, s31  }
0xdc: {  	s24 =	sand.u32 $0xAF00, s24;
	s22 =	sand.u32 $0x50, s22  }
0xdd: {  	s22 =	sor.u32 s22, s24  }
0xde: {  	[tilespmem:s22+$0x1400] =	vst v0  }
0xdf: {  	v0 =	vld.idx.msk [tilespmem:v30+s3+$0x0], $0xffff  }
0xe0: {  	v31 =	vadd.s32 $0x300, v19  }
0xe1: {  	s24 =	sadd.s32 $0xB020, s4;
	s22 =	sadd.s32 $0xFFFFDFE0, s31  }
0xe2: {  	s24 =	sand.u32 $0xBF00, s24;
	s22 =	sand.u32 $0x50, s22  }
0xe3: {  	s22 =	sor.u32 s22, s24  }
0xe4: {  	[tilespmem:s22+$0x1400] =	vst v0  }
0xe5: {  	v0 =	vld.idx.msk [tilespmem:v31+s3+$0x0], $0xffff  }
0xe6: {  	v32 =	vadd.s32 $0x340, v19  }
0xe7: {  	s24 =	sadd.s32 $0xC020, s4;
	s22 =	sadd.s32 $0xFFFFE7E0, s31  }
0xe8: {  	s24 =	sand.u32 $0xCF00, s24;
	s22 =	sand.u32 $0x50, s22  }
0xe9: {  	s22 =	sor.u32 s22, s24  }
0xea: {  	[tilespmem:s22+$0x1400] =	vst v0  }
0xeb: {  	v0 =	vld.idx.msk [tilespmem:v32+s3+$0x0], $0xffff  }
0xec: {  	v33 =	vadd.s32 $0x380, v19  }
0xed: {  	s24 =	sadd.s32 $0xD020, s4;
	s22 =	sadd.s32 $0xFFFFEFE0, s31  }
0xee: {  	s24 =	sand.u32 $0xDF00, s24;
	s22 =	sand.u32 $0x50, s22  }
0xef: {  	s22 =	sor.u32 s22, s24  }
0xf0: {  	[tilespmem:s22+$0x1400] =	vst v0  }
0xf1: {  	v0 =	vld.idx.msk [tilespmem:v33+s3+$0x0], $0xffff  }
0xf2: {  	v34 =	vadd.s32 $0x3C0, v19  }
0xf3: {  	s24 =	sadd.s32 $0xE020, s4;
	s22 =	sadd.s32 $0xFFFFF7E0, s31  }
0xf4: {  	s24 =	sand.u32 $0xEF00, s24;
	s22 =	sand.u32 $0x50, s22  }
0xf5: {  	s22 =	sor.u32 s22, s24  }
0xf6: {  	[tilespmem:s22+$0x1400] =	vst v0  }
0xf7: {  	v0 =	vld.idx.msk [tilespmem:v34+s3+$0x0], $0xffff;
	_ =	sdelay $0x1  }
0xf8: {  	s24 =	sadd.s32 $0xF020, s4;
	s22 =	sadd.s32 $0xFFFFFFE0, s31  }
0xf9: {  	s24 =	sand.u32 $0xFF00, s24;
	s22 =	sand.u32 $0x50, s22  }
0xfa: {  	s22 =	sor.u32 s22, s24  }
0xfb: {  	[tilespmem:s22+$0x1400] =	vst v0  }
0xfc: {  	v0 =	vld [tilespmem:s5+$0x420];
	_ =	sdelay $0x7  }
0xfd: {  	v35 =	vld.idx.msk [tilespmem:v0+s3+$0x0], $0xffff  }
0xfe: {  	v36 =	vadd.s32 $0x40, v0;
	_ =	sdelay $0x3  }
0xff: {  	[tilespmem:s5+$0x1420] =	vst v35  }
0x100: {  	v1 =	vld.idx.msk [tilespmem:v36+s3+$0x0], $0xffff  }
0x101: {  	v37 =	vadd.s32 $0x80, v0  }
0x102: {  	s24 =	sadd.s32 $0x1040, s4;
	s22 =	sadd.s32 $0xFFFF8FF0, s31  }
0x103: {  	s24 =	sand.u32 $0x1F00, s24;
	s22 =	sand.u32 $0x60, s22  }
0x104: {  	s22 =	sor.u32 s22, s24  }
0x105: {  	[tilespmem:s22+$0x1400] =	vst v1  }
0x106: {  	v1 =	vld.idx.msk [tilespmem:v37+s3+$0x0], $0xffff  }
0x107: {  	v38 =	vadd.s32 $0xC0, v0  }
0x108: {  	s24 =	sadd.s32 $0x2040, s4;
	s22 =	sadd.s32 $0xFFFF97F0, s31  }
0x109: {  	s24 =	sand.u32 $0x2F00, s24;
	s22 =	sand.u32 $0x60, s22  }
0x10a: {  	s22 =	sor.u32 s22, s24  }
0x10b: {  	[tilespmem:s22+$0x1400] =	vst v1  }
0x10c: {  	v1 =	vld.idx.msk [tilespmem:v38+s3+$0x0], $0xffff  }
0x10d: {  	v39 =	vadd.s32 $0x100, v0  }
0x10e: {  	s24 =	sadd.s32 $0x3040, s4;
	s22 =	sadd.s32 $0xFFFF9FF0, s31  }
0x10f: {  	s24 =	sand.u32 $0x3F00, s24;
	s22 =	sand.u32 $0x60, s22  }
0x110: {  	s22 =	sor.u32 s22, s24  }
0x111: {  	[tilespmem:s22+$0x1400] =	vst v1  }
0x112: {  	v1 =	vld.idx.msk [tilespmem:v39+s3+$0x0], $0xffff  }
0x113: {  	v40 =	vadd.s32 $0x140, v0  }
0x114: {  	s24 =	sadd.s32 $0x4040, s4;
	s22 =	sadd.s32 $0xFFFFA7F0, s31  }
0x115: {  	s24 =	sand.u32 $0x4F00, s24;
	s22 =	sand.u32 $0x60, s22  }
0x116: {  	s22 =	sor.u32 s22, s24  }
0x117: {  	[tilespmem:s22+$0x1400] =	vst v1  }
0x118: {  	v1 =	vld.idx.msk [tilespmem:v40+s3+$0x0], $0xffff  }
0x119: {  	v41 =	vadd.s32 $0x180, v0  }
0x11a: {  	s24 =	sadd.s32 $0x5040, s4;
	s22 =	sadd.s32 $0xFFFFAFF0, s31  }
0x11b: {  	s24 =	sand.u32 $0x5F00, s24;
	s22 =	sand.u32 $0x60, s22  }
0x11c: {  	s22 =	sor.u32 s22, s24  }
0x11d: {  	[tilespmem:s22+$0x1400] =	vst v1  }
0x11e: {  	v1 =	vld.idx.msk [tilespmem:v41+s3+$0x0], $0xffff  }
0x11f: {  	v42 =	vadd.s32 $0x1C0, v0  }
0x120: {  	s24 =	sadd.s32 $0x6040, s4;
	s22 =	sadd.s32 $0xFFFFB7F0, s31  }
0x121: {  	s24 =	sand.u32 $0x6F00, s24;
	s22 =	sand.u32 $0x60, s22  }
0x122: {  	s22 =	sor.u32 s22, s24  }
0x123: {  	[tilespmem:s22+$0x1400] =	vst v1  }
0x124: {  	v1 =	vld.idx.msk [tilespmem:v42+s3+$0x0], $0xffff  }
0x125: {  	v43 =	vadd.s32 $0x200, v0  }
0x126: {  	s24 =	sadd.s32 $0x7040, s4;
	s22 =	sadd.s32 $0xFFFFBFF0, s31  }
0x127: {  	s24 =	sand.u32 $0x7F00, s24;
	s22 =	sand.u32 $0x60, s22  }
0x128: {  	s22 =	sor.u32 s22, s24  }
0x129: {  	[tilespmem:s22+$0x1400] =	vst v1  }
0x12a: {  	v1 =	vld.idx.msk [tilespmem:v43+s3+$0x0], $0xffff  }
0x12b: {  	v44 =	vadd.s32 $0x240, v0  }
0x12c: {  	s24 =	sadd.s32 $0x8040, s4;
	s22 =	sadd.s32 $0xFFFFC7F0, s31  }
0x12d: {  	s24 =	sand.u32 $0x8F00, s24;
	s22 =	sand.u32 $0x60, s22  }
0x12e: {  	s22 =	sor.u32 s22, s24  }
0x12f: {  	[tilespmem:s22+$0x1400] =	vst v1  }
0x130: {  	v1 =	vld.idx.msk [tilespmem:v44+s3+$0x0], $0xffff  }
0x131: {  	v45 =	vadd.s32 $0x280, v0  }
0x132: {  	s24 =	sadd.s32 $0x9040, s4;
	s22 =	sadd.s32 $0xFFFFCFF0, s31  }
0x133: {  	s24 =	sand.u32 $0x9F00, s24;
	s22 =	sand.u32 $0x60, s22  }
0x134: {  	s22 =	sor.u32 s22, s24  }
0x135: {  	[tilespmem:s22+$0x1400] =	vst v1  }
0x136: {  	v1 =	vld.idx.msk [tilespmem:v45+s3+$0x0], $0xffff  }
0x137: {  	v46 =	vadd.s32 $0x2C0, v0  }
0x138: {  	s24 =	sadd.s32 $0xA040, s4;
	s22 =	sadd.s32 $0xFFFFD7F0, s31  }
0x139: {  	s24 =	sand.u32 $0xAF00, s24;
	s22 =	sand.u32 $0x60, s22  }
0x13a: {  	s22 =	sor.u32 s22, s24  }
0x13b: {  	[tilespmem:s22+$0x1400] =	vst v1  }
0x13c: {  	v1 =	vld.idx.msk [tilespmem:v46+s3+$0x0], $0xffff  }
0x13d: {  	v47 =	vadd.s32 $0x300, v0  }
0x13e: {  	s24 =	sadd.s32 $0xB040, s4;
	s22 =	sadd.s32 $0xFFFFDFF0, s31  }
0x13f: {  	s24 =	sand.u32 $0xBF00, s24;
	s22 =	sand.u32 $0x60, s22  }
0x140: {  	s22 =	sor.u32 s22, s24  }
0x141: {  	[tilespmem:s22+$0x1400] =	vst v1  }
0x142: {  	v1 =	vld.idx.msk [tilespmem:v47+s3+$0x0], $0xffff  }
0x143: {  	v48 =	vadd.s32 $0x340, v0  }
0x144: {  	s24 =	sadd.s32 $0xC040, s4;
	s22 =	sadd.s32 $0xFFFFE7F0, s31  }
0x145: {  	s24 =	sand.u32 $0xCF00, s24;
	s22 =	sand.u32 $0x60, s22  }
0x146: {  	s22 =	sor.u32 s22, s24  }
0x147: {  	[tilespmem:s22+$0x1400] =	vst v1  }
0x148: {  	v1 =	vld.idx.msk [tilespmem:v48+s3+$0x0], $0xffff  }
0x149: {  	v49 =	vadd.s32 $0x380, v0  }
0x14a: {  	s24 =	sadd.s32 $0xD040, s4;
	s22 =	sadd.s32 $0xFFFFEFF0, s31  }
0x14b: {  	s24 =	sand.u32 $0xDF00, s24;
	s22 =	sand.u32 $0x60, s22  }
0x14c: {  	s22 =	sor.u32 s22, s24  }
0x14d: {  	[tilespmem:s22+$0x1400] =	vst v1  }
0x14e: {  	v1 =	vld.idx.msk [tilespmem:v49+s3+$0x0], $0xffff  }
0x14f: {  	v0 =	vadd.s32 $0x3C0, v0  }
0x150: {  	s24 =	sadd.s32 $0xE040, s4;
	s22 =	sadd.s32 $0xFFFFF7F0, s31  }
0x151: {  	s24 =	sand.u32 $0xEF00, s24;
	s22 =	sand.u32 $0x60, s22  }
0x152: {  	s22 =	sor.u32 s22, s24  }
0x153: {  	[tilespmem:s22+$0x1400] =	vst v1  }
0x154: {  	v0 =	vld.idx.msk [tilespmem:v0+s3+$0x0], $0xffff;
	_ =	sdelay $0x1  }
0x155: {  	s24 =	sadd.s32 $0xF040, s4;
	s22 =	sadd.s32 $0xFFFFFFF0, s31  }
0x156: {  	s24 =	sand.u32 $0xFF00, s24;
	s22 =	sand.u32 $0x60, s22  }
0x157: {  	s22 =	sor.u32 s22, s24  }
0x158: {  	[tilespmem:s22+$0x1400] =	vst v0  }
0x159: {  	v0 =	vld [tilespmem:s5+$0x430];
	_ =	sdelay $0x7  }
0x15a: {  	v1 =	vld.idx.msk [tilespmem:v0+s3+$0x0], $0xffff  }
0x15b: {  	v50 =	vadd.s32 $0x40, v0;
	_ =	sdelay $0x3  }
0x15c: {  	[tilespmem:s5+$0x1430] =	vst v1  }
0x15d: {  	v1 =	vld.idx.msk [tilespmem:v50+s3+$0x0], $0xffff  }
0x15e: {  	v51 =	vadd.s32 $0x80, v0  }
0x15f: {  	s24 =	sadd.s32 $0x1060, s4;
	s22 =	sadd.s32 $0xFFFF9000, s31  }
0x160: {  	s5 =	sand.u32 $0x70, s22;
	s22 =	sand.u32 $0x1F00, s24  }
0x161: {  	s5 =	sor.u32 s5, s22  }
0x162: {  	[tilespmem:s5+$0x1400] =	vst v1  }
0x163: {  	v1 =	vld.idx.msk [tilespmem:v51+s3+$0x0], $0xffff  }
0x164: {  	v52 =	vadd.s32 $0xC0, v0  }
0x165: {  	s24 =	sadd.s32 $0x2060, s4;
	s22 =	sadd.s32 $0xFFFF9800, s31  }
0x166: {  	s5 =	sand.u32 $0x70, s22;
	s22 =	sand.u32 $0x2F00, s24  }
0x167: {  	s5 =	sor.u32 s5, s22  }
0x168: {  	[tilespmem:s5+$0x1400] =	vst v1  }
0x169: {  	v1 =	vld.idx.msk [tilespmem:v52+s3+$0x0], $0xffff  }
0x16a: {  	v53 =	vadd.s32 $0x100, v0  }
0x16b: {  	s24 =	sadd.s32 $0x3060, s4;
	s22 =	sadd.s32 $0xFFFFA000, s31  }
0x16c: {  	s5 =	sand.u32 $0x70, s22;
	s22 =	sand.u32 $0x3F00, s24  }
0x16d: {  	s5 =	sor.u32 s5, s22  }
0x16e: {  	[tilespmem:s5+$0x1400] =	vst v1  }
0x16f: {  	v1 =	vld.idx.msk [tilespmem:v53+s3+$0x0], $0xffff  }
0x170: {  	v54 =	vadd.s32 $0x140, v0  }
0x171: {  	s24 =	sadd.s32 $0x4060, s4;
	s22 =	sadd.s32 $0xFFFFA800, s31  }
0x172: {  	s5 =	sand.u32 $0x70, s22;
	s22 =	sand.u32 $0x4F00, s24  }
0x173: {  	s5 =	sor.u32 s5, s22  }
0x174: {  	[tilespmem:s5+$0x1400] =	vst v1  }
0x175: {  	v1 =	vld.idx.msk [tilespmem:v54+s3+$0x0], $0xffff  }
0x176: {  	v55 =	vadd.s32 $0x180, v0  }
0x177: {  	s24 =	sadd.s32 $0x5060, s4;
	s22 =	sadd.s32 $0xFFFFB000, s31  }
0x178: {  	s5 =	sand.u32 $0x70, s22;
	s22 =	sand.u32 $0x5F00, s24  }
0x179: {  	s5 =	sor.u32 s5, s22  }
0x17a: {  	[tilespmem:s5+$0x1400] =	vst v1  }
0x17b: {  	v1 =	vld.idx.msk [tilespmem:v55+s3+$0x0], $0xffff  }
0x17c: {  	v56 =	vadd.s32 $0x1C0, v0  }
0x17d: {  	s24 =	sadd.s32 $0x6060, s4;
	s22 =	sadd.s32 $0xFFFFB800, s31  }
0x17e: {  	s5 =	sand.u32 $0x70, s22;
	s22 =	sand.u32 $0x6F00, s24  }
0x17f: {  	s5 =	sor.u32 s5, s22  }
0x180: {  	[tilespmem:s5+$0x1400] =	vst v1  }
0x181: {  	v1 =	vld.idx.msk [tilespmem:v56+s3+$0x0], $0xffff  }
0x182: {  	v57 =	vadd.s32 $0x200, v0  }
0x183: {  	s24 =	sadd.s32 $0x7060, s4;
	s22 =	sadd.s32 $0xFFFFC000, s31  }
0x184: {  	s5 =	sand.u32 $0x70, s22;
	s22 =	sand.u32 $0x7F00, s24  }
0x185: {  	s5 =	sor.u32 s5, s22  }
0x186: {  	[tilespmem:s5+$0x1400] =	vst v1  }
0x187: {  	v1 =	vld.idx.msk [tilespmem:v57+s3+$0x0], $0xffff  }
0x188: {  	v58 =	vadd.s32 $0x240, v0  }
0x189: {  	s24 =	sadd.s32 $0x8060, s4;
	s22 =	sadd.s32 $0xFFFFC800, s31  }
0x18a: {  	s5 =	sand.u32 $0x70, s22;
	s22 =	sand.u32 $0x8F00, s24  }
0x18b: {  	s5 =	sor.u32 s5, s22  }
0x18c: {  	[tilespmem:s5+$0x1400] =	vst v1  }
0x18d: {  	v1 =	vld.idx.msk [tilespmem:v58+s3+$0x0], $0xffff  }
0x18e: {  	v59 =	vadd.s32 $0x280, v0  }
0x18f: {  	s24 =	sadd.s32 $0x9060, s4;
	s22 =	sadd.s32 $0xFFFFD000, s31  }
0x190: {  	s5 =	sand.u32 $0x70, s22;
	s22 =	sand.u32 $0x9F00, s24  }
0x191: {  	s5 =	sor.u32 s5, s22  }
0x192: {  	[tilespmem:s5+$0x1400] =	vst v1  }
0x193: {  	v1 =	vld.idx.msk [tilespmem:v59+s3+$0x0], $0xffff  }
0x194: {  	v60 =	vadd.s32 $0x2C0, v0  }
0x195: {  	s24 =	sadd.s32 $0xA060, s4;
	s22 =	sadd.s32 $0xFFFFD800, s31  }
0x196: {  	s5 =	sand.u32 $0x70, s22;
	s22 =	sand.u32 $0xAF00, s24  }
0x197: {  	s5 =	sor.u32 s5, s22  }
0x198: {  	[tilespmem:s5+$0x1400] =	vst v1  }
0x199: {  	v1 =	vld.idx.msk [tilespmem:v60+s3+$0x0], $0xffff  }
0x19a: {  	v61 =	vadd.s32 $0x300, v0  }
0x19b: {  	s24 =	sadd.s32 $0xB060, s4;
	s22 =	sadd.s32 $0xFFFFE000, s31  }
0x19c: {  	s5 =	sand.u32 $0x70, s22;
	s22 =	sand.u32 $0xBF00, s24  }
0x19d: {  	s5 =	sor.u32 s5, s22  }
0x19e: {  	[tilespmem:s5+$0x1400] =	vst v1  }
0x19f: {  	v1 =	vld.idx.msk [tilespmem:v61+s3+$0x0], $0xffff  }
0x1a0: {  	v62 =	vadd.s32 $0x340, v0  }
0x1a1: {  	s24 =	sadd.s32 $0xC060, s4;
	s22 =	sadd.s32 $0xFFFFE800, s31  }
0x1a2: {  	s5 =	sand.u32 $0x70, s22;
	s22 =	sand.u32 $0xCF00, s24  }
0x1a3: {  	s5 =	sor.u32 s5, s22  }
0x1a4: {  	[tilespmem:s5+$0x1400] =	vst v1  }
0x1a5: {  	v1 =	vld.idx.msk [tilespmem:v62+s3+$0x0], $0xffff  }
0x1a6: {  	v63 =	vadd.s32 $0x380, v0  }
0x1a7: {  	s24 =	sadd.s32 $0xD060, s4;
	s22 =	sadd.s32 $0xFFFFF000, s31  }
0x1a8: {  	s5 =	sand.u32 $0x70, s22;
	s22 =	sand.u32 $0xDF00, s24  }
0x1a9: {  	s5 =	sor.u32 s5, s22  }
0x1aa: {  	[tilespmem:s5+$0x1400] =	vst v1  }
0x1ab: {  	v1 =	vld.idx.msk [tilespmem:v63+s3+$0x0], $0xffff  }
0x1ac: {  	v0 =	vadd.s32 $0x3C0, v0  }
0x1ad: {  	s24 =	sadd.s32 $0xE060, s4;
	s22 =	sadd.s32 $0xFFFFF800, s31  }
0x1ae: {  	s5 =	sand.u32 $0x70, s22;
	s22 =	sand.u32 $0xEF00, s24  }
0x1af: {  	s5 =	sor.u32 s5, s22  }
0x1b0: {  	s0 =	sadd.s32 $0x4, s0;
	[tilespmem:s5+$0x1400] =	vst v1  }
0x1b1: {  	p1 =	slt.u32 s0, $0x7C;
	v0 =	vld.idx.msk [tilespmem:v0+s3+$0x0], $0xffff  }
.Ltmp0:
0x1b2: {  	_ = 	snop;
	(pc) =	sbr.rel @p1 .LBB2_3-.Ltmp0, $4  }
0x1b3: {  	s22 =	sadd.s32 $0xF060, s4  }
0x1b4: {  	s24 =	sand.u32 $0x70, s31;
	s5 =	sand.u32 $0xFF00, s22  }
0x1b5: {  	s5 =	sor.u32 s24, s5  }
0x1b6: {  	s31 =	sadd.s32 $0x40, s31;
	s4 =	sadd.s32 $0x80, s4;
	[tilespmem:s5+$0x1400] =	vst v0  }
0x1b7: {  	s0 =	sadd.s32 s2, s30;
	s4 =	simm.s32 $0x1400  }
0x1b8: {  	[hbm4b:s0+s3] =	stream.linear.scatter [tilespmem:s4], [sflag:$0x1], $0x80, $0x38;
	[tilespmem:$0x11400] =	vst v63  }
0x1b9: {  	s5 =	simm.s32 $0x1500;
	s24 =	sadd.s32 $0x80, s0  }
0x1ba: {  	[hbm4b:s24+s3] =	stream.linear.scatter [tilespmem:s5], [sflag:$0x1], $0x80, $0x38;
	[tilespmem:$0x11400] =	vst v63  }
0x1bb: {  	s22 =	sadd.s32 $0x100, s0;
	s24 =	simm.s32 $0x1600  }
0x1bc: {  	[hbm4b:s22+s3] =	stream.linear.scatter [tilespmem:s24], [sflag:$0x1], $0x80, $0x38;
	[tilespmem:$0x11400] =	vst v63  }
0x1bd: {  	s22 =	sadd.s32 $0x180, s0;
	s24 =	simm.s32 $0x1700  }
0x1be: {  	[hbm4b:s22+s3] =	stream.linear.scatter [tilespmem:s24], [sflag:$0x1], $0x80, $0x38;
	[tilespmem:$0x11400] =	vst v63  }
0x1bf: {  	s22 =	sadd.s32 $0x200, s0;
	s24 =	simm.s32 $0x1800  }
0x1c0: {  	[hbm4b:s22+s3] =	stream.linear.scatter [tilespmem:s24], [sflag:$0x1], $0x80, $0x38;
	[tilespmem:$0x11400] =	vst v63  }
0x1c1: {  	s22 =	sadd.s32 $0x280, s0;
	s24 =	simm.s32 $0x1900  }
0x1c2: {  	[hbm4b:s22+s3] =	stream.linear.scatter [tilespmem:s24], [sflag:$0x1], $0x80, $0x38;
	[tilespmem:$0x11400] =	vst v63  }
0x1c3: {  	s22 =	sadd.s32 $0x300, s0;
	s24 =	simm.s32 $0x1A00  }
0x1c4: {  	[hbm4b:s22+s3] =	stream.linear.scatter [tilespmem:s24], [sflag:$0x1], $0x80, $0x38;
	[tilespmem:$0x11400] =	vst v63  }
0x1c5: {  	s22 =	sadd.s32 $0x380, s0;
	s24 =	simm.s32 $0x1B00  }
0x1c6: {  	[hbm4b:s22+s3] =	stream.linear.scatter [tilespmem:s24], [sflag:$0x1], $0x80, $0x38;
	[tilespmem:$0x11400] =	vst v63  }
0x1c7: {  	s22 =	sadd.s32 $0x400, s0;
	s24 =	simm.s32 $0x1C00  }
0x1c8: {  	[hbm4b:s22+s3] =	stream.linear.scatter [tilespmem:s24], [sflag:$0x1], $0x80, $0x38;
	[tilespmem:$0x11400] =	vst v63  }
0x1c9: {  	s22 =	sadd.s32 $0x480, s0;
	s24 =	simm.s32 $0x1D00  }
0x1ca: {  	[hbm4b:s22+s3] =	stream.linear.scatter [tilespmem:s24], [sflag:$0x1], $0x80, $0x38;
	[tilespmem:$0x11400] =	vst v63  }
0x1cb: {  	s22 =	sadd.s32 $0x500, s0;
	s24 =	simm.s32 $0x1E00  }
0x1cc: {  	[hbm4b:s22+s3] =	stream.linear.scatter [tilespmem:s24], [sflag:$0x1], $0x80, $0x38;
	[tilespmem:$0x11400] =	vst v63  }
0x1cd: {  	s22 =	sadd.s32 $0x580, s0;
	s24 =	simm.s32 $0x1F00  }
0x1ce: {  	[hbm4b:s22+s3] =	stream.linear.scatter [tilespmem:s24], [sflag:$0x1], $0x80, $0x38;
	[tilespmem:$0x11400] =	vst v63  }
0x1cf: {  	s22 =	sadd.s32 $0x600, s0;
	s24 =	simm.s32 $0x2000  }
0x1d0: {  	[hbm4b:s22+s3] =	stream.linear.scatter [tilespmem:s24], [sflag:$0x1], $0x80, $0x38;
	[tilespmem:$0x11400] =	vst v63  }
0x1d1: {  	s22 =	sadd.s32 $0x680, s0;
	s24 =	simm.s32 $0x2100  }
0x1d2: {  	[hbm4b:s22+s3] =	stream.linear.scatter [tilespmem:s24], [sflag:$0x1], $0x80, $0x38;
	[tilespmem:$0x11400] =	vst v63  }
0x1d3: {  	s5 =	sadd.s32 $0x700, s0;
	s22 =	simm.s32 $0x2200  }
0x1d4: {  	[hbm4b:s5+s3] =	stream.linear.scatter [tilespmem:s22], [sflag:$0x1], $0x80, $0x38;
	[tilespmem:$0x11400] =	vst v63  }
0x1d5: {  	s0 =	sadd.s32 $0x780, s0;
	s24 =	simm.s32 $0x2300  }
0x1d6: {  	[hbm4b:s0+s3] =	stream.linear.scatter [tilespmem:s24], [sflag:$0x1], $0x80, $0x38;
	[tilespmem:$0x11400] =	vst v63  }
0x1d7: {  	s5 =	simm.s32 $0x2400;
	s0 =	sadd.s32 s30, s7  }
0x1d8: {  	[hbm4b:s0+s3] =	stream.linear.scatter [tilespmem:s5], [sflag:$0x1], $0x80, $0x38;
	[tilespmem:$0x11400] =	vst v63  }
0x1d9: {  	s24 =	simm.s32 $0x2500;
	s22 =	sadd.s32 $0x80, s0  }
0x1da: {  	[hbm4b:s22+s3] =	stream.linear.scatter [tilespmem:s24], [sflag:$0x1], $0x80, $0x38;
	[tilespmem:$0x11400] =	vst v63  }
0x1db: {  	s22 =	sadd.s32 $0x100, s0;
	s24 =	simm.s32 $0x2600  }
0x1dc: {  	[hbm4b:s22+s3] =	stream.linear.scatter [tilespmem:s24], [sflag:$0x1], $0x80, $0x38;
	[tilespmem:$0x11400] =	vst v63  }
0x1dd: {  	s22 =	sadd.s32 $0x180, s0;
	s24 =	simm.s32 $0x2700  }
0x1de: {  	[hbm4b:s22+s3] =	stream.linear.scatter [tilespmem:s24], [sflag:$0x1], $0x80, $0x38;
	[tilespmem:$0x11400] =	vst v63  }
0x1df: {  	s22 =	sadd.s32 $0x200, s0;
	s24 =	simm.s32 $0x2800  }
0x1e0: {  	[hbm4b:s22+s3] =	stream.linear.scatter [tilespmem:s24], [sflag:$0x1], $0x80, $0x38;
	[tilespmem:$0x11400] =	vst v63  }
0x1e1: {  	s22 =	sadd.s32 $0x280, s0;
	s24 =	simm.s32 $0x2900  }
0x1e2: {  	[hbm4b:s22+s3] =	stream.linear.scatter [tilespmem:s24], [sflag:$0x1], $0x80, $0x38;
	[tilespmem:$0x11400] =	vst v63  }
0x1e3: {  	s22 =	sadd.s32 $0x300, s0;
	s24 =	simm.s32 $0x2A00  }
0x1e4: {  	[hbm4b:s22+s3] =	stream.linear.scatter [tilespmem:s24], [sflag:$0x1], $0x80, $0x38;
	[tilespmem:$0x11400] =	vst v63  }
0x1e5: {  	s22 =	sadd.s32 $0x380, s0;
	s24 =	simm.s32 $0x2B00  }
0x1e6: {  	[hbm4b:s22+s3] =	stream.linear.scatter [tilespmem:s24], [sflag:$0x1], $0x80, $0x38;
	[tilespmem:$0x11400] =	vst v63  }
0x1e7: {  	s22 =	sadd.s32 $0x400, s0;
	s24 =	simm.s32 $0x2C00  }
0x1e8: {  	[hbm4b:s22+s3] =	stream.linear.scatter [tilespmem:s24], [sflag:$0x1], $0x80, $0x38;
	[tilespmem:$0x11400] =	vst v63  }
0x1e9: {  	s22 =	sadd.s32 $0x480, s0;
	s24 =	simm.s32 $0x2D00  }
0x1ea: {  	[hbm4b:s22+s3] =	stream.linear.scatter [tilespmem:s24], [sflag:$0x1], $0x80, $0x38;
	[tilespmem:$0x11400] =	vst v63  }
0x1eb: {  	s22 =	sadd.s32 $0x500, s0;
	s24 =	simm.s32 $0x2E00  }
0x1ec: {  	[hbm4b:s22+s3] =	stream.linear.scatter [tilespmem:s24], [sflag:$0x1], $0x80, $0x38;
	[tilespmem:$0x11400] =	vst v63  }
0x1ed: {  	s22 =	sadd.s32 $0x580, s0;
	s24 =	simm.s32 $0x2F00  }
0x1ee: {  	[hbm4b:s22+s3] =	stream.linear.scatter [tilespmem:s24], [sflag:$0x1], $0x80, $0x38;
	[tilespmem:$0x11400] =	vst v63  }
0x1ef: {  	s22 =	sadd.s32 $0x600, s0;
	s24 =	simm.s32 $0x3000  }
0x1f0: {  	[hbm4b:s22+s3] =	stream.linear.scatter [tilespmem:s24], [sflag:$0x1], $0x80, $0x38;
	[tilespmem:$0x11400] =	vst v63  }
0x1f1: {  	s22 =	sadd.s32 $0x680, s0;
	s24 =	simm.s32 $0x3100  }
0x1f2: {  	[hbm4b:s22+s3] =	stream.linear.scatter [tilespmem:s24], [sflag:$0x1], $0x80, $0x38;
	[tilespmem:$0x11400] =	vst v63  }
0x1f3: {  	s5 =	sadd.s32 $0x700, s0;
	s22 =	simm.s32 $0x3200  }
0x1f4: {  	[hbm4b:s5+s3] =	stream.linear.scatter [tilespmem:s22], [sflag:$0x1], $0x80, $0x38;
	[tilespmem:$0x11400] =	vst v63  }
0x1f5: {  	s0 =	sadd.s32 $0x780, s0;
	s24 =	simm.s32 $0x3300  }
0x1f6: {  	[hbm4b:s0+s3] =	stream.linear.scatter [tilespmem:s24], [sflag:$0x1], $0x80, $0x38;
	[tilespmem:$0x11400] =	vst v63  }
0x1f7: {  	s5 =	simm.s32 $0x3400;
	s0 =	sadd.s32 s30, s8  }
0x1f8: {  	[hbm4b:s0+s3] =	stream.linear.scatter [tilespmem:s5], [sflag:$0x1], $0x80, $0x38;
	[tilespmem:$0x11400] =	vst v63  }
0x1f9: {  	s24 =	simm.s32 $0x3500;
	s22 =	sadd.s32 $0x80, s0  }
0x1fa: {  	[hbm4b:s22+s3] =	stream.linear.scatter [tilespmem:s24], [sflag:$0x1], $0x80, $0x38;
	[tilespmem:$0x11400] =	vst v63  }
0x1fb: {  	s22 =	sadd.s32 $0x100, s0;
	s24 =	simm.s32 $0x3600  }
0x1fc: {  	[hbm4b:s22+s3] =	stream.linear.scatter [tilespmem:s24], [sflag:$0x1], $0x80, $0x38;
	[tilespmem:$0x11400] =	vst v63  }
0x1fd: {  	s22 =	sadd.s32 $0x180, s0;
	s24 =	simm.s32 $0x3700  }
0x1fe: {  	[hbm4b:s22+s3] =	stream.linear.scatter [tilespmem:s24], [sflag:$0x1], $0x80, $0x38;
	[tilespmem:$0x11400] =	vst v63  }
0x1ff: {  	s22 =	sadd.s32 $0x200, s0;
	s24 =	simm.s32 $0x3800  }
0x200: {  	[hbm4b:s22+s3] =	stream.linear.scatter [tilespmem:s24], [sflag:$0x1], $0x80, $0x38;
	[tilespmem:$0x11400] =	vst v63  }
0x201: {  	s22 =	sadd.s32 $0x280, s0;
	s24 =	simm.s32 $0x3900  }
0x202: {  	[hbm4b:s22+s3] =	stream.linear.scatter [tilespmem:s24], [sflag:$0x1], $0x80, $0x38;
	[tilespmem:$0x11400] =	vst v63  }
0x203: {  	s22 =	sadd.s32 $0x300, s0;
	s24 =	simm.s32 $0x3A00  }
0x204: {  	[hbm4b:s22+s3] =	stream.linear.scatter [tilespmem:s24], [sflag:$0x1], $0x80, $0x38;
	[tilespmem:$0x11400] =	vst v63  }
0x205: {  	s22 =	sadd.s32 $0x380, s0;
	s24 =	simm.s32 $0x3B00  }
0x206: {  	[hbm4b:s22+s3] =	stream.linear.scatter [tilespmem:s24], [sflag:$0x1], $0x80, $0x38;
	[tilespmem:$0x11400] =	vst v63  }
0x207: {  	s22 =	sadd.s32 $0x400, s0;
	s24 =	simm.s32 $0x3C00  }
0x208: {  	[hbm4b:s22+s3] =	stream.linear.scatter [tilespmem:s24], [sflag:$0x1], $0x80, $0x38;
	[tilespmem:$0x11400] =	vst v63  }
0x209: {  	s22 =	sadd.s32 $0x480, s0;
	s24 =	simm.s32 $0x3D00  }
0x20a: {  	[hbm4b:s22+s3] =	stream.linear.scatter [tilespmem:s24], [sflag:$0x1], $0x80, $0x38;
	[tilespmem:$0x11400] =	vst v63  }
0x20b: {  	s22 =	sadd.s32 $0x500, s0;
	s24 =	simm.s32 $0x3E00  }
0x20c: {  	[hbm4b:s22+s3] =	stream.linear.scatter [tilespmem:s24], [sflag:$0x1], $0x80, $0x38;
	[tilespmem:$0x11400] =	vst v63  }
0x20d: {  	s22 =	sadd.s32 $0x580, s0;
	s24 =	simm.s32 $0x3F00  }
0x20e: {  	[hbm4b:s22+s3] =	stream.linear.scatter [tilespmem:s24], [sflag:$0x1], $0x80, $0x38;
	[tilespmem:$0x11400] =	vst v63  }
0x20f: {  	s22 =	sadd.s32 $0x600, s0;
	s24 =	simm.s32 $0x4000  }
0x210: {  	[hbm4b:s22+s3] =	stream.linear.scatter [tilespmem:s24], [sflag:$0x1], $0x80, $0x38;
	[tilespmem:$0x11400] =	vst v63  }
0x211: {  	s22 =	sadd.s32 $0x680, s0;
	s24 =	simm.s32 $0x4100  }
0x212: {  	[hbm4b:s22+s3] =	stream.linear.scatter [tilespmem:s24], [sflag:$0x1], $0x80, $0x38;
	[tilespmem:$0x11400] =	vst v63  }
0x213: {  	s5 =	sadd.s32 $0x700, s0;
	s22 =	simm.s32 $0x4200  }
0x214: {  	[hbm4b:s5+s3] =	stream.linear.scatter [tilespmem:s22], [sflag:$0x1], $0x80, $0x38;
	[tilespmem:$0x11400] =	vst v63  }
0x215: {  	s0 =	sadd.s32 $0x780, s0;
	s24 =	simm.s32 $0x4300  }
0x216: {  	[hbm4b:s0+s3] =	stream.linear.scatter [tilespmem:s24], [sflag:$0x1], $0x80, $0x38;
	[tilespmem:$0x11400] =	vst v63  }
0x217: {  	s5 =	simm.s32 $0x4400;
	s0 =	sadd.s32 s30, s12  }
0x218: {  	[hbm4b:s0+s3] =	stream.linear.scatter [tilespmem:s5], [sflag:$0x1], $0x80, $0x38;
	[tilespmem:$0x11400] =	vst v63  }
0x219: {  	s24 =	simm.s32 $0x4500;
	s22 =	sadd.s32 $0x80, s0  }
0x21a: {  	[hbm4b:s22+s3] =	stream.linear.scatter [tilespmem:s24], [sflag:$0x1], $0x80, $0x38;
	[tilespmem:$0x11400] =	vst v63  }
0x21b: {  	s22 =	sadd.s32 $0x100, s0;
	s24 =	simm.s32 $0x4600  }
0x21c: {  	[hbm4b:s22+s3] =	stream.linear.scatter [tilespmem:s24], [sflag:$0x1], $0x80, $0x38;
	[tilespmem:$0x11400] =	vst v63  }
0x21d: {  	s22 =	sadd.s32 $0x180, s0;
	s24 =	simm.s32 $0x4700  }
0x21e: {  	[hbm4b:s22+s3] =	stream.linear.scatter [tilespmem:s24], [sflag:$0x1], $0x80, $0x38;
	[tilespmem:$0x11400] =	vst v63  }
0x21f: {  	s22 =	sadd.s32 $0x200, s0;
	s24 =	simm.s32 $0x4800  }
0x220: {  	[hbm4b:s22+s3] =	stream.linear.scatter [tilespmem:s24], [sflag:$0x1], $0x80, $0x38;
	[tilespmem:$0x11400] =	vst v63  }
0x221: {  	s22 =	sadd.s32 $0x280, s0;
	s24 =	simm.s32 $0x4900  }
0x222: {  	[hbm4b:s22+s3] =	stream.linear.scatter [tilespmem:s24], [sflag:$0x1], $0x80, $0x38;
	[tilespmem:$0x11400] =	vst v63  }
0x223: {  	s22 =	sadd.s32 $0x300, s0;
	s24 =	simm.s32 $0x4A00  }
0x224: {  	[hbm4b:s22+s3] =	stream.linear.scatter [tilespmem:s24], [sflag:$0x1], $0x80, $0x38;
	[tilespmem:$0x11400] =	vst v63  }
0x225: {  	s22 =	sadd.s32 $0x380, s0;
	s24 =	simm.s32 $0x4B00  }
0x226: {  	[hbm4b:s22+s3] =	stream.linear.scatter [tilespmem:s24], [sflag:$0x1], $0x80, $0x38;
	[tilespmem:$0x11400] =	vst v63  }
0x227: {  	s22 =	sadd.s32 $0x400, s0;
	s24 =	simm.s32 $0x4C00  }
0x228: {  	[hbm4b:s22+s3] =	stream.linear.scatter [tilespmem:s24], [sflag:$0x1], $0x80, $0x38;
	[tilespmem:$0x11400] =	vst v63  }
0x229: {  	s22 =	sadd.s32 $0x480, s0;
	s24 =	simm.s32 $0x4D00  }
0x22a: {  	[hbm4b:s22+s3] =	stream.linear.scatter [tilespmem:s24], [sflag:$0x1], $0x80, $0x38;
	[tilespmem:$0x11400] =	vst v63  }
0x22b: {  	s22 =	sadd.s32 $0x500, s0;
	s24 =	simm.s32 $0x4E00  }
0x22c: {  	[hbm4b:s22+s3] =	stream.linear.scatter [tilespmem:s24], [sflag:$0x1], $0x80, $0x38;
	[tilespmem:$0x11400] =	vst v63  }
0x22d: {  	s22 =	sadd.s32 $0x580, s0;
	s24 =	simm.s32 $0x4F00  }
0x22e: {  	[hbm4b:s22+s3] =	stream.linear.scatter [tilespmem:s24], [sflag:$0x1], $0x80, $0x38;
	[tilespmem:$0x11400] =	vst v63  }
0x22f: {  	s22 =	sadd.s32 $0x600, s0;
	s24 =	simm.s32 $0x5000  }
0x230: {  	[hbm4b:s22+s3] =	stream.linear.scatter [tilespmem:s24], [sflag:$0x1], $0x80, $0x38;
	[tilespmem:$0x11400] =	vst v63  }
0x231: {  	s22 =	sadd.s32 $0x680, s0;
	s24 =	simm.s32 $0x5100  }
0x232: {  	[hbm4b:s22+s3] =	stream.linear.scatter [tilespmem:s24], [sflag:$0x1], $0x80, $0x38;
	[tilespmem:$0x11400] =	vst v63  }
0x233: {  	s5 =	sadd.s32 $0x700, s0;
	s22 =	simm.s32 $0x5200  }
0x234: {  	[hbm4b:s5+s3] =	stream.linear.scatter [tilespmem:s22], [sflag:$0x1], $0x80, $0x38;
	[tilespmem:$0x11400] =	vst v63  }
0x235: {  	s0 =	sadd.s32 $0x780, s0;
	s24 =	simm.s32 $0x5300  }
0x236: {  	[hbm4b:s0+s3] =	stream.linear.scatter [tilespmem:s24], [sflag:$0x1], $0x80, $0x38;
	[tilespmem:$0x11400] =	vst v63  }
0x237: {  	s5 =	simm.s32 $0x5400;
	s0 =	sadd.s32 s30, s15  }
0x238: {  	[hbm4b:s0+s3] =	stream.linear.scatter [tilespmem:s5], [sflag:$0x1], $0x80, $0x38;
	[tilespmem:$0x11400] =	vst v63  }
0x239: {  	s24 =	simm.s32 $0x5500;
	s22 =	sadd.s32 $0x80, s0  }
0x23a: {  	[hbm4b:s22+s3] =	stream.linear.scatter [tilespmem:s24], [sflag:$0x1], $0x80, $0x38;
	[tilespmem:$0x11400] =	vst v63  }
0x23b: {  	s22 =	sadd.s32 $0x100, s0;
	s24 =	simm.s32 $0x5600  }
0x23c: {  	[hbm4b:s22+s3] =	stream.linear.scatter [tilespmem:s24], [sflag:$0x1], $0x80, $0x38;
	[tilespmem:$0x11400] =	vst v63  }
0x23d: {  	s22 =	sadd.s32 $0x180, s0;
	s24 =	simm.s32 $0x5700  }
0x23e: {  	[hbm4b:s22+s3] =	stream.linear.scatter [tilespmem:s24], [sflag:$0x1], $0x80, $0x38;
	[tilespmem:$0x11400] =	vst v63  }
0x23f: {  	s22 =	sadd.s32 $0x200, s0;
	s24 =	simm.s32 $0x5800  }
0x240: {  	[hbm4b:s22+s3] =	stream.linear.scatter [tilespmem:s24], [sflag:$0x1], $0x80, $0x38;
	[tilespmem:$0x11400] =	vst v63  }
0x241: {  	s22 =	sadd.s32 $0x280, s0;
	s24 =	simm.s32 $0x5900  }
0x242: {  	[hbm4b:s22+s3] =	stream.linear.scatter [tilespmem:s24], [sflag:$0x1], $0x80, $0x38;
	[tilespmem:$0x11400] =	vst v63  }
0x243: {  	s22 =	sadd.s32 $0x300, s0;
	s24 =	simm.s32 $0x5A00  }
0x244: {  	[hbm4b:s22+s3] =	stream.linear.scatter [tilespmem:s24], [sflag:$0x1], $0x80, $0x38;
	[tilespmem:$0x11400] =	vst v63  }
0x245: {  	s22 =	sadd.s32 $0x380, s0;
	s24 =	simm.s32 $0x5B00  }
0x246: {  	[hbm4b:s22+s3] =	stream.linear.scatter [tilespmem:s24], [sflag:$0x1], $0x80, $0x38;
	[tilespmem:$0x11400] =	vst v63  }
0x247: {  	s22 =	sadd.s32 $0x400, s0;
	s24 =	simm.s32 $0x5C00  }
0x248: {  	[hbm4b:s22+s3] =	stream.linear.scatter [tilespmem:s24], [sflag:$0x1], $0x80, $0x38;
	[tilespmem:$0x11400] =	vst v63  }
0x249: {  	s22 =	sadd.s32 $0x480, s0;
	s24 =	simm.s32 $0x5D00  }
0x24a: {  	[hbm4b:s22+s3] =	stream.linear.scatter [tilespmem:s24], [sflag:$0x1], $0x80, $0x38;
	[tilespmem:$0x11400] =	vst v63  }
0x24b: {  	s22 =	sadd.s32 $0x500, s0;
	s24 =	simm.s32 $0x5E00  }
0x24c: {  	[hbm4b:s22+s3] =	stream.linear.scatter [tilespmem:s24], [sflag:$0x1], $0x80, $0x38;
	[tilespmem:$0x11400] =	vst v63  }
0x24d: {  	s22 =	sadd.s32 $0x580, s0;
	s24 =	simm.s32 $0x5F00  }
0x24e: {  	[hbm4b:s22+s3] =	stream.linear.scatter [tilespmem:s24], [sflag:$0x1], $0x80, $0x38;
	[tilespmem:$0x11400] =	vst v63  }
0x24f: {  	s22 =	sadd.s32 $0x600, s0;
	s24 =	simm.s32 $0x6000  }
0x250: {  	[hbm4b:s22+s3] =	stream.linear.scatter [tilespmem:s24], [sflag:$0x1], $0x80, $0x38;
	[tilespmem:$0x11400] =	vst v63  }
0x251: {  	s22 =	sadd.s32 $0x680, s0;
	s24 =	simm.s32 $0x6100  }
0x252: {  	[hbm4b:s22+s3] =	stream.linear.scatter [tilespmem:s24], [sflag:$0x1], $0x80, $0x38;
	[tilespmem:$0x11400] =	vst v63  }
0x253: {  	s5 =	sadd.s32 $0x700, s0;
	s22 =	simm.s32 $0x6200  }
0x254: {  	[hbm4b:s5+s3] =	stream.linear.scatter [tilespmem:s22], [sflag:$0x1], $0x80, $0x38;
	[tilespmem:$0x11400] =	vst v63  }
0x255: {  	s0 =	sadd.s32 $0x780, s0;
	s24 =	simm.s32 $0x6300  }
0x256: {  	[hbm4b:s0+s3] =	stream.linear.scatter [tilespmem:s24], [sflag:$0x1], $0x80, $0x38;
	[tilespmem:$0x11400] =	vst v63  }
0x257: {  	s5 =	simm.s32 $0x6400;
	s0 =	sadd.s32 s30, s9  }
0x258: {  	[hbm4b:s0+s3] =	stream.linear.scatter [tilespmem:s5], [sflag:$0x1], $0x80, $0x38;
	[tilespmem:$0x11400] =	vst v63  }
0x259: {  	s24 =	simm.s32 $0x6500;
	s22 =	sadd.s32 $0x80, s0  }
0x25a: {  	[hbm4b:s22+s3] =	stream.linear.scatter [tilespmem:s24], [sflag:$0x1], $0x80, $0x38;
	[tilespmem:$0x11400] =	vst v63  }
0x25b: {  	s22 =	sadd.s32 $0x100, s0;
	s24 =	simm.s32 $0x6600  }
0x25c: {  	[hbm4b:s22+s3] =	stream.linear.scatter [tilespmem:s24], [sflag:$0x1], $0x80, $0x38;
	[tilespmem:$0x11400] =	vst v63  }
0x25d: {  	s22 =	sadd.s32 $0x180, s0;
	s24 =	simm.s32 $0x6700  }
0x25e: {  	[hbm4b:s22+s3] =	stream.linear.scatter [tilespmem:s24], [sflag:$0x1], $0x80, $0x38;
	[tilespmem:$0x11400] =	vst v63  }
0x25f: {  	s22 =	sadd.s32 $0x200, s0;
	s24 =	simm.s32 $0x6800  }
0x260: {  	[hbm4b:s22+s3] =	stream.linear.scatter [tilespmem:s24], [sflag:$0x1], $0x80, $0x38;
	[tilespmem:$0x11400] =	vst v63  }
0x261: {  	s22 =	sadd.s32 $0x280, s0;
	s24 =	simm.s32 $0x6900  }
0x262: {  	[hbm4b:s22+s3] =	stream.linear.scatter [tilespmem:s24], [sflag:$0x1], $0x80, $0x38;
	[tilespmem:$0x11400] =	vst v63  }
0x263: {  	s22 =	sadd.s32 $0x300, s0;
	s24 =	simm.s32 $0x6A00  }
0x264: {  	[hbm4b:s22+s3] =	stream.linear.scatter [tilespmem:s24], [sflag:$0x1], $0x80, $0x38;
	[tilespmem:$0x11400] =	vst v63  }
0x265: {  	s22 =	sadd.s32 $0x380, s0;
	s24 =	simm.s32 $0x6B00  }
0x266: {  	[hbm4b:s22+s3] =	stream.linear.scatter [tilespmem:s24], [sflag:$0x1], $0x80, $0x38;
	[tilespmem:$0x11400] =	vst v63  }
0x267: {  	s22 =	sadd.s32 $0x400, s0;
	s24 =	simm.s32 $0x6C00  }
0x268: {  	[hbm4b:s22+s3] =	stream.linear.scatter [tilespmem:s24], [sflag:$0x1], $0x80, $0x38;
	[tilespmem:$0x11400] =	vst v63  }
0x269: {  	s22 =	sadd.s32 $0x480, s0;
	s24 =	simm.s32 $0x6D00  }
0x26a: {  	[hbm4b:s22+s3] =	stream.linear.scatter [tilespmem:s24], [sflag:$0x1], $0x80, $0x38;
	[tilespmem:$0x11400] =	vst v63  }
0x26b: {  	s22 =	sadd.s32 $0x500, s0;
	s24 =	simm.s32 $0x6E00  }
0x26c: {  	[hbm4b:s22+s3] =	stream.linear.scatter [tilespmem:s24], [sflag:$0x1], $0x80, $0x38;
	[tilespmem:$0x11400] =	vst v63  }
0x26d: {  	s22 =	sadd.s32 $0x580, s0;
	s24 =	simm.s32 $0x6F00  }
0x26e: {  	[hbm4b:s22+s3] =	stream.linear.scatter [tilespmem:s24], [sflag:$0x1], $0x80, $0x38;
	[tilespmem:$0x11400] =	vst v63  }
0x26f: {  	s22 =	sadd.s32 $0x600, s0;
	s24 =	simm.s32 $0x7000  }
0x270: {  	[hbm4b:s22+s3] =	stream.linear.scatter [tilespmem:s24], [sflag:$0x1], $0x80, $0x38;
	[tilespmem:$0x11400] =	vst v63  }
0x271: {  	s22 =	sadd.s32 $0x680, s0;
	s24 =	simm.s32 $0x7100  }
0x272: {  	[hbm4b:s22+s3] =	stream.linear.scatter [tilespmem:s24], [sflag:$0x1], $0x80, $0x38;
	[tilespmem:$0x11400] =	vst v63  }
0x273: {  	s5 =	sadd.s32 $0x700, s0;
	s22 =	simm.s32 $0x7200  }
0x274: {  	[hbm4b:s5+s3] =	stream.linear.scatter [tilespmem:s22], [sflag:$0x1], $0x80, $0x38;
	[tilespmem:$0x11400] =	vst v63  }
0x275: {  	s0 =	sadd.s32 $0x780, s0;
	s24 =	simm.s32 $0x7300  }
0x276: {  	[hbm4b:s0+s3] =	stream.linear.scatter [tilespmem:s24], [sflag:$0x1], $0x80, $0x38;
	[tilespmem:$0x11400] =	vst v63  }
0x277: {  	s5 =	simm.s32 $0x7400;
	s0 =	sadd.s32 s30, s18  }
0x278: {  	[hbm4b:s0+s3] =	stream.linear.scatter [tilespmem:s5], [sflag:$0x1], $0x80, $0x38;
	[tilespmem:$0x11400] =	vst v63  }
0x279: {  	s24 =	simm.s32 $0x7500;
	s22 =	sadd.s32 $0x80, s0  }
0x27a: {  	[hbm4b:s22+s3] =	stream.linear.scatter [tilespmem:s24], [sflag:$0x1], $0x80, $0x38;
	[tilespmem:$0x11400] =	vst v63  }
0x27b: {  	s22 =	sadd.s32 $0x100, s0;
	s24 =	simm.s32 $0x7600  }
0x27c: {  	[hbm4b:s22+s3] =	stream.linear.scatter [tilespmem:s24], [sflag:$0x1], $0x80, $0x38;
	[tilespmem:$0x11400] =	vst v63  }
0x27d: {  	s22 =	sadd.s32 $0x180, s0;
	s24 =	simm.s32 $0x7700  }
0x27e: {  	[hbm4b:s22+s3] =	stream.linear.scatter [tilespmem:s24], [sflag:$0x1], $0x80, $0x38;
	[tilespmem:$0x11400] =	vst v63  }
0x27f: {  	s22 =	sadd.s32 $0x200, s0;
	s24 =	simm.s32 $0x7800  }
0x280: {  	[hbm4b:s22+s3] =	stream.linear.scatter [tilespmem:s24], [sflag:$0x1], $0x80, $0x38;
	[tilespmem:$0x11400] =	vst v63  }
0x281: {  	s22 =	sadd.s32 $0x280, s0;
	s24 =	simm.s32 $0x7900  }
0x282: {  	[hbm4b:s22+s3] =	stream.linear.scatter [tilespmem:s24], [sflag:$0x1], $0x80, $0x38;
	[tilespmem:$0x11400] =	vst v63  }
0x283: {  	s22 =	sadd.s32 $0x300, s0;
	s24 =	simm.s32 $0x7A00  }
0x284: {  	[hbm4b:s22+s3] =	stream.linear.scatter [tilespmem:s24], [sflag:$0x1], $0x80, $0x38;
	[tilespmem:$0x11400] =	vst v63  }
0x285: {  	s22 =	sadd.s32 $0x380, s0;
	s24 =	simm.s32 $0x7B00  }
0x286: {  	[hbm4b:s22+s3] =	stream.linear.scatter [tilespmem:s24], [sflag:$0x1], $0x80, $0x38;
	[tilespmem:$0x11400] =	vst v63  }
0x287: {  	s22 =	sadd.s32 $0x400, s0;
	s24 =	simm.s32 $0x7C00  }
0x288: {  	[hbm4b:s22+s3] =	stream.linear.scatter [tilespmem:s24], [sflag:$0x1], $0x80, $0x38;
	[tilespmem:$0x11400] =	vst v63  }
0x289: {  	s22 =	sadd.s32 $0x480, s0;
	s24 =	simm.s32 $0x7D00  }
0x28a: {  	[hbm4b:s22+s3] =	stream.linear.scatter [tilespmem:s24], [sflag:$0x1], $0x80, $0x38;
	[tilespmem:$0x11400] =	vst v63  }
0x28b: {  	s22 =	sadd.s32 $0x500, s0;
	s24 =	simm.s32 $0x7E00  }
0x28c: {  	[hbm4b:s22+s3] =	stream.linear.scatter [tilespmem:s24], [sflag:$0x1], $0x80, $0x38;
	[tilespmem:$0x11400] =	vst v63  }
0x28d: {  	s22 =	sadd.s32 $0x580, s0;
	s24 =	simm.s32 $0x7F00  }
0x28e: {  	[hbm4b:s22+s3] =	stream.linear.scatter [tilespmem:s24], [sflag:$0x1], $0x80, $0x38;
	[tilespmem:$0x11400] =	vst v63  }
0x28f: {  	s22 =	sadd.s32 $0x600, s0;
	s24 =	simm.s32 $0x8000  }
0x290: {  	[hbm4b:s22+s3] =	stream.linear.scatter [tilespmem:s24], [sflag:$0x1], $0x80, $0x38;
	[tilespmem:$0x11400] =	vst v63  }
0x291: {  	s22 =	sadd.s32 $0x680, s0;
	s24 =	simm.s32 $0x8100  }
0x292: {  	[hbm4b:s22+s3] =	stream.linear.scatter [tilespmem:s24], [sflag:$0x1], $0x80, $0x38;
	[tilespmem:$0x11400] =	vst v63  }
0x293: {  	s5 =	sadd.s32 $0x700, s0;
	s22 =	simm.s32 $0x8200  }
0x294: {  	[hbm4b:s5+s3] =	stream.linear.scatter [tilespmem:s22], [sflag:$0x1], $0x80, $0x38;
	[tilespmem:$0x11400] =	vst v63  }
0x295: {  	s0 =	sadd.s32 $0x780, s0;
	s24 =	simm.s32 $0x8300  }
0x296: {  	[hbm4b:s0+s3] =	stream.linear.scatter [tilespmem:s24], [sflag:$0x1], $0x80, $0x38;
	[tilespmem:$0x11400] =	vst v63  }
0x297: {  	s5 =	simm.s32 $0x8400;
	s0 =	sadd.s32 s30, s10  }
0x298: {  	[hbm4b:s0+s3] =	stream.linear.scatter [tilespmem:s5], [sflag:$0x1], $0x80, $0x38;
	[tilespmem:$0x11400] =	vst v63  }
0x299: {  	s24 =	simm.s32 $0x8500;
	s22 =	sadd.s32 $0x80, s0  }
0x29a: {  	[hbm4b:s22+s3] =	stream.linear.scatter [tilespmem:s24], [sflag:$0x1], $0x80, $0x38;
	[tilespmem:$0x11400] =	vst v63  }
0x29b: {  	s22 =	sadd.s32 $0x100, s0;
	s24 =	simm.s32 $0x8600  }
0x29c: {  	[hbm4b:s22+s3] =	stream.linear.scatter [tilespmem:s24], [sflag:$0x1], $0x80, $0x38;
	[tilespmem:$0x11400] =	vst v63  }
0x29d: {  	s22 =	sadd.s32 $0x180, s0;
	s24 =	simm.s32 $0x8700  }
0x29e: {  	[hbm4b:s22+s3] =	stream.linear.scatter [tilespmem:s24], [sflag:$0x1], $0x80, $0x38;
	[tilespmem:$0x11400] =	vst v63  }
0x29f: {  	s22 =	sadd.s32 $0x200, s0;
	s24 =	simm.s32 $0x8800  }
0x2a0: {  	[hbm4b:s22+s3] =	stream.linear.scatter [tilespmem:s24], [sflag:$0x1], $0x80, $0x38;
	[tilespmem:$0x11400] =	vst v63  }
0x2a1: {  	s22 =	sadd.s32 $0x280, s0;
	s24 =	simm.s32 $0x8900  }
0x2a2: {  	[hbm4b:s22+s3] =	stream.linear.scatter [tilespmem:s24], [sflag:$0x1], $0x80, $0x38;
	[tilespmem:$0x11400] =	vst v63  }
0x2a3: {  	s22 =	sadd.s32 $0x300, s0;
	s24 =	simm.s32 $0x8A00  }
0x2a4: {  	[hbm4b:s22+s3] =	stream.linear.scatter [tilespmem:s24], [sflag:$0x1], $0x80, $0x38;
	[tilespmem:$0x11400] =	vst v63  }
0x2a5: {  	s22 =	sadd.s32 $0x380, s0;
	s24 =	simm.s32 $0x8B00  }
0x2a6: {  	[hbm4b:s22+s3] =	stream.linear.scatter [tilespmem:s24], [sflag:$0x1], $0x80, $0x38;
	[tilespmem:$0x11400] =	vst v63  }
0x2a7: {  	s22 =	sadd.s32 $0x400, s0;
	s24 =	simm.s32 $0x8C00  }
0x2a8: {  	[hbm4b:s22+s3] =	stream.linear.scatter [tilespmem:s24], [sflag:$0x1], $0x80, $0x38;
	[tilespmem:$0x11400] =	vst v63  }
0x2a9: {  	s22 =	sadd.s32 $0x480, s0;
	s24 =	simm.s32 $0x8D00  }
0x2aa: {  	[hbm4b:s22+s3] =	stream.linear.scatter [tilespmem:s24], [sflag:$0x1], $0x80, $0x38;
	[tilespmem:$0x11400] =	vst v63  }
0x2ab: {  	s22 =	sadd.s32 $0x500, s0;
	s24 =	simm.s32 $0x8E00  }
0x2ac: {  	[hbm4b:s22+s3] =	stream.linear.scatter [tilespmem:s24], [sflag:$0x1], $0x80, $0x38;
	[tilespmem:$0x11400] =	vst v63  }
0x2ad: {  	s22 =	sadd.s32 $0x580, s0;
	s24 =	simm.s32 $0x8F00  }
0x2ae: {  	[hbm4b:s22+s3] =	stream.linear.scatter [tilespmem:s24], [sflag:$0x1], $0x80, $0x38;
	[tilespmem:$0x11400] =	vst v63  }
0x2af: {  	s22 =	sadd.s32 $0x600, s0;
	s24 =	simm.s32 $0x9000  }
0x2b0: {  	[hbm4b:s22+s3] =	stream.linear.scatter [tilespmem:s24], [sflag:$0x1], $0x80, $0x38;
	[tilespmem:$0x11400] =	vst v63  }
0x2b1: {  	s22 =	sadd.s32 $0x680, s0;
	s24 =	simm.s32 $0x9100  }
0x2b2: {  	[hbm4b:s22+s3] =	stream.linear.scatter [tilespmem:s24], [sflag:$0x1], $0x80, $0x38;
	[tilespmem:$0x11400] =	vst v63  }
0x2b3: {  	s5 =	sadd.s32 $0x700, s0;
	s22 =	simm.s32 $0x9200  }
0x2b4: {  	[hbm4b:s5+s3] =	stream.linear.scatter [tilespmem:s22], [sflag:$0x1], $0x80, $0x38;
	[tilespmem:$0x11400] =	vst v63  }
0x2b5: {  	s0 =	sadd.s32 $0x780, s0;
	s24 =	simm.s32 $0x9300  }
0x2b6: {  	[hbm4b:s0+s3] =	stream.linear.scatter [tilespmem:s24], [sflag:$0x1], $0x80, $0x38;
	[tilespmem:$0x11400] =	vst v63  }
0x2b7: {  	s5 =	simm.s32 $0x9400;
	s0 =	sadd.s32 s30, s11  }
0x2b8: {  	[hbm4b:s0+s3] =	stream.linear.scatter [tilespmem:s5], [sflag:$0x1], $0x80, $0x38;
	[tilespmem:$0x11400] =	vst v63  }
0x2b9: {  	s24 =	simm.s32 $0x9500;
	s22 =	sadd.s32 $0x80, s0  }
0x2ba: {  	[hbm4b:s22+s3] =	stream.linear.scatter [tilespmem:s24], [sflag:$0x1], $0x80, $0x38;
	[tilespmem:$0x11400] =	vst v63  }
0x2bb: {  	s22 =	sadd.s32 $0x100, s0;
	s24 =	simm.s32 $0x9600  }
0x2bc: {  	[hbm4b:s22+s3] =	stream.linear.scatter [tilespmem:s24], [sflag:$0x1], $0x80, $0x38;
	[tilespmem:$0x11400] =	vst v63  }
0x2bd: {  	s22 =	sadd.s32 $0x180, s0;
	s24 =	simm.s32 $0x9700  }
0x2be: {  	[hbm4b:s22+s3] =	stream.linear.scatter [tilespmem:s24], [sflag:$0x1], $0x80, $0x38;
	[tilespmem:$0x11400] =	vst v63  }
0x2bf: {  	s22 =	sadd.s32 $0x200, s0;
	s24 =	simm.s32 $0x9800  }
0x2c0: {  	[hbm4b:s22+s3] =	stream.linear.scatter [tilespmem:s24], [sflag:$0x1], $0x80, $0x38;
	[tilespmem:$0x11400] =	vst v63  }
0x2c1: {  	s22 =	sadd.s32 $0x280, s0;
	s24 =	simm.s32 $0x9900  }
0x2c2: {  	[hbm4b:s22+s3] =	stream.linear.scatter [tilespmem:s24], [sflag:$0x1], $0x80, $0x38;
	[tilespmem:$0x11400] =	vst v63  }
0x2c3: {  	s22 =	sadd.s32 $0x300, s0;
	s24 =	simm.s32 $0x9A00  }
0x2c4: {  	[hbm4b:s22+s3] =	stream.linear.scatter [tilespmem:s24], [sflag:$0x1], $0x80, $0x38;
	[tilespmem:$0x11400] =	vst v63  }
0x2c5: {  	s22 =	sadd.s32 $0x380, s0;
	s24 =	simm.s32 $0x9B00  }
0x2c6: {  	[hbm4b:s22+s3] =	stream.linear.scatter [tilespmem:s24], [sflag:$0x1], $0x80, $0x38;
	[tilespmem:$0x11400] =	vst v63  }
0x2c7: {  	s22 =	sadd.s32 $0x400, s0;
	s24 =	simm.s32 $0x9C00  }
0x2c8: {  	[hbm4b:s22+s3] =	stream.linear.scatter [tilespmem:s24], [sflag:$0x1], $0x80, $0x38;
	[tilespmem:$0x11400] =	vst v63  }
0x2c9: {  	s22 =	sadd.s32 $0x480, s0;
	s24 =	simm.s32 $0x9D00  }
0x2ca: {  	[hbm4b:s22+s3] =	stream.linear.scatter [tilespmem:s24], [sflag:$0x1], $0x80, $0x38;
	[tilespmem:$0x11400] =	vst v63  }
0x2cb: {  	s22 =	sadd.s32 $0x500, s0;
	s24 =	simm.s32 $0x9E00  }
0x2cc: {  	[hbm4b:s22+s3] =	stream.linear.scatter [tilespmem:s24], [sflag:$0x1], $0x80, $0x38;
	[tilespmem:$0x11400] =	vst v63  }
0x2cd: {  	s22 =	sadd.s32 $0x580, s0;
	s24 =	simm.s32 $0x9F00  }
0x2ce: {  	[hbm4b:s22+s3] =	stream.linear.scatter [tilespmem:s24], [sflag:$0x1], $0x80, $0x38;
	[tilespmem:$0x11400] =	vst v63  }
0x2cf: {  	s22 =	sadd.s32 $0x600, s0;
	s24 =	simm.s32 $0xA000  }
0x2d0: {  	[hbm4b:s22+s3] =	stream.linear.scatter [tilespmem:s24], [sflag:$0x1], $0x80, $0x38;
	[tilespmem:$0x11400] =	vst v63  }
0x2d1: {  	s22 =	sadd.s32 $0x680, s0;
	s24 =	simm.s32 $0xA100  }
0x2d2: {  	[hbm4b:s22+s3] =	stream.linear.scatter [tilespmem:s24], [sflag:$0x1], $0x80, $0x38;
	[tilespmem:$0x11400] =	vst v63  }
0x2d3: {  	s5 =	sadd.s32 $0x700, s0;
	s22 =	simm.s32 $0xA200  }
0x2d4: {  	[hbm4b:s5+s3] =	stream.linear.scatter [tilespmem:s22], [sflag:$0x1], $0x80, $0x38;
	[tilespmem:$0x11400] =	vst v63  }
0x2d5: {  	s0 =	sadd.s32 $0x780, s0;
	s24 =	simm.s32 $0xA300  }
0x2d6: {  	[hbm4b:s0+s3] =	stream.linear.scatter [tilespmem:s24], [sflag:$0x1], $0x80, $0x38;
	[tilespmem:$0x11400] =	vst v63  }
0x2d7: {  	s5 =	simm.s32 $0xA400;
	s0 =	sadd.s32 s30, s13  }
0x2d8: {  	[hbm4b:s0+s3] =	stream.linear.scatter [tilespmem:s5], [sflag:$0x1], $0x80, $0x38;
	[tilespmem:$0x11400] =	vst v63  }
0x2d9: {  	s24 =	simm.s32 $0xA500;
	s22 =	sadd.s32 $0x80, s0  }
0x2da: {  	[hbm4b:s22+s3] =	stream.linear.scatter [tilespmem:s24], [sflag:$0x1], $0x80, $0x38;
	[tilespmem:$0x11400] =	vst v63  }
0x2db: {  	s22 =	sadd.s32 $0x100, s0;
	s24 =	simm.s32 $0xA600  }
0x2dc: {  	[hbm4b:s22+s3] =	stream.linear.scatter [tilespmem:s24], [sflag:$0x1], $0x80, $0x38;
	[tilespmem:$0x11400] =	vst v63  }
0x2dd: {  	s22 =	sadd.s32 $0x180, s0;
	s24 =	simm.s32 $0xA700  }
0x2de: {  	[hbm4b:s22+s3] =	stream.linear.scatter [tilespmem:s24], [sflag:$0x1], $0x80, $0x38;
	[tilespmem:$0x11400] =	vst v63  }
0x2df: {  	s22 =	sadd.s32 $0x200, s0;
	s24 =	simm.s32 $0xA800  }
0x2e0: {  	[hbm4b:s22+s3] =	stream.linear.scatter [tilespmem:s24], [sflag:$0x1], $0x80, $0x38;
	[tilespmem:$0x11400] =	vst v63  }
0x2e1: {  	s22 =	sadd.s32 $0x280, s0;
	s24 =	simm.s32 $0xA900  }
0x2e2: {  	[hbm4b:s22+s3] =	stream.linear.scatter [tilespmem:s24], [sflag:$0x1], $0x80, $0x38;
	[tilespmem:$0x11400] =	vst v63  }
0x2e3: {  	s22 =	sadd.s32 $0x300, s0;
	s24 =	simm.s32 $0xAA00  }
0x2e4: {  	[hbm4b:s22+s3] =	stream.linear.scatter [tilespmem:s24], [sflag:$0x1], $0x80, $0x38;
	[tilespmem:$0x11400] =	vst v63  }
0x2e5: {  	s22 =	sadd.s32 $0x380, s0;
	s24 =	simm.s32 $0xAB00  }
0x2e6: {  	[hbm4b:s22+s3] =	stream.linear.scatter [tilespmem:s24], [sflag:$0x1], $0x80, $0x38;
	[tilespmem:$0x11400] =	vst v63  }
0x2e7: {  	s22 =	sadd.s32 $0x400, s0;
	s24 =	simm.s32 $0xAC00  }
0x2e8: {  	[hbm4b:s22+s3] =	stream.linear.scatter [tilespmem:s24], [sflag:$0x1], $0x80, $0x38;
	[tilespmem:$0x11400] =	vst v63  }
0x2e9: {  	s22 =	sadd.s32 $0x480, s0;
	s24 =	simm.s32 $0xAD00  }
0x2ea: {  	[hbm4b:s22+s3] =	stream.linear.scatter [tilespmem:s24], [sflag:$0x1], $0x80, $0x38;
	[tilespmem:$0x11400] =	vst v63  }
0x2eb: {  	s22 =	sadd.s32 $0x500, s0;
	s24 =	simm.s32 $0xAE00  }
0x2ec: {  	[hbm4b:s22+s3] =	stream.linear.scatter [tilespmem:s24], [sflag:$0x1], $0x80, $0x38;
	[tilespmem:$0x11400] =	vst v63  }
0x2ed: {  	s22 =	sadd.s32 $0x580, s0;
	s24 =	simm.s32 $0xAF00  }
0x2ee: {  	[hbm4b:s22+s3] =	stream.linear.scatter [tilespmem:s24], [sflag:$0x1], $0x80, $0x38;
	[tilespmem:$0x11400] =	vst v63  }
0x2ef: {  	s22 =	sadd.s32 $0x600, s0;
	s24 =	simm.s32 $0xB000  }
0x2f0: {  	[hbm4b:s22+s3] =	stream.linear.scatter [tilespmem:s24], [sflag:$0x1], $0x80, $0x38;
	[tilespmem:$0x11400] =	vst v63  }
0x2f1: {  	s22 =	sadd.s32 $0x680, s0;
	s24 =	simm.s32 $0xB100  }
0x2f2: {  	[hbm4b:s22+s3] =	stream.linear.scatter [tilespmem:s24], [sflag:$0x1], $0x80, $0x38;
	[tilespmem:$0x11400] =	vst v63  }
0x2f3: {  	s5 =	sadd.s32 $0x700, s0;
	s22 =	simm.s32 $0xB200  }
0x2f4: {  	[hbm4b:s5+s3] =	stream.linear.scatter [tilespmem:s22], [sflag:$0x1], $0x80, $0x38;
	[tilespmem:$0x11400] =	vst v63  }
0x2f5: {  	s0 =	sadd.s32 $0x780, s0;
	s24 =	simm.s32 $0xB300  }
0x2f6: {  	[hbm4b:s0+s3] =	stream.linear.scatter [tilespmem:s24], [sflag:$0x1], $0x80, $0x38;
	[tilespmem:$0x11400] =	vst v63  }
0x2f7: {  	s5 =	simm.s32 $0xB400;
	s0 =	sadd.s32 s30, s14  }
0x2f8: {  	[hbm4b:s0+s3] =	stream.linear.scatter [tilespmem:s5], [sflag:$0x1], $0x80, $0x38;
	[tilespmem:$0x11400] =	vst v63  }
0x2f9: {  	s24 =	simm.s32 $0xB500;
	s22 =	sadd.s32 $0x80, s0  }
0x2fa: {  	[hbm4b:s22+s3] =	stream.linear.scatter [tilespmem:s24], [sflag:$0x1], $0x80, $0x38;
	[tilespmem:$0x11400] =	vst v63  }
0x2fb: {  	s22 =	sadd.s32 $0x100, s0;
	s24 =	simm.s32 $0xB600  }
0x2fc: {  	[hbm4b:s22+s3] =	stream.linear.scatter [tilespmem:s24], [sflag:$0x1], $0x80, $0x38;
	[tilespmem:$0x11400] =	vst v63  }
0x2fd: {  	s22 =	sadd.s32 $0x180, s0;
	s24 =	simm.s32 $0xB700  }
0x2fe: {  	[hbm4b:s22+s3] =	stream.linear.scatter [tilespmem:s24], [sflag:$0x1], $0x80, $0x38;
	[tilespmem:$0x11400] =	vst v63  }
0x2ff: {  	s22 =	sadd.s32 $0x200, s0;
	s24 =	simm.s32 $0xB800  }
0x300: {  	[hbm4b:s22+s3] =	stream.linear.scatter [tilespmem:s24], [sflag:$0x1], $0x80, $0x38;
	[tilespmem:$0x11400] =	vst v63  }
0x301: {  	s22 =	sadd.s32 $0x280, s0;
	s24 =	simm.s32 $0xB900  }
0x302: {  	[hbm4b:s22+s3] =	stream.linear.scatter [tilespmem:s24], [sflag:$0x1], $0x80, $0x38;
	[tilespmem:$0x11400] =	vst v63  }
0x303: {  	s22 =	sadd.s32 $0x300, s0;
	s24 =	simm.s32 $0xBA00  }
0x304: {  	[hbm4b:s22+s3] =	stream.linear.scatter [tilespmem:s24], [sflag:$0x1], $0x80, $0x38;
	[tilespmem:$0x11400] =	vst v63  }
0x305: {  	s22 =	sadd.s32 $0x380, s0;
	s24 =	simm.s32 $0xBB00  }
0x306: {  	[hbm4b:s22+s3] =	stream.linear.scatter [tilespmem:s24], [sflag:$0x1], $0x80, $0x38;
	[tilespmem:$0x11400] =	vst v63  }
0x307: {  	s22 =	sadd.s32 $0x400, s0;
	s24 =	simm.s32 $0xBC00  }
0x308: {  	[hbm4b:s22+s3] =	stream.linear.scatter [tilespmem:s24], [sflag:$0x1], $0x80, $0x38;
	[tilespmem:$0x11400] =	vst v63  }
0x309: {  	s22 =	sadd.s32 $0x480, s0;
	s24 =	simm.s32 $0xBD00  }
0x30a: {  	[hbm4b:s22+s3] =	stream.linear.scatter [tilespmem:s24], [sflag:$0x1], $0x80, $0x38;
	[tilespmem:$0x11400] =	vst v63  }
0x30b: {  	s22 =	sadd.s32 $0x500, s0;
	s24 =	simm.s32 $0xBE00  }
0x30c: {  	[hbm4b:s22+s3] =	stream.linear.scatter [tilespmem:s24], [sflag:$0x1], $0x80, $0x38;
	[tilespmem:$0x11400] =	vst v63  }
0x30d: {  	s22 =	sadd.s32 $0x580, s0;
	s24 =	simm.s32 $0xBF00  }
0x30e: {  	[hbm4b:s22+s3] =	stream.linear.scatter [tilespmem:s24], [sflag:$0x1], $0x80, $0x38;
	[tilespmem:$0x11400] =	vst v63  }
0x30f: {  	s22 =	sadd.s32 $0x600, s0;
	s24 =	simm.s32 $0xC000  }
0x310: {  	[hbm4b:s22+s3] =	stream.linear.scatter [tilespmem:s24], [sflag:$0x1], $0x80, $0x38;
	[tilespmem:$0x11400] =	vst v63  }
0x311: {  	s22 =	sadd.s32 $0x680, s0;
	s24 =	simm.s32 $0xC100  }
0x312: {  	[hbm4b:s22+s3] =	stream.linear.scatter [tilespmem:s24], [sflag:$0x1], $0x80, $0x38;
	[tilespmem:$0x11400] =	vst v63  }
0x313: {  	s5 =	sadd.s32 $0x700, s0;
	s22 =	simm.s32 $0xC200  }
0x314: {  	[hbm4b:s5+s3] =	stream.linear.scatter [tilespmem:s22], [sflag:$0x1], $0x80, $0x38;
	[tilespmem:$0x11400] =	vst v63  }
0x315: {  	s0 =	sadd.s32 $0x780, s0;
	s24 =	simm.s32 $0xC300  }
0x316: {  	[hbm4b:s0+s3] =	stream.linear.scatter [tilespmem:s24], [sflag:$0x1], $0x80, $0x38;
	[tilespmem:$0x11400] =	vst v63  }
0x317: {  	s5 =	simm.s32 $0xC400;
	s0 =	sadd.s32 s30, s16  }
0x318: {  	[hbm4b:s0+s3] =	stream.linear.scatter [tilespmem:s5], [sflag:$0x1], $0x80, $0x38;
	[tilespmem:$0x11400] =	vst v63  }
0x319: {  	s24 =	simm.s32 $0xC500;
	s22 =	sadd.s32 $0x80, s0  }
0x31a: {  	[hbm4b:s22+s3] =	stream.linear.scatter [tilespmem:s24], [sflag:$0x1], $0x80, $0x38;
	[tilespmem:$0x11400] =	vst v63  }
0x31b: {  	s22 =	sadd.s32 $0x100, s0;
	s24 =	simm.s32 $0xC600  }
0x31c: {  	[hbm4b:s22+s3] =	stream.linear.scatter [tilespmem:s24], [sflag:$0x1], $0x80, $0x38;
	[tilespmem:$0x11400] =	vst v63  }
0x31d: {  	s22 =	sadd.s32 $0x180, s0;
	s24 =	simm.s32 $0xC700  }
0x31e: {  	[hbm4b:s22+s3] =	stream.linear.scatter [tilespmem:s24], [sflag:$0x1], $0x80, $0x38;
	[tilespmem:$0x11400] =	vst v63  }
0x31f: {  	s22 =	sadd.s32 $0x200, s0;
	s24 =	simm.s32 $0xC800  }
0x320: {  	[hbm4b:s22+s3] =	stream.linear.scatter [tilespmem:s24], [sflag:$0x1], $0x80, $0x38;
	[tilespmem:$0x11400] =	vst v63  }
0x321: {  	s22 =	sadd.s32 $0x280, s0;
	s24 =	simm.s32 $0xC900  }
0x322: {  	[hbm4b:s22+s3] =	stream.linear.scatter [tilespmem:s24], [sflag:$0x1], $0x80, $0x38;
	[tilespmem:$0x11400] =	vst v63  }
0x323: {  	s22 =	sadd.s32 $0x300, s0;
	s24 =	simm.s32 $0xCA00  }
0x324: {  	[hbm4b:s22+s3] =	stream.linear.scatter [tilespmem:s24], [sflag:$0x1], $0x80, $0x38;
	[tilespmem:$0x11400] =	vst v63  }
0x325: {  	s22 =	sadd.s32 $0x380, s0;
	s24 =	simm.s32 $0xCB00  }
0x326: {  	[hbm4b:s22+s3] =	stream.linear.scatter [tilespmem:s24], [sflag:$0x1], $0x80, $0x38;
	[tilespmem:$0x11400] =	vst v63  }
0x327: {  	s22 =	sadd.s32 $0x400, s0;
	s24 =	simm.s32 $0xCC00  }
0x328: {  	[hbm4b:s22+s3] =	stream.linear.scatter [tilespmem:s24], [sflag:$0x1], $0x80, $0x38;
	[tilespmem:$0x11400] =	vst v63  }
0x329: {  	s22 =	sadd.s32 $0x480, s0;
	s24 =	simm.s32 $0xCD00  }
0x32a: {  	[hbm4b:s22+s3] =	stream.linear.scatter [tilespmem:s24], [sflag:$0x1], $0x80, $0x38;
	[tilespmem:$0x11400] =	vst v63  }
0x32b: {  	s22 =	sadd.s32 $0x500, s0;
	s24 =	simm.s32 $0xCE00  }
0x32c: {  	[hbm4b:s22+s3] =	stream.linear.scatter [tilespmem:s24], [sflag:$0x1], $0x80, $0x38;
	[tilespmem:$0x11400] =	vst v63  }
0x32d: {  	s22 =	sadd.s32 $0x580, s0;
	s24 =	simm.s32 $0xCF00  }
0x32e: {  	[hbm4b:s22+s3] =	stream.linear.scatter [tilespmem:s24], [sflag:$0x1], $0x80, $0x38;
	[tilespmem:$0x11400] =	vst v63  }
0x32f: {  	s22 =	sadd.s32 $0x600, s0;
	s24 =	simm.s32 $0xD000  }
0x330: {  	[hbm4b:s22+s3] =	stream.linear.scatter [tilespmem:s24], [sflag:$0x1], $0x80, $0x38;
	[tilespmem:$0x11400] =	vst v63  }
0x331: {  	s22 =	sadd.s32 $0x680, s0;
	s24 =	simm.s32 $0xD100  }
0x332: {  	[hbm4b:s22+s3] =	stream.linear.scatter [tilespmem:s24], [sflag:$0x1], $0x80, $0x38;
	[tilespmem:$0x11400] =	vst v63  }
0x333: {  	s5 =	sadd.s32 $0x700, s0;
	s22 =	simm.s32 $0xD200  }
0x334: {  	[hbm4b:s5+s3] =	stream.linear.scatter [tilespmem:s22], [sflag:$0x1], $0x80, $0x38;
	[tilespmem:$0x11400] =	vst v63  }
0x335: {  	s0 =	sadd.s32 $0x780, s0;
	s24 =	simm.s32 $0xD300  }
0x336: {  	[hbm4b:s0+s3] =	stream.linear.scatter [tilespmem:s24], [sflag:$0x1], $0x80, $0x38;
	[tilespmem:$0x11400] =	vst v63  }
0x337: {  	s5 =	simm.s32 $0xD400;
	s0 =	sadd.s32 s30, s17  }
0x338: {  	[hbm4b:s0+s3] =	stream.linear.scatter [tilespmem:s5], [sflag:$0x1], $0x80, $0x38;
	[tilespmem:$0x11400] =	vst v63  }
0x339: {  	s24 =	simm.s32 $0xD500;
	s22 =	sadd.s32 $0x80, s0  }
0x33a: {  	[hbm4b:s22+s3] =	stream.linear.scatter [tilespmem:s24], [sflag:$0x1], $0x80, $0x38;
	[tilespmem:$0x11400] =	vst v63  }
0x33b: {  	s22 =	sadd.s32 $0x100, s0;
	s24 =	simm.s32 $0xD600  }
0x33c: {  	[hbm4b:s22+s3] =	stream.linear.scatter [tilespmem:s24], [sflag:$0x1], $0x80, $0x38;
	[tilespmem:$0x11400] =	vst v63  }
0x33d: {  	s22 =	sadd.s32 $0x180, s0;
	s24 =	simm.s32 $0xD700  }
0x33e: {  	[hbm4b:s22+s3] =	stream.linear.scatter [tilespmem:s24], [sflag:$0x1], $0x80, $0x38;
	[tilespmem:$0x11400] =	vst v63  }
0x33f: {  	s22 =	sadd.s32 $0x200, s0;
	s24 =	simm.s32 $0xD800  }
0x340: {  	[hbm4b:s22+s3] =	stream.linear.scatter [tilespmem:s24], [sflag:$0x1], $0x80, $0x38;
	[tilespmem:$0x11400] =	vst v63  }
0x341: {  	s22 =	sadd.s32 $0x280, s0;
	s24 =	simm.s32 $0xD900  }
0x342: {  	[hbm4b:s22+s3] =	stream.linear.scatter [tilespmem:s24], [sflag:$0x1], $0x80, $0x38;
	[tilespmem:$0x11400] =	vst v63  }
0x343: {  	s22 =	sadd.s32 $0x300, s0;
	s24 =	simm.s32 $0xDA00  }
0x344: {  	[hbm4b:s22+s3] =	stream.linear.scatter [tilespmem:s24], [sflag:$0x1], $0x80, $0x38;
	[tilespmem:$0x11400] =	vst v63  }
0x345: {  	s22 =	sadd.s32 $0x380, s0;
	s24 =	simm.s32 $0xDB00  }
0x346: {  	[hbm4b:s22+s3] =	stream.linear.scatter [tilespmem:s24], [sflag:$0x1], $0x80, $0x38;
	[tilespmem:$0x11400] =	vst v63  }
0x347: {  	s22 =	sadd.s32 $0x400, s0;
	s24 =	simm.s32 $0xDC00  }
0x348: {  	[hbm4b:s22+s3] =	stream.linear.scatter [tilespmem:s24], [sflag:$0x1], $0x80, $0x38;
	[tilespmem:$0x11400] =	vst v63  }
0x349: {  	s22 =	sadd.s32 $0x480, s0;
	s24 =	simm.s32 $0xDD00  }
0x34a: {  	[hbm4b:s22+s3] =	stream.linear.scatter [tilespmem:s24], [sflag:$0x1], $0x80, $0x38;
	[tilespmem:$0x11400] =	vst v63  }
0x34b: {  	s22 =	sadd.s32 $0x500, s0;
	s24 =	simm.s32 $0xDE00  }
0x34c: {  	[hbm4b:s22+s3] =	stream.linear.scatter [tilespmem:s24], [sflag:$0x1], $0x80, $0x38;
	[tilespmem:$0x11400] =	vst v63  }
0x34d: {  	s22 =	sadd.s32 $0x580, s0;
	s24 =	simm.s32 $0xDF00  }
0x34e: {  	[hbm4b:s22+s3] =	stream.linear.scatter [tilespmem:s24], [sflag:$0x1], $0x80, $0x38;
	[tilespmem:$0x11400] =	vst v63  }
0x34f: {  	s22 =	sadd.s32 $0x600, s0;
	s24 =	simm.s32 $0xE000  }
0x350: {  	[hbm4b:s22+s3] =	stream.linear.scatter [tilespmem:s24], [sflag:$0x1], $0x80, $0x38;
	[tilespmem:$0x11400] =	vst v63  }
0x351: {  	s22 =	sadd.s32 $0x680, s0;
	s24 =	simm.s32 $0xE100  }
0x352: {  	[hbm4b:s22+s3] =	stream.linear.scatter [tilespmem:s24], [sflag:$0x1], $0x80, $0x38;
	[tilespmem:$0x11400] =	vst v63  }
0x353: {  	s5 =	sadd.s32 $0x700, s0;
	s22 =	simm.s32 $0xE200  }
0x354: {  	[hbm4b:s5+s3] =	stream.linear.scatter [tilespmem:s22], [sflag:$0x1], $0x80, $0x38;
	[tilespmem:$0x11400] =	vst v63  }
0x355: {  	s0 =	sadd.s32 $0x780, s0;
	s24 =	simm.s32 $0xE300  }
0x356: {  	[hbm4b:s0+s3] =	stream.linear.scatter [tilespmem:s24], [sflag:$0x1], $0x80, $0x38;
	[tilespmem:$0x11400] =	vst v63  }
0x357: {  	s5 =	simm.s32 $0xE400;
	s0 =	sadd.s32 s30, s19  }
0x358: {  	[hbm4b:s0+s3] =	stream.linear.scatter [tilespmem:s5], [sflag:$0x1], $0x80, $0x38;
	[tilespmem:$0x11400] =	vst v63  }
0x359: {  	s24 =	simm.s32 $0xE500;
	s22 =	sadd.s32 $0x80, s0  }
0x35a: {  	[hbm4b:s22+s3] =	stream.linear.scatter [tilespmem:s24], [sflag:$0x1], $0x80, $0x38;
	[tilespmem:$0x11400] =	vst v63  }
0x35b: {  	s22 =	sadd.s32 $0x100, s0;
	s24 =	simm.s32 $0xE600  }
0x35c: {  	[hbm4b:s22+s3] =	stream.linear.scatter [tilespmem:s24], [sflag:$0x1], $0x80, $0x38;
	[tilespmem:$0x11400] =	vst v63  }
0x35d: {  	s22 =	sadd.s32 $0x180, s0;
	s24 =	simm.s32 $0xE700  }
0x35e: {  	[hbm4b:s22+s3] =	stream.linear.scatter [tilespmem:s24], [sflag:$0x1], $0x80, $0x38;
	[tilespmem:$0x11400] =	vst v63  }
0x35f: {  	s22 =	sadd.s32 $0x200, s0;
	s24 =	simm.s32 $0xE800  }
0x360: {  	[hbm4b:s22+s3] =	stream.linear.scatter [tilespmem:s24], [sflag:$0x1], $0x80, $0x38;
	[tilespmem:$0x11400] =	vst v63  }
0x361: {  	s22 =	sadd.s32 $0x280, s0;
	s24 =	simm.s32 $0xE900  }
0x362: {  	[hbm4b:s22+s3] =	stream.linear.scatter [tilespmem:s24], [sflag:$0x1], $0x80, $0x38;
	[tilespmem:$0x11400] =	vst v63  }
0x363: {  	s22 =	sadd.s32 $0x300, s0;
	s24 =	simm.s32 $0xEA00  }
0x364: {  	[hbm4b:s22+s3] =	stream.linear.scatter [tilespmem:s24], [sflag:$0x1], $0x80, $0x38;
	[tilespmem:$0x11400] =	vst v63  }
0x365: {  	s22 =	sadd.s32 $0x380, s0;
	s24 =	simm.s32 $0xEB00  }
0x366: {  	[hbm4b:s22+s3] =	stream.linear.scatter [tilespmem:s24], [sflag:$0x1], $0x80, $0x38;
	[tilespmem:$0x11400] =	vst v63  }
0x367: {  	s22 =	sadd.s32 $0x400, s0;
	s24 =	simm.s32 $0xEC00  }
0x368: {  	[hbm4b:s22+s3] =	stream.linear.scatter [tilespmem:s24], [sflag:$0x1], $0x80, $0x38;
	[tilespmem:$0x11400] =	vst v63  }
0x369: {  	s22 =	sadd.s32 $0x480, s0;
	s24 =	simm.s32 $0xED00  }
0x36a: {  	[hbm4b:s22+s3] =	stream.linear.scatter [tilespmem:s24], [sflag:$0x1], $0x80, $0x38;
	[tilespmem:$0x11400] =	vst v63  }
0x36b: {  	s22 =	sadd.s32 $0x500, s0;
	s24 =	simm.s32 $0xEE00  }
0x36c: {  	[hbm4b:s22+s3] =	stream.linear.scatter [tilespmem:s24], [sflag:$0x1], $0x80, $0x38;
	[tilespmem:$0x11400] =	vst v63  }
0x36d: {  	s22 =	sadd.s32 $0x580, s0;
	s24 =	simm.s32 $0xEF00  }
0x36e: {  	[hbm4b:s22+s3] =	stream.linear.scatter [tilespmem:s24], [sflag:$0x1], $0x80, $0x38;
	[tilespmem:$0x11400] =	vst v63  }
0x36f: {  	s22 =	sadd.s32 $0x600, s0;
	s24 =	simm.s32 $0xF000  }
0x370: {  	[hbm4b:s22+s3] =	stream.linear.scatter [tilespmem:s24], [sflag:$0x1], $0x80, $0x38;
	[tilespmem:$0x11400] =	vst v63  }
0x371: {  	s22 =	sadd.s32 $0x680, s0;
	s24 =	simm.s32 $0xF100  }
0x372: {  	[hbm4b:s22+s3] =	stream.linear.scatter [tilespmem:s24], [sflag:$0x1], $0x80, $0x38;
	[tilespmem:$0x11400] =	vst v63  }
0x373: {  	s5 =	sadd.s32 $0x700, s0;
	s22 =	simm.s32 $0xF200  }
0x374: {  	[hbm4b:s5+s3] =	stream.linear.scatter [tilespmem:s22], [sflag:$0x1], $0x80, $0x38;
	[tilespmem:$0x11400] =	vst v63  }
0x375: {  	s0 =	sadd.s32 $0x780, s0;
	s24 =	simm.s32 $0xF300  }
0x376: {  	[hbm4b:s0+s3] =	stream.linear.scatter [tilespmem:s24], [sflag:$0x1], $0x80, $0x38;
	[tilespmem:$0x11400] =	vst v63  }
0x377: {  	s5 =	simm.s32 $0xF400;
	s0 =	sadd.s32 s30, s20  }
0x378: {  	[hbm4b:s0+s3] =	stream.linear.scatter [tilespmem:s5], [sflag:$0x1], $0x80, $0x38;
	[tilespmem:$0x11400] =	vst v63  }
0x379: {  	s24 =	simm.s32 $0xF500;
	s22 =	sadd.s32 $0x80, s0  }
0x37a: {  	[hbm4b:s22+s3] =	stream.linear.scatter [tilespmem:s24], [sflag:$0x1], $0x80, $0x38;
	[tilespmem:$0x11400] =	vst v63  }
0x37b: {  	s22 =	sadd.s32 $0x100, s0;
	s24 =	simm.s32 $0xF600  }
0x37c: {  	[hbm4b:s22+s3] =	stream.linear.scatter [tilespmem:s24], [sflag:$0x1], $0x80, $0x38;
	[tilespmem:$0x11400] =	vst v63  }
0x37d: {  	s22 =	sadd.s32 $0x180, s0;
	s24 =	simm.s32 $0xF700  }
0x37e: {  	[hbm4b:s22+s3] =	stream.linear.scatter [tilespmem:s24], [sflag:$0x1], $0x80, $0x38;
	[tilespmem:$0x11400] =	vst v63  }
0x37f: {  	s22 =	sadd.s32 $0x200, s0;
	s24 =	simm.s32 $0xF800  }
0x380: {  	[hbm4b:s22+s3] =	stream.linear.scatter [tilespmem:s24], [sflag:$0x1], $0x80, $0x38;
	[tilespmem:$0x11400] =	vst v63  }
0x381: {  	s22 =	sadd.s32 $0x280, s0;
	s24 =	simm.s32 $0xF900  }
0x382: {  	[hbm4b:s22+s3] =	stream.linear.scatter [tilespmem:s24], [sflag:$0x1], $0x80, $0x38;
	[tilespmem:$0x11400] =	vst v63  }
0x383: {  	s22 =	sadd.s32 $0x300, s0;
	s24 =	simm.s32 $0xFA00  }
0x384: {  	[hbm4b:s22+s3] =	stream.linear.scatter [tilespmem:s24], [sflag:$0x1], $0x80, $0x38;
	[tilespmem:$0x11400] =	vst v63  }
0x385: {  	s22 =	sadd.s32 $0x380, s0;
	s24 =	simm.s32 $0xFB00  }
0x386: {  	[hbm4b:s22+s3] =	stream.linear.scatter [tilespmem:s24], [sflag:$0x1], $0x80, $0x38;
	[tilespmem:$0x11400] =	vst v63  }
0x387: {  	s22 =	sadd.s32 $0x400, s0;
	s24 =	simm.s32 $0xFC00  }
0x388: {  	[hbm4b:s22+s3] =	stream.linear.scatter [tilespmem:s24], [sflag:$0x1], $0x80, $0x38;
	[tilespmem:$0x11400] =	vst v63  }
0x389: {  	s22 =	sadd.s32 $0x480, s0;
	s24 =	simm.s32 $0xFD00  }
0x38a: {  	[hbm4b:s22+s3] =	stream.linear.scatter [tilespmem:s24], [sflag:$0x1], $0x80, $0x38;
	[tilespmem:$0x11400] =	vst v63  }
0x38b: {  	s22 =	sadd.s32 $0x500, s0;
	s24 =	simm.s32 $0xFE00  }
0x38c: {  	[hbm4b:s22+s3] =	stream.linear.scatter [tilespmem:s24], [sflag:$0x1], $0x80, $0x38;
	[tilespmem:$0x11400] =	vst v63  }
0x38d: {  	s22 =	sadd.s32 $0x580, s0;
	s24 =	simm.s32 $0xFF00  }
0x38e: {  	[hbm4b:s22+s3] =	stream.linear.scatter [tilespmem:s24], [sflag:$0x1], $0x80, $0x38;
	[tilespmem:$0x11400] =	vst v63  }
0x38f: {  	s22 =	sadd.s32 $0x600, s0;
	s24 =	simm.s32 $0x10000  }
0x390: {  	[hbm4b:s22+s3] =	stream.linear.scatter [tilespmem:s24], [sflag:$0x1], $0x80, $0x38;
	[tilespmem:$0x11400] =	vst v63  }
0x391: {  	s22 =	sadd.s32 $0x680, s0;
	s24 =	simm.s32 $0x10100  }
0x392: {  	[hbm4b:s22+s3] =	stream.linear.scatter [tilespmem:s24], [sflag:$0x1], $0x80, $0x38;
	[tilespmem:$0x11400] =	vst v63  }
0x393: {  	s5 =	sadd.s32 $0x700, s0;
	s22 =	simm.s32 $0x10200  }
0x394: {  	[hbm4b:s5+s3] =	stream.linear.scatter [tilespmem:s22], [sflag:$0x1], $0x80, $0x38;
	[tilespmem:$0x11400] =	vst v63  }
0x395: {  	s0 =	sadd.s32 $0x780, s0;
	s24 =	simm.s32 $0x10300  }
0x396: {  	[hbm4b:s0+s3] =	stream.linear.scatter [tilespmem:s24], [sflag:$0x1], $0x80, $0x38;
	[tilespmem:$0x11400] =	vst v63  }
0x397: {  	s5 =	simm.s32 $0x10400;
	s0 =	sadd.s32 s30, s21  }
0x398: {  	[hbm4b:s0+s3] =	stream.linear.scatter [tilespmem:s5], [sflag:$0x1], $0x80, $0x38;
	[tilespmem:$0x11400] =	vst v63  }
0x399: {  	s24 =	simm.s32 $0x10500;
	s22 =	sadd.s32 $0x80, s0  }
0x39a: {  	[hbm4b:s22+s3] =	stream.linear.scatter [tilespmem:s24], [sflag:$0x1], $0x80, $0x38;
	[tilespmem:$0x11400] =	vst v63  }
0x39b: {  	s22 =	sadd.s32 $0x100, s0;
	s24 =	simm.s32 $0x10600  }
0x39c: {  	[hbm4b:s22+s3] =	stream.linear.scatter [tilespmem:s24], [sflag:$0x1], $0x80, $0x38;
	[tilespmem:$0x11400] =	vst v63  }
0x39d: {  	s22 =	sadd.s32 $0x180, s0;
	s24 =	simm.s32 $0x10700  }
0x39e: {  	[hbm4b:s22+s3] =	stream.linear.scatter [tilespmem:s24], [sflag:$0x1], $0x80, $0x38;
	[tilespmem:$0x11400] =	vst v63  }
0x39f: {  	s22 =	sadd.s32 $0x200, s0;
	s24 =	simm.s32 $0x10800  }
0x3a0: {  	[hbm4b:s22+s3] =	stream.linear.scatter [tilespmem:s24], [sflag:$0x1], $0x80, $0x38;
	[tilespmem:$0x11400] =	vst v63  }
0x3a1: {  	s22 =	sadd.s32 $0x280, s0;
	s24 =	simm.s32 $0x10900  }
0x3a2: {  	[hbm4b:s22+s3] =	stream.linear.scatter [tilespmem:s24], [sflag:$0x1], $0x80, $0x38;
	[tilespmem:$0x11400] =	vst v63  }
0x3a3: {  	s22 =	sadd.s32 $0x300, s0;
	s24 =	simm.s32 $0x10A00  }
0x3a4: {  	[hbm4b:s22+s3] =	stream.linear.scatter [tilespmem:s24], [sflag:$0x1], $0x80, $0x38;
	[tilespmem:$0x11400] =	vst v63  }
0x3a5: {  	s22 =	sadd.s32 $0x380, s0;
	s24 =	simm.s32 $0x10B00  }
0x3a6: {  	[hbm4b:s22+s3] =	stream.linear.scatter [tilespmem:s24], [sflag:$0x1], $0x80, $0x38;
	[tilespmem:$0x11400] =	vst v63  }
0x3a7: {  	s22 =	sadd.s32 $0x400, s0;
	s24 =	simm.s32 $0x10C00  }
0x3a8: {  	[hbm4b:s22+s3] =	stream.linear.scatter [tilespmem:s24], [sflag:$0x1], $0x80, $0x38;
	[tilespmem:$0x11400] =	vst v63  }
0x3a9: {  	s22 =	sadd.s32 $0x480, s0;
	s24 =	simm.s32 $0x10D00  }
0x3aa: {  	[hbm4b:s22+s3] =	stream.linear.scatter [tilespmem:s24], [sflag:$0x1], $0x80, $0x38;
	[tilespmem:$0x11400] =	vst v63  }
0x3ab: {  	s22 =	sadd.s32 $0x500, s0;
	s24 =	simm.s32 $0x10E00  }
0x3ac: {  	[hbm4b:s22+s3] =	stream.linear.scatter [tilespmem:s24], [sflag:$0x1], $0x80, $0x38;
	[tilespmem:$0x11400] =	vst v63  }
0x3ad: {  	s22 =	sadd.s32 $0x580, s0;
	s24 =	simm.s32 $0x10F00  }
0x3ae: {  	[hbm4b:s22+s3] =	stream.linear.scatter [tilespmem:s24], [sflag:$0x1], $0x80, $0x38;
	[tilespmem:$0x11400] =	vst v63  }
0x3af: {  	s22 =	sadd.s32 $0x600, s0;
	s24 =	simm.s32 $0x11000  }
0x3b0: {  	[hbm4b:s22+s3] =	stream.linear.scatter [tilespmem:s24], [sflag:$0x1], $0x80, $0x38;
	[tilespmem:$0x11400] =	vst v63  }
0x3b1: {  	s22 =	sadd.s32 $0x680, s0;
	s24 =	simm.s32 $0x11100  }
0x3b2: {  	[hbm4b:s22+s3] =	stream.linear.scatter [tilespmem:s24], [sflag:$0x1], $0x80, $0x38;
	[tilespmem:$0x11400] =	vst v63  }
0x3b3: {  	s30 =	sor.u32 $0x800, s30;
	s5 =	sadd.s32 $0x700, s0;
	s22 =	simm.s32 $0x11200  }
0x3b4: {  	[hbm4b:s5+s3] =	stream.linear.scatter [tilespmem:s22], [sflag:$0x1], $0x80, $0x38;
	[tilespmem:$0x11400] =	vst v63  }
0x3b5: {  	s4 =	sshrl.u32 s30, $0x3;
	s0 =	sadd.s32 $0x780, s0;
	s24 =	simm.s32 $0x11300  }
0x3b6: {  	[hbm4b:s0+s3] =	stream.linear.scatter [tilespmem:s24], [sflag:$0x1], $0x80, $0x38;
	[tilespmem:$0x11400] =	vst v63  }
0x3b7: {  	s5 =	simm.s32 $0x480;
	s0 =	sadd.s32 s1, s4  }
0x3b8: {  	[tilespmem:s5], [sflag:$0x2] =	stream.linear.gather [hbm4b:s0+s3], $0x80, $0x38;
	[tilespmem:$0x11400] =	vst v63  }
0x3b9: {  	s24 =	simm.s32 $0x580;
	s22 =	sadd.s32 $0x10, s0  }
0x3ba: {  	[tilespmem:s24], [sflag:$0x2] =	stream.linear.gather [hbm4b:s22+s3], $0x80, $0x38;
	[tilespmem:$0x11400] =	vst v63  }
0x3bb: {  	s22 =	sadd.s32 $0x20, s0;
	s24 =	simm.s32 $0x680  }
0x3bc: {  	[tilespmem:s24], [sflag:$0x2] =	stream.linear.gather [hbm4b:s22+s3], $0x80, $0x38;
	[tilespmem:$0x11400] =	vst v63  }
0x3bd: {  	s22 =	sadd.s32 $0x30, s0;
	s24 =	simm.s32 $0x780  }
0x3be: {  	[tilespmem:s24], [sflag:$0x2] =	stream.linear.gather [hbm4b:s22+s3], $0x80, $0x38;
	[tilespmem:$0x11400] =	vst v63  }
0x3bf: {  	s22 =	sadd.s32 $0x40, s0;
	s24 =	simm.s32 $0x880  }
0x3c0: {  	[tilespmem:s24], [sflag:$0x2] =	stream.linear.gather [hbm4b:s22+s3], $0x80, $0x38;
	[tilespmem:$0x11400] =	vst v63  }
0x3c1: {  	s22 =	sadd.s32 $0x50, s0;
	s24 =	simm.s32 $0x980  }
0x3c2: {  	[tilespmem:s24], [sflag:$0x2] =	stream.linear.gather [hbm4b:s22+s3], $0x80, $0x38;
	[tilespmem:$0x11400] =	vst v63  }
0x3c3: {  	s22 =	sadd.s32 $0x60, s0;
	s24 =	simm.s32 $0xA80  }
0x3c4: {  	[tilespmem:s24], [sflag:$0x2] =	stream.linear.gather [hbm4b:s22+s3], $0x80, $0x38;
	[tilespmem:$0x11400] =	vst v63  }
0x3c5: {  	s22 =	sadd.s32 $0x70, s0;
	s24 =	simm.s32 $0xB80  }
0x3c6: {  	[tilespmem:s24], [sflag:$0x2] =	stream.linear.gather [hbm4b:s22+s3], $0x80, $0x38;
	[tilespmem:$0x11400] =	vst v63  }
0x3c7: {  	s22 =	sadd.s32 $0x80, s0;
	s24 =	simm.s32 $0xC80  }
0x3c8: {  	[tilespmem:s24], [sflag:$0x2] =	stream.linear.gather [hbm4b:s22+s3], $0x80, $0x38;
	[tilespmem:$0x11400] =	vst v63  }
0x3c9: {  	s22 =	sadd.s32 $0x90, s0;
	s24 =	simm.s32 $0xD80  }
0x3ca: {  	[tilespmem:s24], [sflag:$0x2] =	stream.linear.gather [hbm4b:s22+s3], $0x80, $0x38;
	[tilespmem:$0x11400] =	vst v63  }
0x3cb: {  	s22 =	sadd.s32 $0xA0, s0;
	s24 =	simm.s32 $0xE80  }
0x3cc: {  	[tilespmem:s24], [sflag:$0x2] =	stream.linear.gather [hbm4b:s22+s3], $0x80, $0x38;
	[tilespmem:$0x11400] =	vst v63  }
0x3cd: {  	s22 =	sadd.s32 $0xB0, s0;
	s24 =	simm.s32 $0xF80  }
0x3ce: {  	[tilespmem:s24], [sflag:$0x2] =	stream.linear.gather [hbm4b:s22+s3], $0x80, $0x38;
	[tilespmem:$0x11400] =	vst v63  }
0x3cf: {  	s22 =	sadd.s32 $0xC0, s0;
	s24 =	simm.s32 $0x1080  }
0x3d0: {  	[tilespmem:s24], [sflag:$0x2] =	stream.linear.gather [hbm4b:s22+s3], $0x80, $0x38;
	[tilespmem:$0x11400] =	vst v63  }
0x3d1: {  	s22 =	sadd.s32 $0xD0, s0;
	s24 =	simm.s32 $0x1180  }
0x3d2: {  	[tilespmem:s24], [sflag:$0x2] =	stream.linear.gather [hbm4b:s22+s3], $0x80, $0x38;
	[tilespmem:$0x11400] =	vst v63  }
0x3d3: {  	s5 =	sadd.s32 $0xE0, s0;
	s22 =	simm.s32 $0x1280  }
0x3d4: {  	[tilespmem:s22], [sflag:$0x2] =	stream.linear.gather [hbm4b:s5+s3], $0x80, $0x38;
	[tilespmem:$0x11400] =	vst v63  }
0x3d5: {  	s0 =	sadd.s32 $0xF0, s0;
	s24 =	simm.s32 $0x1380  }
0x3d6: {  	[tilespmem:s24], [sflag:$0x2] =	stream.linear.gather [hbm4b:s0+s3], $0x80, $0x38;
	[tilespmem:$0x11400] =	vst v63  }
0x3d7: {  	_ =	swait.ge [sflag:s23], $0x800  }
0x3d8: {  	[sflag:s23] =	ssyncset.done $0x0  }
0x3d9: {  	s0 =	simm.s32 @!p0 $0x1;
	[sflag:s23] =	ssyncadd.s32 $0xFFFFF800  }
0x3da: {  	_ =	swait.ge @!p0 [sflag:s0], $0x800  }
0x3db: {  	[sflag:s0] =	ssyncset.done @!p0 $0x0  }
0x3dc: {  	[sflag:s0] =	ssyncadd.s32 @!p0 $0xFFFFF800  }
0x3dd: {  	_ =	swait.ge @!p0 [sflag:s0], $0x800  }
0x3de: {  	[sflag:s0] =	ssyncset.done @!p0 $0x0  }
0x3df: {  	[sflag:s0] =	ssyncadd.s32 @!p0 $0xFFFFF800  }
0x3e0: {  	_ =	swait.ge @!p0 [sflag:s0], $0x800  }
0x3e1: {  	[sflag:s0] =	ssyncset.done @!p0 $0x0  }
0x3e2: {  	[sflag:s0] =	ssyncadd.s32 @!p0 $0xFFFFF800  }
0x3e3: {  	_ =	swait.ge @!p0 [sflag:s0], $0x800  }
0x3e4: {  	[sflag:s0] =	ssyncset.done @!p0 $0x0  }
0x3e5: {  	[sflag:s0] =	ssyncadd.s32 @!p0 $0xFFFFF800  }
0x3e6: {  	_ =	swait.ge @!p0 [sflag:s0], $0x800  }
0x3e7: {  	[sflag:s0] =	ssyncset.done @!p0 $0x0  }
0x3e8: {  	[sflag:s0] =	ssyncadd.s32 @!p0 $0xFFFFF800  }
0x3e9: {  	_ =	swait.ge @!p0 [sflag:s0], $0x800  }
0x3ea: {  	[sflag:s0] =	ssyncset.done @!p0 $0x0  }
0x3eb: {  	[sflag:s0] =	ssyncadd.s32 @!p0 $0xFFFFF800  }
0x3ec: {  	_ =	swait.ge @!p0 [sflag:s0], $0x800  }
0x3ed: {  	[sflag:s0] =	ssyncset.done @!p0 $0x0  }
0x3ee: {  	[sflag:s0] =	ssyncadd.s32 @!p0 $0xFFFFF800  }
0x3ef: {  	_ =	swait.ge @!p0 [sflag:s0], $0x800  }
0x3f0: {  	[sflag:s0] =	ssyncset.done @!p0 $0x0  }
0x3f1: {  	[sflag:s0] =	ssyncadd.s32 @!p0 $0xFFFFF800  }
0x3f2: {  	_ =	swait.ge @!p0 [sflag:s0], $0x800  }
0x3f3: {  	[sflag:s0] =	ssyncset.done @!p0 $0x0  }
0x3f4: {  	[sflag:s0] =	ssyncadd.s32 @!p0 $0xFFFFF800  }
0x3f5: {  	_ =	swait.ge @!p0 [sflag:s0], $0x800  }
0x3f6: {  	[sflag:s0] =	ssyncset.done @!p0 $0x0  }
0x3f7: {  	[sflag:s0] =	ssyncadd.s32 @!p0 $0xFFFFF800  }
0x3f8: {  	_ =	swait.ge @!p0 [sflag:s0], $0x800  }
0x3f9: {  	[sflag:s0] =	ssyncset.done @!p0 $0x0  }
0x3fa: {  	[sflag:s0] =	ssyncadd.s32 @!p0 $0xFFFFF800  }
0x3fb: {  	_ =	swait.ge @!p0 [sflag:s0], $0x800  }
0x3fc: {  	[sflag:s0] =	ssyncset.done @!p0 $0x0  }
0x3fd: {  	[sflag:s0] =	ssyncadd.s32 @!p0 $0xFFFFF800  }
0x3fe: {  	_ =	swait.ge @!p0 [sflag:s0], $0x800  }
0x3ff: {  	[sflag:s0] =	ssyncset.done @!p0 $0x0  }
0x400: {  	[sflag:s0] =	ssyncadd.s32 @!p0 $0xFFFFF800  }
0x401: {  	_ =	swait.ge @!p0 [sflag:s0], $0x800  }
0x402: {  	[sflag:s0] =	ssyncset.done @!p0 $0x0  }
0x403: {  	[sflag:s0] =	ssyncadd.s32 @!p0 $0xFFFFF800  }
0x404: {  	_ =	swait.ge @!p0 [sflag:s0], $0x800  }
0x405: {  	[sflag:s0] =	ssyncset.done @!p0 $0x0  }
0x406: {  	[sflag:s0] =	ssyncadd.s32 @!p0 $0xFFFFF800  }
0x407: {  	_ =	swait.ge @!p0 [sflag:s0], $0x800  }
0x408: {  	s31 =	simm.s32 $0xFFFFFFFC;
	s4 =	simm.s32 $0x7830;
	[sflag:s0] =	ssyncset.done @!p0 $0x0  }
0x409: {  	[sflag:s0] =	ssyncadd.s32 @!p0 $0xFFFFF800;
	s0 =	simm.s32 $0x0;
	p0 =	por $0x0, $0x0  }
.LBB2_5:
0x40a: {  	s5 =	simm.s32 $0x1  }
0x40b: {  	s5 =	simm.s32 @!p0 $0x0  }
0x40c: {  	s5 =	sshll.u32 s5, $0x6  }
0x40d: {  	s5 =	sadd.s32 s5, s0  }
0x40e: {  	s22 =	sor.u32 $0x80, s5  }
0x40f: {  	v0 =	vld [tilespmem:s22+$0x400];
	_ =	sdelay $0x7  }
0x410: {  	v1 =	vld.idx.msk [tilespmem:v0+s3+$0x0], $0xffff  }
0x411: {  	v2 =	vadd.s32 $0x40, v0;
	_ =	sdelay $0x3  }
0x412: {  	[tilespmem:s22+$0x1400] =	vst v1  }
0x413: {  	v1 =	vld.idx.msk [tilespmem:v2+s3+$0x0], $0xffff  }
0x414: {  	v9 =	vadd.s32 $0x80, v0  }
0x415: {  	s24 =	sadd.s32 $0xFFFF87D0, s4  }
0x416: {  	s22 =	sand.u32 $0x40, s24;
	s24 =	sand.u32 $0xF00, s0  }
0x417: {  	s22 =	sor.u32 s22, s24  }
0x418: {  	[tilespmem:s22+$0x2480] =	vst v1  }
0x419: {  	v1 =	vld.idx.msk [tilespmem:v9+s3+$0x0], $0xffff  }
0x41a: {  	v10 =	vadd.s32 $0xC0, v0;
	_ =	sdelay $0x3  }
0x41b: {  	[tilespmem:s22+$0x3480] =	vst v1  }
0x41c: {  	v1 =	vld.idx.msk [tilespmem:v10+s3+$0x0], $0xffff  }
0x41d: {  	v11 =	vadd.s32 $0x100, v0;
	_ =	sdelay $0x3  }
0x41e: {  	[tilespmem:s22+$0x4480] =	vst v1  }
0x41f: {  	v1 =	vld.idx.msk [tilespmem:v11+s3+$0x0], $0xffff  }
0x420: {  	v12 =	vadd.s32 $0x140, v0;
	_ =	sdelay $0x3  }
0x421: {  	[tilespmem:s22+$0x5480] =	vst v1  }
0x422: {  	v1 =	vld.idx.msk [tilespmem:v12+s3+$0x0], $0xffff  }
0x423: {  	v13 =	vadd.s32 $0x180, v0;
	_ =	sdelay $0x3  }
0x424: {  	[tilespmem:s22+$0x6480] =	vst v1  }
0x425: {  	v1 =	vld.idx.msk [tilespmem:v13+s3+$0x0], $0xffff  }
0x426: {  	v14 =	vadd.s32 $0x1C0, v0;
	_ =	sdelay $0x3  }
0x427: {  	[tilespmem:s22+$0x7480] =	vst v1  }
0x428: {  	v1 =	vld.idx.msk [tilespmem:v14+s3+$0x0], $0xffff  }
0x429: {  	v15 =	vadd.s32 $0x200, v0;
	_ =	sdelay $0x3  }
0x42a: {  	[tilespmem:s22+$0x8480] =	vst v1  }
0x42b: {  	v1 =	vld.idx.msk [tilespmem:v15+s3+$0x0], $0xffff  }
0x42c: {  	v16 =	vadd.s32 $0x240, v0;
	_ =	sdelay $0x3  }
0x42d: {  	[tilespmem:s22+$0x9480] =	vst v1  }
0x42e: {  	v1 =	vld.idx.msk [tilespmem:v16+s3+$0x0], $0xffff  }
0x42f: {  	v17 =	vadd.s32 $0x280, v0;
	_ =	sdelay $0x3  }
0x430: {  	[tilespmem:s22+$0xA480] =	vst v1  }
0x431: {  	v1 =	vld.idx.msk [tilespmem:v17+s3+$0x0], $0xffff  }
0x432: {  	v18 =	vadd.s32 $0x2C0, v0;
	_ =	sdelay $0x3  }
0x433: {  	[tilespmem:s22+$0xB480] =	vst v1  }
0x434: {  	v1 =	vld.idx.msk [tilespmem:v18+s3+$0x0], $0xffff  }
0x435: {  	v19 =	vadd.s32 $0x300, v0;
	_ =	sdelay $0x3  }
0x436: {  	[tilespmem:s22+$0xC480] =	vst v1  }
0x437: {  	v1 =	vld.idx.msk [tilespmem:v19+s3+$0x0], $0xffff  }
0x438: {  	v20 =	vadd.s32 $0x340, v0;
	_ =	sdelay $0x3  }
0x439: {  	[tilespmem:s22+$0xD480] =	vst v1  }
0x43a: {  	v1 =	vld.idx.msk [tilespmem:v20+s3+$0x0], $0xffff  }
0x43b: {  	v21 =	vadd.s32 $0x380, v0;
	_ =	sdelay $0x3  }
0x43c: {  	[tilespmem:s22+$0xE480] =	vst v1  }
0x43d: {  	v1 =	vld.idx.msk [tilespmem:v21+s3+$0x0], $0xffff  }
0x43e: {  	v0 =	vadd.s32 $0x3C0, v0;
	_ =	sdelay $0x3  }
0x43f: {  	[tilespmem:s22+$0xF480] =	vst v1  }
0x440: {  	v0 =	vld.idx.msk [tilespmem:v0+s3+$0x0], $0xffff;
	_ =	sdelay $0x4  }
0x441: {  	s24 =	sor.u32 $0x90, s5;
	[tilespmem:s22+$0x10480] =	vst v0  }
0x442: {  	v0 =	vld [tilespmem:s24+$0x400];
	_ =	sdelay $0x7  }
0x443: {  	v1 =	vld.idx.msk [tilespmem:v0+s3+$0x0], $0xffff  }
0x444: {  	v22 =	vadd.s32 $0x40, v0;
	_ =	sdelay $0x3  }
0x445: {  	[tilespmem:s24+$0x1400] =	vst v1  }
0x446: {  	v1 =	vld.idx.msk [tilespmem:v22+s3+$0x0], $0xffff  }
0x447: {  	v23 =	vadd.s32 $0x80, v0  }
0x448: {  	s22 =	sadd.s32 $0xFFFF8FE0, s4;
	s24 =	sadd.s32 $0x1020, s0  }
0x449: {  	s22 =	sand.u32 $0x50, s22;
	s24 =	sand.u32 $0x1F00, s24  }
0x44a: {  	s22 =	sor.u32 s22, s24  }
0x44b: {  	[tilespmem:s22+$0x1480] =	vst v1  }
0x44c: {  	v1 =	vld.idx.msk [tilespmem:v23+s3+$0x0], $0xffff  }
0x44d: {  	v24 =	vadd.s32 $0xC0, v0  }
0x44e: {  	s24 =	sadd.s32 $0x2020, s0;
	s22 =	sadd.s32 $0xFFFF97E0, s4  }
0x44f: {  	s24 =	sand.u32 $0x2F00, s24;
	s22 =	sand.u32 $0x50, s22  }
0x450: {  	s22 =	sor.u32 s22, s24  }
0x451: {  	[tilespmem:s22+$0x1480] =	vst v1  }
0x452: {  	v1 =	vld.idx.msk [tilespmem:v24+s3+$0x0], $0xffff  }
0x453: {  	v25 =	vadd.s32 $0x100, v0  }
0x454: {  	s24 =	sadd.s32 $0x3020, s0;
	s22 =	sadd.s32 $0xFFFF9FE0, s4  }
0x455: {  	s24 =	sand.u32 $0x3F00, s24;
	s22 =	sand.u32 $0x50, s22  }
0x456: {  	s22 =	sor.u32 s22, s24  }
0x457: {  	[tilespmem:s22+$0x1480] =	vst v1  }
0x458: {  	v1 =	vld.idx.msk [tilespmem:v25+s3+$0x0], $0xffff  }
0x459: {  	v26 =	vadd.s32 $0x140, v0  }
0x45a: {  	s24 =	sadd.s32 $0x4020, s0;
	s22 =	sadd.s32 $0xFFFFA7E0, s4  }
0x45b: {  	s24 =	sand.u32 $0x4F00, s24;
	s22 =	sand.u32 $0x50, s22  }
0x45c: {  	s22 =	sor.u32 s22, s24  }
0x45d: {  	[tilespmem:s22+$0x1480] =	vst v1  }
0x45e: {  	v1 =	vld.idx.msk [tilespmem:v26+s3+$0x0], $0xffff  }
0x45f: {  	v27 =	vadd.s32 $0x180, v0  }
0x460: {  	s24 =	sadd.s32 $0x5020, s0;
	s22 =	sadd.s32 $0xFFFFAFE0, s4  }
0x461: {  	s24 =	sand.u32 $0x5F00, s24;
	s22 =	sand.u32 $0x50, s22  }
0x462: {  	s22 =	sor.u32 s22, s24  }
0x463: {  	[tilespmem:s22+$0x1480] =	vst v1  }
0x464: {  	v1 =	vld.idx.msk [tilespmem:v27+s3+$0x0], $0xffff  }
0x465: {  	v28 =	vadd.s32 $0x1C0, v0  }
0x466: {  	s24 =	sadd.s32 $0x6020, s0;
	s22 =	sadd.s32 $0xFFFFB7E0, s4  }
0x467: {  	s24 =	sand.u32 $0x6F00, s24;
	s22 =	sand.u32 $0x50, s22  }
0x468: {  	s22 =	sor.u32 s22, s24  }
0x469: {  	[tilespmem:s22+$0x1480] =	vst v1  }
0x46a: {  	v1 =	vld.idx.msk [tilespmem:v28+s3+$0x0], $0xffff  }
0x46b: {  	v29 =	vadd.s32 $0x200, v0  }
0x46c: {  	s24 =	sadd.s32 $0x7020, s0;
	s22 =	sadd.s32 $0xFFFFBFE0, s4  }
0x46d: {  	s24 =	sand.u32 $0x7F00, s24;
	s22 =	sand.u32 $0x50, s22  }
0x46e: {  	s22 =	sor.u32 s22, s24  }
0x46f: {  	[tilespmem:s22+$0x1480] =	vst v1  }
0x470: {  	v1 =	vld.idx.msk [tilespmem:v29+s3+$0x0], $0xffff  }
0x471: {  	v30 =	vadd.s32 $0x240, v0  }
0x472: {  	s24 =	sadd.s32 $0x8020, s0;
	s22 =	sadd.s32 $0xFFFFC7E0, s4  }
0x473: {  	s24 =	sand.u32 $0x8F00, s24;
	s22 =	sand.u32 $0x50, s22  }
0x474: {  	s22 =	sor.u32 s22, s24  }
0x475: {  	[tilespmem:s22+$0x1480] =	vst v1  }
0x476: {  	v1 =	vld.idx.msk [tilespmem:v30+s3+$0x0], $0xffff  }
0x477: {  	v31 =	vadd.s32 $0x280, v0  }
0x478: {  	s24 =	sadd.s32 $0x9020, s0;
	s22 =	sadd.s32 $0xFFFFCFE0, s4  }
0x479: {  	s24 =	sand.u32 $0x9F00, s24;
	s22 =	sand.u32 $0x50, s22  }
0x47a: {  	s22 =	sor.u32 s22, s24  }
0x47b: {  	[tilespmem:s22+$0x1480] =	vst v1  }
0x47c: {  	v1 =	vld.idx.msk [tilespmem:v31+s3+$0x0], $0xffff  }
0x47d: {  	v32 =	vadd.s32 $0x2C0, v0  }
0x47e: {  	s24 =	sadd.s32 $0xA020, s0;
	s22 =	sadd.s32 $0xFFFFD7E0, s4  }
0x47f: {  	s24 =	sand.u32 $0xAF00, s24;
	s22 =	sand.u32 $0x50, s22  }
0x480: {  	s22 =	sor.u32 s22, s24  }
0x481: {  	[tilespmem:s22+$0x1480] =	vst v1  }
0x482: {  	v1 =	vld.idx.msk [tilespmem:v32+s3+$0x0], $0xffff  }
0x483: {  	v33 =	vadd.s32 $0x300, v0  }
0x484: {  	s24 =	sadd.s32 $0xB020, s0;
	s22 =	sadd.s32 $0xFFFFDFE0, s4  }
0x485: {  	s24 =	sand.u32 $0xBF00, s24;
	s22 =	sand.u32 $0x50, s22  }
0x486: {  	s22 =	sor.u32 s22, s24  }
0x487: {  	[tilespmem:s22+$0x1480] =	vst v1  }
0x488: {  	v1 =	vld.idx.msk [tilespmem:v33+s3+$0x0], $0xffff  }
0x489: {  	v34 =	vadd.s32 $0x340, v0  }
0x48a: {  	s24 =	sadd.s32 $0xC020, s0;
	s22 =	sadd.s32 $0xFFFFE7E0, s4  }
0x48b: {  	s24 =	sand.u32 $0xCF00, s24;
	s22 =	sand.u32 $0x50, s22  }
0x48c: {  	s22 =	sor.u32 s22, s24  }
0x48d: {  	[tilespmem:s22+$0x1480] =	vst v1  }
0x48e: {  	v1 =	vld.idx.msk [tilespmem:v34+s3+$0x0], $0xffff  }
0x48f: {  	v35 =	vadd.s32 $0x380, v0  }
0x490: {  	s24 =	sadd.s32 $0xD020, s0;
	s22 =	sadd.s32 $0xFFFFEFE0, s4  }
0x491: {  	s24 =	sand.u32 $0xDF00, s24;
	s22 =	sand.u32 $0x50, s22  }
0x492: {  	s22 =	sor.u32 s22, s24  }
0x493: {  	[tilespmem:s22+$0x1480] =	vst v1  }
0x494: {  	v1 =	vld.idx.msk [tilespmem:v35+s3+$0x0], $0xffff  }
0x495: {  	v0 =	vadd.s32 $0x3C0, v0  }
0x496: {  	s24 =	sadd.s32 $0xE020, s0;
	s22 =	sadd.s32 $0xFFFFF7E0, s4  }
0x497: {  	s24 =	sand.u32 $0xEF00, s24;
	s22 =	sand.u32 $0x50, s22  }
0x498: {  	s22 =	sor.u32 s22, s24  }
0x499: {  	[tilespmem:s22+$0x1480] =	vst v1  }
0x49a: {  	v0 =	vld.idx.msk [tilespmem:v0+s3+$0x0], $0xffff;
	_ =	sdelay $0x1  }
0x49b: {  	s24 =	sadd.s32 $0xF020, s0;
	s22 =	sadd.s32 $0xFFFFFFE0, s4  }
0x49c: {  	s24 =	sand.u32 $0xFF00, s24;
	s22 =	sand.u32 $0x50, s22  }
0x49d: {  	s22 =	sor.u32 s22, s24  }
0x49e: {  	s24 =	sor.u32 $0xA0, s5;
	[tilespmem:s22+$0x1480] =	vst v0  }
0x49f: {  	v0 =	vld [tilespmem:s24+$0x400];
	_ =	sdelay $0x7  }
0x4a0: {  	v1 =	vld.idx.msk [tilespmem:v0+s3+$0x0], $0xffff  }
0x4a1: {  	v36 =	vadd.s32 $0x40, v0;
	_ =	sdelay $0x3  }
0x4a2: {  	[tilespmem:s24+$0x1400] =	vst v1  }
0x4a3: {  	v1 =	vld.idx.msk [tilespmem:v36+s3+$0x0], $0xffff  }
0x4a4: {  	v37 =	vadd.s32 $0x80, v0  }
0x4a5: {  	s22 =	sadd.s32 $0xFFFF8FF0, s4;
	s24 =	sadd.s32 $0x1040, s0  }
0x4a6: {  	s22 =	sand.u32 $0x60, s22;
	s24 =	sand.u32 $0x1F00, s24  }
0x4a7: {  	s22 =	sor.u32 s22, s24  }
0x4a8: {  	[tilespmem:s22+$0x1480] =	vst v1  }
0x4a9: {  	v1 =	vld.idx.msk [tilespmem:v37+s3+$0x0], $0xffff  }
0x4aa: {  	v38 =	vadd.s32 $0xC0, v0  }
0x4ab: {  	s24 =	sadd.s32 $0x2040, s0;
	s22 =	sadd.s32 $0xFFFF97F0, s4  }
0x4ac: {  	s24 =	sand.u32 $0x2F00, s24;
	s22 =	sand.u32 $0x60, s22  }
0x4ad: {  	s22 =	sor.u32 s22, s24  }
0x4ae: {  	[tilespmem:s22+$0x1480] =	vst v1  }
0x4af: {  	v1 =	vld.idx.msk [tilespmem:v38+s3+$0x0], $0xffff  }
0x4b0: {  	v39 =	vadd.s32 $0x100, v0  }
0x4b1: {  	s24 =	sadd.s32 $0x3040, s0;
	s22 =	sadd.s32 $0xFFFF9FF0, s4  }
0x4b2: {  	s24 =	sand.u32 $0x3F00, s24;
	s22 =	sand.u32 $0x60, s22  }
0x4b3: {  	s22 =	sor.u32 s22, s24  }
0x4b4: {  	[tilespmem:s22+$0x1480] =	vst v1  }
0x4b5: {  	v1 =	vld.idx.msk [tilespmem:v39+s3+$0x0], $0xffff  }
0x4b6: {  	v40 =	vadd.s32 $0x140, v0  }
0x4b7: {  	s24 =	sadd.s32 $0x4040, s0;
	s22 =	sadd.s32 $0xFFFFA7F0, s4  }
0x4b8: {  	s24 =	sand.u32 $0x4F00, s24;
	s22 =	sand.u32 $0x60, s22  }
0x4b9: {  	s22 =	sor.u32 s22, s24  }
0x4ba: {  	[tilespmem:s22+$0x1480] =	vst v1  }
0x4bb: {  	v1 =	vld.idx.msk [tilespmem:v40+s3+$0x0], $0xffff  }
0x4bc: {  	v41 =	vadd.s32 $0x180, v0  }
0x4bd: {  	s24 =	sadd.s32 $0x5040, s0;
	s22 =	sadd.s32 $0xFFFFAFF0, s4  }
0x4be: {  	s24 =	sand.u32 $0x5F00, s24;
	s22 =	sand.u32 $0x60, s22  }
0x4bf: {  	s22 =	sor.u32 s22, s24  }
0x4c0: {  	[tilespmem:s22+$0x1480] =	vst v1  }
0x4c1: {  	v1 =	vld.idx.msk [tilespmem:v41+s3+$0x0], $0xffff  }
0x4c2: {  	v42 =	vadd.s32 $0x1C0, v0  }
0x4c3: {  	s24 =	sadd.s32 $0x6040, s0;
	s22 =	sadd.s32 $0xFFFFB7F0, s4  }
0x4c4: {  	s24 =	sand.u32 $0x6F00, s24;
	s22 =	sand.u32 $0x60, s22  }
0x4c5: {  	s22 =	sor.u32 s22, s24  }
0x4c6: {  	[tilespmem:s22+$0x1480] =	vst v1  }
0x4c7: {  	v1 =	vld.idx.msk [tilespmem:v42+s3+$0x0], $0xffff  }
0x4c8: {  	v43 =	vadd.s32 $0x200, v0  }
0x4c9: {  	s24 =	sadd.s32 $0x7040, s0;
	s22 =	sadd.s32 $0xFFFFBFF0, s4  }
0x4ca: {  	s24 =	sand.u32 $0x7F00, s24;
	s22 =	sand.u32 $0x60, s22  }
0x4cb: {  	s22 =	sor.u32 s22, s24  }
0x4cc: {  	[tilespmem:s22+$0x1480] =	vst v1  }
0x4cd: {  	v1 =	vld.idx.msk [tilespmem:v43+s3+$0x0], $0xffff  }
0x4ce: {  	v44 =	vadd.s32 $0x240, v0  }
0x4cf: {  	s24 =	sadd.s32 $0x8040, s0;
	s22 =	sadd.s32 $0xFFFFC7F0, s4  }
0x4d0: {  	s24 =	sand.u32 $0x8F00, s24;
	s22 =	sand.u32 $0x60, s22  }
0x4d1: {  	s22 =	sor.u32 s22, s24  }
0x4d2: {  	[tilespmem:s22+$0x1480] =	vst v1  }
0x4d3: {  	v1 =	vld.idx.msk [tilespmem:v44+s3+$0x0], $0xffff  }
0x4d4: {  	v45 =	vadd.s32 $0x280, v0  }
0x4d5: {  	s24 =	sadd.s32 $0x9040, s0;
	s22 =	sadd.s32 $0xFFFFCFF0, s4  }
0x4d6: {  	s24 =	sand.u32 $0x9F00, s24;
	s22 =	sand.u32 $0x60, s22  }
0x4d7: {  	s22 =	sor.u32 s22, s24  }
0x4d8: {  	[tilespmem:s22+$0x1480] =	vst v1  }
0x4d9: {  	v1 =	vld.idx.msk [tilespmem:v45+s3+$0x0], $0xffff  }
0x4da: {  	v46 =	vadd.s32 $0x2C0, v0  }
0x4db: {  	s24 =	sadd.s32 $0xA040, s0;
	s22 =	sadd.s32 $0xFFFFD7F0, s4  }
0x4dc: {  	s24 =	sand.u32 $0xAF00, s24;
	s22 =	sand.u32 $0x60, s22  }
0x4dd: {  	s22 =	sor.u32 s22, s24  }
0x4de: {  	[tilespmem:s22+$0x1480] =	vst v1  }
0x4df: {  	v1 =	vld.idx.msk [tilespmem:v46+s3+$0x0], $0xffff  }
0x4e0: {  	v47 =	vadd.s32 $0x300, v0  }
0x4e1: {  	s24 =	sadd.s32 $0xB040, s0;
	s22 =	sadd.s32 $0xFFFFDFF0, s4  }
0x4e2: {  	s24 =	sand.u32 $0xBF00, s24;
	s22 =	sand.u32 $0x60, s22  }
0x4e3: {  	s22 =	sor.u32 s22, s24  }
0x4e4: {  	[tilespmem:s22+$0x1480] =	vst v1  }
0x4e5: {  	v1 =	vld.idx.msk [tilespmem:v47+s3+$0x0], $0xffff  }
0x4e6: {  	v48 =	vadd.s32 $0x340, v0  }
0x4e7: {  	s24 =	sadd.s32 $0xC040, s0;
	s22 =	sadd.s32 $0xFFFFE7F0, s4  }
0x4e8: {  	s24 =	sand.u32 $0xCF00, s24;
	s22 =	sand.u32 $0x60, s22  }
0x4e9: {  	s22 =	sor.u32 s22, s24  }
0x4ea: {  	[tilespmem:s22+$0x1480] =	vst v1  }
0x4eb: {  	v1 =	vld.idx.msk [tilespmem:v48+s3+$0x0], $0xffff  }
0x4ec: {  	v49 =	vadd.s32 $0x380, v0  }
0x4ed: {  	s24 =	sadd.s32 $0xD040, s0;
	s22 =	sadd.s32 $0xFFFFEFF0, s4  }
0x4ee: {  	s24 =	sand.u32 $0xDF00, s24;
	s22 =	sand.u32 $0x60, s22  }
0x4ef: {  	s22 =	sor.u32 s22, s24  }
0x4f0: {  	[tilespmem:s22+$0x1480] =	vst v1  }
0x4f1: {  	v1 =	vld.idx.msk [tilespmem:v49+s3+$0x0], $0xffff  }
0x4f2: {  	v0 =	vadd.s32 $0x3C0, v0  }
0x4f3: {  	s24 =	sadd.s32 $0xE040, s0;
	s22 =	sadd.s32 $0xFFFFF7F0, s4  }
0x4f4: {  	s24 =	sand.u32 $0xEF00, s24;
	s22 =	sand.u32 $0x60, s22  }
0x4f5: {  	s22 =	sor.u32 s22, s24  }
0x4f6: {  	[tilespmem:s22+$0x1480] =	vst v1  }
0x4f7: {  	v0 =	vld.idx.msk [tilespmem:v0+s3+$0x0], $0xffff;
	_ =	sdelay $0x1  }
0x4f8: {  	s24 =	sadd.s32 $0xF040, s0;
	s22 =	sadd.s32 $0xFFFFFFF0, s4  }
0x4f9: {  	s24 =	sand.u32 $0xFF00, s24;
	s22 =	sand.u32 $0x60, s22  }
0x4fa: {  	s22 =	sor.u32 s22, s24  }
0x4fb: {  	s5 =	sor.u32 $0xB0, s5;
	[tilespmem:s22+$0x1480] =	vst v0  }
0x4fc: {  	v0 =	vld [tilespmem:s5+$0x400];
	_ =	sdelay $0x7  }
0x4fd: {  	v1 =	vld.idx.msk [tilespmem:v0+s3+$0x0], $0xffff  }
0x4fe: {  	v50 =	vadd.s32 $0x40, v0;
	_ =	sdelay $0x3  }
0x4ff: {  	[tilespmem:s5+$0x1400] =	vst v1  }
0x500: {  	v1 =	vld.idx.msk [tilespmem:v50+s3+$0x0], $0xffff  }
0x501: {  	v51 =	vadd.s32 $0x80, v0  }
0x502: {  	s24 =	sadd.s32 $0x1060, s0;
	s22 =	sadd.s32 $0xFFFF9000, s4  }
0x503: {  	s5 =	sand.u32 $0x70, s22;
	s22 =	sand.u32 $0x1F00, s24  }
0x504: {  	s5 =	sor.u32 s5, s22  }
0x505: {  	[tilespmem:s5+$0x1480] =	vst v1  }
0x506: {  	v1 =	vld.idx.msk [tilespmem:v51+s3+$0x0], $0xffff  }
0x507: {  	v52 =	vadd.s32 $0xC0, v0  }
0x508: {  	s24 =	sadd.s32 $0x2060, s0;
	s22 =	sadd.s32 $0xFFFF9800, s4  }
0x509: {  	s5 =	sand.u32 $0x70, s22;
	s22 =	sand.u32 $0x2F00, s24  }
0x50a: {  	s5 =	sor.u32 s5, s22  }
0x50b: {  	[tilespmem:s5+$0x1480] =	vst v1  }
0x50c: {  	v1 =	vld.idx.msk [tilespmem:v52+s3+$0x0], $0xffff  }
0x50d: {  	v53 =	vadd.s32 $0x100, v0  }
0x50e: {  	s24 =	sadd.s32 $0x3060, s0;
	s22 =	sadd.s32 $0xFFFFA000, s4  }
0x50f: {  	s5 =	sand.u32 $0x70, s22;
	s22 =	sand.u32 $0x3F00, s24  }
0x510: {  	s5 =	sor.u32 s5, s22  }
0x511: {  	[tilespmem:s5+$0x1480] =	vst v1  }
0x512: {  	v1 =	vld.idx.msk [tilespmem:v53+s3+$0x0], $0xffff  }
0x513: {  	v54 =	vadd.s32 $0x140, v0  }
0x514: {  	s24 =	sadd.s32 $0x4060, s0;
	s22 =	sadd.s32 $0xFFFFA800, s4  }
0x515: {  	s5 =	sand.u32 $0x70, s22;
	s22 =	sand.u32 $0x4F00, s24  }
0x516: {  	s5 =	sor.u32 s5, s22  }
0x517: {  	[tilespmem:s5+$0x1480] =	vst v1  }
0x518: {  	v1 =	vld.idx.msk [tilespmem:v54+s3+$0x0], $0xffff  }
0x519: {  	v55 =	vadd.s32 $0x180, v0  }
0x51a: {  	s24 =	sadd.s32 $0x5060, s0;
	s22 =	sadd.s32 $0xFFFFB000, s4  }
0x51b: {  	s5 =	sand.u32 $0x70, s22;
	s22 =	sand.u32 $0x5F00, s24  }
0x51c: {  	s5 =	sor.u32 s5, s22  }
0x51d: {  	[tilespmem:s5+$0x1480] =	vst v1  }
0x51e: {  	v1 =	vld.idx.msk [tilespmem:v55+s3+$0x0], $0xffff  }
0x51f: {  	v56 =	vadd.s32 $0x1C0, v0  }
0x520: {  	s24 =	sadd.s32 $0x6060, s0;
	s22 =	sadd.s32 $0xFFFFB800, s4  }
0x521: {  	s5 =	sand.u32 $0x70, s22;
	s22 =	sand.u32 $0x6F00, s24  }
0x522: {  	s5 =	sor.u32 s5, s22  }
0x523: {  	[tilespmem:s5+$0x1480] =	vst v1  }
0x524: {  	v1 =	vld.idx.msk [tilespmem:v56+s3+$0x0], $0xffff  }
0x525: {  	v57 =	vadd.s32 $0x200, v0  }
0x526: {  	s24 =	sadd.s32 $0x7060, s0;
	s22 =	sadd.s32 $0xFFFFC000, s4  }
0x527: {  	s5 =	sand.u32 $0x70, s22;
	s22 =	sand.u32 $0x7F00, s24  }
0x528: {  	s5 =	sor.u32 s5, s22  }
0x529: {  	[tilespmem:s5+$0x1480] =	vst v1  }
0x52a: {  	v1 =	vld.idx.msk [tilespmem:v57+s3+$0x0], $0xffff  }
0x52b: {  	v58 =	vadd.s32 $0x240, v0  }
0x52c: {  	s24 =	sadd.s32 $0x8060, s0;
	s22 =	sadd.s32 $0xFFFFC800, s4  }
0x52d: {  	s5 =	sand.u32 $0x70, s22;
	s22 =	sand.u32 $0x8F00, s24  }
0x52e: {  	s5 =	sor.u32 s5, s22  }
0x52f: {  	[tilespmem:s5+$0x1480] =	vst v1  }
0x530: {  	v1 =	vld.idx.msk [tilespmem:v58+s3+$0x0], $0xffff  }
0x531: {  	v59 =	vadd.s32 $0x280, v0  }
0x532: {  	s24 =	sadd.s32 $0x9060, s0;
	s22 =	sadd.s32 $0xFFFFD000, s4  }
0x533: {  	s5 =	sand.u32 $0x70, s22;
	s22 =	sand.u32 $0x9F00, s24  }
0x534: {  	s5 =	sor.u32 s5, s22  }
0x535: {  	[tilespmem:s5+$0x1480] =	vst v1  }
0x536: {  	v1 =	vld.idx.msk [tilespmem:v59+s3+$0x0], $0xffff  }
0x537: {  	v60 =	vadd.s32 $0x2C0, v0  }
0x538: {  	s24 =	sadd.s32 $0xA060, s0;
	s22 =	sadd.s32 $0xFFFFD800, s4  }
0x539: {  	s5 =	sand.u32 $0x70, s22;
	s22 =	sand.u32 $0xAF00, s24  }
0x53a: {  	s5 =	sor.u32 s5, s22  }
0x53b: {  	[tilespmem:s5+$0x1480] =	vst v1  }
0x53c: {  	v1 =	vld.idx.msk [tilespmem:v60+s3+$0x0], $0xffff  }
0x53d: {  	v61 =	vadd.s32 $0x300, v0  }
0x53e: {  	s24 =	sadd.s32 $0xB060, s0;
	s22 =	sadd.s32 $0xFFFFE000, s4  }
0x53f: {  	s5 =	sand.u32 $0x70, s22;
	s22 =	sand.u32 $0xBF00, s24  }
0x540: {  	s5 =	sor.u32 s5, s22  }
0x541: {  	[tilespmem:s5+$0x1480] =	vst v1  }
0x542: {  	v1 =	vld.idx.msk [tilespmem:v61+s3+$0x0], $0xffff  }
0x543: {  	v62 =	vadd.s32 $0x340, v0  }
0x544: {  	s24 =	sadd.s32 $0xC060, s0;
	s22 =	sadd.s32 $0xFFFFE800, s4  }
0x545: {  	s5 =	sand.u32 $0x70, s22;
	s22 =	sand.u32 $0xCF00, s24  }
0x546: {  	s5 =	sor.u32 s5, s22  }
0x547: {  	[tilespmem:s5+$0x1480] =	vst v1  }
0x548: {  	v1 =	vld.idx.msk [tilespmem:v62+s3+$0x0], $0xffff  }
0x549: {  	v63 =	vadd.s32 $0x380, v0  }
0x54a: {  	s24 =	sadd.s32 $0xD060, s0;
	s22 =	sadd.s32 $0xFFFFF000, s4  }
0x54b: {  	s5 =	sand.u32 $0x70, s22;
	s22 =	sand.u32 $0xDF00, s24  }
0x54c: {  	s5 =	sor.u32 s5, s22  }
0x54d: {  	[tilespmem:s5+$0x1480] =	vst v1  }
0x54e: {  	v1 =	vld.idx.msk [tilespmem:v63+s3+$0x0], $0xffff  }
0x54f: {  	v0 =	vadd.s32 $0x3C0, v0  }
0x550: {  	s24 =	sadd.s32 $0xE060, s0;
	s22 =	sadd.s32 $0xFFFFF800, s4  }
0x551: {  	s5 =	sand.u32 $0x70, s22;
	s22 =	sand.u32 $0xEF00, s24  }
0x552: {  	s5 =	sor.u32 s5, s22  }
0x553: {  	s31 =	sadd.s32 $0x4, s31;
	[tilespmem:s5+$0x1480] =	vst v1  }
0x554: {  	p1 =	slt.u32 s31, $0x7C;
	v0 =	vld.idx.msk [tilespmem:v0+s3+$0x0], $0xffff  }
.Ltmp1:
0x555: {  	_ = 	snop;
	(pc) =	sbr.rel @p1 .LBB2_5-.Ltmp1, $4  }
0x556: {  	s22 =	sadd.s32 $0xF060, s0  }
0x557: {  	s24 =	sand.u32 $0x70, s4;
	s5 =	sand.u32 $0xFF00, s22  }
0x558: {  	s5 =	sor.u32 s24, s5  }
0x559: {  	p0 =	por !p0, !p0;
	s4 =	sadd.s32 $0x40, s4;
	s0 =	sadd.s32 $0x80, s0;
	[tilespmem:s5+$0x1480] =	vst v0  }
0x55a: {  	s0 =	sadd.s32 s2, s30;
	s4 =	simm.s32 $0x1480  }
0x55b: {  	[hbm4b:s0+s3] =	stream.linear.scatter [tilespmem:s4], [sflag:$0x1], $0x80, $0x38;
	[tilespmem:$0x11400] =	vst v63  }
0x55c: {  	s5 =	simm.s32 $0x1580;
	s22 =	sadd.s32 $0x80, s0  }
0x55d: {  	[hbm4b:s22+s3] =	stream.linear.scatter [tilespmem:s5], [sflag:$0x1], $0x80, $0x38;
	[tilespmem:$0x11400] =	vst v63  }
0x55e: {  	s31 =	simm.s32 $0x1680;
	s24 =	sadd.s32 $0x100, s0  }
0x55f: {  	[hbm4b:s24+s3] =	stream.linear.scatter [tilespmem:s31], [sflag:$0x1], $0x80, $0x38;
	[tilespmem:$0x11400] =	vst v63  }
0x560: {  	s5 =	sadd.s32 $0x180, s0;
	s22 =	simm.s32 $0x1780  }
0x561: {  	[hbm4b:s5+s3] =	stream.linear.scatter [tilespmem:s22], [sflag:$0x1], $0x80, $0x38;
	[tilespmem:$0x11400] =	vst v63  }
0x562: {  	s24 =	sadd.s32 $0x200, s0;
	s31 =	simm.s32 $0x1880  }
0x563: {  	[hbm4b:s24+s3] =	stream.linear.scatter [tilespmem:s31], [sflag:$0x1], $0x80, $0x38;
	[tilespmem:$0x11400] =	vst v63  }
0x564: {  	s5 =	sadd.s32 $0x280, s0;
	s22 =	simm.s32 $0x1980  }
0x565: {  	[hbm4b:s5+s3] =	stream.linear.scatter [tilespmem:s22], [sflag:$0x1], $0x80, $0x38;
	[tilespmem:$0x11400] =	vst v63  }
0x566: {  	s24 =	sadd.s32 $0x300, s0;
	s31 =	simm.s32 $0x1A80  }
0x567: {  	[hbm4b:s24+s3] =	stream.linear.scatter [tilespmem:s31], [sflag:$0x1], $0x80, $0x38;
	[tilespmem:$0x11400] =	vst v63  }
0x568: {  	s5 =	sadd.s32 $0x380, s0;
	s22 =	simm.s32 $0x1B80  }
0x569: {  	[hbm4b:s5+s3] =	stream.linear.scatter [tilespmem:s22], [sflag:$0x1], $0x80, $0x38;
	[tilespmem:$0x11400] =	vst v63  }
0x56a: {  	s24 =	sadd.s32 $0x400, s0;
	s31 =	simm.s32 $0x1C80  }
0x56b: {  	[hbm4b:s24+s3] =	stream.linear.scatter [tilespmem:s31], [sflag:$0x1], $0x80, $0x38;
	[tilespmem:$0x11400] =	vst v63  }
0x56c: {  	s5 =	sadd.s32 $0x480, s0;
	s22 =	simm.s32 $0x1D80  }
0x56d: {  	[hbm4b:s5+s3] =	stream.linear.scatter [tilespmem:s22], [sflag:$0x1], $0x80, $0x38;
	[tilespmem:$0x11400] =	vst v63  }
0x56e: {  	s24 =	sadd.s32 $0x500, s0;
	s31 =	simm.s32 $0x1E80  }
0x56f: {  	[hbm4b:s24+s3] =	stream.linear.scatter [tilespmem:s31], [sflag:$0x1], $0x80, $0x38;
	[tilespmem:$0x11400] =	vst v63  }
0x570: {  	s5 =	sadd.s32 $0x580, s0;
	s22 =	simm.s32 $0x1F80  }
0x571: {  	[hbm4b:s5+s3] =	stream.linear.scatter [tilespmem:s22], [sflag:$0x1], $0x80, $0x38;
	[tilespmem:$0x11400] =	vst v63  }
0x572: {  	s24 =	sadd.s32 $0x600, s0;
	s31 =	simm.s32 $0x2080  }
0x573: {  	[hbm4b:s24+s3] =	stream.linear.scatter [tilespmem:s31], [sflag:$0x1], $0x80, $0x38;
	[tilespmem:$0x11400] =	vst v63  }
0x574: {  	s5 =	sadd.s32 $0x680, s0;
	s22 =	simm.s32 $0x2180  }
0x575: {  	[hbm4b:s5+s3] =	stream.linear.scatter [tilespmem:s22], [sflag:$0x1], $0x80, $0x38;
	[tilespmem:$0x11400] =	vst v63  }
0x576: {  	s24 =	sadd.s32 $0x700, s0;
	s31 =	simm.s32 $0x2280  }
0x577: {  	[hbm4b:s24+s3] =	stream.linear.scatter [tilespmem:s31], [sflag:$0x1], $0x80, $0x38;
	[tilespmem:$0x11400] =	vst v63  }
0x578: {  	s0 =	sadd.s32 $0x780, s0;
	s5 =	simm.s32 $0x2380  }
0x579: {  	[hbm4b:s0+s3] =	stream.linear.scatter [tilespmem:s5], [sflag:$0x1], $0x80, $0x38;
	[tilespmem:$0x11400] =	vst v63  }
0x57a: {  	s22 =	simm.s32 $0x2480;
	s0 =	sadd.s32 s30, s7  }
0x57b: {  	[hbm4b:s0+s3] =	stream.linear.scatter [tilespmem:s22], [sflag:$0x1], $0x80, $0x38;
	[tilespmem:$0x11400] =	vst v63  }
0x57c: {  	s31 =	simm.s32 $0x2580;
	s24 =	sadd.s32 $0x80, s0  }
0x57d: {  	[hbm4b:s24+s3] =	stream.linear.scatter [tilespmem:s31], [sflag:$0x1], $0x80, $0x38;
	[tilespmem:$0x11400] =	vst v63  }
0x57e: {  	s5 =	sadd.s32 $0x100, s0;
	s22 =	simm.s32 $0x2680  }
0x57f: {  	[hbm4b:s5+s3] =	stream.linear.scatter [tilespmem:s22], [sflag:$0x1], $0x80, $0x38;
	[tilespmem:$0x11400] =	vst v63  }
0x580: {  	s24 =	sadd.s32 $0x180, s0;
	s31 =	simm.s32 $0x2780  }
0x581: {  	[hbm4b:s24+s3] =	stream.linear.scatter [tilespmem:s31], [sflag:$0x1], $0x80, $0x38;
	[tilespmem:$0x11400] =	vst v63  }
0x582: {  	s5 =	sadd.s32 $0x200, s0;
	s22 =	simm.s32 $0x2880  }
0x583: {  	[hbm4b:s5+s3] =	stream.linear.scatter [tilespmem:s22], [sflag:$0x1], $0x80, $0x38;
	[tilespmem:$0x11400] =	vst v63  }
0x584: {  	s24 =	sadd.s32 $0x280, s0;
	s31 =	simm.s32 $0x2980  }
0x585: {  	[hbm4b:s24+s3] =	stream.linear.scatter [tilespmem:s31], [sflag:$0x1], $0x80, $0x38;
	[tilespmem:$0x11400] =	vst v63  }
0x586: {  	s5 =	sadd.s32 $0x300, s0;
	s22 =	simm.s32 $0x2A80  }
0x587: {  	[hbm4b:s5+s3] =	stream.linear.scatter [tilespmem:s22], [sflag:$0x1], $0x80, $0x38;
	[tilespmem:$0x11400] =	vst v63  }
0x588: {  	s24 =	sadd.s32 $0x380, s0;
	s31 =	simm.s32 $0x2B80  }
0x589: {  	[hbm4b:s24+s3] =	stream.linear.scatter [tilespmem:s31], [sflag:$0x1], $0x80, $0x38;
	[tilespmem:$0x11400] =	vst v63  }
0x58a: {  	s5 =	sadd.s32 $0x400, s0;
	s22 =	simm.s32 $0x2C80  }
0x58b: {  	[hbm4b:s5+s3] =	stream.linear.scatter [tilespmem:s22], [sflag:$0x1], $0x80, $0x38;
	[tilespmem:$0x11400] =	vst v63  }
0x58c: {  	s24 =	sadd.s32 $0x480, s0;
	s31 =	simm.s32 $0x2D80  }
0x58d: {  	[hbm4b:s24+s3] =	stream.linear.scatter [tilespmem:s31], [sflag:$0x1], $0x80, $0x38;
	[tilespmem:$0x11400] =	vst v63  }
0x58e: {  	s5 =	sadd.s32 $0x500, s0;
	s22 =	simm.s32 $0x2E80  }
0x58f: {  	[hbm4b:s5+s3] =	stream.linear.scatter [tilespmem:s22], [sflag:$0x1], $0x80, $0x38;
	[tilespmem:$0x11400] =	vst v63  }
0x590: {  	s24 =	sadd.s32 $0x580, s0;
	s31 =	simm.s32 $0x2F80  }
0x591: {  	[hbm4b:s24+s3] =	stream.linear.scatter [tilespmem:s31], [sflag:$0x1], $0x80, $0x38;
	[tilespmem:$0x11400] =	vst v63  }
0x592: {  	s5 =	sadd.s32 $0x600, s0;
	s22 =	simm.s32 $0x3080  }
0x593: {  	[hbm4b:s5+s3] =	stream.linear.scatter [tilespmem:s22], [sflag:$0x1], $0x80, $0x38;
	[tilespmem:$0x11400] =	vst v63  }
0x594: {  	s24 =	sadd.s32 $0x680, s0;
	s31 =	simm.s32 $0x3180  }
0x595: {  	[hbm4b:s24+s3] =	stream.linear.scatter [tilespmem:s31], [sflag:$0x1], $0x80, $0x38;
	[tilespmem:$0x11400] =	vst v63  }
0x596: {  	s5 =	sadd.s32 $0x700, s0;
	s22 =	simm.s32 $0x3280  }
0x597: {  	[hbm4b:s5+s3] =	stream.linear.scatter [tilespmem:s22], [sflag:$0x1], $0x80, $0x38;
	[tilespmem:$0x11400] =	vst v63  }
0x598: {  	s0 =	sadd.s32 $0x780, s0;
	s24 =	simm.s32 $0x3380  }
0x599: {  	[hbm4b:s0+s3] =	stream.linear.scatter [tilespmem:s24], [sflag:$0x1], $0x80, $0x38;
	[tilespmem:$0x11400] =	vst v63  }
0x59a: {  	s31 =	simm.s32 $0x3480;
	s0 =	sadd.s32 s30, s8  }
0x59b: {  	[hbm4b:s0+s3] =	stream.linear.scatter [tilespmem:s31], [sflag:$0x1], $0x80, $0x38;
	[tilespmem:$0x11400] =	vst v63  }
0x59c: {  	s22 =	simm.s32 $0x3580;
	s5 =	sadd.s32 $0x80, s0  }
0x59d: {  	[hbm4b:s5+s3] =	stream.linear.scatter [tilespmem:s22], [sflag:$0x1], $0x80, $0x38;
	[tilespmem:$0x11400] =	vst v63  }
0x59e: {  	s24 =	sadd.s32 $0x100, s0;
	s31 =	simm.s32 $0x3680  }
0x59f: {  	[hbm4b:s24+s3] =	stream.linear.scatter [tilespmem:s31], [sflag:$0x1], $0x80, $0x38;
	[tilespmem:$0x11400] =	vst v63  }
0x5a0: {  	s5 =	sadd.s32 $0x180, s0;
	s22 =	simm.s32 $0x3780  }
0x5a1: {  	[hbm4b:s5+s3] =	stream.linear.scatter [tilespmem:s22], [sflag:$0x1], $0x80, $0x38;
	[tilespmem:$0x11400] =	vst v63  }
0x5a2: {  	s24 =	sadd.s32 $0x200, s0;
	s31 =	simm.s32 $0x3880  }
0x5a3: {  	[hbm4b:s24+s3] =	stream.linear.scatter [tilespmem:s31], [sflag:$0x1], $0x80, $0x38;
	[tilespmem:$0x11400] =	vst v63  }
0x5a4: {  	s5 =	sadd.s32 $0x280, s0;
	s22 =	simm.s32 $0x3980  }
0x5a5: {  	[hbm4b:s5+s3] =	stream.linear.scatter [tilespmem:s22], [sflag:$0x1], $0x80, $0x38;
	[tilespmem:$0x11400] =	vst v63  }
0x5a6: {  	s24 =	sadd.s32 $0x300, s0;
	s31 =	simm.s32 $0x3A80  }
0x5a7: {  	[hbm4b:s24+s3] =	stream.linear.scatter [tilespmem:s31], [sflag:$0x1], $0x80, $0x38;
	[tilespmem:$0x11400] =	vst v63  }
0x5a8: {  	s5 =	sadd.s32 $0x380, s0;
	s22 =	simm.s32 $0x3B80  }
0x5a9: {  	[hbm4b:s5+s3] =	stream.linear.scatter [tilespmem:s22], [sflag:$0x1], $0x80, $0x38;
	[tilespmem:$0x11400] =	vst v63  }
0x5aa: {  	s24 =	sadd.s32 $0x400, s0;
	s31 =	simm.s32 $0x3C80  }
0x5ab: {  	[hbm4b:s24+s3] =	stream.linear.scatter [tilespmem:s31], [sflag:$0x1], $0x80, $0x38;
	[tilespmem:$0x11400] =	vst v63  }
0x5ac: {  	s5 =	sadd.s32 $0x480, s0;
	s22 =	simm.s32 $0x3D80  }
0x5ad: {  	[hbm4b:s5+s3] =	stream.linear.scatter [tilespmem:s22], [sflag:$0x1], $0x80, $0x38;
	[tilespmem:$0x11400] =	vst v63  }
0x5ae: {  	s24 =	sadd.s32 $0x500, s0;
	s31 =	simm.s32 $0x3E80  }
0x5af: {  	[hbm4b:s24+s3] =	stream.linear.scatter [tilespmem:s31], [sflag:$0x1], $0x80, $0x38;
	[tilespmem:$0x11400] =	vst v63  }
0x5b0: {  	s5 =	sadd.s32 $0x580, s0;
	s22 =	simm.s32 $0x3F80  }
0x5b1: {  	[hbm4b:s5+s3] =	stream.linear.scatter [tilespmem:s22], [sflag:$0x1], $0x80, $0x38;
	[tilespmem:$0x11400] =	vst v63  }
0x5b2: {  	s24 =	sadd.s32 $0x600, s0;
	s31 =	simm.s32 $0x4080  }
0x5b3: {  	[hbm4b:s24+s3] =	stream.linear.scatter [tilespmem:s31], [sflag:$0x1], $0x80, $0x38;
	[tilespmem:$0x11400] =	vst v63  }
0x5b4: {  	s5 =	sadd.s32 $0x680, s0;
	s22 =	simm.s32 $0x4180  }
0x5b5: {  	[hbm4b:s5+s3] =	stream.linear.scatter [tilespmem:s22], [sflag:$0x1], $0x80, $0x38;
	[tilespmem:$0x11400] =	vst v63  }
0x5b6: {  	s24 =	sadd.s32 $0x700, s0;
	s31 =	simm.s32 $0x4280  }
0x5b7: {  	[hbm4b:s24+s3] =	stream.linear.scatter [tilespmem:s31], [sflag:$0x1], $0x80, $0x38;
	[tilespmem:$0x11400] =	vst v63  }
0x5b8: {  	s0 =	sadd.s32 $0x780, s0;
	s5 =	simm.s32 $0x4380  }
0x5b9: {  	[hbm4b:s0+s3] =	stream.linear.scatter [tilespmem:s5], [sflag:$0x1], $0x80, $0x38;
	[tilespmem:$0x11400] =	vst v63  }
0x5ba: {  	s22 =	simm.s32 $0x4480;
	s0 =	sadd.s32 s30, s12  }
0x5bb: {  	[hbm4b:s0+s3] =	stream.linear.scatter [tilespmem:s22], [sflag:$0x1], $0x80, $0x38;
	[tilespmem:$0x11400] =	vst v63  }
0x5bc: {  	s31 =	simm.s32 $0x4580;
	s24 =	sadd.s32 $0x80, s0  }
0x5bd: {  	[hbm4b:s24+s3] =	stream.linear.scatter [tilespmem:s31], [sflag:$0x1], $0x80, $0x38;
	[tilespmem:$0x11400] =	vst v63  }
0x5be: {  	s5 =	sadd.s32 $0x100, s0;
	s22 =	simm.s32 $0x4680  }
0x5bf: {  	[hbm4b:s5+s3] =	stream.linear.scatter [tilespmem:s22], [sflag:$0x1], $0x80, $0x38;
	[tilespmem:$0x11400] =	vst v63  }
0x5c0: {  	s24 =	sadd.s32 $0x180, s0;
	s31 =	simm.s32 $0x4780  }
0x5c1: {  	[hbm4b:s24+s3] =	stream.linear.scatter [tilespmem:s31], [sflag:$0x1], $0x80, $0x38;
	[tilespmem:$0x11400] =	vst v63  }
0x5c2: {  	s5 =	sadd.s32 $0x200, s0;
	s22 =	simm.s32 $0x4880  }
0x5c3: {  	[hbm4b:s5+s3] =	stream.linear.scatter [tilespmem:s22], [sflag:$0x1], $0x80, $0x38;
	[tilespmem:$0x11400] =	vst v63  }
0x5c4: {  	s24 =	sadd.s32 $0x280, s0;
	s31 =	simm.s32 $0x4980  }
0x5c5: {  	[hbm4b:s24+s3] =	stream.linear.scatter [tilespmem:s31], [sflag:$0x1], $0x80, $0x38;
	[tilespmem:$0x11400] =	vst v63  }
0x5c6: {  	s5 =	sadd.s32 $0x300, s0;
	s22 =	simm.s32 $0x4A80  }
0x5c7: {  	[hbm4b:s5+s3] =	stream.linear.scatter [tilespmem:s22], [sflag:$0x1], $0x80, $0x38;
	[tilespmem:$0x11400] =	vst v63  }
0x5c8: {  	s24 =	sadd.s32 $0x380, s0;
	s31 =	simm.s32 $0x4B80  }
0x5c9: {  	[hbm4b:s24+s3] =	stream.linear.scatter [tilespmem:s31], [sflag:$0x1], $0x80, $0x38;
	[tilespmem:$0x11400] =	vst v63  }
0x5ca: {  	s5 =	sadd.s32 $0x400, s0;
	s22 =	simm.s32 $0x4C80  }
0x5cb: {  	[hbm4b:s5+s3] =	stream.linear.scatter [tilespmem:s22], [sflag:$0x1], $0x80, $0x38;
	[tilespmem:$0x11400] =	vst v63  }
0x5cc: {  	s24 =	sadd.s32 $0x480, s0;
	s31 =	simm.s32 $0x4D80  }
0x5cd: {  	[hbm4b:s24+s3] =	stream.linear.scatter [tilespmem:s31], [sflag:$0x1], $0x80, $0x38;
	[tilespmem:$0x11400] =	vst v63  }
0x5ce: {  	s5 =	sadd.s32 $0x500, s0;
	s22 =	simm.s32 $0x4E80  }
0x5cf: {  	[hbm4b:s5+s3] =	stream.linear.scatter [tilespmem:s22], [sflag:$0x1], $0x80, $0x38;
	[tilespmem:$0x11400] =	vst v63  }
0x5d0: {  	s24 =	sadd.s32 $0x580, s0;
	s31 =	simm.s32 $0x4F80  }
0x5d1: {  	[hbm4b:s24+s3] =	stream.linear.scatter [tilespmem:s31], [sflag:$0x1], $0x80, $0x38;
	[tilespmem:$0x11400] =	vst v63  }
0x5d2: {  	s5 =	sadd.s32 $0x600, s0;
	s22 =	simm.s32 $0x5080  }
0x5d3: {  	[hbm4b:s5+s3] =	stream.linear.scatter [tilespmem:s22], [sflag:$0x1], $0x80, $0x38;
	[tilespmem:$0x11400] =	vst v63  }
0x5d4: {  	s24 =	sadd.s32 $0x680, s0;
	s31 =	simm.s32 $0x5180  }
0x5d5: {  	[hbm4b:s24+s3] =	stream.linear.scatter [tilespmem:s31], [sflag:$0x1], $0x80, $0x38;
	[tilespmem:$0x11400] =	vst v63  }
0x5d6: {  	s5 =	sadd.s32 $0x700, s0;
	s22 =	simm.s32 $0x5280  }
0x5d7: {  	[hbm4b:s5+s3] =	stream.linear.scatter [tilespmem:s22], [sflag:$0x1], $0x80, $0x38;
	[tilespmem:$0x11400] =	vst v63  }
0x5d8: {  	s0 =	sadd.s32 $0x780, s0;
	s24 =	simm.s32 $0x5380  }
0x5d9: {  	[hbm4b:s0+s3] =	stream.linear.scatter [tilespmem:s24], [sflag:$0x1], $0x80, $0x38;
	[tilespmem:$0x11400] =	vst v63  }
0x5da: {  	s31 =	simm.s32 $0x5480;
	s0 =	sadd.s32 s30, s15  }
0x5db: {  	[hbm4b:s0+s3] =	stream.linear.scatter [tilespmem:s31], [sflag:$0x1], $0x80, $0x38;
	[tilespmem:$0x11400] =	vst v63  }
0x5dc: {  	s22 =	simm.s32 $0x5580;
	s5 =	sadd.s32 $0x80, s0  }
0x5dd: {  	[hbm4b:s5+s3] =	stream.linear.scatter [tilespmem:s22], [sflag:$0x1], $0x80, $0x38;
	[tilespmem:$0x11400] =	vst v63  }
0x5de: {  	s24 =	sadd.s32 $0x100, s0;
	s31 =	simm.s32 $0x5680  }
0x5df: {  	[hbm4b:s24+s3] =	stream.linear.scatter [tilespmem:s31], [sflag:$0x1], $0x80, $0x38;
	[tilespmem:$0x11400] =	vst v63  }
0x5e0: {  	s5 =	sadd.s32 $0x180, s0;
	s22 =	simm.s32 $0x5780  }
0x5e1: {  	[hbm4b:s5+s3] =	stream.linear.scatter [tilespmem:s22], [sflag:$0x1], $0x80, $0x38;
	[tilespmem:$0x11400] =	vst v63  }
0x5e2: {  	s24 =	sadd.s32 $0x200, s0;
	s31 =	simm.s32 $0x5880  }
0x5e3: {  	[hbm4b:s24+s3] =	stream.linear.scatter [tilespmem:s31], [sflag:$0x1], $0x80, $0x38;
	[tilespmem:$0x11400] =	vst v63  }
0x5e4: {  	s5 =	sadd.s32 $0x280, s0;
	s22 =	simm.s32 $0x5980  }
0x5e5: {  	[hbm4b:s5+s3] =	stream.linear.scatter [tilespmem:s22], [sflag:$0x1], $0x80, $0x38;
	[tilespmem:$0x11400] =	vst v63  }
0x5e6: {  	s24 =	sadd.s32 $0x300, s0;
	s31 =	simm.s32 $0x5A80  }
0x5e7: {  	[hbm4b:s24+s3] =	stream.linear.scatter [tilespmem:s31], [sflag:$0x1], $0x80, $0x38;
	[tilespmem:$0x11400] =	vst v63  }
0x5e8: {  	s5 =	sadd.s32 $0x380, s0;
	s22 =	simm.s32 $0x5B80  }
0x5e9: {  	[hbm4b:s5+s3] =	stream.linear.scatter [tilespmem:s22], [sflag:$0x1], $0x80, $0x38;
	[tilespmem:$0x11400] =	vst v63  }
0x5ea: {  	s24 =	sadd.s32 $0x400, s0;
	s31 =	simm.s32 $0x5C80  }
0x5eb: {  	[hbm4b:s24+s3] =	stream.linear.scatter [tilespmem:s31], [sflag:$0x1], $0x80, $0x38;
	[tilespmem:$0x11400] =	vst v63  }
0x5ec: {  	s5 =	sadd.s32 $0x480, s0;
	s22 =	simm.s32 $0x5D80  }
0x5ed: {  	[hbm4b:s5+s3] =	stream.linear.scatter [tilespmem:s22], [sflag:$0x1], $0x80, $0x38;
	[tilespmem:$0x11400] =	vst v63  }
0x5ee: {  	s24 =	sadd.s32 $0x500, s0;
	s31 =	simm.s32 $0x5E80  }
0x5ef: {  	[hbm4b:s24+s3] =	stream.linear.scatter [tilespmem:s31], [sflag:$0x1], $0x80, $0x38;
	[tilespmem:$0x11400] =	vst v63  }
0x5f0: {  	s5 =	sadd.s32 $0x580, s0;
	s22 =	simm.s32 $0x5F80  }
0x5f1: {  	[hbm4b:s5+s3] =	stream.linear.scatter [tilespmem:s22], [sflag:$0x1], $0x80, $0x38;
	[tilespmem:$0x11400] =	vst v63  }
0x5f2: {  	s24 =	sadd.s32 $0x600, s0;
	s31 =	simm.s32 $0x6080  }
0x5f3: {  	[hbm4b:s24+s3] =	stream.linear.scatter [tilespmem:s31], [sflag:$0x1], $0x80, $0x38;
	[tilespmem:$0x11400] =	vst v63  }
0x5f4: {  	s5 =	sadd.s32 $0x680, s0;
	s22 =	simm.s32 $0x6180  }
0x5f5: {  	[hbm4b:s5+s3] =	stream.linear.scatter [tilespmem:s22], [sflag:$0x1], $0x80, $0x38;
	[tilespmem:$0x11400] =	vst v63  }
0x5f6: {  	s24 =	sadd.s32 $0x700, s0;
	s31 =	simm.s32 $0x6280  }
0x5f7: {  	[hbm4b:s24+s3] =	stream.linear.scatter [tilespmem:s31], [sflag:$0x1], $0x80, $0x38;
	[tilespmem:$0x11400] =	vst v63  }
0x5f8: {  	s0 =	sadd.s32 $0x780, s0;
	s5 =	simm.s32 $0x6380  }
0x5f9: {  	[hbm4b:s0+s3] =	stream.linear.scatter [tilespmem:s5], [sflag:$0x1], $0x80, $0x38;
	[tilespmem:$0x11400] =	vst v63  }
0x5fa: {  	s22 =	simm.s32 $0x6480;
	s0 =	sadd.s32 s30, s9  }
0x5fb: {  	[hbm4b:s0+s3] =	stream.linear.scatter [tilespmem:s22], [sflag:$0x1], $0x80, $0x38;
	[tilespmem:$0x11400] =	vst v63  }
0x5fc: {  	s31 =	simm.s32 $0x6580;
	s24 =	sadd.s32 $0x80, s0  }
0x5fd: {  	[hbm4b:s24+s3] =	stream.linear.scatter [tilespmem:s31], [sflag:$0x1], $0x80, $0x38;
	[tilespmem:$0x11400] =	vst v63  }
0x5fe: {  	s5 =	sadd.s32 $0x100, s0;
	s22 =	simm.s32 $0x6680  }
0x5ff: {  	[hbm4b:s5+s3] =	stream.linear.scatter [tilespmem:s22], [sflag:$0x1], $0x80, $0x38;
	[tilespmem:$0x11400] =	vst v63  }
0x600: {  	s24 =	sadd.s32 $0x180, s0;
	s31 =	simm.s32 $0x6780  }
0x601: {  	[hbm4b:s24+s3] =	stream.linear.scatter [tilespmem:s31], [sflag:$0x1], $0x80, $0x38;
	[tilespmem:$0x11400] =	vst v63  }
0x602: {  	s5 =	sadd.s32 $0x200, s0;
	s22 =	simm.s32 $0x6880  }
0x603: {  	[hbm4b:s5+s3] =	stream.linear.scatter [tilespmem:s22], [sflag:$0x1], $0x80, $0x38;
	[tilespmem:$0x11400] =	vst v63  }
0x604: {  	s24 =	sadd.s32 $0x280, s0;
	s31 =	simm.s32 $0x6980  }
0x605: {  	[hbm4b:s24+s3] =	stream.linear.scatter [tilespmem:s31], [sflag:$0x1], $0x80, $0x38;
	[tilespmem:$0x11400] =	vst v63  }
0x606: {  	s5 =	sadd.s32 $0x300, s0;
	s22 =	simm.s32 $0x6A80  }
0x607: {  	[hbm4b:s5+s3] =	stream.linear.scatter [tilespmem:s22], [sflag:$0x1], $0x80, $0x38;
	[tilespmem:$0x11400] =	vst v63  }
0x608: {  	s24 =	sadd.s32 $0x380, s0;
	s31 =	simm.s32 $0x6B80  }
0x609: {  	[hbm4b:s24+s3] =	stream.linear.scatter [tilespmem:s31], [sflag:$0x1], $0x80, $0x38;
	[tilespmem:$0x11400] =	vst v63  }
0x60a: {  	s5 =	sadd.s32 $0x400, s0;
	s22 =	simm.s32 $0x6C80  }
0x60b: {  	[hbm4b:s5+s3] =	stream.linear.scatter [tilespmem:s22], [sflag:$0x1], $0x80, $0x38;
	[tilespmem:$0x11400] =	vst v63  }
0x60c: {  	s24 =	sadd.s32 $0x480, s0;
	s31 =	simm.s32 $0x6D80  }
0x60d: {  	[hbm4b:s24+s3] =	stream.linear.scatter [tilespmem:s31], [sflag:$0x1], $0x80, $0x38;
	[tilespmem:$0x11400] =	vst v63  }
0x60e: {  	s5 =	sadd.s32 $0x500, s0;
	s22 =	simm.s32 $0x6E80  }
0x60f: {  	[hbm4b:s5+s3] =	stream.linear.scatter [tilespmem:s22], [sflag:$0x1], $0x80, $0x38;
	[tilespmem:$0x11400] =	vst v63  }
0x610: {  	s24 =	sadd.s32 $0x580, s0;
	s31 =	simm.s32 $0x6F80  }
0x611: {  	[hbm4b:s24+s3] =	stream.linear.scatter [tilespmem:s31], [sflag:$0x1], $0x80, $0x38;
	[tilespmem:$0x11400] =	vst v63  }
0x612: {  	s5 =	sadd.s32 $0x600, s0;
	s22 =	simm.s32 $0x7080  }
0x613: {  	[hbm4b:s5+s3] =	stream.linear.scatter [tilespmem:s22], [sflag:$0x1], $0x80, $0x38;
	[tilespmem:$0x11400] =	vst v63  }
0x614: {  	s24 =	sadd.s32 $0x680, s0;
	s31 =	simm.s32 $0x7180  }
0x615: {  	[hbm4b:s24+s3] =	stream.linear.scatter [tilespmem:s31], [sflag:$0x1], $0x80, $0x38;
	[tilespmem:$0x11400] =	vst v63  }
0x616: {  	s5 =	sadd.s32 $0x700, s0;
	s22 =	simm.s32 $0x7280  }
0x617: {  	[hbm4b:s5+s3] =	stream.linear.scatter [tilespmem:s22], [sflag:$0x1], $0x80, $0x38;
	[tilespmem:$0x11400] =	vst v63  }
0x618: {  	s0 =	sadd.s32 $0x780, s0;
	s24 =	simm.s32 $0x7380  }
0x619: {  	[hbm4b:s0+s3] =	stream.linear.scatter [tilespmem:s24], [sflag:$0x1], $0x80, $0x38;
	[tilespmem:$0x11400] =	vst v63  }
0x61a: {  	s31 =	simm.s32 $0x7480;
	s0 =	sadd.s32 s30, s18  }
0x61b: {  	[hbm4b:s0+s3] =	stream.linear.scatter [tilespmem:s31], [sflag:$0x1], $0x80, $0x38;
	[tilespmem:$0x11400] =	vst v63  }
0x61c: {  	s22 =	simm.s32 $0x7580;
	s5 =	sadd.s32 $0x80, s0  }
0x61d: {  	[hbm4b:s5+s3] =	stream.linear.scatter [tilespmem:s22], [sflag:$0x1], $0x80, $0x38;
	[tilespmem:$0x11400] =	vst v63  }
0x61e: {  	s24 =	sadd.s32 $0x100, s0;
	s31 =	simm.s32 $0x7680  }
0x61f: {  	[hbm4b:s24+s3] =	stream.linear.scatter [tilespmem:s31], [sflag:$0x1], $0x80, $0x38;
	[tilespmem:$0x11400] =	vst v63  }
0x620: {  	s5 =	sadd.s32 $0x180, s0;
	s22 =	simm.s32 $0x7780  }
0x621: {  	[hbm4b:s5+s3] =	stream.linear.scatter [tilespmem:s22], [sflag:$0x1], $0x80, $0x38;
	[tilespmem:$0x11400] =	vst v63  }
0x622: {  	s24 =	sadd.s32 $0x200, s0;
	s31 =	simm.s32 $0x7880  }
0x623: {  	[hbm4b:s24+s3] =	stream.linear.scatter [tilespmem:s31], [sflag:$0x1], $0x80, $0x38;
	[tilespmem:$0x11400] =	vst v63  }
0x624: {  	s5 =	sadd.s32 $0x280, s0;
	s22 =	simm.s32 $0x7980  }
0x625: {  	[hbm4b:s5+s3] =	stream.linear.scatter [tilespmem:s22], [sflag:$0x1], $0x80, $0x38;
	[tilespmem:$0x11400] =	vst v63  }
0x626: {  	s24 =	sadd.s32 $0x300, s0;
	s31 =	simm.s32 $0x7A80  }
0x627: {  	[hbm4b:s24+s3] =	stream.linear.scatter [tilespmem:s31], [sflag:$0x1], $0x80, $0x38;
	[tilespmem:$0x11400] =	vst v63  }
0x628: {  	s5 =	sadd.s32 $0x380, s0;
	s22 =	simm.s32 $0x7B80  }
0x629: {  	[hbm4b:s5+s3] =	stream.linear.scatter [tilespmem:s22], [sflag:$0x1], $0x80, $0x38;
	[tilespmem:$0x11400] =	vst v63  }
0x62a: {  	s24 =	sadd.s32 $0x400, s0;
	s31 =	simm.s32 $0x7C80  }
0x62b: {  	[hbm4b:s24+s3] =	stream.linear.scatter [tilespmem:s31], [sflag:$0x1], $0x80, $0x38;
	[tilespmem:$0x11400] =	vst v63  }
0x62c: {  	s5 =	sadd.s32 $0x480, s0;
	s22 =	simm.s32 $0x7D80  }
0x62d: {  	[hbm4b:s5+s3] =	stream.linear.scatter [tilespmem:s22], [sflag:$0x1], $0x80, $0x38;
	[tilespmem:$0x11400] =	vst v63  }
0x62e: {  	s24 =	sadd.s32 $0x500, s0;
	s31 =	simm.s32 $0x7E80  }
0x62f: {  	[hbm4b:s24+s3] =	stream.linear.scatter [tilespmem:s31], [sflag:$0x1], $0x80, $0x38;
	[tilespmem:$0x11400] =	vst v63  }
0x630: {  	s5 =	sadd.s32 $0x580, s0;
	s22 =	simm.s32 $0x7F80  }
0x631: {  	[hbm4b:s5+s3] =	stream.linear.scatter [tilespmem:s22], [sflag:$0x1], $0x80, $0x38;
	[tilespmem:$0x11400] =	vst v63  }
0x632: {  	s24 =	sadd.s32 $0x600, s0;
	s31 =	simm.s32 $0x8080  }
0x633: {  	[hbm4b:s24+s3] =	stream.linear.scatter [tilespmem:s31], [sflag:$0x1], $0x80, $0x38;
	[tilespmem:$0x11400] =	vst v63  }
0x634: {  	s5 =	sadd.s32 $0x680, s0;
	s22 =	simm.s32 $0x8180  }
0x635: {  	[hbm4b:s5+s3] =	stream.linear.scatter [tilespmem:s22], [sflag:$0x1], $0x80, $0x38;
	[tilespmem:$0x11400] =	vst v63  }
0x636: {  	s24 =	sadd.s32 $0x700, s0;
	s31 =	simm.s32 $0x8280  }
0x637: {  	[hbm4b:s24+s3] =	stream.linear.scatter [tilespmem:s31], [sflag:$0x1], $0x80, $0x38;
	[tilespmem:$0x11400] =	vst v63  }
0x638: {  	s0 =	sadd.s32 $0x780, s0;
	s5 =	simm.s32 $0x8380  }
0x639: {  	[hbm4b:s0+s3] =	stream.linear.scatter [tilespmem:s5], [sflag:$0x1], $0x80, $0x38;
	[tilespmem:$0x11400] =	vst v63  }
0x63a: {  	s22 =	simm.s32 $0x8480;
	s0 =	sadd.s32 s30, s10  }
0x63b: {  	[hbm4b:s0+s3] =	stream.linear.scatter [tilespmem:s22], [sflag:$0x1], $0x80, $0x38;
	[tilespmem:$0x11400] =	vst v63  }
0x63c: {  	s31 =	simm.s32 $0x8580;
	s24 =	sadd.s32 $0x80, s0  }
0x63d: {  	[hbm4b:s24+s3] =	stream.linear.scatter [tilespmem:s31], [sflag:$0x1], $0x80, $0x38;
	[tilespmem:$0x11400] =	vst v63  }
0x63e: {  	s5 =	sadd.s32 $0x100, s0;
	s22 =	simm.s32 $0x8680  }
0x63f: {  	[hbm4b:s5+s3] =	stream.linear.scatter [tilespmem:s22], [sflag:$0x1], $0x80, $0x38;
	[tilespmem:$0x11400] =	vst v63  }
0x640: {  	s24 =	sadd.s32 $0x180, s0;
	s31 =	simm.s32 $0x8780  }
0x641: {  	[hbm4b:s24+s3] =	stream.linear.scatter [tilespmem:s31], [sflag:$0x1], $0x80, $0x38;
	[tilespmem:$0x11400] =	vst v63  }
0x642: {  	s5 =	sadd.s32 $0x200, s0;
	s22 =	simm.s32 $0x8880  }
0x643: {  	[hbm4b:s5+s3] =	stream.linear.scatter [tilespmem:s22], [sflag:$0x1], $0x80, $0x38;
	[tilespmem:$0x11400] =	vst v63  }
0x644: {  	s24 =	sadd.s32 $0x280, s0;
	s31 =	simm.s32 $0x8980  }
0x645: {  	[hbm4b:s24+s3] =	stream.linear.scatter [tilespmem:s31], [sflag:$0x1], $0x80, $0x38;
	[tilespmem:$0x11400] =	vst v63  }
0x646: {  	s5 =	sadd.s32 $0x300, s0;
	s22 =	simm.s32 $0x8A80  }
0x647: {  	[hbm4b:s5+s3] =	stream.linear.scatter [tilespmem:s22], [sflag:$0x1], $0x80, $0x38;
	[tilespmem:$0x11400] =	vst v63  }
0x648: {  	s24 =	sadd.s32 $0x380, s0;
	s31 =	simm.s32 $0x8B80  }
0x649: {  	[hbm4b:s24+s3] =	stream.linear.scatter [tilespmem:s31], [sflag:$0x1], $0x80, $0x38;
	[tilespmem:$0x11400] =	vst v63  }
0x64a: {  	s5 =	sadd.s32 $0x400, s0;
	s22 =	simm.s32 $0x8C80  }
0x64b: {  	[hbm4b:s5+s3] =	stream.linear.scatter [tilespmem:s22], [sflag:$0x1], $0x80, $0x38;
	[tilespmem:$0x11400] =	vst v63  }
0x64c: {  	s24 =	sadd.s32 $0x480, s0;
	s31 =	simm.s32 $0x8D80  }
0x64d: {  	[hbm4b:s24+s3] =	stream.linear.scatter [tilespmem:s31], [sflag:$0x1], $0x80, $0x38;
	[tilespmem:$0x11400] =	vst v63  }
0x64e: {  	s5 =	sadd.s32 $0x500, s0;
	s22 =	simm.s32 $0x8E80  }
0x64f: {  	[hbm4b:s5+s3] =	stream.linear.scatter [tilespmem:s22], [sflag:$0x1], $0x80, $0x38;
	[tilespmem:$0x11400] =	vst v63  }
0x650: {  	s24 =	sadd.s32 $0x580, s0;
	s31 =	simm.s32 $0x8F80  }
0x651: {  	[hbm4b:s24+s3] =	stream.linear.scatter [tilespmem:s31], [sflag:$0x1], $0x80, $0x38;
	[tilespmem:$0x11400] =	vst v63  }
0x652: {  	s5 =	sadd.s32 $0x600, s0;
	s22 =	simm.s32 $0x9080  }
0x653: {  	[hbm4b:s5+s3] =	stream.linear.scatter [tilespmem:s22], [sflag:$0x1], $0x80, $0x38;
	[tilespmem:$0x11400] =	vst v63  }
0x654: {  	s24 =	sadd.s32 $0x680, s0;
	s31 =	simm.s32 $0x9180  }
0x655: {  	[hbm4b:s24+s3] =	stream.linear.scatter [tilespmem:s31], [sflag:$0x1], $0x80, $0x38;
	[tilespmem:$0x11400] =	vst v63  }
0x656: {  	s5 =	sadd.s32 $0x700, s0;
	s22 =	simm.s32 $0x9280  }
0x657: {  	[hbm4b:s5+s3] =	stream.linear.scatter [tilespmem:s22], [sflag:$0x1], $0x80, $0x38;
	[tilespmem:$0x11400] =	vst v63  }
0x658: {  	s0 =	sadd.s32 $0x780, s0;
	s24 =	simm.s32 $0x9380  }
0x659: {  	[hbm4b:s0+s3] =	stream.linear.scatter [tilespmem:s24], [sflag:$0x1], $0x80, $0x38;
	[tilespmem:$0x11400] =	vst v63  }
0x65a: {  	s31 =	simm.s32 $0x9480;
	s0 =	sadd.s32 s30, s11  }
0x65b: {  	[hbm4b:s0+s3] =	stream.linear.scatter [tilespmem:s31], [sflag:$0x1], $0x80, $0x38;
	[tilespmem:$0x11400] =	vst v63  }
0x65c: {  	s22 =	simm.s32 $0x9580;
	s5 =	sadd.s32 $0x80, s0  }
0x65d: {  	[hbm4b:s5+s3] =	stream.linear.scatter [tilespmem:s22], [sflag:$0x1], $0x80, $0x38;
	[tilespmem:$0x11400] =	vst v63  }
0x65e: {  	s24 =	sadd.s32 $0x100, s0;
	s31 =	simm.s32 $0x9680  }
0x65f: {  	[hbm4b:s24+s3] =	stream.linear.scatter [tilespmem:s31], [sflag:$0x1], $0x80, $0x38;
	[tilespmem:$0x11400] =	vst v63  }
0x660: {  	s5 =	sadd.s32 $0x180, s0;
	s22 =	simm.s32 $0x9780  }
0x661: {  	[hbm4b:s5+s3] =	stream.linear.scatter [tilespmem:s22], [sflag:$0x1], $0x80, $0x38;
	[tilespmem:$0x11400] =	vst v63  }
0x662: {  	s24 =	sadd.s32 $0x200, s0;
	s31 =	simm.s32 $0x9880  }
0x663: {  	[hbm4b:s24+s3] =	stream.linear.scatter [tilespmem:s31], [sflag:$0x1], $0x80, $0x38;
	[tilespmem:$0x11400] =	vst v63  }
0x664: {  	s5 =	sadd.s32 $0x280, s0;
	s22 =	simm.s32 $0x9980  }
0x665: {  	[hbm4b:s5+s3] =	stream.linear.scatter [tilespmem:s22], [sflag:$0x1], $0x80, $0x38;
	[tilespmem:$0x11400] =	vst v63  }
0x666: {  	s24 =	sadd.s32 $0x300, s0;
	s31 =	simm.s32 $0x9A80  }
0x667: {  	[hbm4b:s24+s3] =	stream.linear.scatter [tilespmem:s31], [sflag:$0x1], $0x80, $0x38;
	[tilespmem:$0x11400] =	vst v63  }
0x668: {  	s5 =	sadd.s32 $0x380, s0;
	s22 =	simm.s32 $0x9B80  }
0x669: {  	[hbm4b:s5+s3] =	stream.linear.scatter [tilespmem:s22], [sflag:$0x1], $0x80, $0x38;
	[tilespmem:$0x11400] =	vst v63  }
0x66a: {  	s24 =	sadd.s32 $0x400, s0;
	s31 =	simm.s32 $0x9C80  }
0x66b: {  	[hbm4b:s24+s3] =	stream.linear.scatter [tilespmem:s31], [sflag:$0x1], $0x80, $0x38;
	[tilespmem:$0x11400] =	vst v63  }
0x66c: {  	s5 =	sadd.s32 $0x480, s0;
	s22 =	simm.s32 $0x9D80  }
0x66d: {  	[hbm4b:s5+s3] =	stream.linear.scatter [tilespmem:s22], [sflag:$0x1], $0x80, $0x38;
	[tilespmem:$0x11400] =	vst v63  }
0x66e: {  	s24 =	sadd.s32 $0x500, s0;
	s31 =	simm.s32 $0x9E80  }
0x66f: {  	[hbm4b:s24+s3] =	stream.linear.scatter [tilespmem:s31], [sflag:$0x1], $0x80, $0x38;
	[tilespmem:$0x11400] =	vst v63  }
0x670: {  	s5 =	sadd.s32 $0x580, s0;
	s22 =	simm.s32 $0x9F80  }
0x671: {  	[hbm4b:s5+s3] =	stream.linear.scatter [tilespmem:s22], [sflag:$0x1], $0x80, $0x38;
	[tilespmem:$0x11400] =	vst v63  }
0x672: {  	s24 =	sadd.s32 $0x600, s0;
	s31 =	simm.s32 $0xA080  }
0x673: {  	[hbm4b:s24+s3] =	stream.linear.scatter [tilespmem:s31], [sflag:$0x1], $0x80, $0x38;
	[tilespmem:$0x11400] =	vst v63  }
0x674: {  	s5 =	sadd.s32 $0x680, s0;
	s22 =	simm.s32 $0xA180  }
0x675: {  	[hbm4b:s5+s3] =	stream.linear.scatter [tilespmem:s22], [sflag:$0x1], $0x80, $0x38;
	[tilespmem:$0x11400] =	vst v63  }
0x676: {  	s24 =	sadd.s32 $0x700, s0;
	s31 =	simm.s32 $0xA280  }
0x677: {  	[hbm4b:s24+s3] =	stream.linear.scatter [tilespmem:s31], [sflag:$0x1], $0x80, $0x38;
	[tilespmem:$0x11400] =	vst v63  }
0x678: {  	s0 =	sadd.s32 $0x780, s0;
	s5 =	simm.s32 $0xA380  }
0x679: {  	[hbm4b:s0+s3] =	stream.linear.scatter [tilespmem:s5], [sflag:$0x1], $0x80, $0x38;
	[tilespmem:$0x11400] =	vst v63  }
0x67a: {  	s22 =	simm.s32 $0xA480;
	s0 =	sadd.s32 s30, s13  }
0x67b: {  	[hbm4b:s0+s3] =	stream.linear.scatter [tilespmem:s22], [sflag:$0x1], $0x80, $0x38;
	[tilespmem:$0x11400] =	vst v63  }
0x67c: {  	s31 =	simm.s32 $0xA580;
	s24 =	sadd.s32 $0x80, s0  }
0x67d: {  	[hbm4b:s24+s3] =	stream.linear.scatter [tilespmem:s31], [sflag:$0x1], $0x80, $0x38;
	[tilespmem:$0x11400] =	vst v63  }
0x67e: {  	s5 =	sadd.s32 $0x100, s0;
	s22 =	simm.s32 $0xA680  }
0x67f: {  	[hbm4b:s5+s3] =	stream.linear.scatter [tilespmem:s22], [sflag:$0x1], $0x80, $0x38;
	[tilespmem:$0x11400] =	vst v63  }
0x680: {  	s24 =	sadd.s32 $0x180, s0;
	s31 =	simm.s32 $0xA780  }
0x681: {  	[hbm4b:s24+s3] =	stream.linear.scatter [tilespmem:s31], [sflag:$0x1], $0x80, $0x38;
	[tilespmem:$0x11400] =	vst v63  }
0x682: {  	s5 =	sadd.s32 $0x200, s0;
	s22 =	simm.s32 $0xA880  }
0x683: {  	[hbm4b:s5+s3] =	stream.linear.scatter [tilespmem:s22], [sflag:$0x1], $0x80, $0x38;
	[tilespmem:$0x11400] =	vst v63  }
0x684: {  	s24 =	sadd.s32 $0x280, s0;
	s31 =	simm.s32 $0xA980  }
0x685: {  	[hbm4b:s24+s3] =	stream.linear.scatter [tilespmem:s31], [sflag:$0x1], $0x80, $0x38;
	[tilespmem:$0x11400] =	vst v63  }
0x686: {  	s5 =	sadd.s32 $0x300, s0;
	s22 =	simm.s32 $0xAA80  }
0x687: {  	[hbm4b:s5+s3] =	stream.linear.scatter [tilespmem:s22], [sflag:$0x1], $0x80, $0x38;
	[tilespmem:$0x11400] =	vst v63  }
0x688: {  	s24 =	sadd.s32 $0x380, s0;
	s31 =	simm.s32 $0xAB80  }
0x689: {  	[hbm4b:s24+s3] =	stream.linear.scatter [tilespmem:s31], [sflag:$0x1], $0x80, $0x38;
	[tilespmem:$0x11400] =	vst v63  }
0x68a: {  	s5 =	sadd.s32 $0x400, s0;
	s22 =	simm.s32 $0xAC80  }
0x68b: {  	[hbm4b:s5+s3] =	stream.linear.scatter [tilespmem:s22], [sflag:$0x1], $0x80, $0x38;
	[tilespmem:$0x11400] =	vst v63  }
0x68c: {  	s24 =	sadd.s32 $0x480, s0;
	s31 =	simm.s32 $0xAD80  }
0x68d: {  	[hbm4b:s24+s3] =	stream.linear.scatter [tilespmem:s31], [sflag:$0x1], $0x80, $0x38;
	[tilespmem:$0x11400] =	vst v63  }
0x68e: {  	s5 =	sadd.s32 $0x500, s0;
	s22 =	simm.s32 $0xAE80  }
0x68f: {  	[hbm4b:s5+s3] =	stream.linear.scatter [tilespmem:s22], [sflag:$0x1], $0x80, $0x38;
	[tilespmem:$0x11400] =	vst v63  }
0x690: {  	s24 =	sadd.s32 $0x580, s0;
	s31 =	simm.s32 $0xAF80  }
0x691: {  	[hbm4b:s24+s3] =	stream.linear.scatter [tilespmem:s31], [sflag:$0x1], $0x80, $0x38;
	[tilespmem:$0x11400] =	vst v63  }
0x692: {  	s5 =	sadd.s32 $0x600, s0;
	s22 =	simm.s32 $0xB080  }
0x693: {  	[hbm4b:s5+s3] =	stream.linear.scatter [tilespmem:s22], [sflag:$0x1], $0x80, $0x38;
	[tilespmem:$0x11400] =	vst v63  }
0x694: {  	s24 =	sadd.s32 $0x680, s0;
	s31 =	simm.s32 $0xB180  }
0x695: {  	[hbm4b:s24+s3] =	stream.linear.scatter [tilespmem:s31], [sflag:$0x1], $0x80, $0x38;
	[tilespmem:$0x11400] =	vst v63  }
0x696: {  	s5 =	sadd.s32 $0x700, s0;
	s22 =	simm.s32 $0xB280  }
0x697: {  	[hbm4b:s5+s3] =	stream.linear.scatter [tilespmem:s22], [sflag:$0x1], $0x80, $0x38;
	[tilespmem:$0x11400] =	vst v63  }
0x698: {  	s0 =	sadd.s32 $0x780, s0;
	s24 =	simm.s32 $0xB380  }
0x699: {  	[hbm4b:s0+s3] =	stream.linear.scatter [tilespmem:s24], [sflag:$0x1], $0x80, $0x38;
	[tilespmem:$0x11400] =	vst v63  }
0x69a: {  	s31 =	simm.s32 $0xB480;
	s0 =	sadd.s32 s30, s14  }
0x69b: {  	[hbm4b:s0+s3] =	stream.linear.scatter [tilespmem:s31], [sflag:$0x1], $0x80, $0x38;
	[tilespmem:$0x11400] =	vst v63  }
0x69c: {  	s22 =	simm.s32 $0xB580;
	s5 =	sadd.s32 $0x80, s0  }
0x69d: {  	[hbm4b:s5+s3] =	stream.linear.scatter [tilespmem:s22], [sflag:$0x1], $0x80, $0x38;
	[tilespmem:$0x11400] =	vst v63  }
0x69e: {  	s24 =	sadd.s32 $0x100, s0;
	s31 =	simm.s32 $0xB680  }
0x69f: {  	[hbm4b:s24+s3] =	stream.linear.scatter [tilespmem:s31], [sflag:$0x1], $0x80, $0x38;
	[tilespmem:$0x11400] =	vst v63  }
0x6a0: {  	s5 =	sadd.s32 $0x180, s0;
	s22 =	simm.s32 $0xB780  }
0x6a1: {  	[hbm4b:s5+s3] =	stream.linear.scatter [tilespmem:s22], [sflag:$0x1], $0x80, $0x38;
	[tilespmem:$0x11400] =	vst v63  }
0x6a2: {  	s24 =	sadd.s32 $0x200, s0;
	s31 =	simm.s32 $0xB880  }
0x6a3: {  	[hbm4b:s24+s3] =	stream.linear.scatter [tilespmem:s31], [sflag:$0x1], $0x80, $0x38;
	[tilespmem:$0x11400] =	vst v63  }
0x6a4: {  	s5 =	sadd.s32 $0x280, s0;
	s22 =	simm.s32 $0xB980  }
0x6a5: {  	[hbm4b:s5+s3] =	stream.linear.scatter [tilespmem:s22], [sflag:$0x1], $0x80, $0x38;
	[tilespmem:$0x11400] =	vst v63  }
0x6a6: {  	s24 =	sadd.s32 $0x300, s0;
	s31 =	simm.s32 $0xBA80  }
0x6a7: {  	[hbm4b:s24+s3] =	stream.linear.scatter [tilespmem:s31], [sflag:$0x1], $0x80, $0x38;
	[tilespmem:$0x11400] =	vst v63  }
0x6a8: {  	s5 =	sadd.s32 $0x380, s0;
	s22 =	simm.s32 $0xBB80  }
0x6a9: {  	[hbm4b:s5+s3] =	stream.linear.scatter [tilespmem:s22], [sflag:$0x1], $0x80, $0x38;
	[tilespmem:$0x11400] =	vst v63  }
0x6aa: {  	s24 =	sadd.s32 $0x400, s0;
	s31 =	simm.s32 $0xBC80  }
0x6ab: {  	[hbm4b:s24+s3] =	stream.linear.scatter [tilespmem:s31], [sflag:$0x1], $0x80, $0x38;
	[tilespmem:$0x11400] =	vst v63  }
0x6ac: {  	s5 =	sadd.s32 $0x480, s0;
	s22 =	simm.s32 $0xBD80  }
0x6ad: {  	[hbm4b:s5+s3] =	stream.linear.scatter [tilespmem:s22], [sflag:$0x1], $0x80, $0x38;
	[tilespmem:$0x11400] =	vst v63  }
0x6ae: {  	s24 =	sadd.s32 $0x500, s0;
	s31 =	simm.s32 $0xBE80  }
0x6af: {  	[hbm4b:s24+s3] =	stream.linear.scatter [tilespmem:s31], [sflag:$0x1], $0x80, $0x38;
	[tilespmem:$0x11400] =	vst v63  }
0x6b0: {  	s5 =	sadd.s32 $0x580, s0;
	s22 =	simm.s32 $0xBF80  }
0x6b1: {  	[hbm4b:s5+s3] =	stream.linear.scatter [tilespmem:s22], [sflag:$0x1], $0x80, $0x38;
	[tilespmem:$0x11400] =	vst v63  }
0x6b2: {  	s24 =	sadd.s32 $0x600, s0;
	s31 =	simm.s32 $0xC080  }
0x6b3: {  	[hbm4b:s24+s3] =	stream.linear.scatter [tilespmem:s31], [sflag:$0x1], $0x80, $0x38;
	[tilespmem:$0x11400] =	vst v63  }
0x6b4: {  	s5 =	sadd.s32 $0x680, s0;
	s22 =	simm.s32 $0xC180  }
0x6b5: {  	[hbm4b:s5+s3] =	stream.linear.scatter [tilespmem:s22], [sflag:$0x1], $0x80, $0x38;
	[tilespmem:$0x11400] =	vst v63  }
0x6b6: {  	s24 =	sadd.s32 $0x700, s0;
	s31 =	simm.s32 $0xC280  }
0x6b7: {  	[hbm4b:s24+s3] =	stream.linear.scatter [tilespmem:s31], [sflag:$0x1], $0x80, $0x38;
	[tilespmem:$0x11400] =	vst v63  }
0x6b8: {  	s0 =	sadd.s32 $0x780, s0;
	s5 =	simm.s32 $0xC380  }
0x6b9: {  	[hbm4b:s0+s3] =	stream.linear.scatter [tilespmem:s5], [sflag:$0x1], $0x80, $0x38;
	[tilespmem:$0x11400] =	vst v63  }
0x6ba: {  	s22 =	simm.s32 $0xC480;
	s0 =	sadd.s32 s30, s16  }
0x6bb: {  	[hbm4b:s0+s3] =	stream.linear.scatter [tilespmem:s22], [sflag:$0x1], $0x80, $0x38;
	[tilespmem:$0x11400] =	vst v63  }
0x6bc: {  	s31 =	simm.s32 $0xC580;
	s24 =	sadd.s32 $0x80, s0  }
0x6bd: {  	[hbm4b:s24+s3] =	stream.linear.scatter [tilespmem:s31], [sflag:$0x1], $0x80, $0x38;
	[tilespmem:$0x11400] =	vst v63  }
0x6be: {  	s5 =	sadd.s32 $0x100, s0;
	s22 =	simm.s32 $0xC680  }
0x6bf: {  	[hbm4b:s5+s3] =	stream.linear.scatter [tilespmem:s22], [sflag:$0x1], $0x80, $0x38;
	[tilespmem:$0x11400] =	vst v63  }
0x6c0: {  	s24 =	sadd.s32 $0x180, s0;
	s31 =	simm.s32 $0xC780  }
0x6c1: {  	[hbm4b:s24+s3] =	stream.linear.scatter [tilespmem:s31], [sflag:$0x1], $0x80, $0x38;
	[tilespmem:$0x11400] =	vst v63  }
0x6c2: {  	s5 =	sadd.s32 $0x200, s0;
	s22 =	simm.s32 $0xC880  }
0x6c3: {  	[hbm4b:s5+s3] =	stream.linear.scatter [tilespmem:s22], [sflag:$0x1], $0x80, $0x38;
	[tilespmem:$0x11400] =	vst v63  }
0x6c4: {  	s24 =	sadd.s32 $0x280, s0;
	s31 =	simm.s32 $0xC980  }
0x6c5: {  	[hbm4b:s24+s3] =	stream.linear.scatter [tilespmem:s31], [sflag:$0x1], $0x80, $0x38;
	[tilespmem:$0x11400] =	vst v63  }
0x6c6: {  	s5 =	sadd.s32 $0x300, s0;
	s22 =	simm.s32 $0xCA80  }
0x6c7: {  	[hbm4b:s5+s3] =	stream.linear.scatter [tilespmem:s22], [sflag:$0x1], $0x80, $0x38;
	[tilespmem:$0x11400] =	vst v63  }
0x6c8: {  	s24 =	sadd.s32 $0x380, s0;
	s31 =	simm.s32 $0xCB80  }
0x6c9: {  	[hbm4b:s24+s3] =	stream.linear.scatter [tilespmem:s31], [sflag:$0x1], $0x80, $0x38;
	[tilespmem:$0x11400] =	vst v63  }
0x6ca: {  	s5 =	sadd.s32 $0x400, s0;
	s22 =	simm.s32 $0xCC80  }
0x6cb: {  	[hbm4b:s5+s3] =	stream.linear.scatter [tilespmem:s22], [sflag:$0x1], $0x80, $0x38;
	[tilespmem:$0x11400] =	vst v63  }
0x6cc: {  	s24 =	sadd.s32 $0x480, s0;
	s31 =	simm.s32 $0xCD80  }
0x6cd: {  	[hbm4b:s24+s3] =	stream.linear.scatter [tilespmem:s31], [sflag:$0x1], $0x80, $0x38;
	[tilespmem:$0x11400] =	vst v63  }
0x6ce: {  	s5 =	sadd.s32 $0x500, s0;
	s22 =	simm.s32 $0xCE80  }
0x6cf: {  	[hbm4b:s5+s3] =	stream.linear.scatter [tilespmem:s22], [sflag:$0x1], $0x80, $0x38;
	[tilespmem:$0x11400] =	vst v63  }
0x6d0: {  	s24 =	sadd.s32 $0x580, s0;
	s31 =	simm.s32 $0xCF80  }
0x6d1: {  	[hbm4b:s24+s3] =	stream.linear.scatter [tilespmem:s31], [sflag:$0x1], $0x80, $0x38;
	[tilespmem:$0x11400] =	vst v63  }
0x6d2: {  	s5 =	sadd.s32 $0x600, s0;
	s22 =	simm.s32 $0xD080  }
0x6d3: {  	[hbm4b:s5+s3] =	stream.linear.scatter [tilespmem:s22], [sflag:$0x1], $0x80, $0x38;
	[tilespmem:$0x11400] =	vst v63  }
0x6d4: {  	s24 =	sadd.s32 $0x680, s0;
	s31 =	simm.s32 $0xD180  }
0x6d5: {  	[hbm4b:s24+s3] =	stream.linear.scatter [tilespmem:s31], [sflag:$0x1], $0x80, $0x38;
	[tilespmem:$0x11400] =	vst v63  }
0x6d6: {  	s5 =	sadd.s32 $0x700, s0;
	s22 =	simm.s32 $0xD280  }
0x6d7: {  	[hbm4b:s5+s3] =	stream.linear.scatter [tilespmem:s22], [sflag:$0x1], $0x80, $0x38;
	[tilespmem:$0x11400] =	vst v63  }
0x6d8: {  	s0 =	sadd.s32 $0x780, s0;
	s24 =	simm.s32 $0xD380  }
0x6d9: {  	[hbm4b:s0+s3] =	stream.linear.scatter [tilespmem:s24], [sflag:$0x1], $0x80, $0x38;
	[tilespmem:$0x11400] =	vst v63  }
0x6da: {  	s31 =	simm.s32 $0xD480;
	s0 =	sadd.s32 s30, s17  }
0x6db: {  	[hbm4b:s0+s3] =	stream.linear.scatter [tilespmem:s31], [sflag:$0x1], $0x80, $0x38;
	[tilespmem:$0x11400] =	vst v63  }
0x6dc: {  	s22 =	simm.s32 $0xD580;
	s5 =	sadd.s32 $0x80, s0  }
0x6dd: {  	[hbm4b:s5+s3] =	stream.linear.scatter [tilespmem:s22], [sflag:$0x1], $0x80, $0x38;
	[tilespmem:$0x11400] =	vst v63  }
0x6de: {  	s24 =	sadd.s32 $0x100, s0;
	s31 =	simm.s32 $0xD680  }
0x6df: {  	[hbm4b:s24+s3] =	stream.linear.scatter [tilespmem:s31], [sflag:$0x1], $0x80, $0x38;
	[tilespmem:$0x11400] =	vst v63  }
0x6e0: {  	s5 =	sadd.s32 $0x180, s0;
	s22 =	simm.s32 $0xD780  }
0x6e1: {  	[hbm4b:s5+s3] =	stream.linear.scatter [tilespmem:s22], [sflag:$0x1], $0x80, $0x38;
	[tilespmem:$0x11400] =	vst v63  }
0x6e2: {  	s24 =	sadd.s32 $0x200, s0;
	s31 =	simm.s32 $0xD880  }
0x6e3: {  	[hbm4b:s24+s3] =	stream.linear.scatter [tilespmem:s31], [sflag:$0x1], $0x80, $0x38;
	[tilespmem:$0x11400] =	vst v63  }
0x6e4: {  	s5 =	sadd.s32 $0x280, s0;
	s22 =	simm.s32 $0xD980  }
0x6e5: {  	[hbm4b:s5+s3] =	stream.linear.scatter [tilespmem:s22], [sflag:$0x1], $0x80, $0x38;
	[tilespmem:$0x11400] =	vst v63  }
0x6e6: {  	s24 =	sadd.s32 $0x300, s0;
	s31 =	simm.s32 $0xDA80  }
0x6e7: {  	[hbm4b:s24+s3] =	stream.linear.scatter [tilespmem:s31], [sflag:$0x1], $0x80, $0x38;
	[tilespmem:$0x11400] =	vst v63  }
0x6e8: {  	s5 =	sadd.s32 $0x380, s0;
	s22 =	simm.s32 $0xDB80  }
0x6e9: {  	[hbm4b:s5+s3] =	stream.linear.scatter [tilespmem:s22], [sflag:$0x1], $0x80, $0x38;
	[tilespmem:$0x11400] =	vst v63  }
0x6ea: {  	s24 =	sadd.s32 $0x400, s0;
	s31 =	simm.s32 $0xDC80  }
0x6eb: {  	[hbm4b:s24+s3] =	stream.linear.scatter [tilespmem:s31], [sflag:$0x1], $0x80, $0x38;
	[tilespmem:$0x11400] =	vst v63  }
0x6ec: {  	s5 =	sadd.s32 $0x480, s0;
	s22 =	simm.s32 $0xDD80  }
0x6ed: {  	[hbm4b:s5+s3] =	stream.linear.scatter [tilespmem:s22], [sflag:$0x1], $0x80, $0x38;
	[tilespmem:$0x11400] =	vst v63  }
0x6ee: {  	s24 =	sadd.s32 $0x500, s0;
	s31 =	simm.s32 $0xDE80  }
0x6ef: {  	[hbm4b:s24+s3] =	stream.linear.scatter [tilespmem:s31], [sflag:$0x1], $0x80, $0x38;
	[tilespmem:$0x11400] =	vst v63  }
0x6f0: {  	s5 =	sadd.s32 $0x580, s0;
	s22 =	simm.s32 $0xDF80  }
0x6f1: {  	[hbm4b:s5+s3] =	stream.linear.scatter [tilespmem:s22], [sflag:$0x1], $0x80, $0x38;
	[tilespmem:$0x11400] =	vst v63  }
0x6f2: {  	s24 =	sadd.s32 $0x600, s0;
	s31 =	simm.s32 $0xE080  }
0x6f3: {  	[hbm4b:s24+s3] =	stream.linear.scatter [tilespmem:s31], [sflag:$0x1], $0x80, $0x38;
	[tilespmem:$0x11400] =	vst v63  }
0x6f4: {  	s5 =	sadd.s32 $0x680, s0;
	s22 =	simm.s32 $0xE180  }
0x6f5: {  	[hbm4b:s5+s3] =	stream.linear.scatter [tilespmem:s22], [sflag:$0x1], $0x80, $0x38;
	[tilespmem:$0x11400] =	vst v63  }
0x6f6: {  	s24 =	sadd.s32 $0x700, s0;
	s31 =	simm.s32 $0xE280  }
0x6f7: {  	[hbm4b:s24+s3] =	stream.linear.scatter [tilespmem:s31], [sflag:$0x1], $0x80, $0x38;
	[tilespmem:$0x11400] =	vst v63  }
0x6f8: {  	s0 =	sadd.s32 $0x780, s0;
	s5 =	simm.s32 $0xE380  }
0x6f9: {  	[hbm4b:s0+s3] =	stream.linear.scatter [tilespmem:s5], [sflag:$0x1], $0x80, $0x38;
	[tilespmem:$0x11400] =	vst v63  }
0x6fa: {  	s22 =	simm.s32 $0xE480;
	s0 =	sadd.s32 s30, s19  }
0x6fb: {  	[hbm4b:s0+s3] =	stream.linear.scatter [tilespmem:s22], [sflag:$0x1], $0x80, $0x38;
	[tilespmem:$0x11400] =	vst v63  }
0x6fc: {  	s31 =	simm.s32 $0xE580;
	s24 =	sadd.s32 $0x80, s0  }
0x6fd: {  	[hbm4b:s24+s3] =	stream.linear.scatter [tilespmem:s31], [sflag:$0x1], $0x80, $0x38;
	[tilespmem:$0x11400] =	vst v63  }
0x6fe: {  	s5 =	sadd.s32 $0x100, s0;
	s22 =	simm.s32 $0xE680  }
0x6ff: {  	[hbm4b:s5+s3] =	stream.linear.scatter [tilespmem:s22], [sflag:$0x1], $0x80, $0x38;
	[tilespmem:$0x11400] =	vst v63  }
0x700: {  	s24 =	sadd.s32 $0x180, s0;
	s31 =	simm.s32 $0xE780  }
0x701: {  	[hbm4b:s24+s3] =	stream.linear.scatter [tilespmem:s31], [sflag:$0x1], $0x80, $0x38;
	[tilespmem:$0x11400] =	vst v63  }
0x702: {  	s5 =	sadd.s32 $0x200, s0;
	s22 =	simm.s32 $0xE880  }
0x703: {  	[hbm4b:s5+s3] =	stream.linear.scatter [tilespmem:s22], [sflag:$0x1], $0x80, $0x38;
	[tilespmem:$0x11400] =	vst v63  }
0x704: {  	s24 =	sadd.s32 $0x280, s0;
	s31 =	simm.s32 $0xE980  }
0x705: {  	[hbm4b:s24+s3] =	stream.linear.scatter [tilespmem:s31], [sflag:$0x1], $0x80, $0x38;
	[tilespmem:$0x11400] =	vst v63  }
0x706: {  	s5 =	sadd.s32 $0x300, s0;
	s22 =	simm.s32 $0xEA80  }
0x707: {  	[hbm4b:s5+s3] =	stream.linear.scatter [tilespmem:s22], [sflag:$0x1], $0x80, $0x38;
	[tilespmem:$0x11400] =	vst v63  }
0x708: {  	s24 =	sadd.s32 $0x380, s0;
	s31 =	simm.s32 $0xEB80  }
0x709: {  	[hbm4b:s24+s3] =	stream.linear.scatter [tilespmem:s31], [sflag:$0x1], $0x80, $0x38;
	[tilespmem:$0x11400] =	vst v63  }
0x70a: {  	s5 =	sadd.s32 $0x400, s0;
	s22 =	simm.s32 $0xEC80  }
0x70b: {  	[hbm4b:s5+s3] =	stream.linear.scatter [tilespmem:s22], [sflag:$0x1], $0x80, $0x38;
	[tilespmem:$0x11400] =	vst v63  }
0x70c: {  	s24 =	sadd.s32 $0x480, s0;
	s31 =	simm.s32 $0xED80  }
0x70d: {  	[hbm4b:s24+s3] =	stream.linear.scatter [tilespmem:s31], [sflag:$0x1], $0x80, $0x38;
	[tilespmem:$0x11400] =	vst v63  }
0x70e: {  	s5 =	sadd.s32 $0x500, s0;
	s22 =	simm.s32 $0xEE80  }
0x70f: {  	[hbm4b:s5+s3] =	stream.linear.scatter [tilespmem:s22], [sflag:$0x1], $0x80, $0x38;
	[tilespmem:$0x11400] =	vst v63  }
0x710: {  	s24 =	sadd.s32 $0x580, s0;
	s31 =	simm.s32 $0xEF80  }
0x711: {  	[hbm4b:s24+s3] =	stream.linear.scatter [tilespmem:s31], [sflag:$0x1], $0x80, $0x38;
	[tilespmem:$0x11400] =	vst v63  }
0x712: {  	s5 =	sadd.s32 $0x600, s0;
	s22 =	simm.s32 $0xF080  }
0x713: {  	[hbm4b:s5+s3] =	stream.linear.scatter [tilespmem:s22], [sflag:$0x1], $0x80, $0x38;
	[tilespmem:$0x11400] =	vst v63  }
0x714: {  	s24 =	sadd.s32 $0x680, s0;
	s31 =	simm.s32 $0xF180  }
0x715: {  	[hbm4b:s24+s3] =	stream.linear.scatter [tilespmem:s31], [sflag:$0x1], $0x80, $0x38;
	[tilespmem:$0x11400] =	vst v63  }
0x716: {  	s5 =	sadd.s32 $0x700, s0;
	s22 =	simm.s32 $0xF280  }
0x717: {  	[hbm4b:s5+s3] =	stream.linear.scatter [tilespmem:s22], [sflag:$0x1], $0x80, $0x38;
	[tilespmem:$0x11400] =	vst v63  }
0x718: {  	s0 =	sadd.s32 $0x780, s0;
	s24 =	simm.s32 $0xF380  }
0x719: {  	[hbm4b:s0+s3] =	stream.linear.scatter [tilespmem:s24], [sflag:$0x1], $0x80, $0x38;
	[tilespmem:$0x11400] =	vst v63  }
0x71a: {  	s31 =	simm.s32 $0xF480;
	s0 =	sadd.s32 s30, s20  }
0x71b: {  	[hbm4b:s0+s3] =	stream.linear.scatter [tilespmem:s31], [sflag:$0x1], $0x80, $0x38;
	[tilespmem:$0x11400] =	vst v63  }
0x71c: {  	s22 =	simm.s32 $0xF580;
	s5 =	sadd.s32 $0x80, s0  }
0x71d: {  	[hbm4b:s5+s3] =	stream.linear.scatter [tilespmem:s22], [sflag:$0x1], $0x80, $0x38;
	[tilespmem:$0x11400] =	vst v63  }
0x71e: {  	s24 =	sadd.s32 $0x100, s0;
	s31 =	simm.s32 $0xF680  }
0x71f: {  	[hbm4b:s24+s3] =	stream.linear.scatter [tilespmem:s31], [sflag:$0x1], $0x80, $0x38;
	[tilespmem:$0x11400] =	vst v63  }
0x720: {  	s5 =	sadd.s32 $0x180, s0;
	s22 =	simm.s32 $0xF780  }
0x721: {  	[hbm4b:s5+s3] =	stream.linear.scatter [tilespmem:s22], [sflag:$0x1], $0x80, $0x38;
	[tilespmem:$0x11400] =	vst v63  }
0x722: {  	s24 =	sadd.s32 $0x200, s0;
	s31 =	simm.s32 $0xF880  }
0x723: {  	[hbm4b:s24+s3] =	stream.linear.scatter [tilespmem:s31], [sflag:$0x1], $0x80, $0x38;
	[tilespmem:$0x11400] =	vst v63  }
0x724: {  	s5 =	sadd.s32 $0x280, s0;
	s22 =	simm.s32 $0xF980  }
0x725: {  	[hbm4b:s5+s3] =	stream.linear.scatter [tilespmem:s22], [sflag:$0x1], $0x80, $0x38;
	[tilespmem:$0x11400] =	vst v63  }
0x726: {  	s24 =	sadd.s32 $0x300, s0;
	s31 =	simm.s32 $0xFA80  }
0x727: {  	[hbm4b:s24+s3] =	stream.linear.scatter [tilespmem:s31], [sflag:$0x1], $0x80, $0x38;
	[tilespmem:$0x11400] =	vst v63  }
0x728: {  	s5 =	sadd.s32 $0x380, s0;
	s22 =	simm.s32 $0xFB80  }
0x729: {  	[hbm4b:s5+s3] =	stream.linear.scatter [tilespmem:s22], [sflag:$0x1], $0x80, $0x38;
	[tilespmem:$0x11400] =	vst v63  }
0x72a: {  	s24 =	sadd.s32 $0x400, s0;
	s31 =	simm.s32 $0xFC80  }
0x72b: {  	[hbm4b:s24+s3] =	stream.linear.scatter [tilespmem:s31], [sflag:$0x1], $0x80, $0x38;
	[tilespmem:$0x11400] =	vst v63  }
0x72c: {  	s5 =	sadd.s32 $0x480, s0;
	s22 =	simm.s32 $0xFD80  }
0x72d: {  	[hbm4b:s5+s3] =	stream.linear.scatter [tilespmem:s22], [sflag:$0x1], $0x80, $0x38;
	[tilespmem:$0x11400] =	vst v63  }
0x72e: {  	s24 =	sadd.s32 $0x500, s0;
	s31 =	simm.s32 $0xFE80  }
0x72f: {  	[hbm4b:s24+s3] =	stream.linear.scatter [tilespmem:s31], [sflag:$0x1], $0x80, $0x38;
	[tilespmem:$0x11400] =	vst v63  }
0x730: {  	s5 =	sadd.s32 $0x580, s0;
	s22 =	simm.s32 $0xFF80  }
0x731: {  	[hbm4b:s5+s3] =	stream.linear.scatter [tilespmem:s22], [sflag:$0x1], $0x80, $0x38;
	[tilespmem:$0x11400] =	vst v63  }
0x732: {  	s24 =	sadd.s32 $0x600, s0;
	s31 =	simm.s32 $0x10080  }
0x733: {  	[hbm4b:s24+s3] =	stream.linear.scatter [tilespmem:s31], [sflag:$0x1], $0x80, $0x38;
	[tilespmem:$0x11400] =	vst v63  }
0x734: {  	s5 =	sadd.s32 $0x680, s0;
	s22 =	simm.s32 $0x10180  }
0x735: {  	[hbm4b:s5+s3] =	stream.linear.scatter [tilespmem:s22], [sflag:$0x1], $0x80, $0x38;
	[tilespmem:$0x11400] =	vst v63  }
0x736: {  	s24 =	sadd.s32 $0x700, s0;
	s31 =	simm.s32 $0x10280  }
0x737: {  	[hbm4b:s24+s3] =	stream.linear.scatter [tilespmem:s31], [sflag:$0x1], $0x80, $0x38;
	[tilespmem:$0x11400] =	vst v63  }
0x738: {  	s0 =	sadd.s32 $0x780, s0;
	s22 =	simm.s32 $0x10380  }
0x739: {  	[hbm4b:s0+s3] =	stream.linear.scatter [tilespmem:s22], [sflag:$0x1], $0x80, $0x38;
	[tilespmem:$0x11400] =	vst v63  }
0x73a: {  	s24 =	simm.s32 $0x10480;
	s0 =	sadd.s32 s30, s21  }
0x73b: {  	[hbm4b:s0+s3] =	stream.linear.scatter [tilespmem:s24], [sflag:$0x1], $0x80, $0x38;
	[tilespmem:$0x11400] =	vst v63  }
0x73c: {  	s31 =	simm.s32 $0x10580;
	s30 =	sadd.s32 $0x80, s0  }
0x73d: {  	[hbm4b:s30+s3] =	stream.linear.scatter [tilespmem:s31], [sflag:$0x1], $0x80, $0x38;
	[tilespmem:$0x11400] =	vst v63  }
0x73e: {  	s22 =	sadd.s32 $0x100, s0;
	s24 =	simm.s32 $0x10680  }
0x73f: {  	[hbm4b:s22+s3] =	stream.linear.scatter [tilespmem:s24], [sflag:$0x1], $0x80, $0x38;
	[tilespmem:$0x11400] =	vst v63  }
0x740: {  	s30 =	sadd.s32 $0x180, s0;
	s31 =	simm.s32 $0x10780  }
0x741: {  	[hbm4b:s30+s3] =	stream.linear.scatter [tilespmem:s31], [sflag:$0x1], $0x80, $0x38;
	[tilespmem:$0x11400] =	vst v63  }
0x742: {  	s22 =	sadd.s32 $0x200, s0;
	s24 =	simm.s32 $0x10880  }
0x743: {  	[hbm4b:s22+s3] =	stream.linear.scatter [tilespmem:s24], [sflag:$0x1], $0x80, $0x38;
	[tilespmem:$0x11400] =	vst v63  }
0x744: {  	s30 =	sadd.s32 $0x280, s0;
	s31 =	simm.s32 $0x10980  }
0x745: {  	[hbm4b:s30+s3] =	stream.linear.scatter [tilespmem:s31], [sflag:$0x1], $0x80, $0x38;
	[tilespmem:$0x11400] =	vst v63  }
0x746: {  	s22 =	sadd.s32 $0x300, s0;
	s24 =	simm.s32 $0x10A80  }
0x747: {  	[hbm4b:s22+s3] =	stream.linear.scatter [tilespmem:s24], [sflag:$0x1], $0x80, $0x38;
	[tilespmem:$0x11400] =	vst v63  }
0x748: {  	s30 =	sadd.s32 $0x380, s0;
	s31 =	simm.s32 $0x10B80  }
0x749: {  	[hbm4b:s30+s3] =	stream.linear.scatter [tilespmem:s31], [sflag:$0x1], $0x80, $0x38;
	[tilespmem:$0x11400] =	vst v63  }
0x74a: {  	s22 =	sadd.s32 $0x400, s0;
	s24 =	simm.s32 $0x10C80  }
0x74b: {  	[hbm4b:s22+s3] =	stream.linear.scatter [tilespmem:s24], [sflag:$0x1], $0x80, $0x38;
	[tilespmem:$0x11400] =	vst v63  }
0x74c: {  	s30 =	sadd.s32 $0x480, s0;
	s31 =	simm.s32 $0x10D80  }
0x74d: {  	[hbm4b:s30+s3] =	stream.linear.scatter [tilespmem:s31], [sflag:$0x1], $0x80, $0x38;
	[tilespmem:$0x11400] =	vst v63  }
0x74e: {  	s22 =	sadd.s32 $0x500, s0;
	s24 =	simm.s32 $0x10E80  }
0x74f: {  	[hbm4b:s22+s3] =	stream.linear.scatter [tilespmem:s24], [sflag:$0x1], $0x80, $0x38;
	[tilespmem:$0x11400] =	vst v63  }
0x750: {  	s30 =	sadd.s32 $0x580, s0;
	s31 =	simm.s32 $0x10F80  }
0x751: {  	[hbm4b:s30+s3] =	stream.linear.scatter [tilespmem:s31], [sflag:$0x1], $0x80, $0x38;
	[tilespmem:$0x11400] =	vst v63  }
0x752: {  	s28 =	sadd.s32 $0x1, s28;
	s5 =	sadd.s32 $0x600, s0;
	s22 =	simm.s32 $0x11080  }
0x753: {  	[hbm4b:s5+s3] =	stream.linear.scatter [tilespmem:s22], [sflag:$0x1], $0x80, $0x38;
	[tilespmem:$0x11400] =	vst v63  }
0x754: {  	p0 =	sne.s32 s28, $0x8;
	s24 =	sadd.s32 $0x680, s0;
	s30 =	simm.s32 $0x11180  }
0x755: {  	[hbm4b:s24+s3] =	stream.linear.scatter [tilespmem:s30], [sflag:$0x1], $0x80, $0x38;
	[tilespmem:$0x11400] =	vst v63  }
.Ltmp2:
0x756: {  	_ = 	snop;
	(pc) =	sbr.rel @p0 .LBB2_2-.Ltmp2, $4  }
0x757: {  	s31 =	sadd.s32 $0x700, s0  }
0x758: {  	[hbm4b:s31+s3] =	stream.linear.scatter [tilespmem:s25], [sflag:$0x1], $0x80, $0x38;
	[tilespmem:$0x11400] =	vst v63  }
0x759: {  	s0 =	sadd.s32 $0x780, s0  }
0x75a: {  	[hbm4b:s0+s3] =	stream.linear.scatter [tilespmem:s26], [sflag:$0x1], $0x80, $0x38;
	[tilespmem:$0x11400] =	vst v63  }
0x75b: {  	_ =	swait.ge [sflag:s29], $0x800  }
0x75c: {  	[sflag:s29] =	ssyncset.done $0x0  }
0x75d: {  	[sflag:s29] =	ssyncadd.s32 $0xFFFFF800  }
0x75e: {  	_ =	swait.ge [sflag:s29], $0x800  }
0x75f: {  	[sflag:s29] =	ssyncset.done $0x0  }
0x760: {  	[sflag:s29] =	ssyncadd.s32 $0xFFFFF800  }
0x761: {  	_ =	swait.ge [sflag:s29], $0x800  }
0x762: {  	[sflag:s29] =	ssyncset.done $0x0  }
0x763: {  	[sflag:s29] =	ssyncadd.s32 $0xFFFFF800  }
0x764: {  	_ =	swait.ge [sflag:s29], $0x800  }
0x765: {  	[sflag:s29] =	ssyncset.done $0x0  }
0x766: {  	[sflag:s29] =	ssyncadd.s32 $0xFFFFF800  }
0x767: {  	_ =	swait.ge [sflag:s29], $0x800  }
0x768: {  	[sflag:s29] =	ssyncset.done $0x0  }
0x769: {  	[sflag:s29] =	ssyncadd.s32 $0xFFFFF800  }
0x76a: {  	_ =	swait.ge [sflag:s29], $0x800  }
0x76b: {  	[sflag:s29] =	ssyncset.done $0x0  }
0x76c: {  	[sflag:s29] =	ssyncadd.s32 $0xFFFFF800  }
0x76d: {  	_ =	swait.ge [sflag:s29], $0x800  }
0x76e: {  	[sflag:s29] =	ssyncset.done $0x0  }
0x76f: {  	[sflag:s29] =	ssyncadd.s32 $0xFFFFF800  }
0x770: {  	_ =	swait.ge [sflag:s29], $0x800  }
0x771: {  	[sflag:s29] =	ssyncset.done $0x0  }
0x772: {  	[sflag:s29] =	ssyncadd.s32 $0xFFFFF800  }
0x773: {  	_ =	swait.ge [sflag:s29], $0x800  }
0x774: {  	[sflag:s29] =	ssyncset.done $0x0  }
0x775: {  	[sflag:s29] =	ssyncadd.s32 $0xFFFFF800  }
0x776: {  	_ =	swait.ge [sflag:s29], $0x800  }
0x777: {  	[sflag:s29] =	ssyncset.done $0x0  }
0x778: {  	[sflag:s29] =	ssyncadd.s32 $0xFFFFF800  }
0x779: {  	_ =	swait.ge [sflag:s29], $0x800  }
0x77a: {  	[sflag:s29] =	ssyncset.done $0x0  }
0x77b: {  	[sflag:s29] =	ssyncadd.s32 $0xFFFFF800  }
0x77c: {  	_ =	swait.ge [sflag:s29], $0x800  }
0x77d: {  	[sflag:s29] =	ssyncset.done $0x0  }
0x77e: {  	[sflag:s29] =	ssyncadd.s32 $0xFFFFF800  }
0x77f: {  	_ =	swait.ge [sflag:s29], $0x800  }
0x780: {  	[sflag:s29] =	ssyncset.done $0x0  }
0x781: {  	[sflag:s29] =	ssyncadd.s32 $0xFFFFF800  }
0x782: {  	_ =	swait.ge [sflag:s29], $0x800  }
0x783: {  	[sflag:s29] =	ssyncset.done $0x0  }
0x784: {  	[sflag:s29] =	ssyncadd.s32 $0xFFFFF800  }
0x785: {  	_ =	swait.ge [sflag:s29], $0x800  }
0x786: {  	[sflag:s29] =	ssyncset.done $0x0  }
0x787: {  	[sflag:s29] =	ssyncadd.s32 $0xFFFFF800  }
0x788: {  	_ =	swait.ge [sflag:s29], $0x800  }
0x789: {  	[sflag:s29] =	ssyncset.done $0x0  }
0x78a: {  	[sflag:s29] =	ssyncadd.s32 $0xFFFFF800  }
0x78b: {  	_ =	swait.ge [sflag:s29], $0x800  }
0x78c: {  	[sflag:s29] =	ssyncset.done $0x0  }
0x78d: {  	[sflag:s29] =	ssyncadd.s32 $0xFFFFF800  }
0x78e: {  	_ =	swait.ge [sflag:s29], $0x800  }
0x78f: {  	[sflag:s29] =	ssyncset.done $0x0  }
0x790: {  	[sflag:s29] =	ssyncadd.s32 $0xFFFFF800  }
0x791: {  	_ =	swait.ge [sflag:s29], $0x800  }
0x792: {  	[sflag:s29] =	ssyncset.done $0x0  }
0x793: {  	[sflag:s29] =	ssyncadd.s32 $0xFFFFF800  }
0x794: {  	_ =	swait.ge [sflag:s29], $0x800  }
0x795: {  	[sflag:s29] =	ssyncset.done $0x0  }
0x796: {  	[sflag:s29] =	ssyncadd.s32 $0xFFFFF800  }
0x797: {  	_ =	swait.ge [sflag:s29], $0x800  }
0x798: {  	[sflag:s29] =	ssyncset.done $0x0  }
0x799: {  	[sflag:s29] =	ssyncadd.s32 $0xFFFFF800  }
0x79a: {  	_ =	swait.ge [sflag:s29], $0x800  }
0x79b: {  	[sflag:s29] =	ssyncset.done $0x0  }
0x79c: {  	[sflag:s29] =	ssyncadd.s32 $0xFFFFF800  }
0x79d: {  	_ =	swait.ge [sflag:s29], $0x800  }
0x79e: {  	[sflag:s29] =	ssyncset.done $0x0  }
0x79f: {  	[sflag:s29] =	ssyncadd.s32 $0xFFFFF800  }
0x7a0: {  	_ =	swait.ge [sflag:s29], $0x800  }
0x7a1: {  	[sflag:s29] =	ssyncset.done $0x0  }
0x7a2: {  	[sflag:s29] =	ssyncadd.s32 $0xFFFFF800  }
0x7a3: {  	_ =	swait.ge [sflag:s29], $0x800  }
0x7a4: {  	[sflag:s29] =	ssyncset.done $0x0  }
0x7a5: {  	[sflag:s29] =	ssyncadd.s32 $0xFFFFF800  }
0x7a6: {  	_ =	swait.ge [sflag:s29], $0x800  }
0x7a7: {  	[sflag:s29] =	ssyncset.done $0x0  }
0x7a8: {  	[sflag:s29] =	ssyncadd.s32 $0xFFFFF800  }
0x7a9: {  	_ =	swait.ge [sflag:s29], $0x800  }
0x7aa: {  	[sflag:s29] =	ssyncset.done $0x0  }
0x7ab: {  	[sflag:s29] =	ssyncadd.s32 $0xFFFFF800  }
0x7ac: {  	_ =	swait.ge [sflag:s29], $0x800  }
0x7ad: {  	[sflag:s29] =	ssyncset.done $0x0  }
0x7ae: {  	[sflag:s29] =	ssyncadd.s32 $0xFFFFF800  }
0x7af: {  	_ =	swait.ge [sflag:s29], $0x800  }
0x7b0: {  	[sflag:s29] =	ssyncset.done $0x0  }
0x7b1: {  	[sflag:s29] =	ssyncadd.s32 $0xFFFFF800  }
0x7b2: {  	_ =	swait.ge [sflag:s29], $0x800  }
0x7b3: {  	[sflag:s29] =	ssyncset.done $0x0  }
0x7b4: {  	[sflag:s29] =	ssyncadd.s32 $0xFFFFF800  }
0x7b5: {  	_ =	swait.ge [sflag:s29], $0x800  }
0x7b6: {  	[sflag:s29] =	ssyncset.done $0x0  }
0x7b7: {  	[sflag:s29] =	ssyncadd.s32 $0xFFFFF800  }
0x7b8: {  	_ =	swait.ge [sflag:s29], $0x800  }
0x7b9: {  	s4 =	rddreg [dreg:$0x6]  }
0x7ba: {  	s0 =	rddreg [dreg:$0x5];
	s4 =	sadd.s32 $0x1, s4  }
0x7bb: {  	p0 =	sne.s32 s4, s0  }
.Ltmp3:
0x7bc: {  	_ = 	snop;
	(pc) =	sbr.rel @p0 .LBB2_1-.Ltmp3, $3  }
0x7bd: {  	_ =	sdelay $0x1  }
0x7be: {  	[sflag:s29] =	ssyncset.done $0x0  }
0x7bf: {  	[sflag:s29] =	ssyncadd.s32 $0xFFFFF800  }
0x7c0: {  	_ =	sfence.sel $0x180000  }
0x7c1: {  	[bflag:$0x0] =	sbarrier.arrive $0xFFFF  }
0x7c2: {  	_ =	strace $0x90000047  }
0x7c3: {  	s0 =	stileid.u32;
	[bflag:$0x2] =	sbarrier.arrive $0xFFFF  }
0x7c4: {  	p0 =	sne.s32 s0, $0x0;
	s0 =	rddreg [dreg:$0x3]  }
0x7c5: {  	s0 =	sadd.s32 @!p0 $0x100000, s0  }
0x7c6: {  	[sflag:s0] =	ssyncadd.tile.s32 @!p0 $0x1;
	_ =	shalt  }
.Lfunc_end2:
_tile_overlayer_lowered:
.L_overlay_start_2:
0x7c7: {  	(tag) =	ssettag $0x2  }
0x7c8: {  	s0 =	rddreg [dreg:$0x0];
	s2 =	stileid.u32  }
0x7c9: {  	s1 =	rddreg [dreg:$0x1];
	p0 =	sne.s32 s2, $0x0  }
0x7ca: {  	s3 =	rddreg [dreg:$0x2];
	[bflag:$0x3] =	sbarrier.arrive $0xFFFF;
	s2 =	simm.s32 @!p0 $0x1C02  }
0x7cb: {  	[timem:s3], [sflag:s2] =	dma.local @!p0 [hbm:s0], s1  }
0x7cc: {  	s0 =	simm.s32 @!p0 $0x2  }
0x7cd: {  	_ =	swait.ge @!p0 [sflag:s0], s1  }
0x7ce: {  	s1 =	ssub.s32 @!p0 $0x0, s1;
	[sflag:s0] =	ssyncset.done @!p0 $0x0  }
0x7cf: {  	[sflag:s0] =	ssyncadd.s32 @!p0 s1  }
0x7d0: {  	[bflag:$0x3] =	sbarrier.arrive $0xFFFF  }
0x7d1: {  	_ =	shalt  }

</sc_bundles>
